<compile_context>
chip_gen: v7x
topology: tpu7x:2x2x1
jax: 0.10.2.dev20260603
libtpu: 0.0.44.dev20260713+nightly
codegen_flags: <defaults>
</compile_context>

<pallas_src>
import functools

import jax
import jax.numpy as jnp
from jax import lax
from jax.experimental import pallas as pl
from jax.experimental.pallas import tpu as pltpu
from jax.experimental.pallas import tpu_sc as plsc

N_NODES = 10000
N_EDGES = 320000
NUM_GRAPHS = 16
BN_EPS = 1e-5

NP = 10240
NC, NS = 2, 16
NT = NC * NS
CHUNK = 128
NCH = 80
EP = NT * NCH * CHUNK
RB = 1024
NRB = NP // RB

_mesh = plsc.VectorSubcoreMesh(core_axis_name="c", subcore_axis_name="s")



def _make_gather_kernel(width):
    def body(tab_hbm, src_hbm, out_hbm, srcbuf, rows, sem):
        c = lax.axis_index("c")
        s = lax.axis_index("s")
        w = c * NS + s
        pltpu.sync_copy(src_hbm.at[w], srcbuf)

        def step(j, carry):
            pltpu.async_copy(tab_hbm.at[srcbuf.at[j]], rows, sem).wait()
            pltpu.sync_copy(rows, out_hbm.at[pl.ds((w * NCH + j) * CHUNK, CHUNK)])
            return carry

        lax.fori_loop(0, NCH, step, 0)

    return functools.partial(
        pl.kernel,
        out_type=jax.ShapeDtypeStruct((EP, width), jnp.float32),
        mesh=_mesh,
        scratch_types=[
            pltpu.VMEM((NCH, CHUNK), jnp.int32),
            pltpu.VMEM((CHUNK, width), jnp.float32),
            pltpu.SemaphoreType.DMA,
        ],
    )(body)


_gather256 = _make_gather_kernel(256)
_gather512 = _make_gather_kernel(512)



def _b2_body(deg_ref, x_ref, W1_ref, dinv_ref, g1_ref):
    dinv = lax.rsqrt(deg_ref[...] + 1.0)
    dinv_ref[...] = dinv
    h1 = jnp.dot(x_ref[...], W1_ref[...], preferred_element_type=jnp.float32)
    g1_ref[...] = h1 * dinv[:, 0:1]


def _b2_kernel(deg2d, xp, W1):
    return pl.pallas_call(
        _b2_body,
        grid=(NRB,),
        in_specs=[
            pl.BlockSpec((RB, 128), lambda i: (i, 0)),
            pl.BlockSpec((RB, 128), lambda i: (i, 0)),
            pl.BlockSpec((128, 256), lambda i: (0, 0)),
        ],
        out_specs=[
            pl.BlockSpec((RB, 128), lambda i: (i, 0)),
            pl.BlockSpec((RB, 256), lambda i: (i, 0)),
        ],
        out_shape=[
            jax.ShapeDtypeStruct((NP, 128), jnp.float32),
            jax.ShapeDtypeStruct((NP, 256), jnp.float32),
        ],
    )(deg2d, xp, W1)


def _d_body(acc_ref, g1_ref, dinv_ref, b1_ref, W2_ref, g2_ref):
    dinv1 = dinv_ref[...][:, 0:1]
    a1 = (acc_ref[...] + g1_ref[...]) * dinv1 + b1_ref[...]
    a1 = jnp.maximum(a1, 0.0)
    h2 = jnp.dot(a1, W2_ref[...], preferred_element_type=jnp.float32)
    g2_ref[...] = h2 * dinv1


def _d_kernel(acc1, g1, dinv, b1, W2):
    return pl.pallas_call(
        _d_body,
        grid=(NRB,),
        in_specs=[
            pl.BlockSpec((RB, 256), lambda i: (i, 0)),
            pl.BlockSpec((RB, 256), lambda i: (i, 0)),
            pl.BlockSpec((RB, 128), lambda i: (i, 0)),
            pl.BlockSpec((1, 256), lambda i: (0, 0)),
            pl.BlockSpec((256, 512), lambda i: (0, 0)),
        ],
        out_specs=pl.BlockSpec((RB, 512), lambda i: (i, 0)),
        out_shape=jax.ShapeDtypeStruct((NP, 512), jnp.float32),
    )(acc1, g1, dinv, b1, W2)


def _f_body(acc_ref, g2_ref, dinv_ref, b2_ref, batch_ref, out_ref, pooled_scr):
    i = pl.program_id(0)

    @pl.when(i == 0)
    def _():
        pooled_scr[...] = jnp.full((NUM_GRAPHS, 512), -jnp.inf, jnp.float32)

    dinv1 = dinv_ref[...][:, 0:1]
    h = (acc_ref[...] + g2_ref[...]) * dinv1 + b2_ref[...]
    h = jnp.maximum(h, 0.0)
    b = batch_ref[...]
    for g in range(NUM_GRAPHS):
        vals = jnp.where(b == g, h, -jnp.inf)
        mx = jnp.max(vals, axis=0, keepdims=True)
        pooled_scr[g:g + 1, :] = jnp.maximum(pooled_scr[g:g + 1, :], mx)

    @pl.when(i == NRB - 1)
    def _():
        out_ref[...] = pooled_scr[...]


def _f_kernel(acc2, g2, dinv, b2, batch_p):
    return pl.pallas_call(
        _f_body,
        grid=(NRB,),
        in_specs=[
            pl.BlockSpec((RB, 512), lambda i: (i, 0)),
            pl.BlockSpec((RB, 512), lambda i: (i, 0)),
            pl.BlockSpec((RB, 128), lambda i: (i, 0)),
            pl.BlockSpec((1, 512), lambda i: (0, 0)),
            pl.BlockSpec((RB, 1), lambda i: (i, 0)),
        ],
        out_specs=pl.BlockSpec((NUM_GRAPHS, 512), lambda i: (0, 0)),
        out_shape=jax.ShapeDtypeStruct((NUM_GRAPHS, 512), jnp.float32),
        scratch_shapes=[pltpu.VMEM((NUM_GRAPHS, 512), jnp.float32)],
    )(acc2, g2, dinv, b2, batch_p)


def _g_body(p_ref, w1_ref, bb1_ref, w2_ref, bb2_ref, gam_ref, bet_ref,
            mean_ref, var_ref, out_ref):
    o = jnp.dot(p_ref[...], w1_ref[...], preferred_element_type=jnp.float32)
    o = jnp.maximum(o + bb1_ref[...], 0.0)
    o = jnp.dot(o, w2_ref[...], preferred_element_type=jnp.float32) + bb2_ref[...]
    o = (o - mean_ref[...]) * lax.rsqrt(var_ref[...] + BN_EPS) * gam_ref[...] + bet_ref[...]
    out_ref[...] = jax.nn.sigmoid(o)


def _g_kernel(pooled, fc1_W, fc1_b, fc2_W, fc2_b, gam, bet, mean, var):
    return pl.pallas_call(
        _g_body,
        out_shape=jax.ShapeDtypeStruct((NUM_GRAPHS, 256), jnp.float32),
    )(pooled, fc1_W, fc1_b[None, :], fc2_W, fc2_b[None, :],
      gam[None, :], bet[None, :], mean[None, :], var[None, :])



def kernel(x, edge_index, batch, W1, b1, W2, b2, fc1_W, fc1_b, fc2_W, fc2_b,
           bn_gamma, bn_beta, bn_mean, bn_var):
    pad = EP - N_EDGES
    src = jnp.concatenate([edge_index[0], jnp.full((pad,), N_NODES, jnp.int32)])
    dst = jnp.concatenate([edge_index[1], jnp.full((pad,), N_NODES, jnp.int32)])
    src_ch = src.reshape(NT, NCH, CHUNK)
    xp = jnp.concatenate([x, jnp.zeros((NP - N_NODES, 128), jnp.float32)])
    batch_p = jnp.concatenate(
        [batch, jnp.full((NP - N_NODES,), NUM_GRAPHS, jnp.int32)]).reshape(NP, 1)

    deg = jnp.zeros((NP,), jnp.float32).at[dst].add(1.0)
    deg2d = jnp.broadcast_to(deg[:, None], (NP, 128))

    dinv, g1 = _b2_kernel(deg2d, xp, W1)
    msg1 = _gather256(g1, src_ch)
    acc1 = jnp.zeros((NP, 256), jnp.float32).at[dst].add(msg1)
    g2 = _d_kernel(acc1, g1, dinv, b1[None, :], W2)
    msg2 = _gather512(g2, src_ch)
    acc2 = jnp.zeros((NP, 512), jnp.float32).at[dst].add(msg2)
    pooled = _f_kernel(acc2, g2, dinv, b2[None, :], batch_p)
    return _g_kernel(pooled, fc1_W, fc1_b, fc2_W, fc2_b,
                     bn_gamma, bn_beta, bn_mean, bn_var)

# --- scband reference (transcript-rebuilt; emitter-appended) ---
"""Pipeline reference for scband-esm-model-773094113862 (READ-ONLY COPY).

The authoritative reference and input builder live on the scoring server;
editing this copy changes nothing except your own understanding.
"""

import jax, jax.numpy as jnp
import numpy as np

N_NODES = 10000
N_EDGES = 320000
NUM_GRAPHS = 16
D_IN, D_H1, D_H2 = 128, 256, 512
OUT_DIMS = 256
BN_EPS = 1e-5


def setup_inputs(seed: int = 0):
    key = jax.random.key(seed)
    ks = jax.random.split(key, 12)
    x = jax.random.normal(ks[0], (N_NODES, D_IN), dtype=jnp.float32)
    edge_index = jax.random.randint(ks[1], (2, N_EDGES), 0, N_NODES, dtype=jnp.int32)
    batch = jnp.sort(jax.random.randint(ks[2], (N_NODES,), 0, NUM_GRAPHS, dtype=jnp.int32))
    W1 = jax.random.normal(ks[3], (D_IN, D_H1), dtype=jnp.float32) * (1.0 / np.sqrt(D_IN))
    b1 = jnp.zeros((D_H1,), dtype=jnp.float32)
    W2 = jax.random.normal(ks[4], (D_H1, D_H2), dtype=jnp.float32) * (1.0 / np.sqrt(D_H1))
    b2 = jnp.zeros((D_H2,), dtype=jnp.float32)
    fc1_W = jax.random.normal(ks[5], (D_H2, 1024), dtype=jnp.float32) * (1.0 / np.sqrt(D_H2))
    fc1_b = jnp.zeros((1024,), dtype=jnp.float32)
    fc2_W = jax.random.normal(ks[6], (1024, OUT_DIMS), dtype=jnp.float32) * (1.0 / np.sqrt(1024))
    fc2_b = jnp.zeros((OUT_DIMS,), dtype=jnp.float32)
    bn_gamma = jnp.ones((OUT_DIMS,), dtype=jnp.float32)
    bn_beta = jnp.zeros((OUT_DIMS,), dtype=jnp.float32)
    bn_mean = jnp.zeros((OUT_DIMS,), dtype=jnp.float32)
    bn_var = jnp.ones((OUT_DIMS,), dtype=jnp.float32)
    return {"x": x, "edge_index": edge_index, "batch": batch,
            "W1": W1, "b1": b1, "W2": W2, "b2": b2,
            "fc1_W": fc1_W, "fc1_b": fc1_b, "fc2_W": fc2_W, "fc2_b": fc2_b,
            "bn_gamma": bn_gamma, "bn_beta": bn_beta, "bn_mean": bn_mean, "bn_var": bn_var}


def gcn_conv(x, edge_index, W, b):
    # PyG GCNConv (eval): add self-loops, symmetric normalization, scatter-add
    src, dst = edge_index[0], edge_index[1]
    loop = jnp.arange(x.shape[0], dtype=edge_index.dtype)
    src = jnp.concatenate([src, loop])
    dst = jnp.concatenate([dst, loop])
    deg = jnp.zeros((x.shape[0],), dtype=x.dtype).at[dst].add(1.0)
    dinv = jnp.where(deg > 0, deg ** -0.5, 0.0)
    norm = dinv[src] * dinv[dst]
    h = x @ W
    msg = h[src] * norm[:, None]
    out = jnp.zeros_like(h).at[dst].add(msg)
    return out + b


def reference(x, edge_index, batch, W1, b1, W2, b2, fc1_W, fc1_b, fc2_W, fc2_b,
              bn_gamma, bn_beta, bn_mean, bn_var):
    h = x
    h = jax.nn.relu(gcn_conv(h, edge_index, W1, b1))
    h = jax.nn.relu(gcn_conv(h, edge_index, W2, b2))
    # global max pool over graphs in batch
    pooled = jax.ops.segment_max(h, batch, num_segments=NUM_GRAPHS)
    # fc head (eval mode: dropout = identity, BN uses running stats)
    o = pooled @ fc1_W + fc1_b
    o = jax.nn.relu(o)
    o = o @ fc2_W + fc2_b
    o = (o - bn_mean) / jnp.sqrt(bn_var + BN_EPS) * bn_gamma + bn_beta
    return jax.nn.sigmoid(o)

if __name__ == "__main__":
    import jax
    _d = setup_inputs()
    print(jax.jit(kernel)(*tuple(_d.values())))

</pallas_src>

<mosaic_0001>
#map = affine_map<(d0, d1) -> (0, 0)>
#map1 = affine_map<(d0, d1) -> (0, 0, 0)>
module attributes {stable_mosaic.version = 14 : i64} {
  func.func @body(%arg0: i32, %arg1: i32, %arg2: memref<10240x256xf32, #tpu.memory_space<hbm>>, %arg3: memref<32x80x128xi32, #tpu.memory_space<hbm>>, %arg4: memref<327680x256xf32, #tpu.memory_space<hbm>>, %arg5: memref<80x128xi32, #tpu.memory_space<vmem>>, %arg6: memref<128x256xf32, #tpu.memory_space<vmem>>, %arg7: memref<!tpu.dma_semaphore, #tpu.memory_space<semaphore_mem>>) attributes {dimension_semantics = [#tpu.dimension_semantics<core_parallel>, #tpu.dimension_semantics<subcore_parallel>], iteration_bounds = array<i64: 2, 16>, scalar_prefetch = 0 : i64, scratch_operands = 3 : i64, tpu.core_type = #tpu.core_type<sc_vector_subcore>, window_params = [{transform_indices = #map}, {transform_indices = #map1}, {transform_indices = #map}]} {
    %mul3A = arith.constant 16 : i32
    %mul3A_0 = arith.muli %arg0, %mul3A : i32
    %add3A = arith.addi %mul3A_0, %arg1 : i32
    "tpu.region"() ({
      %run_scoped3A = tpu.sem_alloc : memref<!tpu.dma_semaphore, #tpu.memory_space<semaphore_mem>>
      %dma_start3A = arith.constant 0 : i32
      %dma_start3A_6 = arith.constant 0 : i32
      %dma_start3A_7 = tpu.memref_slice %arg3[%add3A, %dma_start3A, %dma_start3A_6] : memref<32x80x128xi32, #tpu.memory_space<hbm>> -> memref<1x80x128xi32, #tpu.memory_space<hbm>>
      %dma_start3A_8 = tpu.memref_squeeze %dma_start3A_7 : memref<1x80x128xi32, #tpu.memory_space<hbm>> -> memref<80x128xi32, #tpu.memory_space<hbm>>
      %dma_start3A_9 = arith.constant 0 : i32
      %dma_start3A_10 = arith.constant 0 : i32
      %dma_start3A_11 = tpu.memref_slice %arg3[%add3A, %dma_start3A_9, %dma_start3A_10] : memref<32x80x128xi32, #tpu.memory_space<hbm>> -> memref<1x80x128xi32, #tpu.memory_space<hbm>>
      %dma_start3A_12 = tpu.memref_squeeze %dma_start3A_11 : memref<1x80x128xi32, #tpu.memory_space<hbm>> -> memref<80x128xi32, #tpu.memory_space<hbm>>
      tpu.enqueue_dma source(%dma_start3A_12 : memref<80x128xi32, #tpu.memory_space<hbm>>) target(%arg5 : memref<80x128xi32, #tpu.memory_space<vmem>>) target_semaphore(%run_scoped3A : memref<!tpu.dma_semaphore, #tpu.memory_space<semaphore_mem>>)
      %dma_wait3A = arith.constant 0 : i32
      %dma_wait3A_13 = arith.constant 0 : i32
      %dma_wait3A_14 = tpu.memref_slice %arg3[%add3A, %dma_wait3A, %dma_wait3A_13] : memref<32x80x128xi32, #tpu.memory_space<hbm>> -> memref<1x80x128xi32, #tpu.memory_space<hbm>>
      %dma_wait3A_15 = tpu.memref_squeeze %dma_wait3A_14 : memref<1x80x128xi32, #tpu.memory_space<hbm>> -> memref<80x128xi32, #tpu.memory_space<hbm>>
      %dma_wait3A_16 = arith.constant 0 : i32
      %dma_wait3A_17 = arith.constant 0 : i32
      %dma_wait3A_18 = tpu.memref_slice %arg3[%add3A, %dma_wait3A_16, %dma_wait3A_17] : memref<32x80x128xi32, #tpu.memory_space<hbm>> -> memref<1x80x128xi32, #tpu.memory_space<hbm>>
      %dma_wait3A_19 = tpu.memref_squeeze %dma_wait3A_18 : memref<1x80x128xi32, #tpu.memory_space<hbm>> -> memref<80x128xi32, #tpu.memory_space<hbm>>
      tpu.wait_dma2 semaphore(%run_scoped3A : memref<!tpu.dma_semaphore, #tpu.memory_space<semaphore_mem>>) src(%dma_wait3A_19 : memref<80x128xi32, #tpu.memory_space<hbm>>) dst(%arg5 : memref<80x128xi32, #tpu.memory_space<vmem>>)
      tpu.yield
    }) : () -> ()
    %scan3A = arith.constant 0 : i32
    %scan3A_1 = arith.constant 0 : i32
    %scan3A_2 = arith.constant 80 : i32
    %scan3A_3 = arith.addi %scan3A_1, %scan3A_2 : i32
    %scan3A_4 = arith.constant 1 : i32
    scf.for %scan3A_6 = %scan3A_1 to %scan3A_3 step %scan3A_4  : i32 {
      %dma_start3A = arith.constant 0 : i32
      %dma_start3A_7 = tpu.memref_slice %arg5[%scan3A_6, %dma_start3A] : memref<80x128xi32, #tpu.memory_space<vmem>> -> memref<1x128xi32, #tpu.memory_space<vmem>>
      %dma_start3A_8 = tpu.memref_squeeze %dma_start3A_7 : memref<1x128xi32, #tpu.memory_space<vmem>> -> memref<128xi32, #tpu.memory_space<vmem>>
      %dma_start3A_9 = arith.constant 0 : i32
      %dma_start3A_10 = arith.constant 0 : i32
      %dma_start3A_11 = tpu.memref_slice %arg2[%dma_start3A_9, %dma_start3A_10] : memref<10240x256xf32, #tpu.memory_space<hbm>> -> memref<10240x256xf32, #tpu.memory_space<hbm>>
      tpu.enqueue_indirect_dma source(%dma_start3A_11 : memref<10240x256xf32, #tpu.memory_space<hbm>>) target(%arg6 : memref<128x256xf32, #tpu.memory_space<vmem>>) offsets(%dma_start3A_8 : memref<128xi32, #tpu.memory_space<vmem>>) semaphore(%arg7 : memref<!tpu.dma_semaphore, #tpu.memory_space<semaphore_mem>>)
      %dma_wait3A = arith.constant 0 : i32
      %dma_wait3A_12 = tpu.memref_slice %arg5[%scan3A_6, %dma_wait3A] : memref<80x128xi32, #tpu.memory_space<vmem>> -> memref<1x128xi32, #tpu.memory_space<vmem>>
      %dma_wait3A_13 = tpu.memref_squeeze %dma_wait3A_12 : memref<1x128xi32, #tpu.memory_space<vmem>> -> memref<128xi32, #tpu.memory_space<vmem>>
      %dma_wait3A_14 = arith.constant 0 : i32
      %dma_wait3A_15 = arith.constant 0 : i32
      %dma_wait3A_16 = tpu.memref_slice %arg2[%dma_wait3A_14, %dma_wait3A_15] : memref<10240x256xf32, #tpu.memory_space<hbm>> -> memref<10240x256xf32, #tpu.memory_space<hbm>>
      tpu.wait_indirect_dma semaphore(%arg7 : memref<!tpu.dma_semaphore, #tpu.memory_space<semaphore_mem>>) src(%dma_wait3A_16 : memref<10240x256xf32, #tpu.memory_space<hbm>>) dst(%arg6 : memref<128x256xf32, #tpu.memory_space<vmem>>)
      %mul3A_17 = arith.constant 80 : i32
      %mul3A_18 = arith.muli %add3A, %mul3A_17 : i32
      %add3A_19 = arith.addi %mul3A_18, %scan3A_6 : i32
      %mul3A_20 = arith.constant 128 : i32
      %mul3A_21 = arith.muli %add3A_19, %mul3A_20 : i32
      "tpu.region"() ({
        %run_scoped3A = tpu.sem_alloc : memref<!tpu.dma_semaphore, #tpu.memory_space<semaphore_mem>>
        %dma_start3A_22 = arith.constant 0 : i32
        %dma_start3A_23 = tpu.memref_slice %arg4[%mul3A_21, %dma_start3A_22] : memref<327680x256xf32, #tpu.memory_space<hbm>> -> memref<128x256xf32, #tpu.memory_space<hbm>>
        %dma_start3A_24 = arith.constant 0 : i32
        %dma_start3A_25 = tpu.memref_slice %arg4[%mul3A_21, %dma_start3A_24] : memref<327680x256xf32, #tpu.memory_space<hbm>> -> memref<128x256xf32, #tpu.memory_space<hbm>>
        tpu.enqueue_dma source(%arg6 : memref<128x256xf32, #tpu.memory_space<vmem>>) target(%dma_start3A_25 : memref<128x256xf32, #tpu.memory_space<hbm>>) target_semaphore(%run_scoped3A : memref<!tpu.dma_semaphore, #tpu.memory_space<semaphore_mem>>)
        %dma_wait3A_26 = arith.constant 0 : i32
        %dma_wait3A_27 = tpu.memref_slice %arg4[%mul3A_21, %dma_wait3A_26] : memref<327680x256xf32, #tpu.memory_space<hbm>> -> memref<128x256xf32, #tpu.memory_space<hbm>>
        %dma_wait3A_28 = arith.constant 0 : i32
        %dma_wait3A_29 = tpu.memref_slice %arg4[%mul3A_21, %dma_wait3A_28] : memref<327680x256xf32, #tpu.memory_space<hbm>> -> memref<128x256xf32, #tpu.memory_space<hbm>>
        tpu.wait_dma2 semaphore(%run_scoped3A : memref<!tpu.dma_semaphore, #tpu.memory_space<semaphore_mem>>) src(%arg6 : memref<128x256xf32, #tpu.memory_space<vmem>>) dst(%dma_wait3A_29 : memref<128x256xf32, #tpu.memory_space<hbm>>)
        tpu.yield
      }) : () -> ()
    }
    %scan3A_5 = arith.constant 80 : i32
    return
  }
}

#map = affine_map<(d0, d1) -> (0, 0)>
#map1 = affine_map<(d0, d1) -> (0, 0, 0)>
module attributes {stable_mosaic.version = 14 : i64} {
  func.func @body(%arg0: i32, %arg1: i32, %arg2: memref<10240x512xf32, #tpu.memory_space<hbm>>, %arg3: memref<32x80x128xi32, #tpu.memory_space<hbm>>, %arg4: memref<327680x512xf32, #tpu.memory_space<hbm>>, %arg5: memref<80x128xi32, #tpu.memory_space<vmem>>, %arg6: memref<128x512xf32, #tpu.memory_space<vmem>>, %arg7: memref<!tpu.dma_semaphore, #tpu.memory_space<semaphore_mem>>) attributes {dimension_semantics = [#tpu.dimension_semantics<core_parallel>, #tpu.dimension_semantics<subcore_parallel>], iteration_bounds = array<i64: 2, 16>, scalar_prefetch = 0 : i64, scratch_operands = 3 : i64, tpu.core_type = #tpu.core_type<sc_vector_subcore>, window_params = [{transform_indices = #map}, {transform_indices = #map1}, {transform_indices = #map}]} {
    %mul3A = arith.constant 16 : i32
    %mul3A_0 = arith.muli %arg0, %mul3A : i32
    %add3A = arith.addi %mul3A_0, %arg1 : i32
    "tpu.region"() ({
      %run_scoped3A = tpu.sem_alloc : memref<!tpu.dma_semaphore, #tpu.memory_space<semaphore_mem>>
      %dma_start3A = arith.constant 0 : i32
      %dma_start3A_6 = arith.constant 0 : i32
      %dma_start3A_7 = tpu.memref_slice %arg3[%add3A, %dma_start3A, %dma_start3A_6] : memref<32x80x128xi32, #tpu.memory_space<hbm>> -> memref<1x80x128xi32, #tpu.memory_space<hbm>>
      %dma_start3A_8 = tpu.memref_squeeze %dma_start3A_7 : memref<1x80x128xi32, #tpu.memory_space<hbm>> -> memref<80x128xi32, #tpu.memory_space<hbm>>
      %dma_start3A_9 = arith.constant 0 : i32
      %dma_start3A_10 = arith.constant 0 : i32
      %dma_start3A_11 = tpu.memref_slice %arg3[%add3A, %dma_start3A_9, %dma_start3A_10] : memref<32x80x128xi32, #tpu.memory_space<hbm>> -> memref<1x80x128xi32, #tpu.memory_space<hbm>>
      %dma_start3A_12 = tpu.memref_squeeze %dma_start3A_11 : memref<1x80x128xi32, #tpu.memory_space<hbm>> -> memref<80x128xi32, #tpu.memory_space<hbm>>
      tpu.enqueue_dma source(%dma_start3A_12 : memref<80x128xi32, #tpu.memory_space<hbm>>) target(%arg5 : memref<80x128xi32, #tpu.memory_space<vmem>>) target_semaphore(%run_scoped3A : memref<!tpu.dma_semaphore, #tpu.memory_space<semaphore_mem>>)
      %dma_wait3A = arith.constant 0 : i32
      %dma_wait3A_13 = arith.constant 0 : i32
      %dma_wait3A_14 = tpu.memref_slice %arg3[%add3A, %dma_wait3A, %dma_wait3A_13] : memref<32x80x128xi32, #tpu.memory_space<hbm>> -> memref<1x80x128xi32, #tpu.memory_space<hbm>>
      %dma_wait3A_15 = tpu.memref_squeeze %dma_wait3A_14 : memref<1x80x128xi32, #tpu.memory_space<hbm>> -> memref<80x128xi32, #tpu.memory_space<hbm>>
      %dma_wait3A_16 = arith.constant 0 : i32
      %dma_wait3A_17 = arith.constant 0 : i32
      %dma_wait3A_18 = tpu.memref_slice %arg3[%add3A, %dma_wait3A_16, %dma_wait3A_17] : memref<32x80x128xi32, #tpu.memory_space<hbm>> -> memref<1x80x128xi32, #tpu.memory_space<hbm>>
      %dma_wait3A_19 = tpu.memref_squeeze %dma_wait3A_18 : memref<1x80x128xi32, #tpu.memory_space<hbm>> -> memref<80x128xi32, #tpu.memory_space<hbm>>
      tpu.wait_dma2 semaphore(%run_scoped3A : memref<!tpu.dma_semaphore, #tpu.memory_space<semaphore_mem>>) src(%dma_wait3A_19 : memref<80x128xi32, #tpu.memory_space<hbm>>) dst(%arg5 : memref<80x128xi32, #tpu.memory_space<vmem>>)
      tpu.yield
    }) : () -> ()
    %scan3A = arith.constant 0 : i32
    %scan3A_1 = arith.constant 0 : i32
    %scan3A_2 = arith.constant 80 : i32
    %scan3A_3 = arith.addi %scan3A_1, %scan3A_2 : i32
    %scan3A_4 = arith.constant 1 : i32
    scf.for %scan3A_6 = %scan3A_1 to %scan3A_3 step %scan3A_4  : i32 {
      %dma_start3A = arith.constant 0 : i32
      %dma_start3A_7 = tpu.memref_slice %arg5[%scan3A_6, %dma_start3A] : memref<80x128xi32, #tpu.memory_space<vmem>> -> memref<1x128xi32, #tpu.memory_space<vmem>>
      %dma_start3A_8 = tpu.memref_squeeze %dma_start3A_7 : memref<1x128xi32, #tpu.memory_space<vmem>> -> memref<128xi32, #tpu.memory_space<vmem>>
      %dma_start3A_9 = arith.constant 0 : i32
      %dma_start3A_10 = arith.constant 0 : i32
      %dma_start3A_11 = tpu.memref_slice %arg2[%dma_start3A_9, %dma_start3A_10] : memref<10240x512xf32, #tpu.memory_space<hbm>> -> memref<10240x512xf32, #tpu.memory_space<hbm>>
      tpu.enqueue_indirect_dma source(%dma_start3A_11 : memref<10240x512xf32, #tpu.memory_space<hbm>>) target(%arg6 : memref<128x512xf32, #tpu.memory_space<vmem>>) offsets(%dma_start3A_8 : memref<128xi32, #tpu.memory_space<vmem>>) semaphore(%arg7 : memref<!tpu.dma_semaphore, #tpu.memory_space<semaphore_mem>>)
      %dma_wait3A = arith.constant 0 : i32
      %dma_wait3A_12 = tpu.memref_slice %arg5[%scan3A_6, %dma_wait3A] : memref<80x128xi32, #tpu.memory_space<vmem>> -> memref<1x128xi32, #tpu.memory_space<vmem>>
      %dma_wait3A_13 = tpu.memref_squeeze %dma_wait3A_12 : memref<1x128xi32, #tpu.memory_space<vmem>> -> memref<128xi32, #tpu.memory_space<vmem>>
      %dma_wait3A_14 = arith.constant 0 : i32
      %dma_wait3A_15 = arith.constant 0 : i32
      %dma_wait3A_16 = tpu.memref_slice %arg2[%dma_wait3A_14, %dma_wait3A_15] : memref<10240x512xf32, #tpu.memory_space<hbm>> -> memref<10240x512xf32, #tpu.memory_space<hbm>>
      tpu.wait_indirect_dma semaphore(%arg7 : memref<!tpu.dma_semaphore, #tpu.memory_space<semaphore_mem>>) src(%dma_wait3A_16 : memref<10240x512xf32, #tpu.memory_space<hbm>>) dst(%arg6 : memref<128x512xf32, #tpu.memory_space<vmem>>)
      %mul3A_17 = arith.constant 80 : i32
      %mul3A_18 = arith.muli %add3A, %mul3A_17 : i32
      %add3A_19 = arith.addi %mul3A_18, %scan3A_6 : i32
      %mul3A_20 = arith.constant 128 : i32
      %mul3A_21 = arith.muli %add3A_19, %mul3A_20 : i32
      "tpu.region"() ({
        %run_scoped3A = tpu.sem_alloc : memref<!tpu.dma_semaphore, #tpu.memory_space<semaphore_mem>>
        %dma_start3A_22 = arith.constant 0 : i32
        %dma_start3A_23 = tpu.memref_slice %arg4[%mul3A_21, %dma_start3A_22] : memref<327680x512xf32, #tpu.memory_space<hbm>> -> memref<128x512xf32, #tpu.memory_space<hbm>>
        %dma_start3A_24 = arith.constant 0 : i32
        %dma_start3A_25 = tpu.memref_slice %arg4[%mul3A_21, %dma_start3A_24] : memref<327680x512xf32, #tpu.memory_space<hbm>> -> memref<128x512xf32, #tpu.memory_space<hbm>>
        tpu.enqueue_dma source(%arg6 : memref<128x512xf32, #tpu.memory_space<vmem>>) target(%dma_start3A_25 : memref<128x512xf32, #tpu.memory_space<hbm>>) target_semaphore(%run_scoped3A : memref<!tpu.dma_semaphore, #tpu.memory_space<semaphore_mem>>)
        %dma_wait3A_26 = arith.constant 0 : i32
        %dma_wait3A_27 = tpu.memref_slice %arg4[%mul3A_21, %dma_wait3A_26] : memref<327680x512xf32, #tpu.memory_space<hbm>> -> memref<128x512xf32, #tpu.memory_space<hbm>>
        %dma_wait3A_28 = arith.constant 0 : i32
        %dma_wait3A_29 = tpu.memref_slice %arg4[%mul3A_21, %dma_wait3A_28] : memref<327680x512xf32, #tpu.memory_space<hbm>> -> memref<128x512xf32, #tpu.memory_space<hbm>>
        tpu.wait_dma2 semaphore(%run_scoped3A : memref<!tpu.dma_semaphore, #tpu.memory_space<semaphore_mem>>) src(%arg6 : memref<128x512xf32, #tpu.memory_space<vmem>>) dst(%dma_wait3A_29 : memref<128x512xf32, #tpu.memory_space<hbm>>)
        tpu.yield
      }) : () -> ()
    }
    %scan3A_5 = arith.constant 80 : i32
    return
  }
}

module attributes {stable_mosaic.version = 14 : i64} {
  func.func @_b2_body(%arg0: i32, %arg1: memref<1024x128xf32, #tpu.memory_space<vmem>>, %arg2: memref<1024x128xf32, #tpu.memory_space<vmem>>, %arg3: memref<128x256xf32, #tpu.memory_space<vmem>>, %arg4: memref<1024x128xf32, #tpu.memory_space<vmem>>, %arg5: memref<1024x256xf32, #tpu.memory_space<vmem>>) attributes {dimension_semantics = [#tpu.dimension_semantics<arbitrary>], iteration_bounds = array<i64: 10>, scalar_prefetch = 0 : i64, scratch_operands = 0 : i64, tpu.core_type = #tpu.core_type<tc>, window_params = [{transform_indices = @transform_0, window_bounds = array<i64: 1024, 128>}, {transform_indices = @transform_1, window_bounds = array<i64: 1024, 128>}, {pipeline_mode = #tpu.pipeline_mode<synchronous>, transform_indices = @transform_2, window_bounds = array<i64: 128, 256>}, {transform_indices = @transform_3, window_bounds = array<i64: 1024, 128>}, {transform_indices = @transform_4, window_bounds = array<i64: 1024, 256>}]} {
    %get3A = arith.constant 0 : index
    %get3A_0 = arith.constant 0 : index
    %get3A_1 = vector.load %arg1[%get3A, %get3A_0] : memref<1024x128xf32, #tpu.memory_space<vmem>>, vector<1024x128xf32>
    %add3A = arith.constant 1.000000e+00 : f32
    %add3A_2 = vector.broadcast %add3A : f32 to vector<1024x128xf32>
    %add3A_3 = arith.addf %get3A_1, %add3A_2 : vector<1024x128xf32>
    %rsqrt3A = math.rsqrt %add3A_3 : vector<1024x128xf32>
    %swap3A = arith.constant 0 : index
    %swap3A_4 = arith.constant 0 : index
    %swap3A_5 = vector.load %arg4[%swap3A, %swap3A_4] : memref<1024x128xf32, #tpu.memory_space<vmem>>, vector<1024x128xf32>
    tpu.vector_store %arg4[%swap3A, %swap3A_4], %rsqrt3A {strides = array<i32>} : memref<1024x128xf32, #tpu.memory_space<vmem>>, vector<1024x128xf32>,
    %get3A_6 = arith.constant 0 : index
    %get3A_7 = arith.constant 0 : index
    %get3A_8 = vector.load %arg2[%get3A_6, %get3A_7] : memref<1024x128xf32, #tpu.memory_space<vmem>>, vector<1024x128xf32>
    %get3A_9 = arith.constant 0 : index
    %get3A_10 = arith.constant 0 : index
    %get3A_11 = vector.load %arg3[%get3A_9, %get3A_10] : memref<128x256xf32, #tpu.memory_space<vmem>>, vector<128x256xf32>
    %dot_general3A = arith.constant dense<0.000000e+00> : vector<1024x256xf32>
    %dot_general3A_12 = tpu.matmul %get3A_8, %get3A_11, %dot_general3A {dimension_numbers = #tpu.dot_dimension_numbers<[1], [0], [0], [1], [0, 0, 1, 1], [], []>, transpose_lhs_hint = false} : vector<1024x128xf32>, vector<128x256xf32>, vector<1024x256xf32> -> vector<1024x256xf32>
    %slice3A = vector.extract_strided_slice %rsqrt3A {offsets = [0, 0], sizes = [1024, 1], strides = [1, 1]} : vector<1024x128xf32> to vector<1024x1xf32>
    %mul3A = vector.broadcast %slice3A : vector<1024x1xf32> to vector<1024x256xf32>
    %mul3A_13 = arith.mulf %dot_general3A_12, %mul3A : vector<1024x256xf32>
    %swap3A_14 = arith.constant 0 : index
    %swap3A_15 = arith.constant 0 : index
    %swap3A_16 = vector.load %arg5[%swap3A_14, %swap3A_15] : memref<1024x256xf32, #tpu.memory_space<vmem>>, vector<1024x256xf32>
    tpu.vector_store %arg5[%swap3A_14, %swap3A_15], %mul3A_13 {strides = array<i32>} : memref<1024x256xf32, #tpu.memory_space<vmem>>, vector<1024x256xf32>,
    return
  }
  func.func @transform_0(%arg0: i32) -> (i32, i32) {
    %c0_i32 = arith.constant 0 : i32
    %c0_i32_0 = arith.constant 0 : i32
    return %arg0, %c0_i32 : i32, i32
  }
  func.func @transform_1(%arg0: i32) -> (i32, i32) {
    %c0_i32 = arith.constant 0 : i32
    %c0_i32_0 = arith.constant 0 : i32
    return %arg0, %c0_i32 : i32, i32
  }
  func.func @transform_2(%arg0: i32) -> (i32, i32) {
    %c0_i32 = arith.constant 0 : i32
    %c0_i32_0 = arith.constant 0 : i32
    %c0_i32_1 = arith.constant 0 : i32
    return %c0_i32, %c0_i32_0 : i32, i32
  }
  func.func @transform_3(%arg0: i32) -> (i32, i32) {
    %c0_i32 = arith.constant 0 : i32
    %c0_i32_0 = arith.constant 0 : i32
    return %arg0, %c0_i32 : i32, i32
  }
  func.func @transform_4(%arg0: i32) -> (i32, i32) {
    %c0_i32 = arith.constant 0 : i32
    %c0_i32_0 = arith.constant 0 : i32
    return %arg0, %c0_i32 : i32, i32
  }
}

module attributes {stable_mosaic.version = 14 : i64} {
  func.func @_d_body(%arg0: i32, %arg1: memref<1024x256xf32, #tpu.memory_space<vmem>>, %arg2: memref<1024x256xf32, #tpu.memory_space<vmem>>, %arg3: memref<1024x128xf32, #tpu.memory_space<vmem>>, %arg4: memref<1x256xf32, #tpu.memory_space<vmem>>, %arg5: memref<256x512xf32, #tpu.memory_space<vmem>>, %arg6: memref<1024x512xf32, #tpu.memory_space<vmem>>) attributes {dimension_semantics = [#tpu.dimension_semantics<arbitrary>], iteration_bounds = array<i64: 10>, scalar_prefetch = 0 : i64, scratch_operands = 0 : i64, tpu.core_type = #tpu.core_type<tc>, window_params = [{transform_indices = @transform_0, window_bounds = array<i64: 1024, 256>}, {transform_indices = @transform_1, window_bounds = array<i64: 1024, 256>}, {transform_indices = @transform_2, window_bounds = array<i64: 1024, 128>}, {pipeline_mode = #tpu.pipeline_mode<synchronous>, transform_indices = @transform_3, window_bounds = array<i64: 1, 256>}, {pipeline_mode = #tpu.pipeline_mode<synchronous>, transform_indices = @transform_4, window_bounds = array<i64: 256, 512>}, {transform_indices = @transform_5, window_bounds = array<i64: 1024, 512>}]} {
    %get3A = arith.constant 0 : index
    %get3A_0 = arith.constant 0 : index
    %get3A_1 = vector.load %arg3[%get3A, %get3A_0] : memref<1024x128xf32, #tpu.memory_space<vmem>>, vector<1024x128xf32>
    %slice3A = vector.extract_strided_slice %get3A_1 {offsets = [0, 0], sizes = [1024, 1], strides = [1, 1]} : vector<1024x128xf32> to vector<1024x1xf32>
    %get3A_2 = arith.constant 0 : index
    %get3A_3 = arith.constant 0 : index
    %get3A_4 = vector.load %arg1[%get3A_2, %get3A_3] : memref<1024x256xf32, #tpu.memory_space<vmem>>, vector<1024x256xf32>
    %get3A_5 = arith.constant 0 : index
    %get3A_6 = arith.constant 0 : index
    %get3A_7 = vector.load %arg2[%get3A_5, %get3A_6] : memref<1024x256xf32, #tpu.memory_space<vmem>>, vector<1024x256xf32>
    %add3A = arith.addf %get3A_4, %get3A_7 : vector<1024x256xf32>
    %mul3A = vector.broadcast %slice3A : vector<1024x1xf32> to vector<1024x256xf32>
    %mul3A_8 = arith.mulf %add3A, %mul3A : vector<1024x256xf32>
    %get3A_9 = arith.constant 0 : index
    %get3A_10 = arith.constant 0 : index
    %get3A_11 = vector.load %arg4[%get3A_9, %get3A_10] : memref<1x256xf32, #tpu.memory_space<vmem>>, vector<1x256xf32>
    %add3A_12 = vector.broadcast %get3A_11 : vector<1x256xf32> to vector<1024x256xf32>
    %add3A_13 = arith.addf %mul3A_8, %add3A_12 : vector<1024x256xf32>
    %max3A = arith.constant 0.000000e+00 : f32
    %max3A_14 = vector.broadcast %max3A : f32 to vector<1024x256xf32>
    %max3A_15 = arith.maximumf %add3A_13, %max3A_14 : vector<1024x256xf32>
    %get3A_16 = arith.constant 0 : index
    %get3A_17 = arith.constant 0 : index
    %get3A_18 = vector.load %arg5[%get3A_16, %get3A_17] : memref<256x512xf32, #tpu.memory_space<vmem>>, vector<256x512xf32>
    %dot_general3A = arith.constant dense<0.000000e+00> : vector<1024x512xf32>
    %dot_general3A_19 = tpu.matmul %max3A_15, %get3A_18, %dot_general3A {dimension_numbers = #tpu.dot_dimension_numbers<[1], [0], [0], [1], [0, 0, 1, 1], [], []>, transpose_lhs_hint = false} : vector<1024x256xf32>, vector<256x512xf32>, vector<1024x512xf32> -> vector<1024x512xf32>
    %mul3A_20 = vector.broadcast %slice3A : vector<1024x1xf32> to vector<1024x512xf32>
    %mul3A_21 = arith.mulf %dot_general3A_19, %mul3A_20 : vector<1024x512xf32>
    %swap3A = arith.constant 0 : index
    %swap3A_22 = arith.constant 0 : index
    %swap3A_23 = vector.load %arg6[%swap3A, %swap3A_22] : memref<1024x512xf32, #tpu.memory_space<vmem>>, vector<1024x512xf32>
    tpu.vector_store %arg6[%swap3A, %swap3A_22], %mul3A_21 {strides = array<i32>} : memref<1024x512xf32, #tpu.memory_space<vmem>>, vector<1024x512xf32>,
    return
  }
  func.func @transform_0(%arg0: i32) -> (i32, i32) {
    %c0_i32 = arith.constant 0 : i32
    %c0_i32_0 = arith.constant 0 : i32
    return %arg0, %c0_i32 : i32, i32
  }
  func.func @transform_1(%arg0: i32) -> (i32, i32) {
    %c0_i32 = arith.constant 0 : i32
    %c0_i32_0 = arith.constant 0 : i32
    return %arg0, %c0_i32 : i32, i32
  }
  func.func @transform_2(%arg0: i32) -> (i32, i32) {
    %c0_i32 = arith.constant 0 : i32
    %c0_i32_0 = arith.constant 0 : i32
    return %arg0, %c0_i32 : i32, i32
  }
  func.func @transform_3(%arg0: i32) -> (i32, i32) {
    %c0_i32 = arith.constant 0 : i32
    %c0_i32_0 = arith.constant 0 : i32
    %c0_i32_1 = arith.constant 0 : i32
    return %c0_i32, %c0_i32_0 : i32, i32
  }
  func.func @transform_4(%arg0: i32) -> (i32, i32) {
    %c0_i32 = arith.constant 0 : i32
    %c0_i32_0 = arith.constant 0 : i32
    %c0_i32_1 = arith.constant 0 : i32
    return %c0_i32, %c0_i32_0 : i32, i32
  }
  func.func @transform_5(%arg0: i32) -> (i32, i32) {
    %c0_i32 = arith.constant 0 : i32
    %c0_i32_0 = arith.constant 0 : i32
    return %arg0, %c0_i32 : i32, i32
  }
}

module attributes {stable_mosaic.version = 14 : i64} {
  func.func @_f_body(%arg0: i32, %arg1: memref<1024x512xf32, #tpu.memory_space<vmem>>, %arg2: memref<1024x512xf32, #tpu.memory_space<vmem>>, %arg3: memref<1024x128xf32, #tpu.memory_space<vmem>>, %arg4: memref<1x512xf32, #tpu.memory_space<vmem>>, %arg5: memref<1024x1xi32, #tpu.memory_space<vmem>>, %arg6: memref<16x512xf32, #tpu.memory_space<vmem>>, %arg7: memref<16x512xf32, #tpu.memory_space<vmem>>) attributes {dimension_semantics = [#tpu.dimension_semantics<arbitrary>], iteration_bounds = array<i64: 10>, scalar_prefetch = 0 : i64, scratch_operands = 1 : i64, tpu.core_type = #tpu.core_type<tc>, window_params = [{transform_indices = @transform_0, window_bounds = array<i64: 1024, 512>}, {transform_indices = @transform_1, window_bounds = array<i64: 1024, 512>}, {transform_indices = @transform_2, window_bounds = array<i64: 1024, 128>}, {pipeline_mode = #tpu.pipeline_mode<synchronous>, transform_indices = @transform_3, window_bounds = array<i64: 1, 512>}, {transform_indices = @transform_4, window_bounds = array<i64: 1024, 1>}, {pipeline_mode = #tpu.pipeline_mode<synchronous>, transform_indices = @transform_5, window_bounds = array<i64: 16, 512>}]} {
    %eq3A = arith.constant 0 : i32
    %eq3A_0 = arith.cmpi eq, %arg0, %eq3A : i32
    %convert_element_type3A = arith.extui %eq3A_0 : i1 to i32
    %cond3A = arith.constant 0 : i32
    %cond3A_1 = arith.cmpi ne, %convert_element_type3A, %cond3A : i32
    scf.if %cond3A_1 {
      %broadcast_in_dim3A_309 = arith.constant 0xFF800000 : f32
      %broadcast_in_dim3A_310 = vector.broadcast %broadcast_in_dim3A_309 : f32 to vector<16x512xf32>
      %swap3A_311 = arith.constant 0 : index
      %swap3A_312 = arith.constant 0 : index
      %swap3A_313 = vector.load %arg7[%swap3A_311, %swap3A_312] : memref<16x512xf32, #tpu.memory_space<vmem>>, vector<16x512xf32>
      tpu.vector_store %arg7[%swap3A_311, %swap3A_312], %broadcast_in_dim3A_310 {strides = array<i32>} : memref<16x512xf32, #tpu.memory_space<vmem>>, vector<16x512xf32>,
    } else {
    }
    %get3A = arith.constant 0 : index
    %get3A_2 = arith.constant 0 : index
    %get3A_3 = vector.load %arg3[%get3A, %get3A_2] : memref<1024x128xf32, #tpu.memory_space<vmem>>, vector<1024x128xf32>
    %slice3A = vector.extract_strided_slice %get3A_3 {offsets = [0, 0], sizes = [1024, 1], strides = [1, 1]} : vector<1024x128xf32> to vector<1024x1xf32>
    %get3A_4 = arith.constant 0 : index
    %get3A_5 = arith.constant 0 : index
    %get3A_6 = vector.load %arg1[%get3A_4, %get3A_5] : memref<1024x512xf32, #tpu.memory_space<vmem>>, vector<1024x512xf32>
    %get3A_7 = arith.constant 0 : index
    %get3A_8 = arith.constant 0 : index
    %get3A_9 = vector.load %arg2[%get3A_7, %get3A_8] : memref<1024x512xf32, #tpu.memory_space<vmem>>, vector<1024x512xf32>
    %add3A = arith.addf %get3A_6, %get3A_9 : vector<1024x512xf32>
    %mul3A = vector.broadcast %slice3A : vector<1024x1xf32> to vector<1024x512xf32>
    %mul3A_10 = arith.mulf %add3A, %mul3A : vector<1024x512xf32>
    %get3A_11 = arith.constant 0 : index
    %get3A_12 = arith.constant 0 : index
    %get3A_13 = vector.load %arg4[%get3A_11, %get3A_12] : memref<1x512xf32, #tpu.memory_space<vmem>>, vector<1x512xf32>
    %add3A_14 = vector.broadcast %get3A_13 : vector<1x512xf32> to vector<1024x512xf32>
    %add3A_15 = arith.addf %mul3A_10, %add3A_14 : vector<1024x512xf32>
    %max3A = arith.constant 0.000000e+00 : f32
    %max3A_16 = vector.broadcast %max3A : f32 to vector<1024x512xf32>
    %max3A_17 = arith.maximumf %add3A_15, %max3A_16 : vector<1024x512xf32>
    %get3A_18 = arith.constant 0 : index
    %get3A_19 = arith.constant 0 : index
    %get3A_20 = vector.load %arg5[%get3A_18, %get3A_19] : memref<1024x1xi32, #tpu.memory_space<vmem>>, vector<1024x1xi32>
    %eq3A_21 = arith.constant 0 : i32
    %eq3A_22 = vector.broadcast %eq3A_21 : i32 to vector<1024x1xi32>
    %eq3A_23 = arith.cmpi eq, %get3A_20, %eq3A_22 : vector<1024x1xi32>
    %jit3A = arith.constant 0xFF800000 : f32
    %broadcast_in_dim3A = vector.shape_cast %eq3A_23 : vector<1024x1xi1> to vector<1024x1xi1>
    %broadcast_in_dim3A_24 = vector.broadcast %broadcast_in_dim3A : vector<1024x1xi1> to vector<1024x512xi1>
    %broadcast_in_dim3A_25 = vector.broadcast %jit3A : f32 to vector<1024x512xf32>
    %select_n3A = arith.select %broadcast_in_dim3A_24, %max3A_17, %broadcast_in_dim3A_25 : vector<1024x512xi1>, vector<1024x512xf32>
    %reduce_max3A = arith.constant dense<0xFF800000> : vector<512xf32>
    %reduce_max3A_26 = vector.multi_reduction <maximumf>, %select_n3A, %reduce_max3A [0] : vector<1024x512xf32> to vector<512xf32>
    %broadcast_in_dim3A_27 = vector.shape_cast %reduce_max3A_26 : vector<512xf32> to vector<1x512xf32>
    %get3A_28 = arith.constant 0 : index
    %get3A_29 = arith.constant 0 : index
    %get3A_30 = vector.load %arg7[%get3A_28, %get3A_29] : memref<16x512xf32, #tpu.memory_space<vmem>>, vector<1x512xf32>
    %max3A_31 = arith.maximumf %get3A_30, %broadcast_in_dim3A_27 : vector<1x512xf32>
    %swap3A = arith.constant 0 : index
    %swap3A_32 = arith.constant 0 : index
    %swap3A_33 = vector.load %arg7[%swap3A, %swap3A_32] : memref<16x512xf32, #tpu.memory_space<vmem>>, vector<1x512xf32>
    tpu.vector_store %arg7[%swap3A, %swap3A_32], %max3A_31 {strides = array<i32>} : memref<16x512xf32, #tpu.memory_space<vmem>>, vector<1x512xf32>,
    %eq3A_34 = arith.constant 1 : i32
    %eq3A_35 = vector.broadcast %eq3A_34 : i32 to vector<1024x1xi32>
    %eq3A_36 = arith.cmpi eq, %get3A_20, %eq3A_35 : vector<1024x1xi32>
    %jit3A_37 = arith.constant 0xFF800000 : f32
    %broadcast_in_dim3A_38 = vector.shape_cast %eq3A_36 : vector<1024x1xi1> to vector<1024x1xi1>
    %broadcast_in_dim3A_39 = vector.broadcast %broadcast_in_dim3A_38 : vector<1024x1xi1> to vector<1024x512xi1>
    %broadcast_in_dim3A_40 = vector.broadcast %jit3A_37 : f32 to vector<1024x512xf32>
    %select_n3A_41 = arith.select %broadcast_in_dim3A_39, %max3A_17, %broadcast_in_dim3A_40 : vector<1024x512xi1>, vector<1024x512xf32>
    %reduce_max3A_42 = arith.constant dense<0xFF800000> : vector<512xf32>
    %reduce_max3A_43 = vector.multi_reduction <maximumf>, %select_n3A_41, %reduce_max3A_42 [0] : vector<1024x512xf32> to vector<512xf32>
    %broadcast_in_dim3A_44 = vector.shape_cast %reduce_max3A_43 : vector<512xf32> to vector<1x512xf32>
    %get3A_45 = arith.constant 1 : index
    %get3A_46 = arith.constant 0 : index
    %get3A_47 = vector.load %arg7[%get3A_45, %get3A_46] : memref<16x512xf32, #tpu.memory_space<vmem>>, vector<1x512xf32>
    %max3A_48 = arith.maximumf %get3A_47, %broadcast_in_dim3A_44 : vector<1x512xf32>
    %swap3A_49 = arith.constant 1 : index
    %swap3A_50 = arith.constant 0 : index
    %swap3A_51 = vector.load %arg7[%swap3A_49, %swap3A_50] : memref<16x512xf32, #tpu.memory_space<vmem>>, vector<1x512xf32>
    tpu.vector_store %arg7[%swap3A_49, %swap3A_50], %max3A_48 {strides = array<i32>} : memref<16x512xf32, #tpu.memory_space<vmem>>, vector<1x512xf32>,
    %eq3A_52 = arith.constant 2 : i32
    %eq3A_53 = vector.broadcast %eq3A_52 : i32 to vector<1024x1xi32>
    %eq3A_54 = arith.cmpi eq, %get3A_20, %eq3A_53 : vector<1024x1xi32>
    %jit3A_55 = arith.constant 0xFF800000 : f32
    %broadcast_in_dim3A_56 = vector.shape_cast %eq3A_54 : vector<1024x1xi1> to vector<1024x1xi1>
    %broadcast_in_dim3A_57 = vector.broadcast %broadcast_in_dim3A_56 : vector<1024x1xi1> to vector<1024x512xi1>
    %broadcast_in_dim3A_58 = vector.broadcast %jit3A_55 : f32 to vector<1024x512xf32>
    %select_n3A_59 = arith.select %broadcast_in_dim3A_57, %max3A_17, %broadcast_in_dim3A_58 : vector<1024x512xi1>, vector<1024x512xf32>
    %reduce_max3A_60 = arith.constant dense<0xFF800000> : vector<512xf32>
    %reduce_max3A_61 = vector.multi_reduction <maximumf>, %select_n3A_59, %reduce_max3A_60 [0] : vector<1024x512xf32> to vector<512xf32>
    %broadcast_in_dim3A_62 = vector.shape_cast %reduce_max3A_61 : vector<512xf32> to vector<1x512xf32>
    %get3A_63 = arith.constant 2 : index
    %get3A_64 = arith.constant 0 : index
    %get3A_65 = vector.load %arg7[%get3A_63, %get3A_64] : memref<16x512xf32, #tpu.memory_space<vmem>>, vector<1x512xf32>
    %max3A_66 = arith.maximumf %get3A_65, %broadcast_in_dim3A_62 : vector<1x512xf32>
    %swap3A_67 = arith.constant 2 : index
    %swap3A_68 = arith.constant 0 : index
    %swap3A_69 = vector.load %arg7[%swap3A_67, %swap3A_68] : memref<16x512xf32, #tpu.memory_space<vmem>>, vector<1x512xf32>
    tpu.vector_store %arg7[%swap3A_67, %swap3A_68], %max3A_66 {strides = array<i32>} : memref<16x512xf32, #tpu.memory_space<vmem>>, vector<1x512xf32>,
    %eq3A_70 = arith.constant 3 : i32
    %eq3A_71 = vector.broadcast %eq3A_70 : i32 to vector<1024x1xi32>
    %eq3A_72 = arith.cmpi eq, %get3A_20, %eq3A_71 : vector<1024x1xi32>
    %jit3A_73 = arith.constant 0xFF800000 : f32
    %broadcast_in_dim3A_74 = vector.shape_cast %eq3A_72 : vector<1024x1xi1> to vector<1024x1xi1>
    %broadcast_in_dim3A_75 = vector.broadcast %broadcast_in_dim3A_74 : vector<1024x1xi1> to vector<1024x512xi1>
    %broadcast_in_dim3A_76 = vector.broadcast %jit3A_73 : f32 to vector<1024x512xf32>
    %select_n3A_77 = arith.select %broadcast_in_dim3A_75, %max3A_17, %broadcast_in_dim3A_76 : vector<1024x512xi1>, vector<1024x512xf32>
    %reduce_max3A_78 = arith.constant dense<0xFF800000> : vector<512xf32>
    %reduce_max3A_79 = vector.multi_reduction <maximumf>, %select_n3A_77, %reduce_max3A_78 [0] : vector<1024x512xf32> to vector<512xf32>
    %broadcast_in_dim3A_80 = vector.shape_cast %reduce_max3A_79 : vector<512xf32> to vector<1x512xf32>
    %get3A_81 = arith.constant 3 : index
    %get3A_82 = arith.constant 0 : index
    %get3A_83 = vector.load %arg7[%get3A_81, %get3A_82] : memref<16x512xf32, #tpu.memory_space<vmem>>, vector<1x512xf32>
    %max3A_84 = arith.maximumf %get3A_83, %broadcast_in_dim3A_80 : vector<1x512xf32>
    %swap3A_85 = arith.constant 3 : index
    %swap3A_86 = arith.constant 0 : index
    %swap3A_87 = vector.load %arg7[%swap3A_85, %swap3A_86] : memref<16x512xf32, #tpu.memory_space<vmem>>, vector<1x512xf32>
    tpu.vector_store %arg7[%swap3A_85, %swap3A_86], %max3A_84 {strides = array<i32>} : memref<16x512xf32, #tpu.memory_space<vmem>>, vector<1x512xf32>,
    %eq3A_88 = arith.constant 4 : i32
    %eq3A_89 = vector.broadcast %eq3A_88 : i32 to vector<1024x1xi32>
    %eq3A_90 = arith.cmpi eq, %get3A_20, %eq3A_89 : vector<1024x1xi32>
    %jit3A_91 = arith.constant 0xFF800000 : f32
    %broadcast_in_dim3A_92 = vector.shape_cast %eq3A_90 : vector<1024x1xi1> to vector<1024x1xi1>
    %broadcast_in_dim3A_93 = vector.broadcast %broadcast_in_dim3A_92 : vector<1024x1xi1> to vector<1024x512xi1>
    %broadcast_in_dim3A_94 = vector.broadcast %jit3A_91 : f32 to vector<1024x512xf32>
    %select_n3A_95 = arith.select %broadcast_in_dim3A_93, %max3A_17, %broadcast_in_dim3A_94 : vector<1024x512xi1>, vector<1024x512xf32>
    %reduce_max3A_96 = arith.constant dense<0xFF800000> : vector<512xf32>
    %reduce_max3A_97 = vector.multi_reduction <maximumf>, %select_n3A_95, %reduce_max3A_96 [0] : vector<1024x512xf32> to vector<512xf32>
    %broadcast_in_dim3A_98 = vector.shape_cast %reduce_max3A_97 : vector<512xf32> to vector<1x512xf32>
    %get3A_99 = arith.constant 4 : index
    %get3A_100 = arith.constant 0 : index
    %get3A_101 = vector.load %arg7[%get3A_99, %get3A_100] : memref<16x512xf32, #tpu.memory_space<vmem>>, vector<1x512xf32>
    %max3A_102 = arith.maximumf %get3A_101, %broadcast_in_dim3A_98 : vector<1x512xf32>
    %swap3A_103 = arith.constant 4 : index
    %swap3A_104 = arith.constant 0 : index
    %swap3A_105 = vector.load %arg7[%swap3A_103, %swap3A_104] : memref<16x512xf32, #tpu.memory_space<vmem>>, vector<1x512xf32>
    tpu.vector_store %arg7[%swap3A_103, %swap3A_104], %max3A_102 {strides = array<i32>} : memref<16x512xf32, #tpu.memory_space<vmem>>, vector<1x512xf32>,
    %eq3A_106 = arith.constant 5 : i32
    %eq3A_107 = vector.broadcast %eq3A_106 : i32 to vector<1024x1xi32>
    %eq3A_108 = arith.cmpi eq, %get3A_20, %eq3A_107 : vector<1024x1xi32>
    %jit3A_109 = arith.constant 0xFF800000 : f32
    %broadcast_in_dim3A_110 = vector.shape_cast %eq3A_108 : vector<1024x1xi1> to vector<1024x1xi1>
    %broadcast_in_dim3A_111 = vector.broadcast %broadcast_in_dim3A_110 : vector<1024x1xi1> to vector<1024x512xi1>
    %broadcast_in_dim3A_112 = vector.broadcast %jit3A_109 : f32 to vector<1024x512xf32>
    %select_n3A_113 = arith.select %broadcast_in_dim3A_111, %max3A_17, %broadcast_in_dim3A_112 : vector<1024x512xi1>, vector<1024x512xf32>
    %reduce_max3A_114 = arith.constant dense<0xFF800000> : vector<512xf32>
    %reduce_max3A_115 = vector.multi_reduction <maximumf>, %select_n3A_113, %reduce_max3A_114 [0] : vector<1024x512xf32> to vector<512xf32>
    %broadcast_in_dim3A_116 = vector.shape_cast %reduce_max3A_115 : vector<512xf32> to vector<1x512xf32>
    %get3A_117 = arith.constant 5 : index
    %get3A_118 = arith.constant 0 : index
    %get3A_119 = vector.load %arg7[%get3A_117, %get3A_118] : memref<16x512xf32, #tpu.memory_space<vmem>>, vector<1x512xf32>
    %max3A_120 = arith.maximumf %get3A_119, %broadcast_in_dim3A_116 : vector<1x512xf32>
    %swap3A_121 = arith.constant 5 : index
    %swap3A_122 = arith.constant 0 : index
    %swap3A_123 = vector.load %arg7[%swap3A_121, %swap3A_122] : memref<16x512xf32, #tpu.memory_space<vmem>>, vector<1x512xf32>
    tpu.vector_store %arg7[%swap3A_121, %swap3A_122], %max3A_120 {strides = array<i32>} : memref<16x512xf32, #tpu.memory_space<vmem>>, vector<1x512xf32>,
    %eq3A_124 = arith.constant 6 : i32
    %eq3A_125 = vector.broadcast %eq3A_124 : i32 to vector<1024x1xi32>
    %eq3A_126 = arith.cmpi eq, %get3A_20, %eq3A_125 : vector<1024x1xi32>
    %jit3A_127 = arith.constant 0xFF800000 : f32
    %broadcast_in_dim3A_128 = vector.shape_cast %eq3A_126 : vector<1024x1xi1> to vector<1024x1xi1>
    %broadcast_in_dim3A_129 = vector.broadcast %broadcast_in_dim3A_128 : vector<1024x1xi1> to vector<1024x512xi1>
    %broadcast_in_dim3A_130 = vector.broadcast %jit3A_127 : f32 to vector<1024x512xf32>
    %select_n3A_131 = arith.select %broadcast_in_dim3A_129, %max3A_17, %broadcast_in_dim3A_130 : vector<1024x512xi1>, vector<1024x512xf32>
    %reduce_max3A_132 = arith.constant dense<0xFF800000> : vector<512xf32>
    %reduce_max3A_133 = vector.multi_reduction <maximumf>, %select_n3A_131, %reduce_max3A_132 [0] : vector<1024x512xf32> to vector<512xf32>
    %broadcast_in_dim3A_134 = vector.shape_cast %reduce_max3A_133 : vector<512xf32> to vector<1x512xf32>
    %get3A_135 = arith.constant 6 : index
    %get3A_136 = arith.constant 0 : index
    %get3A_137 = vector.load %arg7[%get3A_135, %get3A_136] : memref<16x512xf32, #tpu.memory_space<vmem>>, vector<1x512xf32>
    %max3A_138 = arith.maximumf %get3A_137, %broadcast_in_dim3A_134 : vector<1x512xf32>
    %swap3A_139 = arith.constant 6 : index
    %swap3A_140 = arith.constant 0 : index
    %swap3A_141 = vector.load %arg7[%swap3A_139, %swap3A_140] : memref<16x512xf32, #tpu.memory_space<vmem>>, vector<1x512xf32>
    tpu.vector_store %arg7[%swap3A_139, %swap3A_140], %max3A_138 {strides = array<i32>} : memref<16x512xf32, #tpu.memory_space<vmem>>, vector<1x512xf32>,
    %eq3A_142 = arith.constant 7 : i32
    %eq3A_143 = vector.broadcast %eq3A_142 : i32 to vector<1024x1xi32>
    %eq3A_144 = arith.cmpi eq, %get3A_20, %eq3A_143 : vector<1024x1xi32>
    %jit3A_145 = arith.constant 0xFF800000 : f32
    %broadcast_in_dim3A_146 = vector.shape_cast %eq3A_144 : vector<1024x1xi1> to vector<1024x1xi1>
    %broadcast_in_dim3A_147 = vector.broadcast %broadcast_in_dim3A_146 : vector<1024x1xi1> to vector<1024x512xi1>
    %broadcast_in_dim3A_148 = vector.broadcast %jit3A_145 : f32 to vector<1024x512xf32>
    %select_n3A_149 = arith.select %broadcast_in_dim3A_147, %max3A_17, %broadcast_in_dim3A_148 : vector<1024x512xi1>, vector<1024x512xf32>
    %reduce_max3A_150 = arith.constant dense<0xFF800000> : vector<512xf32>
    %reduce_max3A_151 = vector.multi_reduction <maximumf>, %select_n3A_149, %reduce_max3A_150 [0] : vector<1024x512xf32> to vector<512xf32>
    %broadcast_in_dim3A_152 = vector.shape_cast %reduce_max3A_151 : vector<512xf32> to vector<1x512xf32>
    %get3A_153 = arith.constant 7 : index
    %get3A_154 = arith.constant 0 : index
    %get3A_155 = vector.load %arg7[%get3A_153, %get3A_154] : memref<16x512xf32, #tpu.memory_space<vmem>>, vector<1x512xf32>
    %max3A_156 = arith.maximumf %get3A_155, %broadcast_in_dim3A_152 : vector<1x512xf32>
    %swap3A_157 = arith.constant 7 : index
    %swap3A_158 = arith.constant 0 : index
    %swap3A_159 = vector.load %arg7[%swap3A_157, %swap3A_158] : memref<16x512xf32, #tpu.memory_space<vmem>>, vector<1x512xf32>
    tpu.vector_store %arg7[%swap3A_157, %swap3A_158], %max3A_156 {strides = array<i32>} : memref<16x512xf32, #tpu.memory_space<vmem>>, vector<1x512xf32>,
    %eq3A_160 = arith.constant 8 : i32
    %eq3A_161 = vector.broadcast %eq3A_160 : i32 to vector<1024x1xi32>
    %eq3A_162 = arith.cmpi eq, %get3A_20, %eq3A_161 : vector<1024x1xi32>
    %jit3A_163 = arith.constant 0xFF800000 : f32
    %broadcast_in_dim3A_164 = vector.shape_cast %eq3A_162 : vector<1024x1xi1> to vector<1024x1xi1>
    %broadcast_in_dim3A_165 = vector.broadcast %broadcast_in_dim3A_164 : vector<1024x1xi1> to vector<1024x512xi1>
    %broadcast_in_dim3A_166 = vector.broadcast %jit3A_163 : f32 to vector<1024x512xf32>
    %select_n3A_167 = arith.select %broadcast_in_dim3A_165, %max3A_17, %broadcast_in_dim3A_166 : vector<1024x512xi1>, vector<1024x512xf32>
    %reduce_max3A_168 = arith.constant dense<0xFF800000> : vector<512xf32>
    %reduce_max3A_169 = vector.multi_reduction <maximumf>, %select_n3A_167, %reduce_max3A_168 [0] : vector<1024x512xf32> to vector<512xf32>
    %broadcast_in_dim3A_170 = vector.shape_cast %reduce_max3A_169 : vector<512xf32> to vector<1x512xf32>
    %get3A_171 = arith.constant 8 : index
    %get3A_172 = arith.constant 0 : index
    %get3A_173 = vector.load %arg7[%get3A_171, %get3A_172] : memref<16x512xf32, #tpu.memory_space<vmem>>, vector<1x512xf32>
    %max3A_174 = arith.maximumf %get3A_173, %broadcast_in_dim3A_170 : vector<1x512xf32>
    %swap3A_175 = arith.constant 8 : index
    %swap3A_176 = arith.constant 0 : index
    %swap3A_177 = vector.load %arg7[%swap3A_175, %swap3A_176] : memref<16x512xf32, #tpu.memory_space<vmem>>, vector<1x512xf32>
    tpu.vector_store %arg7[%swap3A_175, %swap3A_176], %max3A_174 {strides = array<i32>} : memref<16x512xf32, #tpu.memory_space<vmem>>, vector<1x512xf32>,
    %eq3A_178 = arith.constant 9 : i32
    %eq3A_179 = vector.broadcast %eq3A_178 : i32 to vector<1024x1xi32>
    %eq3A_180 = arith.cmpi eq, %get3A_20, %eq3A_179 : vector<1024x1xi32>
    %jit3A_181 = arith.constant 0xFF800000 : f32
    %broadcast_in_dim3A_182 = vector.shape_cast %eq3A_180 : vector<1024x1xi1> to vector<1024x1xi1>
    %broadcast_in_dim3A_183 = vector.broadcast %broadcast_in_dim3A_182 : vector<1024x1xi1> to vector<1024x512xi1>
    %broadcast_in_dim3A_184 = vector.broadcast %jit3A_181 : f32 to vector<1024x512xf32>
    %select_n3A_185 = arith.select %broadcast_in_dim3A_183, %max3A_17, %broadcast_in_dim3A_184 : vector<1024x512xi1>, vector<1024x512xf32>
    %reduce_max3A_186 = arith.constant dense<0xFF800000> : vector<512xf32>
    %reduce_max3A_187 = vector.multi_reduction <maximumf>, %select_n3A_185, %reduce_max3A_186 [0] : vector<1024x512xf32> to vector<512xf32>
    %broadcast_in_dim3A_188 = vector.shape_cast %reduce_max3A_187 : vector<512xf32> to vector<1x512xf32>
    %get3A_189 = arith.constant 9 : index
    %get3A_190 = arith.constant 0 : index
    %get3A_191 = vector.load %arg7[%get3A_189, %get3A_190] : memref<16x512xf32, #tpu.memory_space<vmem>>, vector<1x512xf32>
    %max3A_192 = arith.maximumf %get3A_191, %broadcast_in_dim3A_188 : vector<1x512xf32>
    %swap3A_193 = arith.constant 9 : index
    %swap3A_194 = arith.constant 0 : index
    %swap3A_195 = vector.load %arg7[%swap3A_193, %swap3A_194] : memref<16x512xf32, #tpu.memory_space<vmem>>, vector<1x512xf32>
    tpu.vector_store %arg7[%swap3A_193, %swap3A_194], %max3A_192 {strides = array<i32>} : memref<16x512xf32, #tpu.memory_space<vmem>>, vector<1x512xf32>,
    %eq3A_196 = arith.constant 10 : i32
    %eq3A_197 = vector.broadcast %eq3A_196 : i32 to vector<1024x1xi32>
    %eq3A_198 = arith.cmpi eq, %get3A_20, %eq3A_197 : vector<1024x1xi32>
    %jit3A_199 = arith.constant 0xFF800000 : f32
    %broadcast_in_dim3A_200 = vector.shape_cast %eq3A_198 : vector<1024x1xi1> to vector<1024x1xi1>
    %broadcast_in_dim3A_201 = vector.broadcast %broadcast_in_dim3A_200 : vector<1024x1xi1> to vector<1024x512xi1>
    %broadcast_in_dim3A_202 = vector.broadcast %jit3A_199 : f32 to vector<1024x512xf32>
    %select_n3A_203 = arith.select %broadcast_in_dim3A_201, %max3A_17, %broadcast_in_dim3A_202 : vector<1024x512xi1>, vector<1024x512xf32>
    %reduce_max3A_204 = arith.constant dense<0xFF800000> : vector<512xf32>
    %reduce_max3A_205 = vector.multi_reduction <maximumf>, %select_n3A_203, %reduce_max3A_204 [0] : vector<1024x512xf32> to vector<512xf32>
    %broadcast_in_dim3A_206 = vector.shape_cast %reduce_max3A_205 : vector<512xf32> to vector<1x512xf32>
    %get3A_207 = arith.constant 10 : index
    %get3A_208 = arith.constant 0 : index
    %get3A_209 = vector.load %arg7[%get3A_207, %get3A_208] : memref<16x512xf32, #tpu.memory_space<vmem>>, vector<1x512xf32>
    %max3A_210 = arith.maximumf %get3A_209, %broadcast_in_dim3A_206 : vector<1x512xf32>
    %swap3A_211 = arith.constant 10 : index
    %swap3A_212 = arith.constant 0 : index
    %swap3A_213 = vector.load %arg7[%swap3A_211, %swap3A_212] : memref<16x512xf32, #tpu.memory_space<vmem>>, vector<1x512xf32>
    tpu.vector_store %arg7[%swap3A_211, %swap3A_212], %max3A_210 {strides = array<i32>} : memref<16x512xf32, #tpu.memory_space<vmem>>, vector<1x512xf32>,
    %eq3A_214 = arith.constant 11 : i32
    %eq3A_215 = vector.broadcast %eq3A_214 : i32 to vector<1024x1xi32>
    %eq3A_216 = arith.cmpi eq, %get3A_20, %eq3A_215 : vector<1024x1xi32>
    %jit3A_217 = arith.constant 0xFF800000 : f32
    %broadcast_in_dim3A_218 = vector.shape_cast %eq3A_216 : vector<1024x1xi1> to vector<1024x1xi1>
    %broadcast_in_dim3A_219 = vector.broadcast %broadcast_in_dim3A_218 : vector<1024x1xi1> to vector<1024x512xi1>
    %broadcast_in_dim3A_220 = vector.broadcast %jit3A_217 : f32 to vector<1024x512xf32>
    %select_n3A_221 = arith.select %broadcast_in_dim3A_219, %max3A_17, %broadcast_in_dim3A_220 : vector<1024x512xi1>, vector<1024x512xf32>
    %reduce_max3A_222 = arith.constant dense<0xFF800000> : vector<512xf32>
    %reduce_max3A_223 = vector.multi_reduction <maximumf>, %select_n3A_221, %reduce_max3A_222 [0] : vector<1024x512xf32> to vector<512xf32>
    %broadcast_in_dim3A_224 = vector.shape_cast %reduce_max3A_223 : vector<512xf32> to vector<1x512xf32>
    %get3A_225 = arith.constant 11 : index
    %get3A_226 = arith.constant 0 : index
    %get3A_227 = vector.load %arg7[%get3A_225, %get3A_226] : memref<16x512xf32, #tpu.memory_space<vmem>>, vector<1x512xf32>
    %max3A_228 = arith.maximumf %get3A_227, %broadcast_in_dim3A_224 : vector<1x512xf32>
    %swap3A_229 = arith.constant 11 : index
    %swap3A_230 = arith.constant 0 : index
    %swap3A_231 = vector.load %arg7[%swap3A_229, %swap3A_230] : memref<16x512xf32, #tpu.memory_space<vmem>>, vector<1x512xf32>
    tpu.vector_store %arg7[%swap3A_229, %swap3A_230], %max3A_228 {strides = array<i32>} : memref<16x512xf32, #tpu.memory_space<vmem>>, vector<1x512xf32>,
    %eq3A_232 = arith.constant 12 : i32
    %eq3A_233 = vector.broadcast %eq3A_232 : i32 to vector<1024x1xi32>
    %eq3A_234 = arith.cmpi eq, %get3A_20, %eq3A_233 : vector<1024x1xi32>
    %jit3A_235 = arith.constant 0xFF800000 : f32
    %broadcast_in_dim3A_236 = vector.shape_cast %eq3A_234 : vector<1024x1xi1> to vector<1024x1xi1>
    %broadcast_in_dim3A_237 = vector.broadcast %broadcast_in_dim3A_236 : vector<1024x1xi1> to vector<1024x512xi1>
    %broadcast_in_dim3A_238 = vector.broadcast %jit3A_235 : f32 to vector<1024x512xf32>
    %select_n3A_239 = arith.select %broadcast_in_dim3A_237, %max3A_17, %broadcast_in_dim3A_238 : vector<1024x512xi1>, vector<1024x512xf32>
    %reduce_max3A_240 = arith.constant dense<0xFF800000> : vector<512xf32>
    %reduce_max3A_241 = vector.multi_reduction <maximumf>, %select_n3A_239, %reduce_max3A_240 [0] : vector<1024x512xf32> to vector<512xf32>
    %broadcast_in_dim3A_242 = vector.shape_cast %reduce_max3A_241 : vector<512xf32> to vector<1x512xf32>
    %get3A_243 = arith.constant 12 : index
    %get3A_244 = arith.constant 0 : index
    %get3A_245 = vector.load %arg7[%get3A_243, %get3A_244] : memref<16x512xf32, #tpu.memory_space<vmem>>, vector<1x512xf32>
    %max3A_246 = arith.maximumf %get3A_245, %broadcast_in_dim3A_242 : vector<1x512xf32>
    %swap3A_247 = arith.constant 12 : index
    %swap3A_248 = arith.constant 0 : index
    %swap3A_249 = vector.load %arg7[%swap3A_247, %swap3A_248] : memref<16x512xf32, #tpu.memory_space<vmem>>, vector<1x512xf32>
    tpu.vector_store %arg7[%swap3A_247, %swap3A_248], %max3A_246 {strides = array<i32>} : memref<16x512xf32, #tpu.memory_space<vmem>>, vector<1x512xf32>,
    %eq3A_250 = arith.constant 13 : i32
    %eq3A_251 = vector.broadcast %eq3A_250 : i32 to vector<1024x1xi32>
    %eq3A_252 = arith.cmpi eq, %get3A_20, %eq3A_251 : vector<1024x1xi32>
    %jit3A_253 = arith.constant 0xFF800000 : f32
    %broadcast_in_dim3A_254 = vector.shape_cast %eq3A_252 : vector<1024x1xi1> to vector<1024x1xi1>
    %broadcast_in_dim3A_255 = vector.broadcast %broadcast_in_dim3A_254 : vector<1024x1xi1> to vector<1024x512xi1>
    %broadcast_in_dim3A_256 = vector.broadcast %jit3A_253 : f32 to vector<1024x512xf32>
    %select_n3A_257 = arith.select %broadcast_in_dim3A_255, %max3A_17, %broadcast_in_dim3A_256 : vector<1024x512xi1>, vector<1024x512xf32>
    %reduce_max3A_258 = arith.constant dense<0xFF800000> : vector<512xf32>
    %reduce_max3A_259 = vector.multi_reduction <maximumf>, %select_n3A_257, %reduce_max3A_258 [0] : vector<1024x512xf32> to vector<512xf32>
    %broadcast_in_dim3A_260 = vector.shape_cast %reduce_max3A_259 : vector<512xf32> to vector<1x512xf32>
    %get3A_261 = arith.constant 13 : index
    %get3A_262 = arith.constant 0 : index
    %get3A_263 = vector.load %arg7[%get3A_261, %get3A_262] : memref<16x512xf32, #tpu.memory_space<vmem>>, vector<1x512xf32>
    %max3A_264 = arith.maximumf %get3A_263, %broadcast_in_dim3A_260 : vector<1x512xf32>
    %swap3A_265 = arith.constant 13 : index
    %swap3A_266 = arith.constant 0 : index
    %swap3A_267 = vector.load %arg7[%swap3A_265, %swap3A_266] : memref<16x512xf32, #tpu.memory_space<vmem>>, vector<1x512xf32>
    tpu.vector_store %arg7[%swap3A_265, %swap3A_266], %max3A_264 {strides = array<i32>} : memref<16x512xf32, #tpu.memory_space<vmem>>, vector<1x512xf32>,
    %eq3A_268 = arith.constant 14 : i32
    %eq3A_269 = vector.broadcast %eq3A_268 : i32 to vector<1024x1xi32>
    %eq3A_270 = arith.cmpi eq, %get3A_20, %eq3A_269 : vector<1024x1xi32>
    %jit3A_271 = arith.constant 0xFF800000 : f32
    %broadcast_in_dim3A_272 = vector.shape_cast %eq3A_270 : vector<1024x1xi1> to vector<1024x1xi1>
    %broadcast_in_dim3A_273 = vector.broadcast %broadcast_in_dim3A_272 : vector<1024x1xi1> to vector<1024x512xi1>
    %broadcast_in_dim3A_274 = vector.broadcast %jit3A_271 : f32 to vector<1024x512xf32>
    %select_n3A_275 = arith.select %broadcast_in_dim3A_273, %max3A_17, %broadcast_in_dim3A_274 : vector<1024x512xi1>, vector<1024x512xf32>
    %reduce_max3A_276 = arith.constant dense<0xFF800000> : vector<512xf32>
    %reduce_max3A_277 = vector.multi_reduction <maximumf>, %select_n3A_275, %reduce_max3A_276 [0] : vector<1024x512xf32> to vector<512xf32>
    %broadcast_in_dim3A_278 = vector.shape_cast %reduce_max3A_277 : vector<512xf32> to vector<1x512xf32>
    %get3A_279 = arith.constant 14 : index
    %get3A_280 = arith.constant 0 : index
    %get3A_281 = vector.load %arg7[%get3A_279, %get3A_280] : memref<16x512xf32, #tpu.memory_space<vmem>>, vector<1x512xf32>
    %max3A_282 = arith.maximumf %get3A_281, %broadcast_in_dim3A_278 : vector<1x512xf32>
    %swap3A_283 = arith.constant 14 : index
    %swap3A_284 = arith.constant 0 : index
    %swap3A_285 = vector.load %arg7[%swap3A_283, %swap3A_284] : memref<16x512xf32, #tpu.memory_space<vmem>>, vector<1x512xf32>
    tpu.vector_store %arg7[%swap3A_283, %swap3A_284], %max3A_282 {strides = array<i32>} : memref<16x512xf32, #tpu.memory_space<vmem>>, vector<1x512xf32>,
    %eq3A_286 = arith.constant 15 : i32
    %eq3A_287 = vector.broadcast %eq3A_286 : i32 to vector<1024x1xi32>
    %eq3A_288 = arith.cmpi eq, %get3A_20, %eq3A_287 : vector<1024x1xi32>
    %jit3A_289 = arith.constant 0xFF800000 : f32
    %broadcast_in_dim3A_290 = vector.shape_cast %eq3A_288 : vector<1024x1xi1> to vector<1024x1xi1>
    %broadcast_in_dim3A_291 = vector.broadcast %broadcast_in_dim3A_290 : vector<1024x1xi1> to vector<1024x512xi1>
    %broadcast_in_dim3A_292 = vector.broadcast %jit3A_289 : f32 to vector<1024x512xf32>
    %select_n3A_293 = arith.select %broadcast_in_dim3A_291, %max3A_17, %broadcast_in_dim3A_292 : vector<1024x512xi1>, vector<1024x512xf32>
    %reduce_max3A_294 = arith.constant dense<0xFF800000> : vector<512xf32>
    %reduce_max3A_295 = vector.multi_reduction <maximumf>, %select_n3A_293, %reduce_max3A_294 [0] : vector<1024x512xf32> to vector<512xf32>
    %broadcast_in_dim3A_296 = vector.shape_cast %reduce_max3A_295 : vector<512xf32> to vector<1x512xf32>
    %get3A_297 = arith.constant 15 : index
    %get3A_298 = arith.constant 0 : index
    %get3A_299 = vector.load %arg7[%get3A_297, %get3A_298] : memref<16x512xf32, #tpu.memory_space<vmem>>, vector<1x512xf32>
    %max3A_300 = arith.maximumf %get3A_299, %broadcast_in_dim3A_296 : vector<1x512xf32>
    %swap3A_301 = arith.constant 15 : index
    %swap3A_302 = arith.constant 0 : index
    %swap3A_303 = vector.load %arg7[%swap3A_301, %swap3A_302] : memref<16x512xf32, #tpu.memory_space<vmem>>, vector<1x512xf32>
    tpu.vector_store %arg7[%swap3A_301, %swap3A_302], %max3A_300 {strides = array<i32>} : memref<16x512xf32, #tpu.memory_space<vmem>>, vector<1x512xf32>,
    %eq3A_304 = arith.constant 9 : i32
    %eq3A_305 = arith.cmpi eq, %arg0, %eq3A_304 : i32
    %convert_element_type3A_306 = arith.extui %eq3A_305 : i1 to i32
    %cond3A_307 = arith.constant 0 : i32
    %cond3A_308 = arith.cmpi ne, %convert_element_type3A_306, %cond3A_307 : i32
    scf.if %cond3A_308 {
      %get3A_309 = arith.constant 0 : index
      %get3A_310 = arith.constant 0 : index
      %get3A_311 = vector.load %arg7[%get3A_309, %get3A_310] : memref<16x512xf32, #tpu.memory_space<vmem>>, vector<16x512xf32>
      %swap3A_312 = arith.constant 0 : index
      %swap3A_313 = arith.constant 0 : index
      %swap3A_314 = vector.load %arg6[%swap3A_312, %swap3A_313] : memref<16x512xf32, #tpu.memory_space<vmem>>, vector<16x512xf32>
      tpu.vector_store %arg6[%swap3A_312, %swap3A_313], %get3A_311 {strides = array<i32>} : memref<16x512xf32, #tpu.memory_space<vmem>>, vector<16x512xf32>,
    } else {
    }
    return
  }
  func.func @transform_0(%arg0: i32) -> (i32, i32) {
    %c0_i32 = arith.constant 0 : i32
    %c0_i32_0 = arith.constant 0 : i32
    return %arg0, %c0_i32 : i32, i32
  }
  func.func @transform_1(%arg0: i32) -> (i32, i32) {
    %c0_i32 = arith.constant 0 : i32
    %c0_i32_0 = arith.constant 0 : i32
    return %arg0, %c0_i32 : i32, i32
  }
  func.func @transform_2(%arg0: i32) -> (i32, i32) {
    %c0_i32 = arith.constant 0 : i32
    %c0_i32_0 = arith.constant 0 : i32
    return %arg0, %c0_i32 : i32, i32
  }
  func.func @transform_3(%arg0: i32) -> (i32, i32) {
    %c0_i32 = arith.constant 0 : i32
    %c0_i32_0 = arith.constant 0 : i32
    %c0_i32_1 = arith.constant 0 : i32
    return %c0_i32, %c0_i32_0 : i32, i32
  }
  func.func @transform_4(%arg0: i32) -> (i32, i32) {
    %c0_i32 = arith.constant 0 : i32
    %c0_i32_0 = arith.constant 0 : i32
    return %arg0, %c0_i32 : i32, i32
  }
  func.func @transform_5(%arg0: i32) -> (i32, i32) {
    %c0_i32 = arith.constant 0 : i32
    %c0_i32_0 = arith.constant 0 : i32
    %c0_i32_1 = arith.constant 0 : i32
    return %c0_i32, %c0_i32_0 : i32, i32
  }
}

module attributes {stable_mosaic.version = 14 : i64} {
  func.func @_g_body(%arg0: memref<16x512xf32, #tpu.memory_space<vmem>>, %arg1: memref<512x1024xf32, #tpu.memory_space<vmem>>, %arg2: memref<1x1024xf32, #tpu.memory_space<vmem>>, %arg3: memref<1024x256xf32, #tpu.memory_space<vmem>>, %arg4: memref<1x256xf32, #tpu.memory_space<vmem>>, %arg5: memref<1x256xf32, #tpu.memory_space<vmem>>, %arg6: memref<1x256xf32, #tpu.memory_space<vmem>>, %arg7: memref<1x256xf32, #tpu.memory_space<vmem>>, %arg8: memref<1x256xf32, #tpu.memory_space<vmem>>, %arg9: memref<16x256xf32, #tpu.memory_space<vmem>>) attributes {dimension_semantics = [], scalar_prefetch = 0 : i64, scratch_operands = 0 : i64, tpu.core_type = #tpu.core_type<tc>} {
    %get3A = arith.constant 0 : index
    %get3A_0 = arith.constant 0 : index
    %get3A_1 = vector.load %arg0[%get3A, %get3A_0] : memref<16x512xf32, #tpu.memory_space<vmem>>, vector<16x512xf32>
    %get3A_2 = arith.constant 0 : index
    %get3A_3 = arith.constant 0 : index
    %get3A_4 = vector.load %arg1[%get3A_2, %get3A_3] : memref<512x1024xf32, #tpu.memory_space<vmem>>, vector<512x1024xf32>
    %dot_general3A = arith.constant dense<0.000000e+00> : vector<16x1024xf32>
    %dot_general3A_5 = tpu.matmul %get3A_1, %get3A_4, %dot_general3A {dimension_numbers = #tpu.dot_dimension_numbers<[1], [0], [0], [1], [0, 0, 1, 1], [], []>, transpose_lhs_hint = false} : vector<16x512xf32>, vector<512x1024xf32>, vector<16x1024xf32> -> vector<16x1024xf32>
    %get3A_6 = arith.constant 0 : index
    %get3A_7 = arith.constant 0 : index
    %get3A_8 = vector.load %arg2[%get3A_6, %get3A_7] : memref<1x1024xf32, #tpu.memory_space<vmem>>, vector<1x1024xf32>
    %add3A = vector.broadcast %get3A_8 : vector<1x1024xf32> to vector<16x1024xf32>
    %add3A_9 = arith.addf %dot_general3A_5, %add3A : vector<16x1024xf32>
    %max3A = arith.constant 0.000000e+00 : f32
    %max3A_10 = vector.broadcast %max3A : f32 to vector<16x1024xf32>
    %max3A_11 = arith.maximumf %add3A_9, %max3A_10 : vector<16x1024xf32>
    %get3A_12 = arith.constant 0 : index
    %get3A_13 = arith.constant 0 : index
    %get3A_14 = vector.load %arg3[%get3A_12, %get3A_13] : memref<1024x256xf32, #tpu.memory_space<vmem>>, vector<1024x256xf32>
    %dot_general3A_15 = arith.constant dense<0.000000e+00> : vector<16x256xf32>
    %dot_general3A_16 = tpu.matmul %max3A_11, %get3A_14, %dot_general3A_15 {dimension_numbers = #tpu.dot_dimension_numbers<[1], [0], [0], [1], [0, 0, 1, 1], [], []>, transpose_lhs_hint = false} : vector<16x1024xf32>, vector<1024x256xf32>, vector<16x256xf32> -> vector<16x256xf32>
    %get3A_17 = arith.constant 0 : index
    %get3A_18 = arith.constant 0 : index
    %get3A_19 = vector.load %arg4[%get3A_17, %get3A_18] : memref<1x256xf32, #tpu.memory_space<vmem>>, vector<1x256xf32>
    %add3A_20 = vector.broadcast %get3A_19 : vector<1x256xf32> to vector<16x256xf32>
    %add3A_21 = arith.addf %dot_general3A_16, %add3A_20 : vector<16x256xf32>
    %get3A_22 = arith.constant 0 : index
    %get3A_23 = arith.constant 0 : index
    %get3A_24 = vector.load %arg7[%get3A_22, %get3A_23] : memref<1x256xf32, #tpu.memory_space<vmem>>, vector<1x256xf32>
    %sub3A = vector.broadcast %get3A_24 : vector<1x256xf32> to vector<16x256xf32>
    %sub3A_25 = arith.subf %add3A_21, %sub3A : vector<16x256xf32>
    %get3A_26 = arith.constant 0 : index
    %get3A_27 = arith.constant 0 : index
    %get3A_28 = vector.load %arg8[%get3A_26, %get3A_27] : memref<1x256xf32, #tpu.memory_space<vmem>>, vector<1x256xf32>
    %add3A_29 = arith.constant 9.99999974E-6 : f32
    %add3A_30 = vector.broadcast %add3A_29 : f32 to vector<1x256xf32>
    %add3A_31 = arith.addf %get3A_28, %add3A_30 : vector<1x256xf32>
    %rsqrt3A = math.rsqrt %add3A_31 : vector<1x256xf32>
    %mul3A = vector.broadcast %rsqrt3A : vector<1x256xf32> to vector<16x256xf32>
    %mul3A_32 = arith.mulf %sub3A_25, %mul3A : vector<16x256xf32>
    %get3A_33 = arith.constant 0 : index
    %get3A_34 = arith.constant 0 : index
    %get3A_35 = vector.load %arg5[%get3A_33, %get3A_34] : memref<1x256xf32, #tpu.memory_space<vmem>>, vector<1x256xf32>
    %mul3A_36 = vector.broadcast %get3A_35 : vector<1x256xf32> to vector<16x256xf32>
    %mul3A_37 = arith.mulf %mul3A_32, %mul3A_36 : vector<16x256xf32>
    %get3A_38 = arith.constant 0 : index
    %get3A_39 = arith.constant 0 : index
    %get3A_40 = vector.load %arg6[%get3A_38, %get3A_39] : memref<1x256xf32, #tpu.memory_space<vmem>>, vector<1x256xf32>
    %add3A_41 = vector.broadcast %get3A_40 : vector<1x256xf32> to vector<16x256xf32>
    %add3A_42 = arith.addf %mul3A_37, %add3A_41 : vector<16x256xf32>
    %logistic3A = arith.negf %add3A_42 : vector<16x256xf32>
    %logistic3A_43 = math.exp %logistic3A : vector<16x256xf32>
    %logistic3A_44 = arith.constant 1.000000e+00 : f32
    %logistic3A_45 = vector.broadcast %logistic3A_44 : f32 to vector<16x256xf32>
    %logistic3A_46 = arith.addf %logistic3A_45, %logistic3A_43 : vector<16x256xf32>
    %logistic3A_47 = arith.divf %logistic3A_45, %logistic3A_46 : vector<16x256xf32>
    %swap3A = arith.constant 0 : index
    %swap3A_48 = arith.constant 0 : index
    %swap3A_49 = vector.load %arg9[%swap3A, %swap3A_48] : memref<16x256xf32, #tpu.memory_space<vmem>>, vector<16x256xf32>
    tpu.vector_store %arg9[%swap3A, %swap3A_48], %logistic3A_47 {strides = array<i32>} : memref<16x256xf32, #tpu.memory_space<vmem>>, vector<16x256xf32>,
    return
  }
}

</mosaic_0001>

<sc_bundles>
// kernel: kernel.11.cloned.1.call-start
scs
__scs_entry_jumppad:
0x0: {  	(pc) =	sbr.rel $0x88, $3  }
0x1: {  	(tag) =	ssettag $0x0;
	lr =	simm.s32 $0x1  }
0x2: {  	[smem:$0x3F92] =	sst lr;
	_ =	strace $0xD0000000  }
0x3: {  	_ = 	snop  }
0x4: {  	_ = 	snop  }
0x5: {  	_ = 	snop  }
0x6: {  	_ = 	snop  }
0x7: {  	_ = 	snop  }
__scs_overlays_trampoline_lowered:
0x8: {  	[smem:$0x3FA1] =	sst s0  }
0x9: {  	[smem:$0x3FA2] =	sst s1  }
0xa: {  	[smem:$0x3FA3] =	sst s2  }
0xb: {  	[smem:$0x3FA4] =	sst s3  }
0xc: {  	[smem:$0x3FA5] =	sst s4  }
0xd: {  	[smem:$0x3FA6] =	sst s5  }
0xe: {  	[smem:$0x3FA7] =	sst s6  }
0xf: {  	[smem:$0x3FA8] =	sst s7  }
0x10: {  	[smem:$0x3FA9] =	sst s8  }
0x11: {  	[smem:$0x3FAA] =	sst s9;
	s0 =	simm.s32 @!p0 $0x0  }
0x12: {  	s1 =	sld [smem:$0x3F90];
	s0 =	simm.s32 @p0 $0x1  }
0x13: {  	[smem:$0x3FAB] =	sst s0;
	s0 =	simm.s32 @!p1 $0x0  }
0x14: {  	s2 =	sld [smem:$0x3F8F];
	s0 =	simm.s32 @p1 $0x1  }
0x15: {  	[smem:$0x3FAC] =	sst s0;
	s0 =	simm.s32 @!p2 $0x0  }
0x16: {  	s3 =	sld [smem:$0x3FDB];
	s0 =	simm.s32 @p2 $0x1  }
0x17: {  	s4 =	simm.s32 $0x1BF5;
	[smem:$0x3FAE] =	sst s0  }
0x18: {  	s0 =	sld [smem:$0x3F91];
	_ =	swait.ge [sflag:s4], $0x0  }
0x19: {  	s7 =	sld [smem:$0x3F92]  }
0x1a: {  	s8 =	sadd.s32 $0xFFFFE003, lr  }
0x1b: {  	s9 =	sadd.s32 $0xFFFFFEF7, lr;
	s5 =	simm.s32 $0xFFFFFFFF;
	p2 =	slt.u32 s8, $0xFFFFF086  }
0x1c: {  	p1 =	slt.u32 s9, $0xF7A;
	s5 =	simm.s32 @!p2 $0x0  }
0x1d: {  	s5 =	simm.s32 @p1 $0x1;
	p0 =	seq.s32 s7, s2  }
0x1e: {  	s7 =	smul.u32 @!p0 $0xF7A, s2;
	p2 =	seq.s32 @!p0 s5, $0x0  }
0x1f: {  	s9 =	smul.u32 $0xF7A, s1;
	s8 =	simm.s32 @!p0 $0x1BF5;
	p2 =	por !p2, p0  }
0x20: {  	[sflag:s8] =	ssyncset.s32 @!p0 $0xFFFFF086;
	s6 =	sadd.s32 @!p0 s3, s7;
	s7 =	simm.s32 @!p0 $0x108  }
0x21: {  	s3 =	sadd.s32 s3, s9;
	s6 =	sadd.s32 @!p0 $0x88, s6;
	s7 =	simm.s32 @p2 $0x1082  }
0x22: {  	[simem:s7], [sflag:s8] =	dma.local @!p0 [hbm:s6], $0xF7A  }
0x23: {  	s9 =	sor.u32 $0xD0000000, s2;
	s6 =	simm.s32 $0x108;
	_ =	swait.ge @!p0 [sflag:s8], $0x0  }
0x24: {  	s3 =	sadd.s32 $0x88, s3;
	s6 =	simm.s32 @!p1 $0x1082;
	[sflag:s4] =	ssyncset.s32 $0xFFFFF086  }
0x25: {  	[simem:s6], [sflag:s4] =	dma.local [hbm:s3], $0xF7A  }
0x26: {  	[smem:$0x3F92] =	sst s1;
	(tag) =	ssettag s2;
	_ =	strace s9  }
0x27: {  	s1 =	sld [smem:$0x3FA2]  }
0x28: {  	s2 =	sld [smem:$0x3FA3]  }
0x29: {  	s4 =	sld [smem:$0x3FA5]  }
0x2a: {  	p0 =	seq.s32 s5, $0x0;
	s5 =	sld [smem:$0x3FA6]  }
0x2b: {  	s6 =	sld [smem:$0x3FA7]  }
0x2c: {  	s7 =	sld [smem:$0x3FA8]  }
0x2d: {  	s3 =	simm.s32 $0x108;
	s8 =	sld [smem:$0x3FA9]  }
0x2e: {  	s3 =	simm.s32 @!p0 $0x1082;
	s9 =	sld [smem:$0x3FAA]  }
0x2f: {  	lr =	sadd.s32 s0, s3;
	s0 =	sld [smem:$0x3FA1]  }
0x30: {  	s3 =	sld [smem:$0x3FA4]  }
0x31: {  	[smem:$0x3FAD] =	sst s10  }
0x32: {  	s10 =	sld [smem:$0x3FAB];
	_ =	sdelay $0x3  }
0x33: {  	p0 =	seq.s32 s10, $0x1;
	s10 =	sld [smem:$0x3FAD];
	_ =	sdelay $0x3  }
0x34: {  	[smem:$0x3FAD] =	sst s10  }
0x35: {  	s10 =	sld [smem:$0x3FAC];
	_ =	sdelay $0x3  }
0x36: {  	p1 =	seq.s32 s10, $0x1;
	s10 =	sld [smem:$0x3FAD];
	_ =	sdelay $0x3  }
0x37: {  	[smem:$0x3FAD] =	sst s10  }
0x38: {  	s10 =	sld [smem:$0x3FAE]  }
0x39: {  	_ = 	snop;
	(pc) =	sbr.ind lr, $3  }
0x3a: {  	_ = 	snop  }
0x3b: {  	_ = 	snop  }
0x3c: {  	p2 =	seq.s32 s10, $0x1;
	s10 =	sld [smem:$0x3FAD]  }
0x3d: {  	_ =	shalt  }
0x3e: {  	_ =	shalt  }
0x3f: {  	_ =	shalt  }
0x40: {  	_ =	shalt  }
0x41: {  	_ =	shalt  }
0x42: {  	_ =	shalt  }
0x43: {  	_ =	shalt  }
0x44: {  	_ =	shalt  }
0x45: {  	_ =	shalt  }
0x46: {  	_ =	shalt  }
0x47: {  	_ =	shalt  }
0x48: {  	_ =	shalt  }
0x49: {  	_ =	shalt  }
0x4a: {  	_ =	shalt  }
0x4b: {  	_ =	shalt  }
0x4c: {  	_ =	shalt  }
0x4d: {  	_ =	shalt  }
0x4e: {  	_ =	shalt  }
0x4f: {  	_ =	shalt  }
0x50: {  	_ =	shalt  }
0x51: {  	_ =	shalt  }
0x52: {  	_ =	shalt  }
0x53: {  	_ =	shalt  }
0x54: {  	_ =	shalt  }
0x55: {  	_ =	shalt  }
0x56: {  	_ =	shalt  }
0x57: {  	_ =	shalt  }
0x58: {  	_ =	shalt  }
0x59: {  	_ =	shalt  }
0x5a: {  	_ =	shalt  }
0x5b: {  	_ =	shalt  }
0x5c: {  	_ =	shalt  }
0x5d: {  	_ =	shalt  }
0x5e: {  	_ =	shalt  }
0x5f: {  	_ =	shalt  }
0x60: {  	_ =	shalt  }
0x61: {  	_ =	shalt  }
0x62: {  	_ =	shalt  }
0x63: {  	_ =	shalt  }
0x64: {  	_ =	shalt  }
0x65: {  	_ =	shalt  }
0x66: {  	_ =	shalt  }
0x67: {  	_ =	shalt  }
0x68: {  	_ =	shalt  }
0x69: {  	_ =	shalt  }
0x6a: {  	_ =	shalt  }
0x6b: {  	_ =	shalt  }
0x6c: {  	_ =	shalt  }
0x6d: {  	_ =	shalt  }
0x6e: {  	_ =	shalt  }
0x6f: {  	_ =	shalt  }
0x70: {  	_ =	shalt  }
0x71: {  	_ =	shalt  }
0x72: {  	_ =	shalt  }
0x73: {  	_ =	shalt  }
0x74: {  	_ =	shalt  }
0x75: {  	_ =	shalt  }
0x76: {  	_ =	shalt  }
0x77: {  	_ =	shalt  }
0x78: {  	_ =	shalt  }
0x79: {  	_ =	shalt  }
0x7a: {  	_ =	shalt  }
0x7b: {  	_ =	shalt  }
0x7c: {  	_ =	shalt  }
0x7d: {  	_ =	shalt  }
0x7e: {  	_ =	shalt  }
0x7f: {  	_ =	shalt  }
0x80: {  	_ =	shalt  }
0x81: {  	_ =	shalt  }
0x82: {  	_ =	shalt  }
0x83: {  	_ =	shalt  }
0x84: {  	_ =	shalt  }
0x85: {  	_ =	shalt  }
0x86: {  	_ =	shalt  }
0x87: {  	_ =	shalt  }
.Lfunc_end0:
.L_simem_size_0:
called_computation.4_lowered:
.L_overlay_start_0:
0x88: {  	s2 =	sld [smem:$0x3FD9]  }
0x89: {  	s3 =	sld [smem:$0x3FFE];
	_ =	sdelay $0x1  }
0x8a: {  	s1 =	srdreg.scid  }
0x8b: {  	s0 =	sand.u32 $0x1, s1  }
0x8c: {  	s16 =	sshll.u32 s0, $0xA;
	s2 =	sadd.s32 s3, s2  }
0x8d: {  	s2 =	sadd.s32 s2, s16  }
0x8e: {  	[smem:$0x3FB9] =	sst s2  }
0x8f: {  	_ = 	snop  }
0x90: {  	(tm) =	ssettm $0x1  }
0x91: {  	s17 =	sld [smem:$0x3FFB];
	_ =	sdelay $0x3  }
0x92: {  	_ =	strace s17  }
0x93: {  	s2 =	sld [smem:$0x3FFC];
	_ =	sdelay $0x3  }
0x94: {  	_ =	strace s2  }
0x95: {  	s2 =	sld [smem:$0x3FFD];
	_ =	sdelay $0x3  }
0x96: {  	_ =	strace s2  }
0x97: {  	_ =	strace $0x8FFFFFFF  }
0x98: {  	s18 =	sld [smem:$0x3FDB];
	_ =	sdelay $0x1  }
0x99: {  	s19 =	simm.s32 $_scs_section_size  }
0x9a: {  	s4 =	simm.s32 $_size__tile_overlayer_lowered;
	s5 =	simm.s32 $_tile_overlayer_lowered  }
0x9b: {  	s22 =	simm.s32 $0x1BFF;
	s21 =	sshll.u32 s5, $0x1;
	s2 =	sadd.s32 s19, s18  }
0x9c: {  	s6 =	simm.s32 $0x0;
	s20 =	sshll.u32 s4, $0x1;
	s4 =	sadd.s32 s21, s2  }
0x9d: {  	[timem:s6], [sflag:s22] =	dma.local [hbm:s4], s20  }
0x9e: {  	_ =	swait.ge [sflag:s22], s20  }
0x9f: {  	s3 =	ssub.s32 $0x0, s20;
	[sflag:s22] =	ssyncset.done $0x0  }
0xa0: {  	[sflag:s22] =	ssyncadd.s32 s3;
	_ =	sdelay $0x1  }
0xa1: {  	s23 =	simm.s32 $0x1B8B  }
0xa2: {  	_ =	swait.ge [sflag:s23], $0x1  }
0xa3: {  	[sflag:s23] =	ssyncset.done $0x0  }
0xa4: {  	s25 =	simm.s32 $0x1B8E;
	s24 =	sld [smem:$0x3FFE];
	[sflag:s23] =	ssyncadd.s32 $0xFFFFFFFF  }
0xa5: {  	s26 =	simm.s32 $execute0_lowered;
	[smem:$0x3FD2] =	sst s25  }
0xa6: {  	s4 =	sshll.u32 s26, $0x1;
	_ =	strace $0x8000004F;
	[dreg:$0x1] =	wrdreg $0xFFFFFFFF  }
0xa7: {  	s28 =	simm.s32 $_size_execute0_lowered;
	s2 =	sadd.s32 s2, s4;
	[dreg:$0x0] =	wrdreg $0x0  }
0xa8: {  	s4 =	sshll.u32 s28, $0x1;
	[dreg:$0x2] =	wrdreg s2  }
0xa9: {  	[dreg:$0x3] =	wrdreg s4  }
0xaa: {  	[dreg:$0x4] =	wrdreg $0xC0  }
0xab: {  	_ =	task [dreg:s6], $0x5FFFF  }
0xac: {  	[dreg:$0x1] =	wrdreg $0xFFFFFFFF  }
0xad: {  	[dreg:$0x0] =	wrdreg $0x60  }
0xae: {  	[dreg:$0x2] =	wrdreg s24  }
0xaf: {  	[dreg:$0x3] =	wrdreg $0x9  }
0xb0: {  	_ =	task.clear_ibuf [dreg:s6], $0x4FFFF;
	_ =	strace $0x9000004F  }
0xb1: {  	s29 =	simm.s32 $0x9;
	_ =	strace $0x80000051  }
0xb2: {  	_ =	swait.ge [sflag:s29], $0x1  }
0xb3: {  	[sflag:s29] =	ssyncadd.s32 $0xFFFFFFFF  }
0xb4: {  	_ =	strace $0x90000051  }
0xb5: {  	_ =	sfence  }
0xb6: {  	s30 =	sld [smem:$0x0];
	_ =	sdelay $0x2  }
0xb7: {  	s31 =	sshll.u32 s1, $0xD;
	s1 =	sshrl.u32 s1, $0x2  }
0xb8: {  	s3 =	sand.u32 $0x4000, s31;
	s1 =	sadd.s32 s1, s30  }
0xb9: {  	s0 =	sor.u32 s3, s0;
	s1 =	sshll.u32 s1, $0x11  }
0xba: {  	s0 =	sor.u32 s1, s0  }
0xbb: {  	s0 =	sadd.s32 $0x8F2B, s0  }
0xbc: {  	[sflag:s0] =	ssyncadd.remote.s32 $0x1  }
0xbd: {  	_ =	sfence.sel $0xFFFF  }
0xbe: {  	[dreg:$0x0] =	wrdreg $0xFFFFFFFF;
	(pc) =	sbr.abs _section_cstart, $3  }
0xbf: {  	[dreg:$0x1] =	wrdreg $0xFFFFFFFF  }
0xc0: {  	_ =	task.clear_ibuf [dreg:s6], $0x2FFFF;
	_ =	strace $0x9FFFFFFF  }
0xc1: {  	(tm) =	ssettm $0x7FFFFFFF  }
tec
execute0_lowered:
.L_overlay_start_1:
0x0: {  	(tag) =	ssettag $0x1  }
0x1: {  	s0 =	srdreg.scid  }
0x2: {  	s4 =	stileid.u32;
	s5 =	rddreg [dreg:$0x0]  }
0x3: {  	s2 =	simm.s32 $0x0;
	s16 =	simm.s32 $0x3000;
	s17 =	simm.s32 $0x3800  }
0x4: {  	s18 =	simm.s32 $0x4000;
	s19 =	simm.s32 $0x4800;
	s20 =	simm.s32 $0x5000  }
0x5: {  	s21 =	simm.s32 $0x5800;
	s22 =	simm.s32 $0x6000;
	[smem:$0x7FF] =	sst s2  }
0x6: {  	s23 =	simm.s32 $0x6800;
	_ =	strace $0x80000050;
	[dreg:$0x3] =	wrdreg s16  }
0x7: {  	s24 =	simm.s32 $0x7000;
	s25 =	simm.s32 $0x7800;
	[dreg:$0x4] =	wrdreg s17  }
0x8: {  	s7 =	simm.s32 $0x2;
	s26 =	simm.s32 $0x8000;
	[dreg:$0x5] =	wrdreg s18  }
0x9: {  	s8 =	simm.s32 $0x2800;
	s9 =	simm.s32 $0x8800;
	[dreg:$0x6] =	wrdreg s19  }
0xa: {  	s10 =	simm.s32 $0x9000;
	s11 =	simm.s32 $0x9800;
	[dreg:$0x7] =	wrdreg s20  }
0xb: {  	s12 =	simm.s32 $0xA000;
	s13 =	simm.s32 $0xA800;
	[dreg:$0x8] =	wrdreg s21  }
0xc: {  	s14 =	simm.s32 $0xB000;
	s28 =	simm.s32 $0x11800;
	[dreg:$0x9] =	wrdreg s22  }
0xd: {  	s29 =	simm.s32 $0x12000;
	s30 =	simm.s32 $0x1;
	[dreg:$0xa] =	wrdreg s23  }
0xe: {  	s0 =	sand.u32 $0x1, s0;
	s3 =	smul.u32 $0xA0000, s4;
	[dreg:$0xb] =	wrdreg s24  }
0xf: {  	s31 =	simm.s32 $0x0;
	s1 =	smul.u32 $0xA00000, s0;
	[dreg:$0xc] =	wrdreg s25  }
0x10: {  	s15 =	sshll.u32 s0, $0x4;
	s0 =	ssub.s32 $0x2, s0;
	[dreg:$0xd] =	wrdreg s26  }
0x11: {  	s16 =	simm.s32 $0xC000;
	s17 =	simm.s32 $0xC800;
	s18 =	simm.s32 $0xD000  }
0x12: {  	s19 =	simm.s32 $0xD800;
	s20 =	simm.s32 $0xE000;
	s21 =	simm.s32 $0xE800  }
0x13: {  	s22 =	simm.s32 $0xF000;
	s23 =	simm.s32 $0xF800;
	s1 =	sadd.s32 s1, s5  }
0x14: {  	s6 =	sshrl.u32 s0, $0x1;
	s1 =	sadd.s32 s3, s1;
	s3 =	sor.u32 s4, s15  }
0x15: {  	s24 =	simm.s32 $0x10000;
	s0 =	ssub.s32 s0, s6;
	s4 =	smul.u32 $0x500, s3  }
0x16: {  	s25 =	simm.s32 $0x10800;
	s26 =	simm.s32 $0x11000;
	s0 =	smax.u32 s0, $0x1  }
0x17: {  	v2 =	vlaneseq.u32;
	s1 =	sadd.s32 $0x14B600, s1;
	[dreg:$0xf] =	wrdreg s0;
	s4 =	sadd.s32 s4, s5  }
0x18: {  	vm0 =	vmmov $0xffff;
	v1 =	vshrl.u32 v2, $0x3;
	s15 =	simm.s32 $0xB800;
	[dreg:$0x2] =	wrdreg s1;
	s4 =	sadd.s32 $0x51600, s4  }
0x19: {  	v0 =	vand.u32 $0x7, v2;
	v2 =	vor.u32 $0x8, v2;
	v1 =	vmul.u32 $0x8, v1;
	s3 =	sadd.s32 $0xAB600, s5;
	s5 =	sadd.s32 $0xAB700, s5;
	[dreg:$0xe] =	wrdreg s4  }
.LBB2_1:
0x1a: {  	s0 =	rddreg [dreg:$0xe]  }
0x1b: {  	[tilespmem:s2], [sflag:$0x2] =	stream.linear.gather [hbm4b:s0+s2], $0x2800, $0x38;
	[tilespmem:$0x12800] =	vst v63  }
0x1c: {  	_ =	swait.ge [sflag:s7], $0x2800  }
0x1d: {  	[sflag:s7] =	ssyncset.done $0x0  }
0x1e: {  	s1 =	simm.s32 $0x40;
	s0 =	simm.s32 $0x0;
	[sflag:s7] =	ssyncadd.s32 $0xFFFFD800  }
.LBB2_2:
0x1f: {  	v3 =	vld [tilespmem:s1+$0xFFFFFFC0];
	_ =	sdelay $0x4  }
0x20: {  	v4 =	vshll.u32 v3, $0x2  }
0x21: {  	v3 =	vand.u32 $0x7, v3;
	v4 =	vand.u32 $0xFFFFFFE0, v4  }
0x22: {  	v3 =	vor.u32 v3, v4  }
0x23: {  	v4 =	vperm.xlane v3, v0;
	_ =	sdelay $0x1  }
0x24: {  	v4 =	vadd.s32 v1, v4;
	_ =	sdelay $0x1  }
0x25: {  	v3 =	vperm.xlane v3, v2;
	_ =	sdelay $0x1  }
0x26: {  	v3 =	vadd.s32 v1, v3  }
0x27: {  	[tilespmem:s8], [sflag:$0x1] =	stream.indirect_vreg.gather [hbm4b:s3+s2], $0x80, v4, vm0, $0xb8;
	[tilespmem:$0x12800] =	vst v63  }
0x28: {  	s4 =	rddreg [dreg:$0x3]  }
0x29: {  	[tilespmem:s4], [sflag:$0x1] =	stream.indirect_vreg.gather [hbm4b:s5+s2], $0x80, v4, vm0, $0xb8;
	[tilespmem:$0x12800] =	vst v63  }
0x2a: {  	s6 =	rddreg [dreg:$0x4]  }
0x2b: {  	[tilespmem:s6], [sflag:$0x1] =	stream.indirect_vreg.gather [hbm4b:s3+s2], $0x80, v3, vm0, $0xb8;
	[tilespmem:$0x12800] =	vst v63  }
0x2c: {  	s4 =	rddreg [dreg:$0x5]  }
0x2d: {  	[tilespmem:s4], [sflag:$0x1] =	stream.indirect_vreg.gather [hbm4b:s5+s2], $0x80, v3, vm0, $0xb8;
	[tilespmem:$0x12800] =	vst v63  }
0x2e: {  	v3 =	vld [tilespmem:s1+$0xFFFFFFD0];
	_ =	sdelay $0x4  }
0x2f: {  	v57 =	vshll.u32 v3, $0x2  }
0x30: {  	v3 =	vand.u32 $0x7, v3;
	v4 =	vand.u32 $0xFFFFFFE0, v57  }
0x31: {  	v3 =	vor.u32 v3, v4  }
0x32: {  	v4 =	vperm.xlane v3, v0;
	_ =	sdelay $0x1  }
0x33: {  	v4 =	vadd.s32 v1, v4;
	_ =	sdelay $0x1  }
0x34: {  	v3 =	vperm.xlane v3, v2;
	_ =	sdelay $0x1  }
0x35: {  	s4 =	rddreg [dreg:$0x6];
	v3 =	vadd.s32 v1, v3  }
0x36: {  	[tilespmem:s4], [sflag:$0x1] =	stream.indirect_vreg.gather [hbm4b:s3+s2], $0x80, v4, vm0, $0xb8;
	[tilespmem:$0x12800] =	vst v63  }
0x37: {  	s6 =	rddreg [dreg:$0x7]  }
0x38: {  	[tilespmem:s6], [sflag:$0x1] =	stream.indirect_vreg.gather [hbm4b:s5+s2], $0x80, v4, vm0, $0xb8;
	[tilespmem:$0x12800] =	vst v63  }
0x39: {  	s4 =	rddreg [dreg:$0x8]  }
0x3a: {  	[tilespmem:s4], [sflag:$0x1] =	stream.indirect_vreg.gather [hbm4b:s3+s2], $0x80, v3, vm0, $0xb8;
	[tilespmem:$0x12800] =	vst v63  }
0x3b: {  	s6 =	rddreg [dreg:$0x9]  }
0x3c: {  	[tilespmem:s6], [sflag:$0x1] =	stream.indirect_vreg.gather [hbm4b:s5+s2], $0x80, v3, vm0, $0xb8;
	[tilespmem:$0x12800] =	vst v63  }
0x3d: {  	v3 =	vld [tilespmem:s1+$0xFFFFFFE0];
	_ =	sdelay $0x4  }
0x3e: {  	v58 =	vshll.u32 v3, $0x2  }
0x3f: {  	v3 =	vand.u32 $0x7, v3;
	v4 =	vand.u32 $0xFFFFFFE0, v58  }
0x40: {  	v3 =	vor.u32 v3, v4  }
0x41: {  	v4 =	vperm.xlane v3, v0;
	_ =	sdelay $0x1  }
0x42: {  	v4 =	vadd.s32 v1, v4;
	_ =	sdelay $0x1  }
0x43: {  	v3 =	vperm.xlane v3, v2;
	_ =	sdelay $0x1  }
0x44: {  	s4 =	rddreg [dreg:$0xa];
	v3 =	vadd.s32 v1, v3  }
0x45: {  	[tilespmem:s4], [sflag:$0x1] =	stream.indirect_vreg.gather [hbm4b:s3+s2], $0x80, v4, vm0, $0xb8;
	[tilespmem:$0x12800] =	vst v63  }
0x46: {  	s6 =	rddreg [dreg:$0xb]  }
0x47: {  	[tilespmem:s6], [sflag:$0x1] =	stream.indirect_vreg.gather [hbm4b:s5+s2], $0x80, v4, vm0, $0xb8;
	[tilespmem:$0x12800] =	vst v63  }
0x48: {  	s4 =	rddreg [dreg:$0xc]  }
0x49: {  	[tilespmem:s4], [sflag:$0x1] =	stream.indirect_vreg.gather [hbm4b:s3+s2], $0x80, v3, vm0, $0xb8;
	[tilespmem:$0x12800] =	vst v63  }
0x4a: {  	s6 =	rddreg [dreg:$0xd]  }
0x4b: {  	[tilespmem:s6], [sflag:$0x1] =	stream.indirect_vreg.gather [hbm4b:s5+s2], $0x80, v3, vm0, $0xb8;
	[tilespmem:$0x12800] =	vst v63  }
0x4c: {  	v3 =	vld [tilespmem:s1+$0xFFFFFFF0];
	_ =	sdelay $0x4  }
0x4d: {  	v59 =	vshll.u32 v3, $0x2  }
0x4e: {  	v3 =	vand.u32 $0x7, v3;
	v4 =	vand.u32 $0xFFFFFFE0, v59  }
0x4f: {  	v3 =	vor.u32 v3, v4  }
0x50: {  	v4 =	vperm.xlane v3, v0;
	_ =	sdelay $0x1  }
0x51: {  	v4 =	vadd.s32 v1, v4;
	_ =	sdelay $0x1  }
0x52: {  	v3 =	vperm.xlane v3, v2;
	_ =	sdelay $0x1  }
0x53: {  	v3 =	vadd.s32 v1, v3  }
0x54: {  	[tilespmem:s9], [sflag:$0x1] =	stream.indirect_vreg.gather [hbm4b:s3+s2], $0x80, v4, vm0, $0xb8;
	[tilespmem:$0x12800] =	vst v63  }
0x55: {  	_ = 	snop  }
0x56: {  	[tilespmem:s10], [sflag:$0x1] =	stream.indirect_vreg.gather [hbm4b:s5+s2], $0x80, v4, vm0, $0xb8;
	[tilespmem:$0x12800] =	vst v63  }
0x57: {  	_ = 	snop  }
0x58: {  	[tilespmem:s11], [sflag:$0x1] =	stream.indirect_vreg.gather [hbm4b:s3+s2], $0x80, v3, vm0, $0xb8;
	[tilespmem:$0x12800] =	vst v63  }
0x59: {  	_ = 	snop  }
0x5a: {  	[tilespmem:s12], [sflag:$0x1] =	stream.indirect_vreg.gather [hbm4b:s5+s2], $0x80, v3, vm0, $0xb8;
	[tilespmem:$0x12800] =	vst v63  }
0x5b: {  	v3 =	vld [tilespmem:s1+$0x0];
	_ =	sdelay $0x4  }
0x5c: {  	v60 =	vshll.u32 v3, $0x2  }
0x5d: {  	v3 =	vand.u32 $0x7, v3;
	v4 =	vand.u32 $0xFFFFFFE0, v60  }
0x5e: {  	v3 =	vor.u32 v3, v4  }
0x5f: {  	v4 =	vperm.xlane v3, v0;
	_ =	sdelay $0x1  }
0x60: {  	v4 =	vadd.s32 v1, v4;
	_ =	sdelay $0x1  }
0x61: {  	v3 =	vperm.xlane v3, v2;
	_ =	sdelay $0x1  }
0x62: {  	v3 =	vadd.s32 v1, v3  }
0x63: {  	[tilespmem:s13], [sflag:$0x1] =	stream.indirect_vreg.gather [hbm4b:s3+s2], $0x80, v4, vm0, $0xb8;
	[tilespmem:$0x12800] =	vst v63  }
0x64: {  	_ = 	snop  }
0x65: {  	[tilespmem:s14], [sflag:$0x1] =	stream.indirect_vreg.gather [hbm4b:s5+s2], $0x80, v4, vm0, $0xb8;
	[tilespmem:$0x12800] =	vst v63  }
0x66: {  	_ = 	snop  }
0x67: {  	[tilespmem:s15], [sflag:$0x1] =	stream.indirect_vreg.gather [hbm4b:s3+s2], $0x80, v3, vm0, $0xb8;
	[tilespmem:$0x12800] =	vst v63  }
0x68: {  	_ = 	snop  }
0x69: {  	[tilespmem:s16], [sflag:$0x1] =	stream.indirect_vreg.gather [hbm4b:s5+s2], $0x80, v3, vm0, $0xb8;
	[tilespmem:$0x12800] =	vst v63  }
0x6a: {  	v3 =	vld [tilespmem:s1+$0x10];
	_ =	sdelay $0x4  }
0x6b: {  	v61 =	vshll.u32 v3, $0x2  }
0x6c: {  	v3 =	vand.u32 $0x7, v3;
	v4 =	vand.u32 $0xFFFFFFE0, v61  }
0x6d: {  	v3 =	vor.u32 v3, v4  }
0x6e: {  	v4 =	vperm.xlane v3, v0;
	_ =	sdelay $0x1  }
0x6f: {  	v4 =	vadd.s32 v1, v4;
	_ =	sdelay $0x1  }
0x70: {  	v3 =	vperm.xlane v3, v2;
	_ =	sdelay $0x1  }
0x71: {  	v3 =	vadd.s32 v1, v3  }
0x72: {  	[tilespmem:s17], [sflag:$0x1] =	stream.indirect_vreg.gather [hbm4b:s3+s2], $0x80, v4, vm0, $0xb8;
	[tilespmem:$0x12800] =	vst v63  }
0x73: {  	_ = 	snop  }
0x74: {  	[tilespmem:s18], [sflag:$0x1] =	stream.indirect_vreg.gather [hbm4b:s5+s2], $0x80, v4, vm0, $0xb8;
	[tilespmem:$0x12800] =	vst v63  }
0x75: {  	_ = 	snop  }
0x76: {  	[tilespmem:s19], [sflag:$0x1] =	stream.indirect_vreg.gather [hbm4b:s3+s2], $0x80, v3, vm0, $0xb8;
	[tilespmem:$0x12800] =	vst v63  }
0x77: {  	_ = 	snop  }
0x78: {  	[tilespmem:s20], [sflag:$0x1] =	stream.indirect_vreg.gather [hbm4b:s5+s2], $0x80, v3, vm0, $0xb8;
	[tilespmem:$0x12800] =	vst v63  }
0x79: {  	v3 =	vld [tilespmem:s1+$0x20];
	_ =	sdelay $0x4  }
0x7a: {  	v62 =	vshll.u32 v3, $0x2  }
0x7b: {  	v3 =	vand.u32 $0x7, v3;
	v4 =	vand.u32 $0xFFFFFFE0, v62  }
0x7c: {  	v3 =	vor.u32 v3, v4  }
0x7d: {  	v4 =	vperm.xlane v3, v0;
	_ =	sdelay $0x1  }
0x7e: {  	v4 =	vadd.s32 v1, v4;
	_ =	sdelay $0x1  }
0x7f: {  	v3 =	vperm.xlane v3, v2;
	_ =	sdelay $0x1  }
0x80: {  	v3 =	vadd.s32 v1, v3  }
0x81: {  	[tilespmem:s21], [sflag:$0x1] =	stream.indirect_vreg.gather [hbm4b:s3+s2], $0x80, v4, vm0, $0xb8;
	[tilespmem:$0x12800] =	vst v63  }
0x82: {  	_ = 	snop  }
0x83: {  	[tilespmem:s22], [sflag:$0x1] =	stream.indirect_vreg.gather [hbm4b:s5+s2], $0x80, v4, vm0, $0xb8;
	[tilespmem:$0x12800] =	vst v63  }
0x84: {  	_ = 	snop  }
0x85: {  	[tilespmem:s23], [sflag:$0x1] =	stream.indirect_vreg.gather [hbm4b:s3+s2], $0x80, v3, vm0, $0xb8;
	[tilespmem:$0x12800] =	vst v63  }
0x86: {  	_ = 	snop  }
0x87: {  	[tilespmem:s24], [sflag:$0x1] =	stream.indirect_vreg.gather [hbm4b:s5+s2], $0x80, v3, vm0, $0xb8;
	[tilespmem:$0x12800] =	vst v63  }
0x88: {  	v3 =	vld [tilespmem:s1+$0x30];
	_ =	sdelay $0x4  }
0x89: {  	v63 =	vshll.u32 v3, $0x2  }
0x8a: {  	v3 =	vand.u32 $0x7, v3;
	v4 =	vand.u32 $0xFFFFFFE0, v63  }
0x8b: {  	v3 =	vor.u32 v3, v4  }
0x8c: {  	v4 =	vperm.xlane v3, v0;
	_ =	sdelay $0x1  }
0x8d: {  	v4 =	vadd.s32 v1, v4;
	_ =	sdelay $0x1  }
0x8e: {  	v3 =	vperm.xlane v3, v2;
	_ =	sdelay $0x1  }
0x8f: {  	v3 =	vadd.s32 v1, v3  }
0x90: {  	[tilespmem:s25], [sflag:$0x1] =	stream.indirect_vreg.gather [hbm4b:s3+s2], $0x80, v4, vm0, $0xb8;
	[tilespmem:$0x12800] =	vst v63  }
0x91: {  	_ = 	snop  }
0x92: {  	[tilespmem:s26], [sflag:$0x1] =	stream.indirect_vreg.gather [hbm4b:s5+s2], $0x80, v4, vm0, $0xb8;
	[tilespmem:$0x12800] =	vst v63  }
0x93: {  	_ = 	snop  }
0x94: {  	[tilespmem:s28], [sflag:$0x1] =	stream.indirect_vreg.gather [hbm4b:s3+s2], $0x80, v3, vm0, $0xb8;
	[tilespmem:$0x12800] =	vst v63  }
0x95: {  	_ = 	snop  }
0x96: {  	[tilespmem:s29], [sflag:$0x1] =	stream.indirect_vreg.gather [hbm4b:s5+s2], $0x80, v3, vm0, $0xb8;
	[tilespmem:$0x12800] =	vst v63  }
0x97: {  	_ =	swait.ge [sflag:s30], $0x10000  }
0x98: {  	p0 =	sne.s32 s0, $0x9E000;
	s6 =	rddreg [dreg:$0x2];
	[sflag:s30] =	ssyncset.done $0x0  }
.Ltmp0:
0x99: {  	[sflag:s30] =	ssyncadd.s32 $0xFFFF0000;
	s4 =	sadd.s32 s0, s6;
	(pc) =	sbr.rel @p0 .LBB2_2-.Ltmp0, $4  }
0x9a: {  	[hbm4b:s4+s2] =	stream.linear.scatter [tilespmem:s8], [sflag:$0x2], $0x10000, $0x38;
	[tilespmem:$0x12800] =	vst v63  }
0x9b: {  	_ =	swait.ge [sflag:s7], $0x10000  }
0x9c: {  	[sflag:s7] =	ssyncset.done $0x0  }
0x9d: {  	s1 =	sadd.s32 $0x80, s1;
	s0 =	sadd.s32 $0x2000, s0;
	[sflag:s7] =	ssyncadd.s32 $0xFFFF0000  }
0x9e: {  	s31 =	sadd.s32 $0x1, s31;
	s0 =	rddreg [dreg:$0xf]  }
0x9f: {  	p0 =	sne.s32 s31, s0  }
.Ltmp1:
0xa0: {  	_ = 	snop;
	(pc) =	sbr.rel @p0 .LBB2_1-.Ltmp1, $1  }
0xa1: {  	_ =	sdelay $0x3  }
0xa2: {  	_ =	sfence.sel $0x180000  }
0xa3: {  	[bflag:$0x0] =	sbarrier.arrive $0xFFFF  }
0xa4: {  	_ =	strace $0x90000050  }
0xa5: {  	s0 =	stileid.u32;
	[bflag:$0x2] =	sbarrier.arrive $0xFFFF  }
0xa6: {  	p0 =	sne.s32 s0, $0x0;
	s0 =	rddreg [dreg:$0x1]  }
0xa7: {  	s0 =	sadd.s32 @!p0 $0x100000, s0  }
0xa8: {  	[sflag:s0] =	ssyncadd.tile.s32 @!p0 $0x1;
	_ =	shalt  }
.Lfunc_end2:
_tile_overlayer_lowered:
.L_overlay_start_2:
0xa9: {  	(tag) =	ssettag $0x2  }
0xaa: {  	s0 =	rddreg [dreg:$0x0];
	s2 =	stileid.u32  }
0xab: {  	s1 =	rddreg [dreg:$0x1];
	p0 =	sne.s32 s2, $0x0  }
0xac: {  	s3 =	rddreg [dreg:$0x2];
	[bflag:$0x3] =	sbarrier.arrive $0xFFFF;
	s2 =	simm.s32 @!p0 $0x1C02  }
0xad: {  	[timem:s3], [sflag:s2] =	dma.local @!p0 [hbm:s0], s1  }
0xae: {  	s0 =	simm.s32 @!p0 $0x2  }
0xaf: {  	_ =	swait.ge @!p0 [sflag:s0], s1  }
0xb0: {  	s1 =	ssub.s32 @!p0 $0x0, s1;
	[sflag:s0] =	ssyncset.done @!p0 $0x0  }
0xb1: {  	[sflag:s0] =	ssyncadd.s32 @!p0 s1  }
0xb2: {  	[bflag:$0x3] =	sbarrier.arrive $0xFFFF  }
0xb3: {  	_ =	shalt  }

// kernel: kernel.8.cloned.1.call-start
scs
__scs_entry_jumppad:
0x0: {  	(pc) =	sbr.rel $0x88, $3  }
0x1: {  	(tag) =	ssettag $0x0;
	lr =	simm.s32 $0x1  }
0x2: {  	[smem:$0x3F92] =	sst lr;
	_ =	strace $0xD0000000  }
0x3: {  	_ = 	snop  }
0x4: {  	_ = 	snop  }
0x5: {  	_ = 	snop  }
0x6: {  	_ = 	snop  }
0x7: {  	_ = 	snop  }
__scs_overlays_trampoline_lowered:
0x8: {  	[smem:$0x3FA1] =	sst s0  }
0x9: {  	[smem:$0x3FA2] =	sst s1  }
0xa: {  	[smem:$0x3FA3] =	sst s2  }
0xb: {  	[smem:$0x3FA4] =	sst s3  }
0xc: {  	[smem:$0x3FA5] =	sst s4  }
0xd: {  	[smem:$0x3FA6] =	sst s5  }
0xe: {  	[smem:$0x3FA7] =	sst s6  }
0xf: {  	[smem:$0x3FA8] =	sst s7  }
0x10: {  	[smem:$0x3FA9] =	sst s8  }
0x11: {  	[smem:$0x3FAA] =	sst s9;
	s0 =	simm.s32 @!p0 $0x0  }
0x12: {  	s1 =	sld [smem:$0x3F90];
	s0 =	simm.s32 @p0 $0x1  }
0x13: {  	[smem:$0x3FAB] =	sst s0;
	s0 =	simm.s32 @!p1 $0x0  }
0x14: {  	s2 =	sld [smem:$0x3F8F];
	s0 =	simm.s32 @p1 $0x1  }
0x15: {  	[smem:$0x3FAC] =	sst s0;
	s0 =	simm.s32 @!p2 $0x0  }
0x16: {  	s3 =	sld [smem:$0x3FDB];
	s0 =	simm.s32 @p2 $0x1  }
0x17: {  	s4 =	simm.s32 $0x1BF5;
	[smem:$0x3FAE] =	sst s0  }
0x18: {  	s0 =	sld [smem:$0x3F91];
	_ =	swait.ge [sflag:s4], $0x0  }
0x19: {  	s7 =	sld [smem:$0x3F92]  }
0x1a: {  	s8 =	sadd.s32 $0xFFFFE003, lr  }
0x1b: {  	s9 =	sadd.s32 $0xFFFFFEF7, lr;
	s5 =	simm.s32 $0xFFFFFFFF;
	p2 =	slt.u32 s8, $0xFFFFF086  }
0x1c: {  	p1 =	slt.u32 s9, $0xF7A;
	s5 =	simm.s32 @!p2 $0x0  }
0x1d: {  	s5 =	simm.s32 @p1 $0x1;
	p0 =	seq.s32 s7, s2  }
0x1e: {  	s7 =	smul.u32 @!p0 $0xF7A, s2;
	p2 =	seq.s32 @!p0 s5, $0x0  }
0x1f: {  	s9 =	smul.u32 $0xF7A, s1;
	s8 =	simm.s32 @!p0 $0x1BF5;
	p2 =	por !p2, p0  }
0x20: {  	[sflag:s8] =	ssyncset.s32 @!p0 $0xFFFFF086;
	s6 =	sadd.s32 @!p0 s3, s7;
	s7 =	simm.s32 @!p0 $0x108  }
0x21: {  	s3 =	sadd.s32 s3, s9;
	s6 =	sadd.s32 @!p0 $0x88, s6;
	s7 =	simm.s32 @p2 $0x1082  }
0x22: {  	[simem:s7], [sflag:s8] =	dma.local @!p0 [hbm:s6], $0xF7A  }
0x23: {  	s9 =	sor.u32 $0xD0000000, s2;
	s6 =	simm.s32 $0x108;
	_ =	swait.ge @!p0 [sflag:s8], $0x0  }
0x24: {  	s3 =	sadd.s32 $0x88, s3;
	s6 =	simm.s32 @!p1 $0x1082;
	[sflag:s4] =	ssyncset.s32 $0xFFFFF086  }
0x25: {  	[simem:s6], [sflag:s4] =	dma.local [hbm:s3], $0xF7A  }
0x26: {  	[smem:$0x3F92] =	sst s1;
	(tag) =	ssettag s2;
	_ =	strace s9  }
0x27: {  	s1 =	sld [smem:$0x3FA2]  }
0x28: {  	s2 =	sld [smem:$0x3FA3]  }
0x29: {  	s4 =	sld [smem:$0x3FA5]  }
0x2a: {  	p0 =	seq.s32 s5, $0x0;
	s5 =	sld [smem:$0x3FA6]  }
0x2b: {  	s6 =	sld [smem:$0x3FA7]  }
0x2c: {  	s7 =	sld [smem:$0x3FA8]  }
0x2d: {  	s3 =	simm.s32 $0x108;
	s8 =	sld [smem:$0x3FA9]  }
0x2e: {  	s3 =	simm.s32 @!p0 $0x1082;
	s9 =	sld [smem:$0x3FAA]  }
0x2f: {  	lr =	sadd.s32 s0, s3;
	s0 =	sld [smem:$0x3FA1]  }
0x30: {  	s3 =	sld [smem:$0x3FA4]  }
0x31: {  	[smem:$0x3FAD] =	sst s10  }
0x32: {  	s10 =	sld [smem:$0x3FAB];
	_ =	sdelay $0x3  }
0x33: {  	p0 =	seq.s32 s10, $0x1;
	s10 =	sld [smem:$0x3FAD];
	_ =	sdelay $0x3  }
0x34: {  	[smem:$0x3FAD] =	sst s10  }
0x35: {  	s10 =	sld [smem:$0x3FAC];
	_ =	sdelay $0x3  }
0x36: {  	p1 =	seq.s32 s10, $0x1;
	s10 =	sld [smem:$0x3FAD];
	_ =	sdelay $0x3  }
0x37: {  	[smem:$0x3FAD] =	sst s10  }
0x38: {  	s10 =	sld [smem:$0x3FAE]  }
0x39: {  	_ = 	snop;
	(pc) =	sbr.ind lr, $3  }
0x3a: {  	_ = 	snop  }
0x3b: {  	_ = 	snop  }
0x3c: {  	p2 =	seq.s32 s10, $0x1;
	s10 =	sld [smem:$0x3FAD]  }
0x3d: {  	_ =	shalt  }
0x3e: {  	_ =	shalt  }
0x3f: {  	_ =	shalt  }
0x40: {  	_ =	shalt  }
0x41: {  	_ =	shalt  }
0x42: {  	_ =	shalt  }
0x43: {  	_ =	shalt  }
0x44: {  	_ =	shalt  }
0x45: {  	_ =	shalt  }
0x46: {  	_ =	shalt  }
0x47: {  	_ =	shalt  }
0x48: {  	_ =	shalt  }
0x49: {  	_ =	shalt  }
0x4a: {  	_ =	shalt  }
0x4b: {  	_ =	shalt  }
0x4c: {  	_ =	shalt  }
0x4d: {  	_ =	shalt  }
0x4e: {  	_ =	shalt  }
0x4f: {  	_ =	shalt  }
0x50: {  	_ =	shalt  }
0x51: {  	_ =	shalt  }
0x52: {  	_ =	shalt  }
0x53: {  	_ =	shalt  }
0x54: {  	_ =	shalt  }
0x55: {  	_ =	shalt  }
0x56: {  	_ =	shalt  }
0x57: {  	_ =	shalt  }
0x58: {  	_ =	shalt  }
0x59: {  	_ =	shalt  }
0x5a: {  	_ =	shalt  }
0x5b: {  	_ =	shalt  }
0x5c: {  	_ =	shalt  }
0x5d: {  	_ =	shalt  }
0x5e: {  	_ =	shalt  }
0x5f: {  	_ =	shalt  }
0x60: {  	_ =	shalt  }
0x61: {  	_ =	shalt  }
0x62: {  	_ =	shalt  }
0x63: {  	_ =	shalt  }
0x64: {  	_ =	shalt  }
0x65: {  	_ =	shalt  }
0x66: {  	_ =	shalt  }
0x67: {  	_ =	shalt  }
0x68: {  	_ =	shalt  }
0x69: {  	_ =	shalt  }
0x6a: {  	_ =	shalt  }
0x6b: {  	_ =	shalt  }
0x6c: {  	_ =	shalt  }
0x6d: {  	_ =	shalt  }
0x6e: {  	_ =	shalt  }
0x6f: {  	_ =	shalt  }
0x70: {  	_ =	shalt  }
0x71: {  	_ =	shalt  }
0x72: {  	_ =	shalt  }
0x73: {  	_ =	shalt  }
0x74: {  	_ =	shalt  }
0x75: {  	_ =	shalt  }
0x76: {  	_ =	shalt  }
0x77: {  	_ =	shalt  }
0x78: {  	_ =	shalt  }
0x79: {  	_ =	shalt  }
0x7a: {  	_ =	shalt  }
0x7b: {  	_ =	shalt  }
0x7c: {  	_ =	shalt  }
0x7d: {  	_ =	shalt  }
0x7e: {  	_ =	shalt  }
0x7f: {  	_ =	shalt  }
0x80: {  	_ =	shalt  }
0x81: {  	_ =	shalt  }
0x82: {  	_ =	shalt  }
0x83: {  	_ =	shalt  }
0x84: {  	_ =	shalt  }
0x85: {  	_ =	shalt  }
0x86: {  	_ =	shalt  }
0x87: {  	_ =	shalt  }
.Lfunc_end0:
.L_simem_size_0:
called_computation.3_lowered:
.L_overlay_start_0:
0x88: {  	s2 =	sld [smem:$0x3FD9]  }
0x89: {  	s3 =	sld [smem:$0x3FFE];
	_ =	sdelay $0x1  }
0x8a: {  	s1 =	srdreg.scid  }
0x8b: {  	s0 =	sand.u32 $0x1, s1  }
0x8c: {  	s16 =	sshll.u32 s0, $0xA;
	s2 =	sadd.s32 s3, s2  }
0x8d: {  	s2 =	sadd.s32 s2, s16  }
0x8e: {  	[smem:$0x3FB9] =	sst s2  }
0x8f: {  	_ = 	snop  }
0x90: {  	(tm) =	ssettm $0x1  }
0x91: {  	s17 =	sld [smem:$0x3FFB];
	_ =	sdelay $0x3  }
0x92: {  	_ =	strace s17  }
0x93: {  	s2 =	sld [smem:$0x3FFC];
	_ =	sdelay $0x3  }
0x94: {  	_ =	strace s2  }
0x95: {  	s2 =	sld [smem:$0x3FFD];
	_ =	sdelay $0x3  }
0x96: {  	_ =	strace s2  }
0x97: {  	_ =	strace $0x8FFFFFFF  }
0x98: {  	s18 =	sld [smem:$0x3FDB];
	_ =	sdelay $0x1  }
0x99: {  	s19 =	simm.s32 $_scs_section_size  }
0x9a: {  	s4 =	simm.s32 $_size__tile_overlayer_lowered;
	s5 =	simm.s32 $_tile_overlayer_lowered  }
0x9b: {  	s22 =	simm.s32 $0x1BFF;
	s21 =	sshll.u32 s5, $0x1;
	s2 =	sadd.s32 s19, s18  }
0x9c: {  	s6 =	simm.s32 $0x0;
	s20 =	sshll.u32 s4, $0x1;
	s4 =	sadd.s32 s21, s2  }
0x9d: {  	[timem:s6], [sflag:s22] =	dma.local [hbm:s4], s20  }
0x9e: {  	_ =	swait.ge [sflag:s22], s20  }
0x9f: {  	s3 =	ssub.s32 $0x0, s20;
	[sflag:s22] =	ssyncset.done $0x0  }
0xa0: {  	[sflag:s22] =	ssyncadd.s32 s3;
	_ =	sdelay $0x1  }
0xa1: {  	s23 =	simm.s32 $0x1B8B  }
0xa2: {  	_ =	swait.ge [sflag:s23], $0x1  }
0xa3: {  	[sflag:s23] =	ssyncset.done $0x0  }
0xa4: {  	s25 =	simm.s32 $0x1B8E;
	s24 =	sld [smem:$0x3FFE];
	[sflag:s23] =	ssyncadd.s32 $0xFFFFFFFF  }
0xa5: {  	s26 =	simm.s32 $execute0_lowered;
	[smem:$0x3FD2] =	sst s25  }
0xa6: {  	s4 =	sshll.u32 s26, $0x1;
	_ =	strace $0x80000049;
	[dreg:$0x1] =	wrdreg $0xFFFFFFFF  }
0xa7: {  	s28 =	simm.s32 $_size_execute0_lowered;
	s2 =	sadd.s32 s2, s4;
	[dreg:$0x0] =	wrdreg $0x0  }
0xa8: {  	s4 =	sshll.u32 s28, $0x1;
	[dreg:$0x2] =	wrdreg s2  }
0xa9: {  	[dreg:$0x3] =	wrdreg s4  }
0xaa: {  	[dreg:$0x4] =	wrdreg $0xC0  }
0xab: {  	_ =	task [dreg:s6], $0x5FFFF  }
0xac: {  	[dreg:$0x1] =	wrdreg $0xFFFFFFFF  }
0xad: {  	[dreg:$0x0] =	wrdreg $0x60  }
0xae: {  	[dreg:$0x2] =	wrdreg s24  }
0xaf: {  	[dreg:$0x3] =	wrdreg $0x9  }
0xb0: {  	_ =	task.clear_ibuf [dreg:s6], $0x4FFFF;
	_ =	strace $0x90000049  }
0xb1: {  	s29 =	simm.s32 $0x9;
	_ =	strace $0x8000004B  }
0xb2: {  	_ =	swait.ge [sflag:s29], $0x1  }
0xb3: {  	[sflag:s29] =	ssyncadd.s32 $0xFFFFFFFF  }
0xb4: {  	_ =	strace $0x9000004B  }
0xb5: {  	_ =	sfence  }
0xb6: {  	s30 =	sld [smem:$0x0];
	_ =	sdelay $0x2  }
0xb7: {  	s31 =	sshll.u32 s1, $0xD;
	s1 =	sshrl.u32 s1, $0x2  }
0xb8: {  	s3 =	sand.u32 $0x4000, s31;
	s1 =	sadd.s32 s1, s30  }
0xb9: {  	s0 =	sor.u32 s3, s0;
	s1 =	sshll.u32 s1, $0x11  }
0xba: {  	s0 =	sor.u32 s1, s0  }
0xbb: {  	s0 =	sadd.s32 $0x8F2B, s0  }
0xbc: {  	[sflag:s0] =	ssyncadd.remote.s32 $0x1  }
0xbd: {  	_ =	sfence.sel $0xFFFF  }
0xbe: {  	[dreg:$0x0] =	wrdreg $0xFFFFFFFF;
	(pc) =	sbr.abs _section_cstart, $3  }
0xbf: {  	[dreg:$0x1] =	wrdreg $0xFFFFFFFF  }
0xc0: {  	_ =	task.clear_ibuf [dreg:s6], $0x2FFFF;
	_ =	strace $0x9FFFFFFF  }
0xc1: {  	(tm) =	ssettm $0x7FFFFFFF  }
tec
execute0_lowered:
.L_overlay_start_1:
0x0: {  	(tag) =	ssettag $0x1  }
0x1: {  	s0 =	srdreg.scid  }
0x2: {  	s5 =	rddreg [dreg:$0x0];
	s1 =	stileid.u32  }
0x3: {  	s2 =	simm.s32 $0x0;
	s9 =	simm.s32 $0x3000;
	s10 =	simm.s32 $0x3800  }
0x4: {  	s11 =	simm.s32 $0x4000;
	s12 =	simm.s32 $0x4800;
	s13 =	simm.s32 $0x5000  }
0x5: {  	s14 =	simm.s32 $0x5800;
	s15 =	simm.s32 $0x6000;
	s16 =	simm.s32 $0x6800  }
0x6: {  	s17 =	simm.s32 $0x7000;
	s18 =	simm.s32 $0x7800;
	s19 =	simm.s32 $0x8000  }
0x7: {  	s20 =	simm.s32 $0x8800;
	s21 =	simm.s32 $0x9000;
	s22 =	simm.s32 $0x9800  }
0x8: {  	s23 =	simm.s32 $0xA000;
	s24 =	simm.s32 $0x1;
	s4 =	sand.u32 $0x1, s0  }
0x9: {  	s25 =	simm.s32 $0x0;
	s8 =	smul.u32 $0x50000, s1;
	s3 =	sshll.u32 s4, $0x4  }
0xa: {  	s0 =	rddreg [dreg:$0x1];
	s7 =	smul.u32 $0x500000, s4;
	s3 =	sor.u32 s1, s3  }
0xb: {  	[smem:$0x7FF] =	sst s2;
	s4 =	ssub.s32 $0x2, s4;
	s6 =	smul.u32 $0x500, s3  }
0xc: {  	_ =	strace $0x8000004A;
	s30 =	sshrl.u32 s4, $0x1;
	s3 =	sadd.s32 $0x5B600, s5  }
0xd: {  	v2 =	vlaneseq.u32;
	s6 =	sadd.s32 s6, s5;
	s5 =	sadd.s32 s7, s5;
	s7 =	ssub.s32 s4, s30  }
0xe: {  	vm0 =	vmmov $0xffff;
	v1 =	vshrl.u32 v2, $0x3;
	s4 =	sadd.s32 $0x51600, s6;
	s31 =	sadd.s32 s8, s5;
	s5 =	smax.u32 s7, $0x1  }
0xf: {  	v0 =	vand.u32 $0x7, v2;
	v2 =	vor.u32 $0x8, v2;
	v1 =	vmul.u32 $0x8, v1;
	s7 =	simm.s32 $0x2;
	s8 =	simm.s32 $0x2800;
	s6 =	sadd.s32 $0xAB600, s31  }
.LBB2_1:
0x10: {  	[tilespmem:s2], [sflag:$0x2] =	stream.linear.gather [hbm4b:s4+s2], $0x2800, $0x38;
	[tilespmem:$0xA800] =	vst v63  }
0x11: {  	_ =	swait.ge [sflag:s7], $0x2800  }
0x12: {  	[sflag:s7] =	ssyncset.done $0x0  }
0x13: {  	s26 =	simm.s32 $0x40;
	s28 =	simm.s32 $0x0;
	[sflag:s7] =	ssyncadd.s32 $0xFFFFD800  }
.LBB2_2:
0x14: {  	v3 =	vld [tilespmem:s26+$0xFFFFFFC0];
	_ =	sdelay $0x4  }
0x15: {  	v4 =	vshll.u32 v3, $0x1  }
0x16: {  	v3 =	vand.u32 $0x7, v3;
	v4 =	vand.u32 $0xFFFFFFF0, v4  }
0x17: {  	v3 =	vor.u32 v3, v4  }
0x18: {  	v4 =	vperm.xlane v3, v0;
	_ =	sdelay $0x1  }
0x19: {  	v3 =	vperm.xlane v3, v2;
	v4 =	vadd.s32 v1, v4;
	_ =	sdelay $0x1  }
0x1a: {  	v3 =	vadd.s32 v1, v3;
	_ =	sdelay $0x2  }
0x1b: {  	[tilespmem:s8], [sflag:$0x1] =	stream.indirect_vreg.gather [hbm4b:s3+s2], $0x80, v4, vm0, $0xb8;
	[tilespmem:$0xA800] =	vst v63  }
0x1c: {  	_ = 	snop  }
0x1d: {  	[tilespmem:s9], [sflag:$0x1] =	stream.indirect_vreg.gather [hbm4b:s3+s2], $0x80, v3, vm0, $0xb8;
	[tilespmem:$0xA800] =	vst v63  }
0x1e: {  	v3 =	vld [tilespmem:s26+$0xFFFFFFD0];
	_ =	sdelay $0x4  }
0x1f: {  	v57 =	vshll.u32 v3, $0x1  }
0x20: {  	v3 =	vand.u32 $0x7, v3;
	v4 =	vand.u32 $0xFFFFFFF0, v57  }
0x21: {  	v3 =	vor.u32 v3, v4  }
0x22: {  	v4 =	vperm.xlane v3, v0;
	_ =	sdelay $0x1  }
0x23: {  	v3 =	vperm.xlane v3, v2;
	v4 =	vadd.s32 v1, v4;
	_ =	sdelay $0x1  }
0x24: {  	v3 =	vadd.s32 v1, v3;
	_ =	sdelay $0x2  }
0x25: {  	[tilespmem:s10], [sflag:$0x1] =	stream.indirect_vreg.gather [hbm4b:s3+s2], $0x80, v4, vm0, $0xb8;
	[tilespmem:$0xA800] =	vst v63  }
0x26: {  	_ = 	snop  }
0x27: {  	[tilespmem:s11], [sflag:$0x1] =	stream.indirect_vreg.gather [hbm4b:s3+s2], $0x80, v3, vm0, $0xb8;
	[tilespmem:$0xA800] =	vst v63  }
0x28: {  	v3 =	vld [tilespmem:s26+$0xFFFFFFE0];
	_ =	sdelay $0x4  }
0x29: {  	v58 =	vshll.u32 v3, $0x1  }
0x2a: {  	v3 =	vand.u32 $0x7, v3;
	v4 =	vand.u32 $0xFFFFFFF0, v58  }
0x2b: {  	v3 =	vor.u32 v3, v4  }
0x2c: {  	v4 =	vperm.xlane v3, v0;
	_ =	sdelay $0x1  }
0x2d: {  	v3 =	vperm.xlane v3, v2;
	v4 =	vadd.s32 v1, v4;
	_ =	sdelay $0x1  }
0x2e: {  	v3 =	vadd.s32 v1, v3;
	_ =	sdelay $0x2  }
0x2f: {  	[tilespmem:s12], [sflag:$0x1] =	stream.indirect_vreg.gather [hbm4b:s3+s2], $0x80, v4, vm0, $0xb8;
	[tilespmem:$0xA800] =	vst v63  }
0x30: {  	_ = 	snop  }
0x31: {  	[tilespmem:s13], [sflag:$0x1] =	stream.indirect_vreg.gather [hbm4b:s3+s2], $0x80, v3, vm0, $0xb8;
	[tilespmem:$0xA800] =	vst v63  }
0x32: {  	v3 =	vld [tilespmem:s26+$0xFFFFFFF0];
	_ =	sdelay $0x4  }
0x33: {  	v59 =	vshll.u32 v3, $0x1  }
0x34: {  	v3 =	vand.u32 $0x7, v3;
	v4 =	vand.u32 $0xFFFFFFF0, v59  }
0x35: {  	v3 =	vor.u32 v3, v4  }
0x36: {  	v4 =	vperm.xlane v3, v0;
	_ =	sdelay $0x1  }
0x37: {  	v3 =	vperm.xlane v3, v2;
	v4 =	vadd.s32 v1, v4;
	_ =	sdelay $0x1  }
0x38: {  	v3 =	vadd.s32 v1, v3;
	_ =	sdelay $0x2  }
0x39: {  	[tilespmem:s14], [sflag:$0x1] =	stream.indirect_vreg.gather [hbm4b:s3+s2], $0x80, v4, vm0, $0xb8;
	[tilespmem:$0xA800] =	vst v63  }
0x3a: {  	_ = 	snop  }
0x3b: {  	[tilespmem:s15], [sflag:$0x1] =	stream.indirect_vreg.gather [hbm4b:s3+s2], $0x80, v3, vm0, $0xb8;
	[tilespmem:$0xA800] =	vst v63  }
0x3c: {  	v3 =	vld [tilespmem:s26+$0x0];
	_ =	sdelay $0x4  }
0x3d: {  	v60 =	vshll.u32 v3, $0x1  }
0x3e: {  	v3 =	vand.u32 $0x7, v3;
	v4 =	vand.u32 $0xFFFFFFF0, v60  }
0x3f: {  	v3 =	vor.u32 v3, v4  }
0x40: {  	v4 =	vperm.xlane v3, v0;
	_ =	sdelay $0x1  }
0x41: {  	v3 =	vperm.xlane v3, v2;
	v4 =	vadd.s32 v1, v4;
	_ =	sdelay $0x1  }
0x42: {  	v3 =	vadd.s32 v1, v3;
	_ =	sdelay $0x2  }
0x43: {  	[tilespmem:s16], [sflag:$0x1] =	stream.indirect_vreg.gather [hbm4b:s3+s2], $0x80, v4, vm0, $0xb8;
	[tilespmem:$0xA800] =	vst v63  }
0x44: {  	_ = 	snop  }
0x45: {  	[tilespmem:s17], [sflag:$0x1] =	stream.indirect_vreg.gather [hbm4b:s3+s2], $0x80, v3, vm0, $0xb8;
	[tilespmem:$0xA800] =	vst v63  }
0x46: {  	v3 =	vld [tilespmem:s26+$0x10];
	_ =	sdelay $0x4  }
0x47: {  	v61 =	vshll.u32 v3, $0x1  }
0x48: {  	v3 =	vand.u32 $0x7, v3;
	v4 =	vand.u32 $0xFFFFFFF0, v61  }
0x49: {  	v3 =	vor.u32 v3, v4  }
0x4a: {  	v4 =	vperm.xlane v3, v0;
	_ =	sdelay $0x1  }
0x4b: {  	v3 =	vperm.xlane v3, v2;
	v4 =	vadd.s32 v1, v4;
	_ =	sdelay $0x1  }
0x4c: {  	v3 =	vadd.s32 v1, v3;
	_ =	sdelay $0x2  }
0x4d: {  	[tilespmem:s18], [sflag:$0x1] =	stream.indirect_vreg.gather [hbm4b:s3+s2], $0x80, v4, vm0, $0xb8;
	[tilespmem:$0xA800] =	vst v63  }
0x4e: {  	_ = 	snop  }
0x4f: {  	[tilespmem:s19], [sflag:$0x1] =	stream.indirect_vreg.gather [hbm4b:s3+s2], $0x80, v3, vm0, $0xb8;
	[tilespmem:$0xA800] =	vst v63  }
0x50: {  	v3 =	vld [tilespmem:s26+$0x20];
	_ =	sdelay $0x4  }
0x51: {  	v62 =	vshll.u32 v3, $0x1  }
0x52: {  	v3 =	vand.u32 $0x7, v3;
	v4 =	vand.u32 $0xFFFFFFF0, v62  }
0x53: {  	v3 =	vor.u32 v3, v4  }
0x54: {  	v4 =	vperm.xlane v3, v0;
	_ =	sdelay $0x1  }
0x55: {  	v3 =	vperm.xlane v3, v2;
	v4 =	vadd.s32 v1, v4;
	_ =	sdelay $0x1  }
0x56: {  	v3 =	vadd.s32 v1, v3;
	_ =	sdelay $0x2  }
0x57: {  	[tilespmem:s20], [sflag:$0x1] =	stream.indirect_vreg.gather [hbm4b:s3+s2], $0x80, v4, vm0, $0xb8;
	[tilespmem:$0xA800] =	vst v63  }
0x58: {  	_ = 	snop  }
0x59: {  	[tilespmem:s21], [sflag:$0x1] =	stream.indirect_vreg.gather [hbm4b:s3+s2], $0x80, v3, vm0, $0xb8;
	[tilespmem:$0xA800] =	vst v63  }
0x5a: {  	v3 =	vld [tilespmem:s26+$0x30];
	_ =	sdelay $0x4  }
0x5b: {  	v63 =	vshll.u32 v3, $0x1  }
0x5c: {  	v3 =	vand.u32 $0x7, v3;
	v4 =	vand.u32 $0xFFFFFFF0, v63  }
0x5d: {  	v3 =	vor.u32 v3, v4  }
0x5e: {  	v4 =	vperm.xlane v3, v0;
	_ =	sdelay $0x1  }
0x5f: {  	v3 =	vperm.xlane v3, v2;
	v4 =	vadd.s32 v1, v4;
	_ =	sdelay $0x1  }
0x60: {  	v3 =	vadd.s32 v1, v3;
	_ =	sdelay $0x2  }
0x61: {  	[tilespmem:s22], [sflag:$0x1] =	stream.indirect_vreg.gather [hbm4b:s3+s2], $0x80, v4, vm0, $0xb8;
	[tilespmem:$0xA800] =	vst v63  }
0x62: {  	_ = 	snop  }
0x63: {  	[tilespmem:s23], [sflag:$0x1] =	stream.indirect_vreg.gather [hbm4b:s3+s2], $0x80, v3, vm0, $0xb8;
	[tilespmem:$0xA800] =	vst v63  }
0x64: {  	_ =	swait.ge [sflag:s24], $0x8000  }
0x65: {  	p0 =	sne.s32 s28, $0x4F000;
	[sflag:s24] =	ssyncset.done $0x0  }
.Ltmp0:
0x66: {  	s29 =	sadd.s32 s28, s6;
	[sflag:s24] =	ssyncadd.s32 $0xFFFF8000;
	(pc) =	sbr.rel @p0 .LBB2_2-.Ltmp0, $4  }
0x67: {  	[hbm4b:s29+s2] =	stream.linear.scatter [tilespmem:s8], [sflag:$0x2], $0x8000, $0x38;
	[tilespmem:$0xA800] =	vst v63  }
0x68: {  	_ =	swait.ge [sflag:s7], $0x8000  }
0x69: {  	[sflag:s7] =	ssyncset.done $0x0  }
0x6a: {  	s28 =	sadd.s32 $0x1000, s28;
	s26 =	sadd.s32 $0x80, s26;
	[sflag:s7] =	ssyncadd.s32 $0xFFFF8000  }
0x6b: {  	s25 =	sadd.s32 $0x1, s25  }
0x6c: {  	p0 =	sne.s32 s25, s5  }
.Ltmp1:
0x6d: {  	_ = 	snop;
	(pc) =	sbr.rel @p0 .LBB2_1-.Ltmp1, $1  }
0x6e: {  	_ =	sdelay $0x3  }
0x6f: {  	_ =	sfence.sel $0x180000  }
0x70: {  	[bflag:$0x0] =	sbarrier.arrive $0xFFFF  }
0x71: {  	p0 =	sne.s32 s1, $0x0;
	_ =	strace $0x9000004A  }
0x72: {  	s0 =	sadd.s32 @!p0 $0x100000, s0;
	[bflag:$0x2] =	sbarrier.arrive $0xFFFF  }
0x73: {  	[sflag:s0] =	ssyncadd.tile.s32 @!p0 $0x1;
	_ =	shalt  }
.Lfunc_end2:
_tile_overlayer_lowered:
.L_overlay_start_2:
0x74: {  	(tag) =	ssettag $0x2  }
0x75: {  	s0 =	rddreg [dreg:$0x0];
	s2 =	stileid.u32  }
0x76: {  	s1 =	rddreg [dreg:$0x1];
	p0 =	sne.s32 s2, $0x0  }
0x77: {  	s3 =	rddreg [dreg:$0x2];
	[bflag:$0x3] =	sbarrier.arrive $0xFFFF;
	s2 =	simm.s32 @!p0 $0x1C02  }
0x78: {  	[timem:s3], [sflag:s2] =	dma.local @!p0 [hbm:s0], s1  }
0x79: {  	s0 =	simm.s32 @!p0 $0x2  }
0x7a: {  	_ =	swait.ge @!p0 [sflag:s0], s1  }
0x7b: {  	s1 =	ssub.s32 @!p0 $0x0, s1;
	[sflag:s0] =	ssyncset.done @!p0 $0x0  }
0x7c: {  	[sflag:s0] =	ssyncadd.s32 @!p0 s1  }
0x7d: {  	[bflag:$0x3] =	sbarrier.arrive $0xFFFF  }
0x7e: {  	_ =	shalt  }

// kernel: scatter_offload_async_start.1
scs
__scs_entry_jumppad:
0x0: {  	(pc) =	sbr.rel $0x88, $3  }
0x1: {  	(tag) =	ssettag $0x0;
	lr =	simm.s32 $0x1  }
0x2: {  	[smem:$0x3F92] =	sst lr;
	_ =	strace $0xD0000000  }
0x3: {  	_ = 	snop  }
0x4: {  	_ = 	snop  }
0x5: {  	_ = 	snop  }
0x6: {  	_ = 	snop  }
0x7: {  	_ = 	snop  }
__scs_overlays_trampoline_lowered:
0x8: {  	[smem:$0x3FA1] =	sst s0  }
0x9: {  	[smem:$0x3FA2] =	sst s1  }
0xa: {  	[smem:$0x3FA3] =	sst s2  }
0xb: {  	[smem:$0x3FA4] =	sst s3  }
0xc: {  	[smem:$0x3FA5] =	sst s4  }
0xd: {  	[smem:$0x3FA6] =	sst s5  }
0xe: {  	[smem:$0x3FA7] =	sst s6  }
0xf: {  	[smem:$0x3FA8] =	sst s7  }
0x10: {  	[smem:$0x3FA9] =	sst s8  }
0x11: {  	[smem:$0x3FAA] =	sst s9;
	s0 =	simm.s32 @!p0 $0x0  }
0x12: {  	s1 =	sld [smem:$0x3F90];
	s0 =	simm.s32 @p0 $0x1  }
0x13: {  	[smem:$0x3FAB] =	sst s0;
	s0 =	simm.s32 @!p1 $0x0  }
0x14: {  	s2 =	sld [smem:$0x3F8F];
	s0 =	simm.s32 @p1 $0x1  }
0x15: {  	[smem:$0x3FAC] =	sst s0;
	s0 =	simm.s32 @!p2 $0x0  }
0x16: {  	s3 =	sld [smem:$0x3FDB];
	s0 =	simm.s32 @p2 $0x1  }
0x17: {  	s4 =	simm.s32 $0x1BF5;
	[smem:$0x3FAE] =	sst s0  }
0x18: {  	s0 =	sld [smem:$0x3F91];
	_ =	swait.ge [sflag:s4], $0x0  }
0x19: {  	s7 =	sld [smem:$0x3F92]  }
0x1a: {  	s8 =	sadd.s32 $0xFFFFE003, lr  }
0x1b: {  	s9 =	sadd.s32 $0xFFFFFEF7, lr;
	s5 =	simm.s32 $0xFFFFFFFF;
	p2 =	slt.u32 s8, $0xFFFFF086  }
0x1c: {  	p1 =	slt.u32 s9, $0xF7A;
	s5 =	simm.s32 @!p2 $0x0  }
0x1d: {  	s5 =	simm.s32 @p1 $0x1;
	p0 =	seq.s32 s7, s2  }
0x1e: {  	s7 =	smul.u32 @!p0 $0xF7A, s2;
	p2 =	seq.s32 @!p0 s5, $0x0  }
0x1f: {  	s9 =	smul.u32 $0xF7A, s1;
	s8 =	simm.s32 @!p0 $0x1BF5;
	p2 =	por !p2, p0  }
0x20: {  	[sflag:s8] =	ssyncset.s32 @!p0 $0xFFFFF086;
	s6 =	sadd.s32 @!p0 s3, s7;
	s7 =	simm.s32 @!p0 $0x108  }
0x21: {  	s3 =	sadd.s32 s3, s9;
	s6 =	sadd.s32 @!p0 $0x88, s6;
	s7 =	simm.s32 @p2 $0x1082  }
0x22: {  	[simem:s7], [sflag:s8] =	dma.local @!p0 [hbm:s6], $0xF7A  }
0x23: {  	s9 =	sor.u32 $0xD0000000, s2;
	s6 =	simm.s32 $0x108;
	_ =	swait.ge @!p0 [sflag:s8], $0x0  }
0x24: {  	s3 =	sadd.s32 $0x88, s3;
	s6 =	simm.s32 @!p1 $0x1082;
	[sflag:s4] =	ssyncset.s32 $0xFFFFF086  }
0x25: {  	[simem:s6], [sflag:s4] =	dma.local [hbm:s3], $0xF7A  }
0x26: {  	[smem:$0x3F92] =	sst s1;
	(tag) =	ssettag s2;
	_ =	strace s9  }
0x27: {  	s1 =	sld [smem:$0x3FA2]  }
0x28: {  	s2 =	sld [smem:$0x3FA3]  }
0x29: {  	s4 =	sld [smem:$0x3FA5]  }
0x2a: {  	p0 =	seq.s32 s5, $0x0;
	s5 =	sld [smem:$0x3FA6]  }
0x2b: {  	s6 =	sld [smem:$0x3FA7]  }
0x2c: {  	s7 =	sld [smem:$0x3FA8]  }
0x2d: {  	s3 =	simm.s32 $0x108;
	s8 =	sld [smem:$0x3FA9]  }
0x2e: {  	s3 =	simm.s32 @!p0 $0x1082;
	s9 =	sld [smem:$0x3FAA]  }
0x2f: {  	lr =	sadd.s32 s0, s3;
	s0 =	sld [smem:$0x3FA1]  }
0x30: {  	s3 =	sld [smem:$0x3FA4]  }
0x31: {  	[smem:$0x3FAD] =	sst s10  }
0x32: {  	s10 =	sld [smem:$0x3FAB];
	_ =	sdelay $0x3  }
0x33: {  	p0 =	seq.s32 s10, $0x1;
	s10 =	sld [smem:$0x3FAD];
	_ =	sdelay $0x3  }
0x34: {  	[smem:$0x3FAD] =	sst s10  }
0x35: {  	s10 =	sld [smem:$0x3FAC];
	_ =	sdelay $0x3  }
0x36: {  	p1 =	seq.s32 s10, $0x1;
	s10 =	sld [smem:$0x3FAD];
	_ =	sdelay $0x3  }
0x37: {  	[smem:$0x3FAD] =	sst s10  }
0x38: {  	s10 =	sld [smem:$0x3FAE]  }
0x39: {  	_ = 	snop;
	(pc) =	sbr.ind lr, $3  }
0x3a: {  	_ = 	snop  }
0x3b: {  	_ = 	snop  }
0x3c: {  	p2 =	seq.s32 s10, $0x1;
	s10 =	sld [smem:$0x3FAD]  }
0x3d: {  	_ =	shalt  }
0x3e: {  	_ =	shalt  }
0x3f: {  	_ =	shalt  }
0x40: {  	_ =	shalt  }
0x41: {  	_ =	shalt  }
0x42: {  	_ =	shalt  }
0x43: {  	_ =	shalt  }
0x44: {  	_ =	shalt  }
0x45: {  	_ =	shalt  }
0x46: {  	_ =	shalt  }
0x47: {  	_ =	shalt  }
0x48: {  	_ =	shalt  }
0x49: {  	_ =	shalt  }
0x4a: {  	_ =	shalt  }
0x4b: {  	_ =	shalt  }
0x4c: {  	_ =	shalt  }
0x4d: {  	_ =	shalt  }
0x4e: {  	_ =	shalt  }
0x4f: {  	_ =	shalt  }
0x50: {  	_ =	shalt  }
0x51: {  	_ =	shalt  }
0x52: {  	_ =	shalt  }
0x53: {  	_ =	shalt  }
0x54: {  	_ =	shalt  }
0x55: {  	_ =	shalt  }
0x56: {  	_ =	shalt  }
0x57: {  	_ =	shalt  }
0x58: {  	_ =	shalt  }
0x59: {  	_ =	shalt  }
0x5a: {  	_ =	shalt  }
0x5b: {  	_ =	shalt  }
0x5c: {  	_ =	shalt  }
0x5d: {  	_ =	shalt  }
0x5e: {  	_ =	shalt  }
0x5f: {  	_ =	shalt  }
0x60: {  	_ =	shalt  }
0x61: {  	_ =	shalt  }
0x62: {  	_ =	shalt  }
0x63: {  	_ =	shalt  }
0x64: {  	_ =	shalt  }
0x65: {  	_ =	shalt  }
0x66: {  	_ =	shalt  }
0x67: {  	_ =	shalt  }
0x68: {  	_ =	shalt  }
0x69: {  	_ =	shalt  }
0x6a: {  	_ =	shalt  }
0x6b: {  	_ =	shalt  }
0x6c: {  	_ =	shalt  }
0x6d: {  	_ =	shalt  }
0x6e: {  	_ =	shalt  }
0x6f: {  	_ =	shalt  }
0x70: {  	_ =	shalt  }
0x71: {  	_ =	shalt  }
0x72: {  	_ =	shalt  }
0x73: {  	_ =	shalt  }
0x74: {  	_ =	shalt  }
0x75: {  	_ =	shalt  }
0x76: {  	_ =	shalt  }
0x77: {  	_ =	shalt  }
0x78: {  	_ =	shalt  }
0x79: {  	_ =	shalt  }
0x7a: {  	_ =	shalt  }
0x7b: {  	_ =	shalt  }
0x7c: {  	_ =	shalt  }
0x7d: {  	_ =	shalt  }
0x7e: {  	_ =	shalt  }
0x7f: {  	_ =	shalt  }
0x80: {  	_ =	shalt  }
0x81: {  	_ =	shalt  }
0x82: {  	_ =	shalt  }
0x83: {  	_ =	shalt  }
0x84: {  	_ =	shalt  }
0x85: {  	_ =	shalt  }
0x86: {  	_ =	shalt  }
0x87: {  	_ =	shalt  }
.Lfunc_end0:
.L_simem_size_0:
called_computation.1_lowered:
.L_overlay_start_0:
0x88: {  	s2 =	sld [smem:$0x3FD9]  }
0x89: {  	s3 =	sld [smem:$0x3FFE];
	_ =	sdelay $0x1  }
0x8a: {  	s1 =	srdreg.scid  }
0x8b: {  	s0 =	sand.u32 $0x1, s1  }
0x8c: {  	s15 =	sshll.u32 s0, $0xA;
	s2 =	sadd.s32 s3, s2  }
0x8d: {  	s2 =	sadd.s32 s2, s15  }
0x8e: {  	[smem:$0x3FB9] =	sst s2  }
0x8f: {  	_ = 	snop  }
0x90: {  	(tm) =	ssettm $0x1  }
0x91: {  	s16 =	sld [smem:$0x3FFB];
	_ =	sdelay $0x3  }
0x92: {  	_ =	strace s16  }
0x93: {  	s2 =	sld [smem:$0x3FFC];
	_ =	sdelay $0x3  }
0x94: {  	_ =	strace s2  }
0x95: {  	s2 =	sld [smem:$0x3FFD];
	_ =	sdelay $0x3  }
0x96: {  	_ =	strace s2  }
0x97: {  	_ =	strace $0x8FFFFFFF  }
0x98: {  	s17 =	sld [smem:$0x3FDB];
	_ =	sdelay $0x1  }
0x99: {  	s18 =	simm.s32 $_scs_section_size  }
0x9a: {  	s4 =	simm.s32 $_size__tile_overlayer_lowered;
	s5 =	simm.s32 $_tile_overlayer_lowered  }
0x9b: {  	s21 =	simm.s32 $0x1BFF;
	s20 =	sshll.u32 s5, $0x1;
	s2 =	sadd.s32 s18, s17  }
0x9c: {  	s6 =	simm.s32 $0x0;
	s19 =	sshll.u32 s4, $0x1;
	s4 =	sadd.s32 s20, s2  }
0x9d: {  	[timem:s6], [sflag:s21] =	dma.local [hbm:s4], s19  }
0x9e: {  	_ =	swait.ge [sflag:s21], s19  }
0x9f: {  	s3 =	ssub.s32 $0x0, s19;
	[sflag:s21] =	ssyncset.done $0x0  }
0xa0: {  	[sflag:s21] =	ssyncadd.s32 s3;
	_ =	sdelay $0x1  }
0xa1: {  	s22 =	simm.s32 $0x1B8B  }
0xa2: {  	_ =	swait.ge [sflag:s22], $0x1  }
0xa3: {  	[sflag:s22] =	ssyncset.done $0x0  }
0xa4: {  	s23 =	sld [smem:$0x3FFE];
	[sflag:s22] =	ssyncadd.s32 $0xFFFFFFFF  }
0xa5: {  	s25 =	simm.s32 $0x1B8E;
	s24 =	sld [smem:$0x0]  }
0xa6: {  	s26 =	simm.s32 $execute0_lowered;
	[smem:$0x3FD2] =	sst s25  }
0xa7: {  	s5 =	sshll.u32 s26, $0x1;
	_ =	strace $0x8000004C;
	[dreg:$0x1] =	wrdreg $0xFFFFFFFF  }
0xa8: {  	s28 =	simm.s32 $_size_execute0_lowered;
	s2 =	sadd.s32 s2, s5;
	[dreg:$0x0] =	wrdreg $0x0  }
0xa9: {  	s5 =	sshll.u32 s28, $0x1;
	[dreg:$0x2] =	wrdreg s2  }
0xaa: {  	[dreg:$0x3] =	wrdreg s5  }
0xab: {  	[dreg:$0x4] =	wrdreg $0xC0  }
0xac: {  	_ =	task [dreg:s6], $0x5FFFF  }
0xad: {  	[dreg:$0x1] =	wrdreg $0xFFFFFFFF  }
0xae: {  	[dreg:$0x0] =	wrdreg $0x60  }
0xaf: {  	[dreg:$0x2] =	wrdreg s23  }
0xb0: {  	[dreg:$0x3] =	wrdreg s1  }
0xb1: {  	[dreg:$0x4] =	wrdreg s24  }
0xb2: {  	[dreg:$0x5] =	wrdreg $0x9  }
0xb3: {  	_ =	task.clear_ibuf [dreg:s6], $0x6FFFF;
	_ =	strace $0x9000004C  }
0xb4: {  	s29 =	simm.s32 $0x9;
	_ =	strace $0x8000004E  }
0xb5: {  	_ =	swait.ge [sflag:s29], $0x1  }
0xb6: {  	[sflag:s29] =	ssyncadd.s32 $0xFFFFFFFF  }
0xb7: {  	_ =	strace $0x9000004E  }
0xb8: {  	_ =	sfence  }
0xb9: {  	s30 =	sld [smem:$0x0];
	_ =	sdelay $0x2  }
0xba: {  	s31 =	sshll.u32 s1, $0xD;
	s1 =	sshrl.u32 s1, $0x2  }
0xbb: {  	s3 =	sand.u32 $0x4000, s31;
	s1 =	sadd.s32 s1, s30  }
0xbc: {  	s0 =	sor.u32 s3, s0;
	s1 =	sshll.u32 s1, $0x11  }
0xbd: {  	s0 =	sor.u32 s1, s0  }
0xbe: {  	s0 =	sadd.s32 $0x8F2B, s0  }
0xbf: {  	[sflag:s0] =	ssyncadd.remote.s32 $0x1  }
0xc0: {  	_ =	sfence.sel $0xFFFF  }
0xc1: {  	[dreg:$0x0] =	wrdreg $0xFFFFFFFF;
	(pc) =	sbr.abs _section_cstart, $3  }
0xc2: {  	[dreg:$0x1] =	wrdreg $0xFFFFFFFF  }
0xc3: {  	_ =	task.clear_ibuf [dreg:s6], $0x2FFFF;
	_ =	strace $0x9FFFFFFF  }
0xc4: {  	(tm) =	ssettm $0x7FFFFFFF  }
0xc5: {  	_ =	shalt  }
tec
execute0_lowered:
.L_overlay_start_1:
0x0: {  	(tag) =	ssettag $0x1  }
0x1: {  	s2 =	rddreg [dreg:$0x0]  }
0x2: {  	s3 =	rddreg [dreg:$0x1];
	_ =	strace $0x8000004D;
	s0 =	simm.s32 $0x1  }
0x3: {  	s5 =	simm.s32 $0x208;
	v0 =	vimm.s32 $0x0;
	[sflag:s0] =	ssyncpa.u1 $0x0  }
0x4: {  	[tilespmem:s5+$0x70] =	vst v0  }
0x5: {  	[tilespmem:s5+$0x60] =	vst v0  }
0x6: {  	[tilespmem:s5+$0x50] =	vst v0  }
0x7: {  	[tilespmem:s5+$0x40] =	vst v0  }
0x8: {  	[tilespmem:s5+$0x30] =	vst v0  }
0x9: {  	s1 =	sadd.s32 $0xAAB600, s2;
	s0 =	sadd.s32 $0x1200, s2;
	s6 =	sadd.s32 $0xAB600, s2;
	[tilespmem:s5+$0x20] =	vst v0  }
0xa: {  	s4 =	sadd.s32 $0x3D000, s2;
	s10 =	sand.u32 $0x1, s3;
	s2 =	simm.s32 $0x40;
	[tilespmem:s5+$0x10] =	vst v0  }
.LBB2_1:
0xb: {  	s2 =	sadd.s32 $0x40, s2;
	[tilespmem:s5+$0x0] =	vst v0;
	s5 =	sadd.s32 $0x80, s5  }
0xc: {  	p0 =	slt.u32 s2, $0x3880;
	[tilespmem:s5+$0x70] =	vst v0  }
0xd: {  	[tilespmem:s5+$0x60] =	vst v0  }
.Ltmp0:
0xe: {  	[tilespmem:s5+$0x50] =	vst v0;
	(pc) =	sbr.rel @p0 .LBB2_1-.Ltmp0, $4  }
0xf: {  	[tilespmem:s5+$0x40] =	vst v0  }
0x10: {  	[tilespmem:s5+$0x30] =	vst v0  }
0x11: {  	[tilespmem:s5+$0x20] =	vst v0  }
0x12: {  	[tilespmem:s5+$0x10] =	vst v0  }
0x13: {  	s11 =	stileid.u32  }
0x14: {  	s2 =	smul.u32 $0x5B, s11  }
0x15: {  	s3 =	smin.u32 s11, $0x7  }
0x16: {  	s2 =	sadd.s32 s3, s2  }
0x17: {  	p0 =	slt.u32 s11, $0x7;
	s20 =	smul.u32 $0x70, s2;
	s2 =	simm.s32 $0x2840  }
0x18: {  	s2 =	simm.s32 @!p0 $0x27D0  }
0x19: {  	s2 =	sadd.s32 s2, s20  }
0x1a: {  	s8 =	smin.u32 s2, $0x28000  }
0x1b: {  	s26 =	simm.s32 $0x2;
	s2 =	ssub.s32 s8, s20  }
0x1c: {  	s9 =	simm.s32 $0x9;
	s29 =	simm.s32 $0xA;
	p0 =	sgt.s32 s2, $0x0  }
0x1d: {  	s30 =	simm.s32 $0xB;
	s31 =	smul.u32 $0x5000, s10;
	s2 =	simm.s32 @!p0 $0x0  }
0x1e: {  	[dreg:$0x4] =	wrdreg s10;
	s12 =	simm.s32 $0x1;
	s25 =	smulhi.u32 $0x92492493, s2  }
0x1f: {  	s24 =	simm.s32 $0x0;
	p1 =	por $0x0, $0x0;
	s18 =	simm.s32 $0x80  }
0x20: {  	s19 =	simm.s32 $0x400;
	s17 =	simm.s32 $0xC;
	s3 =	sshrl.u32 s25, $0x6  }
0x21: {  	s21 =	simm.s32 $0x0;
	s23 =	simm.s32 $0x0;
	s28 =	smul.u32 $0x70, s3  }
.Ltmp1:
0x22: {  	[tilespmem:s5+$0x0] =	vst v0;
	v0 =	vimm.s32 $0xFFFFFFFF;
	[sflag:s26] =	ssyncpa.u1 $0x0;
	s16 =	sshll.u32 s11, $0x9;
	(pc) =	sbr.rel .LBB2_3-.Ltmp1, $4  }
0x23: {  	[tilespmem:$0xE408] =	vst v0;
	[sflag:s9] =	ssyncpa.u1 $0x0;
	p0 =	sne.s32 s2, s28;
	s2 =	simm.s32 $0x1  }
0x24: {  	s14 =	sadd.s32 s31, s4;
	[sflag:s29] =	ssyncpa.u1 $0x0;
	s2 =	simm.s32 @!p0 $0x0  }
0x25: {  	s15 =	sadd.s32 s31, s0;
	[sflag:s30] =	ssyncpa.u1 $0x0;
	s13 =	sadd.s32 s2, s3  }
0x26: {  	v0 =	vlaneseq.u32;
	s22 =	smov.u32 s20;
	p0 =	por $0x1, $0x1;
	s11 =	sadd.s32 $0x1, s13  }
.LBB2_24:
0x27: {  	s2 =	sshrl.u32 s4, $0x2  }
.LBB2_26:
0x28: {  	_ =	swait.ge [sflag:s17], s2  }
0x29: {  	s31 =	ssub.s32 $0x0, s2;
	v1 =	vmov s26;
	vm0 =	veq.s32 v0, $0x0;
	[sflag:s17] =	ssyncset.done $0x0  }
0x2a: {  	vm15 =	veq.s32 v0, $0x2;
	v1 =	vsel vm0, s0, v1;
	[sflag:s17] =	ssyncadd.s32 s31  }
0x2b: {  	v1 =	vsel vm15, s24, v1;
	[sflag:s17] =	ssyncpa.u1 $0x1  }
0x2c: {  	[tilespmem:$0xE408] =	vst v1  }
.LBB2_27:
0x2d: {  	s0 =	sadd.s32 $0x70, s22  }
0x2e: {  	s2 =	smov.u32 s20;
	p2 =	slt.s32 s0, s8  }
0x2f: {  	s2 =	smov.u32 @p2 s0;
	p2 =	sne.s32 s23, s11  }
.Ltmp2:
0x30: {  	_ = 	snop;
	(pc) =	sbr.rel @!p2 .LBB2_28-.Ltmp2, $4  }
0x31: {  	_ = 	snop  }
0x32: {  	s24 =	smov.u32 s21  }
0x33: {  	s31 =	sadd.s32 $0x1, s23;
	s21 =	smov.u32 s22;
	p0 =	por !p0, !p0  }
0x34: {  	p1 =	por !p1, !p1;
	s23 =	smov.u32 s31;
	s22 =	smov.u32 s2  }
.LBB2_3:
0x35: {  	p2 =	sge.u32 s23, s13  }
0x36: {  	s0 =	smulhi.u32 @!p2 $0xAAAAAAAB, s23  }
0x37: {  	s2 =	smov.u32 s22;
	p3 =	sgt.s32 @!p2 s22, $0x27F90  }
0x38: {  	s3 =	sshra.s32 @!p2 s22, $0x1F;
	p3 =	por !p3, p2;
	s0 =	sshrl.u32 @!p2 s0, $0x1  }
0x39: {  	s3 =	sand.u32 @!p2 s3, s22;
	s2 =	simm.s32 @p3 $0x27F90;
	s0 =	smul.u32 @!p2 $0x3, s0  }
0x3a: {  	s2 =	ssub.s32 @!p2 s2, s3  }
0x3b: {  	s2 =	sadd.s32 @!p2 $0xFFFD8070, s2;
	s0 =	ssub.s32 @!p2 s23, s0  }
0x3c: {  	s3 =	sshll.u32 @!p2 s2, $0x2;
	p3 =	sgt.s32 @!p2 s2, $0x6F;
	s0 =	smul.u32 @!p2 $0x1C0, s0  }
0x3d: {  	s4 =	sand.u32 @!p2 $0x7, s22;
	s2 =	ssub.s32 @!p2 $0x1C0, s3;
	p3 =	por !p3, p2  }
0x3e: {  	s3 =	sshrl.u32 @!p2 s22, $0x3;
	s2 =	sshrl.u32 @!p2 s2, $0x2;
	s0 =	sshrl.u32 @!p2 s0, $0x2  }
0x3f: {  	s3 =	sadd.s32 @!p2 s3, s14;
	s2 =	simm.s32 @!p3 $0x0;
	s0 =	sadd.s32 @!p2 $0x10448, s0  }
0x40: {  	[tilespmem:s0], [sflag:$0xA] =	stream.linear.gather @!p2 [hbm4b:s3+s4], s2, $0x38;
	[tilespmem:$0x1E678] =	vst v63  }
0x41: {  	s2 =	sadd.s32 $0xFFFFFFFF, s23  }
0x42: {  	p2 =	sge.u32 s2, s13  }
0x43: {  	p3 =	sgt.s32 @!p2 s21, $0x27F90  }
0x44: {  	s0 =	smov.u32 s21;
	s3 =	sshra.s32 @!p2 s21, $0x1F;
	p3 =	por !p3, p2  }
0x45: {  	s3 =	sand.u32 @!p2 s3, s21;
	s0 =	simm.s32 @p3 $0x27F90  }
0x46: {  	s0 =	ssub.s32 @!p2 s0, s3  }
0x47: {  	s0 =	sadd.s32 @!p2 $0xFFFD8070, s0  }
0x48: {  	s3 =	sshll.u32 @!p2 s0, $0x2  }
0x49: {  	p3 =	sgt.s32 @!p2 s0, $0x6F;
	s0 =	ssub.s32 @!p2 $0x1C0, s3  }
0x4a: {  	p3 =	por !p3, p2;
	s0 =	sshrl.u32 @!p2 s0, $0x2  }
0x4b: {  	s4 =	simm.s32 @!p2 $0xA;
	s3 =	sand.u32 @!p2 $0x1, s2;
	s0 =	simm.s32 @!p3 $0x0  }
0x4c: {  	s3 =	smul.u32 @!p2 $0x1C0, s3;
	_ =	swait.ge @!p2 [sflag:s4], s0  }
0x4d: {  	s5 =	ssub.s32 @!p2 $0x0, s0;
	[sflag:s4] =	ssyncset.done @!p2 $0x0  }
0x4e: {  	s3 =	sshrl.u32 @!p2 s3, $0x2;
	[sflag:s4] =	ssyncadd.s32 @!p2 s5;
	s4 =	sshrl.u32 @!p2 s21, $0x3  }
0x4f: {  	s3 =	sadd.s32 @!p2 $0x10598, s3;
	s5 =	sand.u32 @!p2 $0x7, s21;
	s4 =	sadd.s32 @!p2 s4, s15  }
0x50: {  	[tilespmem:s3], [sflag:$0xB] =	stream.linear.gather @!p2 [hbm4b:s4+s5], s0, $0x38;
	[tilespmem:$0x1E678] =	vst v63  }
0x51: {  	s0 =	ssub.s32 @!p2 $0x28000, s21  }
0x52: {  	p3 =	slt.s32 @!p2 s0, $0x1  }
0x53: {  	p3 =	por p2, p3  }
.Ltmp3:
0x54: {  	_ = 	snop;
	(pc) =	sbr.rel @p3 .LBB2_9-.Ltmp3, $1  }
0x55: {  	_ =	sdelay $0x3  }
0x56: {  	s3 =	smulhi.u32 $0xAAAAAAAB, s2;
	_ =	sdelay $0x1  }
0x57: {  	s3 =	sshrl.u32 s3, $0x1  }
0x58: {  	s3 =	smul.u32 $0x3, s3;
	_ =	sdelay $0x1  }
0x59: {  	s30 =	ssub.s32 s2, s3  }
0x5a: {  	s4 =	simm.s32 $0x1;
	s2 =	smul.u32 $0x1C0, s30  }
.Ltmp4:
0x5b: {  	s4 =	simm.s32 @!p0 $0x0;
	(pc) =	sbr.rel .LBB2_6-.Ltmp4, $4  }
0x5c: {  	s31 =	smul.u32 $0x1C000, s4  }
0x5d: {  	p3 =	slt.s32 @!p2 s0, $0x70;
	s2 =	sshrl.u32 s2, $0x2  }
0x5e: {  	p2 =	por !p3, p2;
	s3 =	sshrl.u32 s31, $0x2;
	s5 =	sadd.s32 $0x10448, s2  }
0x5f: {  	s0 =	simm.s32 @p2 $0x70;
	s4 =	sor.u32 $0x10678, s3;
	s2 =	simm.s32 $0x0;
	v1 =	vmov s5  }
.LBB2_5:
0x60: {  	p2 =	sge.s32 s2, s0  }
.Ltmp5:
0x61: {  	_ = 	snop;
	(pc) =	sbr.rel @p2 .LBB2_9-.Ltmp5, $2  }
0x62: {  	_ =	sdelay $0x2  }
0x63: {  	s4 =	sadd.s32 $0x1000, s4  }
.LBB2_6:
0x64: {  	p2 =	sle.s32 s0, s2  }
.Ltmp6:
0x65: {  	_ = 	snop;
	(pc) =	sbr.rel @p2 .LBB2_5-.Ltmp6, $2  }
0x66: {  	_ =	sdelay $0x2  }
0x67: {  	s5 =	smov.u32 s2;
	s2 =	sadd.s32 $0x10, s2  }
0x68: {  	s3 =	ssub.s32 s0, s5  }
0x69: {  	p2 =	slt.s32 s3, $0x10  }
0x6a: {  	s3 =	simm.s32 @!p2 $0x10  }
0x6b: {  	v2 =	vmov s3  }
0x6c: {  	vm0 =	vgt.s32 v2, v0;
	_ =	sdelay $0x5  }
0x6d: {  	v2 =	vld.idx.msk [tilespmem:v1+s5+$0x0 ss:$0x1], vm0;
	_ =	sdelay $0x2  }
0x6e: {  	p2 =	slt.s32 s2, s0;
	s3 =	smov.u32 s0  }
0x6f: {  	s9 =	smov.u32 s4;
	s25 =	simm.s32 $0x0;
	s3 =	smov.u32 @p2 s2  }
.LBB2_8:
0x70: {  	(v2sf) =	vpush v2, s25;
	_ =	sdelay $0xe  }
0x71: {  	s25 =	sadd.s32 $0x1, s25;
	s10 =	spop (v2sf)  }
0x72: {  	s31 =	sadd.s32 s25, s5;
	s26 =	sshll.u32 s10, $0x8;
	s10 =	sshll.u32 s10, $0x7  }
0x73: {  	p2 =	slt.s32 s31, s3;
	s26 =	sand.u32 $0xFFFFF800, s26;
	s10 =	sand.u32 $0x380, s10  }
.Ltmp7:
0x74: {  	s10 =	sor.u32 s10, s26;
	(pc) =	sbr.rel @p2 .LBB2_8-.Ltmp7, $4  }
0x75: {  	s10 =	sshrl.u32 s10, $0x3  }
0x76: {  	s10 =	sadd.s32 s6, s10  }
0x77: {  	[tilespmem:s9], [sflag:$0x9] =	stream.strided.gather [hbm4b:s10+s18], $0x100, s19, s18, $0x38;
	[tilespmem:$0x1E678] =	vst v63  }
0x78: {  	s9 =	sadd.s32 $0x100, s9  }
.Ltmp8:
0x79: {  	_ = 	snop;
	(pc) =	sbr.rel .LBB2_5-.Ltmp8, $1  }
0x7a: {  	_ =	sdelay $0x3  }
.LBB2_9:
0x7b: {  	p2 =	slt.u32 s23, $0x2  }
.Ltmp9:
0x7c: {  	_ = 	snop;
	(pc) =	sbr.rel @p2 .LBB2_27-.Ltmp9, $1  }
0x7d: {  	_ =	sdelay $0x3  }
0x7e: {  	p2 =	sgt.s32 s24, $0x27F90  }
0x7f: {  	s0 =	smov.u32 s24;
	s2 =	sshra.s32 s24, $0x1F;
	s3 =	ssub.s32 $0x28000, s24  }
0x80: {  	s0 =	simm.s32 @!p2 $0x27F90;
	s2 =	sand.u32 s2, s24;
	p2 =	slt.s32 s3, $0x70  }
0x81: {  	s0 =	ssub.s32 s0, s2;
	s3 =	simm.s32 @!p2 $0x70  }
0x82: {  	s0 =	sadd.s32 $0xFFFD8070, s0;
	s9 =	sshll.u32 s3, $0x8  }
0x83: {  	s26 =	simm.s32 $0x9;
	s10 =	sshll.u32 s0, $0x2;
	s2 =	sand.u32 $0x3FFFFF00, s9  }
0x84: {  	p2 =	sgt.s32 s0, $0x6F;
	s25 =	ssub.s32 $0x1C0, s10;
	_ =	swait.ge [sflag:s26], s2  }
0x85: {  	s2 =	ssub.s32 $0x0, s2;
	[sflag:s26] =	ssyncset.done $0x0;
	s0 =	sshrl.u32 s25, $0x2  }
0x86: {  	s29 =	simm.s32 $0xB;
	[sflag:s26] =	ssyncadd.s32 s2;
	s0 =	simm.s32 @p2 $0x0  }
0x87: {  	_ =	swait.ge [sflag:s29], s0  }
0x88: {  	s0 =	ssub.s32 $0x0, s0;
	[sflag:s29] =	ssyncset.done $0x0  }
0x89: {  	[sflag:s29] =	ssyncadd.s32 s0  }
0x8a: {  	v1 =	vld [tilespmem:$0xE408];
	_ =	sdelay $0x4  }
0x8b: {  	(v2sf) =	vpush v1, $0x0  }
0x8c: {  	(v2sf) =	vpush v1, $0x1  }
0x8d: {  	(v2sf) =	vpush v1, $0x2;
	_ =	sdelay $0x3  }
0x8e: {  	s0 =	sadd.s32 $0x70, s24  }
0x8f: {  	s2 =	ssub.s32 $0x50000, s24;
	p2 =	slt.s32 s8, s0  }
0x90: {  	s0 =	smov.u32 @p2 s8;
	p2 =	sgt.s32 s2, $0x0  }
0x91: {  	s0 =	ssub.s32 s0, s24;
	s2 =	simm.s32 @!p2 $0x0  }
0x92: {  	p2 =	slt.s32 s2, s0  }
0x93: {  	s0 =	smov.u32 @p2 s2  }
0x94: {  	s4 =	simm.s32 $0x1;
	p2 =	slt.s32 s0, $0x1  }
.Ltmp10:
0x95: {  	s4 =	simm.s32 @!p1 $0x0;
	(pc) =	sbr.rel @p2 .LBB2_14-.Ltmp10, $4  }
0x96: {  	s30 =	smul.u32 $0x1C0, s4  }
0x97: {  	s5 =	spop (v2sf)  }
0x98: {  	s31 =	sshrl.u32 s30, $0x2;
	s28 =	spop (v2sf)  }
0x99: {  	s25 =	sadd.s32 $0x10598, s31;
	s24 =	spop (v2sf)  }
0x9a: {  	s2 =	smin.u32 s0, $0x10  }
0x9b: {  	v1 =	vmov s2  }
0x9c: {  	vm1 =	vgt.u32 v1, v0  }
0x9d: {  	p3 =	sgt.s32 s0, $0x10  }
.Ltmp11:
0x9e: {  	_ = 	snop;
	(pc) =	sbr.rel @!p3 .LBB2_13-.Ltmp11, $2  }
0x9f: {  	_ =	sdelay $0x2  }
0xa0: {  	s26 =	simm.s32 $0x10;
	s29 =	sadd.s32 $0xFFFFFFF0, s0;
	s2 =	smov.u32 s25;
	vm0 =	vmmov vm1;
	v1 =	vld.msk [tilespmem:s25+$0x0 ss:$0x1], vm1  }
.LBB2_12:
0xa1: {  	s3 =	smin.u32 s29, $0x10;
	s26 =	sadd.s32 $0x10, s26  }
0xa2: {  	v2 =	vmov s3;
	p3 =	slt.s32 s26, s0  }
0xa3: {  	vm1 =	vgt.u32 v2, v0;
	_ =	sdelay $0x1  }
0xa4: {  	v2 =	vshll.u32 v1, $0x5;
	v1 =	vshll.u32 v1, $0x4  }
.Ltmp12:
0xa5: {  	v2 =	vand.u32 $0xFFFFFF00, v2;
	v1 =	vand.u32 $0x70, v1;
	(pc) =	sbr.rel @p3 .LBB2_12-.Ltmp12, $4  }
0xa6: {  	v1 =	vor.u32 v1, v2  }
0xa7: {  	[tilespmem:s2+$0x0] =	vst.msk vm0, v1;
	s2 =	sadd.s32 $0x10, s2;
	vm0 =	vmmov vm1  }
0xa8: {  	v1 =	vld.msk [tilespmem:s2+$0x0 ss:$0x1], vm1  }
0xa9: {  	s29 =	sadd.s32 $0xFFFFFFF0, s29  }
.LBB2_13:
0xaa: {  	_ =	sdelay $0x3  }
0xab: {  	v2 =	vshll.u32 v1, $0x5;
	v1 =	vshll.u32 v1, $0x4  }
0xac: {  	v2 =	vand.u32 $0xFFFFFF00, v2;
	v1 =	vand.u32 $0x70, v1  }
0xad: {  	v1 =	vor.u32 v1, v2  }
0xae: {  	[tilespmem:s2+$0x0] =	vst.msk vm0, v1  }
.LBB2_14:
0xaf: {  	s2 =	sand.u32 $0x1, s23  }
0xb0: {  	s2 =	smul.u32 $0x70, s2  }
0xb1: {  	p3 =	sne.s32 s28, $0xFFFFFFFF  }
0xb2: {  	v1 =	vld.msk @!p3 [tilespmem:s2+$0x10598], $0x1;
	_ =	sdelay $0x4  }
0xb3: {  	(v2sf) =	vpush @!p3 v1, $0x0;
	_ =	sdelay $0xc  }
.Ltmp13:
0xb4: {  	_ = 	snop;
	(pc) =	sbr.rel @p2 .LBB2_25-.Ltmp13, $4  }
0xb5: {  	_ = 	snop  }
0xb6: {  	s31 =	spop @!p3 (v2sf)  }
0xb7: {  	s24 =	simm.s32 @!p3 $0x0;
	s26 =	smov.u32 s31  }
0xb8: {  	[sflag:s17] =	ssyncpa.u1 $0x0;
	s31 =	smov.u32 @p3 s5;
	s26 =	smov.u32 @p3 s28  }
0xb9: {  	v1 =	vld.msk [tilespmem:s25+$0x0], $0x1;
	_ =	sdelay $0x4  }
0xba: {  	(v2sf) =	vpush v1, $0x0;
	_ =	sdelay $0xe  }
0xbb: {  	s7 =	smov.u32 s11;
	s5 =	spop (v2sf)  }
0xbc: {  	s17 =	smov.u32 s15;
	s2 =	smul.u32 $0x1C000, s4;
	p2 =	seq.s32 s31, s5  }
0xbd: {  	s3 =	smov.u32 s31;
	s29 =	ssub.s32 $0x0, s0;
	p3 =	sgt.s32 @!p2 s31, $0x0  }
0xbe: {  	s30 =	simm.s32 $0x0;
	s2 =	sshrl.u32 s2, $0x2;
	p3 =	por !p3, p2  }
0xbf: {  	s0 =	sadd.s32 $0x1, s29;
	s28 =	sor.u32 $0x106F8, s2;
	s3 =	simm.s32 @p3 $0x0  }
0xc0: {  	s2 =	simm.s32 @!p2 $0x1;
	p3 =	seq.s32 s0, $0x0;
	s3 =	smin.u32 @!p2 s3, $0x4FF70  }
.Ltmp14:
0xc1: {  	s4 =	simm.s32 @!p2 $0x7308;
	s9 =	sand.u32 @!p2 $0x7FFF8, s3;
	(pc) =	sbr.rel @p3 .LBB2_17-.Ltmp14, $4  }
0xc2: {  	s10 =	sadd.s32 @!p2 $0x80, s3;
	s11 =	sadd.s32 @!p2 s1, s9;
	s9 =	sand.u32 @!p2 $0x7, s3  }
0xc3: {  	[tilespmem:s4], [sflag:$0x2] =	stream.linear.gather @!p2 [hbm4b:s11+s9], $0x80, $0x38;
	[tilespmem:$0x1E678] =	vst v63  }
0xc4: {  	s15 =	smov.u32 s14;
	s2 =	smov.u32 @p2 s30;
	s4 =	sand.u32 @!p2 $0xFFFF8, s10  }
0xc5: {  	s3 =	simm.s32 @!p2 $0x7388;
	s10 =	sadd.s32 @!p2 s1, s4;
	s4 =	sadd.s32 $0x1, s25  }
.LBB2_16:
0xc6: {  	s11 =	smov.u32 s2  }
0xc7: {  	[tilespmem:s3], [sflag:$0x2] =	stream.linear.gather @!p2 [hbm4b:s10+s9], $0x80, $0x38;
	[tilespmem:$0x1E678] =	vst v63  }
0xc8: {  	s0 =	sadd.s32 $0x1, s0;
	s9 =	smov.u32 s5;
	v1 =	vld.msk [tilespmem:s4+$0x0], $0x1  }
0xc9: {  	p3 =	seq.s32 s0, $0x0;
	_ =	sdelay $0x3  }
0xca: {  	(v2sf) =	vpush v1, $0x0;
	_ =	sdelay $0xe  }
0xcb: {  	s5 =	spop (v2sf)  }
0xcc: {  	p2 =	seq.s32 s9, s5  }
0xcd: {  	p4 =	sgt.s32 @!p2 s9, $0x0;
	s3 =	sshll.u32 @!p2 s2, $0xA;
	s2 =	sadd.s32 @!p2 $0x1, s2  }
0xce: {  	p4 =	por !p4, p2;
	s3 =	sshra.s32 @!p2 s3, $0x2;
	s2 =	smov.u32 @p2 s11  }
0xcf: {  	s9 =	simm.s32 @p4 $0x0;
	s10 =	sadd.s32 @!p2 $0x7308, s3;
	s3 =	sadd.s32 @!p2 $0x7388, s3  }
.Ltmp15:
0xd0: {  	s9 =	smin.u32 @!p2 s9, $0x4FF70;
	(pc) =	sbr.rel @!p3 .LBB2_16-.Ltmp15, $4  }
0xd1: {  	s11 =	sand.u32 @!p2 $0x7FFF8, s9;
	s14 =	sadd.s32 @!p2 $0x80, s9  }
0xd2: {  	s9 =	sand.u32 @!p2 $0x7, s9;
	s11 =	sadd.s32 @!p2 s1, s11;
	s14 =	sand.u32 @!p2 $0xFFFF8, s14  }
0xd3: {  	[tilespmem:s10], [sflag:$0x2] =	stream.linear.gather @!p2 [hbm4b:s11+s9], $0x80, $0x38;
	[tilespmem:$0x1E678] =	vst v63  }
0xd4: {  	s4 =	sadd.s32 $0x1, s4;
	s10 =	sadd.s32 @!p2 s1, s14  }
.LBB2_17:
0xd5: {  	[tilespmem:s3], [sflag:$0x2] =	stream.linear.gather @!p2 [hbm4b:s10+s9], $0x80, $0x38;
	[tilespmem:$0x1E678] =	vst v63  }
0xd6: {  	s0 =	sshll.u32 s2, $0x8  }
.Ltmp16:
0xd7: {  	s14 =	simm.s32 $0x2;
	s0 =	sand.u32 $0x3FFFFF00, s0;
	(pc) =	sbr.rel .LBB2_18-.Ltmp16, $4  }
0xd8: {  	_ =	swait.ge [sflag:s14], s0  }
0xd9: {  	s0 =	ssub.s32 $0x0, s0;
	[sflag:s14] =	ssyncset.done $0x0  }
0xda: {  	s4 =	simm.s32 $0x0;
	s11 =	smov.u32 s7;
	[sflag:s14] =	ssyncadd.s32 s0  }
0xdb: {  	s14 =	smov.u32 s15;
	s15 =	smov.u32 s17;
	s17 =	simm.s32 $0xC  }
.LBB2_19:
0xdc: {  	v1 =	vld [tilespmem:s28+$0xFFFFFF80];
	_ =	sdelay $0x4  }
0xdd: {  	[tilespmem:s5+$0x208] =	vst.add.f32.msk $0xffff, v1  }
0xde: {  	v1 =	vld [tilespmem:s28+$0xFFFFFF90];
	_ =	sdelay $0x4  }
0xdf: {  	[tilespmem:s5+$0x218] =	vst.add.f32.msk $0xffff, v1  }
0xe0: {  	v1 =	vld [tilespmem:s28+$0xFFFFFFA0];
	_ =	sdelay $0x4  }
0xe1: {  	[tilespmem:s5+$0x228] =	vst.add.f32.msk $0xffff, v1  }
0xe2: {  	v1 =	vld [tilespmem:s28+$0xFFFFFFB0];
	_ =	sdelay $0x4  }
0xe3: {  	[tilespmem:s5+$0x238] =	vst.add.f32.msk $0xffff, v1  }
0xe4: {  	v1 =	vld [tilespmem:s28+$0xFFFFFFC0];
	_ =	sdelay $0x4  }
0xe5: {  	[tilespmem:s5+$0x248] =	vst.add.f32.msk $0xffff, v1  }
0xe6: {  	v1 =	vld [tilespmem:s28+$0xFFFFFFD0];
	_ =	sdelay $0x4  }
0xe7: {  	[tilespmem:s5+$0x258] =	vst.add.f32.msk $0xffff, v1  }
0xe8: {  	v1 =	vld [tilespmem:s28+$0xFFFFFFE0];
	_ =	sdelay $0x4  }
0xe9: {  	[tilespmem:s5+$0x268] =	vst.add.f32.msk $0xffff, v1  }
0xea: {  	v1 =	vld [tilespmem:s28+$0xFFFFFFF0];
	_ =	sdelay $0x4  }
0xeb: {  	[tilespmem:s5+$0x278] =	vst.add.f32.msk $0xffff, v1  }
0xec: {  	v1 =	vld [tilespmem:s28+$0x0];
	_ =	sdelay $0x4  }
0xed: {  	[tilespmem:s5+$0x288] =	vst.add.f32.msk $0xffff, v1  }
0xee: {  	v1 =	vld [tilespmem:s28+$0x10];
	_ =	sdelay $0x4  }
0xef: {  	[tilespmem:s5+$0x298] =	vst.add.f32.msk $0xffff, v1  }
0xf0: {  	v1 =	vld [tilespmem:s28+$0x20];
	_ =	sdelay $0x4  }
0xf1: {  	[tilespmem:s5+$0x2A8] =	vst.add.f32.msk $0xffff, v1  }
0xf2: {  	v1 =	vld [tilespmem:s28+$0x30];
	_ =	sdelay $0x4  }
0xf3: {  	[tilespmem:s5+$0x2B8] =	vst.add.f32.msk $0xffff, v1  }
0xf4: {  	v1 =	vld [tilespmem:s28+$0x40];
	_ =	sdelay $0x4  }
0xf5: {  	[tilespmem:s5+$0x2C8] =	vst.add.f32.msk $0xffff, v1  }
0xf6: {  	v1 =	vld [tilespmem:s28+$0x50];
	_ =	sdelay $0x4  }
0xf7: {  	[tilespmem:s5+$0x2D8] =	vst.add.f32.msk $0xffff, v1  }
0xf8: {  	v1 =	vld [tilespmem:s28+$0x60];
	_ =	sdelay $0x4  }
0xf9: {  	[tilespmem:s5+$0x2E8] =	vst.add.f32.msk $0xffff, v1  }
0xfa: {  	v1 =	vld [tilespmem:s28+$0x70];
	_ =	sdelay $0x4  }
0xfb: {  	[tilespmem:s5+$0x2F8] =	vst.add.f32.msk $0xffff, v1  }
.LBB2_23:
0xfc: {  	s29 =	sadd.s32 $0x1, s29  }
0xfd: {  	p2 =	seq.s32 s29, $0x0  }
.Ltmp17:
0xfe: {  	_ = 	snop;
	(pc) =	sbr.rel @p2 .LBB2_24-.Ltmp17, $2  }
0xff: {  	_ =	sdelay $0x2  }
0x100: {  	s25 =	sadd.s32 $0x1, s25;
	s28 =	sadd.s32 $0x100, s28;
	s31 =	smov.u32 s0  }
.LBB2_18:
0x101: {  	v1 =	vld.msk [tilespmem:s25+$0x0], $0x1;
	_ =	sdelay $0x4  }
0x102: {  	(v2sf) =	vpush v1, $0x0;
	_ =	sdelay $0xe  }
0x103: {  	s0 =	spop (v2sf)  }
0x104: {  	p2 =	sne.s32 s31, s0  }
.Ltmp18:
0x105: {  	_ = 	snop;
	(pc) =	sbr.rel @!p2 .LBB2_19-.Ltmp18, $3  }
0x106: {  	_ =	sdelay $0x1  }
0x107: {  	s2 =	sshll.u32 s24, $0xA  }
0x108: {  	s5 =	sshra.s32 s2, $0x2  }
0x109: {  	p2 =	seq.s32 s31, s26  }
.Ltmp19:
0x10a: {  	_ = 	snop;
	(pc) =	sbr.rel @!p2 .LBB2_21-.Ltmp19, $1  }
0x10b: {  	_ =	sdelay $0x3  }
.Ltmp20:
0x10c: {  	s2 =	sadd.s32 $0x208, s5;
	(pc) =	sbr.rel .LBB2_22-.Ltmp20, $4  }
0x10d: {  	[spmem:s16] =	stream.linear.scatter [tilespmem:s2], [sflag:$0x1], $0x100, $0x38;
	[tilespmem:$0x1E678] =	vst v63  }
0x10e: {  	_ =	swait.ge [sflag:s12], $0x100  }
0x10f: {  	[sflag:s12] =	ssyncset.done $0x0  }
0x110: {  	[sflag:s12] =	ssyncadd.s32 $0xFFFFFF00  }
.LBB2_21:
0x111: {  	s2 =	sshll.u32 s30, $0xA  }
0x112: {  	s2 =	sshra.s32 s2, $0x2  }
0x113: {  	v1 =	vld [tilespmem:s2+$0x7308];
	_ =	sdelay $0x4  }
0x114: {  	[tilespmem:s5+$0x208] =	vst.add.f32.msk $0xffff, v1  }
0x115: {  	v1 =	vld [tilespmem:s2+$0x7318];
	_ =	sdelay $0x4  }
0x116: {  	[tilespmem:s5+$0x218] =	vst.add.f32.msk $0xffff, v1  }
0x117: {  	v1 =	vld [tilespmem:s2+$0x7328];
	_ =	sdelay $0x4  }
0x118: {  	[tilespmem:s5+$0x228] =	vst.add.f32.msk $0xffff, v1  }
0x119: {  	v1 =	vld [tilespmem:s2+$0x7338];
	_ =	sdelay $0x4  }
0x11a: {  	[tilespmem:s5+$0x238] =	vst.add.f32.msk $0xffff, v1  }
0x11b: {  	v1 =	vld [tilespmem:s2+$0x7348];
	_ =	sdelay $0x4  }
0x11c: {  	[tilespmem:s5+$0x248] =	vst.add.f32.msk $0xffff, v1  }
0x11d: {  	v1 =	vld [tilespmem:s2+$0x7358];
	_ =	sdelay $0x4  }
0x11e: {  	[tilespmem:s5+$0x258] =	vst.add.f32.msk $0xffff, v1  }
0x11f: {  	v1 =	vld [tilespmem:s2+$0x7368];
	_ =	sdelay $0x4  }
0x120: {  	[tilespmem:s5+$0x268] =	vst.add.f32.msk $0xffff, v1  }
0x121: {  	v1 =	vld [tilespmem:s2+$0x7378];
	_ =	sdelay $0x4  }
0x122: {  	[tilespmem:s5+$0x278] =	vst.add.f32.msk $0xffff, v1  }
0x123: {  	v1 =	vld [tilespmem:s2+$0x7388];
	_ =	sdelay $0x4  }
0x124: {  	[tilespmem:s5+$0x288] =	vst.add.f32.msk $0xffff, v1  }
0x125: {  	v1 =	vld [tilespmem:s2+$0x7398];
	_ =	sdelay $0x4  }
0x126: {  	[tilespmem:s5+$0x298] =	vst.add.f32.msk $0xffff, v1  }
0x127: {  	v1 =	vld [tilespmem:s2+$0x73A8];
	_ =	sdelay $0x4  }
0x128: {  	[tilespmem:s5+$0x2A8] =	vst.add.f32.msk $0xffff, v1  }
0x129: {  	v1 =	vld [tilespmem:s2+$0x73B8];
	_ =	sdelay $0x4  }
0x12a: {  	[tilespmem:s5+$0x2B8] =	vst.add.f32.msk $0xffff, v1  }
0x12b: {  	v1 =	vld [tilespmem:s2+$0x73C8];
	_ =	sdelay $0x4  }
0x12c: {  	[tilespmem:s5+$0x2C8] =	vst.add.f32.msk $0xffff, v1  }
0x12d: {  	v1 =	vld [tilespmem:s2+$0x73D8];
	_ =	sdelay $0x4  }
0x12e: {  	[tilespmem:s5+$0x2D8] =	vst.add.f32.msk $0xffff, v1  }
0x12f: {  	v1 =	vld [tilespmem:s2+$0x73E8];
	_ =	sdelay $0x4  }
0x130: {  	[tilespmem:s5+$0x2E8] =	vst.add.f32.msk $0xffff, v1  }
0x131: {  	v1 =	vld [tilespmem:s2+$0x73F8];
	_ =	sdelay $0x2  }
0x132: {  	p2 =	sgt.u32 s31, $0x4FF70  }
0x133: {  	s2 =	sand.u32 @!p2 $0x7FFF8, s31  }
0x134: {  	s3 =	sadd.s32 $0x208, s5;
	s9 =	sand.u32 @!p2 $0x7, s31;
	s2 =	sadd.s32 @!p2 s1, s2;
	[tilespmem:s5+$0x2F8] =	vst.add.f32.msk $0xffff, v1  }
0x135: {  	[hbm4b:s2+s9] =	stream.linear.scatter @!p2 [tilespmem:s3], [sflag:$0xC], $0x80, $0x38;
	[tilespmem:$0x1E678] =	vst v63  }
0x136: {  	s2 =	sadd.s32 @!p2 $0x80, s31  }
0x137: {  	s2 =	sand.u32 @!p2 $0xFFFF8, s2  }
0x138: {  	s3 =	sadd.s32 $0x288, s5;
	s2 =	sadd.s32 @!p2 s1, s2  }
0x139: {  	[hbm4b:s2+s9] =	stream.linear.scatter @!p2 [tilespmem:s3], [sflag:$0xC], $0x80, $0x38;
	[tilespmem:$0x1E678] =	vst v63  }
0x13a: {  	s2 =	simm.s32 $0x0  }
0x13b: {  	s2 =	simm.s32 @!p2 $0x400  }
0x13c: {  	s4 =	sadd.s32 s2, s4  }
.LBB2_22:
0x13d: {  	s2 =	sadd.s32 $0x1, s24  }
0x13e: {  	s3 =	sshrl.u32 s2, $0x4  }
0x13f: {  	s3 =	smulhi.u32 $0x24924925, s3  }
0x140: {  	v1 =	vld [tilespmem:s28+$0xFFFFFF80]  }
0x141: {  	s3 =	smul.u32 $0x70, s3;
	_ =	sdelay $0x1  }
0x142: {  	s24 =	ssub.s32 s2, s3  }
0x143: {  	s2 =	sshll.u32 s24, $0x8  }
0x144: {  	[tilespmem:s2+$0x208] =	vst v1  }
0x145: {  	v1 =	vld [tilespmem:s28+$0xFFFFFF90];
	_ =	sdelay $0x4  }
0x146: {  	[tilespmem:s2+$0x218] =	vst v1  }
0x147: {  	v1 =	vld [tilespmem:s28+$0xFFFFFFA0];
	_ =	sdelay $0x4  }
0x148: {  	[tilespmem:s2+$0x228] =	vst v1  }
0x149: {  	v1 =	vld [tilespmem:s28+$0xFFFFFFB0];
	_ =	sdelay $0x4  }
0x14a: {  	[tilespmem:s2+$0x238] =	vst v1  }
0x14b: {  	v1 =	vld [tilespmem:s28+$0xFFFFFFC0];
	_ =	sdelay $0x4  }
0x14c: {  	[tilespmem:s2+$0x248] =	vst v1  }
0x14d: {  	v1 =	vld [tilespmem:s28+$0xFFFFFFD0];
	_ =	sdelay $0x4  }
0x14e: {  	[tilespmem:s2+$0x258] =	vst v1  }
0x14f: {  	v1 =	vld [tilespmem:s28+$0xFFFFFFE0];
	_ =	sdelay $0x4  }
0x150: {  	[tilespmem:s2+$0x268] =	vst v1  }
0x151: {  	v1 =	vld [tilespmem:s28+$0xFFFFFFF0];
	_ =	sdelay $0x4  }
0x152: {  	[tilespmem:s2+$0x278] =	vst v1  }
0x153: {  	v1 =	vld [tilespmem:s28+$0x0];
	_ =	sdelay $0x4  }
0x154: {  	[tilespmem:s2+$0x288] =	vst v1  }
0x155: {  	v1 =	vld [tilespmem:s28+$0x10];
	_ =	sdelay $0x4  }
0x156: {  	[tilespmem:s2+$0x298] =	vst v1  }
0x157: {  	v1 =	vld [tilespmem:s28+$0x20];
	_ =	sdelay $0x4  }
0x158: {  	[tilespmem:s2+$0x2A8] =	vst v1  }
0x159: {  	v1 =	vld [tilespmem:s28+$0x30];
	_ =	sdelay $0x4  }
0x15a: {  	[tilespmem:s2+$0x2B8] =	vst v1  }
0x15b: {  	v1 =	vld [tilespmem:s28+$0x40];
	_ =	sdelay $0x4  }
0x15c: {  	[tilespmem:s2+$0x2C8] =	vst v1  }
0x15d: {  	v1 =	vld [tilespmem:s28+$0x50];
	_ =	sdelay $0x4  }
0x15e: {  	[tilespmem:s2+$0x2D8] =	vst v1  }
0x15f: {  	v1 =	vld [tilespmem:s28+$0x60];
	_ =	sdelay $0x4  }
0x160: {  	[tilespmem:s2+$0x2E8] =	vst v1  }
0x161: {  	v1 =	vld [tilespmem:s28+$0x70]  }
.Ltmp21:
0x162: {  	_ = 	snop;
	(pc) =	sbr.rel .LBB2_23-.Ltmp21, $2  }
0x163: {  	_ =	sdelay $0x2  }
0x164: {  	s30 =	sadd.s32 $0x1, s30;
	[tilespmem:s2+$0x2F8] =	vst v1  }
.LBB2_25:
.Ltmp22:
0x165: {  	(pc) =	sbr.rel .LBB2_26-.Ltmp22, $4  }
0x166: {  	_ = 	snop  }
0x167: {  	s0 =	simm.s32 $0x2  }
0x168: {  	_ =	swait.ge [sflag:s0], $0x0  }
0x169: {  	s2 =	simm.s32 $0x0;
	[sflag:s0] =	ssyncset.done $0x0;
	s0 =	smov.u32 s31  }
.LBB2_28:
0x16a: {  	_ =	sfence.sel $0x180000  }
0x16b: {  	s0 =	simm.s32 $0x9;
	[bflag:$0x0] =	sbarrier.arrive $0xFFFF  }
0x16c: {  	s24 =	simm.s32 $0xA;
	[sflag:s0] =	ssyncpa.u1 $0x1  }
0x16d: {  	s25 =	simm.s32 $0xB;
	[sflag:s24] =	ssyncpa.u1 $0x1  }
0x16e: {  	s26 =	simm.s32 $0x2;
	[sflag:s25] =	ssyncpa.u1 $0x1  }
0x16f: {  	[sflag:s26] =	ssyncpa.u1 $0x1  }
0x170: {  	v0 =	vld [tilespmem:$0xE408];
	_ =	sdelay $0x4  }
0x171: {  	(v2sf) =	vpush v0, $0x0  }
0x172: {  	(v2sf) =	vpush v0, $0x1;
	_ =	sdelay $0x1  }
0x173: {  	(v2sf) =	vpush v0, $0x2;
	_ =	sdelay $0xb  }
0x174: {  	s0 =	spop (v2sf)  }
0x175: {  	s2 =	spop (v2sf)  }
0x176: {  	s3 =	smov.u32 s0;
	p0 =	sne.s32 s0, s2  }
0x177: {  	s4 =	spop (v2sf);
	s3 =	simm.s32 @!p0 $0xFFFFFFFF  }
0x178: {  	v2 =	vimm.s32 $0x1;
	v3 =	vlaneseq.u32;
	p0 =	seq.s32 s4, $0xFFFFFFFF;
	v1 =	vmov s3  }
0x179: {  	s15 =	stileid.u32;
	v0 =	vperm.xlane v0, v2;
	p1 =	sne.s32 @!p0 s0, s2;
	v1 =	vperm.xlane v1, v3  }
0x17a: {  	vm0 =	vcmask $0x3F04;
	s6 =	simm.s32 $0xE408;
	s0 =	simm.s32 @!p0 $0x1;
	p1 =	por !p1, p0  }
0x17b: {  	s3 =	sshll.u32 s15, $0x1;
	s2 =	sshll.u32 @!p0 s4, $0xA;
	s0 =	simm.s32 @p1 $0x0;
	v0 =	vsel vm0, v1, v0  }
0x17c: {  	s5 =	sor.u32 $0x2000, s3;
	s2 =	sshra.s32 @!p0 s2, $0x2;
	s0 =	sor.u32 @!p0 s0, s3;
	[tilespmem:$0xE408] =	vst v0  }
0x17d: {  	[spmem:s5] =	stream.linear.scatter [tilespmem:s6], [sflag:$0x1], $0x2, $0x38;
	[tilespmem:$0x1E678] =	vst v63  }
0x17e: {  	s2 =	sadd.s32 @!p0 $0x208, s2;
	s0 =	sshll.u32 @!p0 s0, $0x8  }
0x17f: {  	[spmem:s0] =	stream.linear.scatter @!p0 [tilespmem:s2], [sflag:$0x1], $0x100, $0x38;
	[tilespmem:$0x1E678] =	vst v63  }
0x180: {  	s0 =	simm.s32 @!p0 $0x102  }
0x181: {  	s28 =	simm.s32 $0x1;
	s0 =	simm.s32 @p0 $0x2  }
0x182: {  	_ =	swait.ge [sflag:s28], s0  }
0x183: {  	s0 =	ssub.s32 $0x0, s0;
	[sflag:s28] =	ssyncset.done $0x0  }
0x184: {  	p0 =	sne.s32 s15, $0x0;
	[sflag:s28] =	ssyncadd.s32 s0  }
.Ltmp23:
0x185: {  	_ =	sfence.stream.spmem;
	(pc) =	sbr.rel @p0 .LBB2_45-.Ltmp23, $4  }
0x186: {  	s29 =	simm.s32 $0x3;
	[bflag:$0x0] =	sbarrier.arrive $0xFFFF  }
0x187: {  	s30 =	simm.s32 $0x4;
	[sflag:s29] =	ssyncpa.u1 $0x1  }
0x188: {  	s31 =	simm.s32 $0x3C;
	[sflag:s30] =	ssyncpa.u1 $0x1  }
0x189: {  	s14 =	rddreg [dreg:$0x4];
	[sflag:s31] =	ssyncpa.u1 $0x1  }
0x18a: {  	_ =	sfence.stream.spmem;
	s0 =	simm.s32 $0x5  }
0x18b: {  	s2 =	simm.s32 $0x2000;
	s3 =	simm.s32 $0xE418;
	[sflag:s0] =	ssyncpa.u1 $0x0  }
0x18c: {  	[tilespmem:s3], [sflag:$0x5] =	stream.linear.gather [spmem:s2], $0x20, $0x38;
	[tilespmem:$0x1E678] =	vst v63  }
0x18d: {  	s26 =	simm.s32 $0x0;
	s28 =	simm.s32 $0xE438  }
0x18e: {  	[tilespmem:s28], [sflag:$0x5] =	stream.linear.gather [spmem:s26], $0x2000, $0x38;
	[tilespmem:$0x1E678] =	vst v63  }
0x18f: {  	_ =	swait.ge [sflag:s0], $0x2020  }
0x190: {  	[sflag:s0] =	ssyncset.done $0x0  }
0x191: {  	s29 =	simm.s32 $0x0;
	[sflag:s0] =	ssyncadd.s32 $0xFFFFDFE0  }
0x192: {  	v0 =	vld.msk [tilespmem:s29+$0xE418], $0x1;
	_ =	sdelay $0x1  }
0x193: {  	s30 =	simm.s32 $0x1  }
0x194: {  	v1 =	vld.msk [tilespmem:s30+$0xE418], $0x1;
	_ =	sdelay $0x1  }
0x195: {  	(v2sf) =	vpush v0, $0x0;
	_ =	sdelay $0x2  }
0x196: {  	(v2sf) =	vpush v1, $0x0;
	_ =	sdelay $0x2  }
0x197: {  	s31 =	simm.s32 $0x2  }
0x198: {  	v0 =	vld.msk [tilespmem:s31+$0xE418], $0x1;
	_ =	sdelay $0x2  }
0x199: {  	s2 =	simm.s32 $0xFFFFFFFF;
	s3 =	simm.s32 $0xFFFFFFFF;
	s0 =	simm.s32 $0xC  }
.LBB2_30:
0x19a: {  	s4 =	smov.u32 s3;
	s5 =	smov.u32 s2  }
0x19b: {  	s2 =	sshra.s32 s0, $0x2;
	p1 =	sne.s32 s0, $0x7C;
	s0 =	sadd.s32 $0x4, s0;
	(v2sf) =	vpush v0, $0x0  }
0x19c: {  	v0 =	vld.msk [tilespmem:s2+$0xE418], $0x1  }
.Ltmp24:
0x19d: {  	(pc) =	sbr.rel @p1 .LBB2_30-.Ltmp24, $4  }
0x19e: {  	s3 =	spop (v2sf)  }
0x19f: {  	p2 =	sne.s32 s5, $0xFFFFFFFF;
	s2 =	smov.u32 s3  }
0x1a0: {  	p3 =	seq.s32 s3, $0xFFFFFFFF;
	s2 =	smov.u32 @p2 s5  }
0x1a1: {  	s3 =	smov.u32 @p3 s4;
	s2 =	smov.u32 @p3 s5  }
0x1a2: {  	(v2sf) =	vpush v0, $0x0;
	_ =	sdelay $0x8  }
0x1a3: {  	s0 =	spop (v2sf)  }
0x1a4: {  	p1 =	sne.s32 s2, $0xFFFFFFFF;
	s9 =	simm.s32 $0x6;
	s4 =	smov.u32 s0  }
0x1a5: {  	s6 =	simm.s32 $0x0;
	p2 =	seq.s32 s0, $0xFFFFFFFF;
	s4 =	smov.u32 @p1 s2  }
0x1a6: {  	s10 =	simm.s32 $0xE308;
	s4 =	smov.u32 @p2 s2;
	s2 =	spop (v2sf)  }
0x1a7: {  	s0 =	smov.u32 @p2 s3;
	p1 =	sne.s32 s4, $0xFFFFFFFF;
	s5 =	smov.u32 s2  }
.Ltmp25:
0x1a8: {  	p2 =	seq.s32 s2, $0xFFFFFFFF;
	s5 =	smov.u32 @p1 s4;
	(pc) =	sbr.rel .LBB2_32-.Ltmp25, $4  }
0x1a9: {  	s11 =	simm.s32 $0xE388;
	s5 =	smov.u32 @p2 s4;
	s7 =	spop (v2sf)  }
0x1aa: {  	s12 =	simm.s32 $0x0;
	p1 =	sne.s32 s5, $0xFFFFFFFF;
	s8 =	smov.u32 s7  }
0x1ab: {  	s2 =	smov.u32 @p2 s0;
	p2 =	seq.s32 s7, $0xFFFFFFFF;
	s8 =	smov.u32 @p1 s5  }
0x1ac: {  	[sflag:s9] =	ssyncpa.u1 $0x0;
	s7 =	smov.u32 @p2 s2;
	s8 =	smov.u32 @p2 s5  }
.LBB2_38:
0x1ad: {  	p1 =	sgt.u32 s0, $0x4FF70  }
0x1ae: {  	p2 =	seq.s32 @!p1 s0, s8  }
0x1af: {  	p1 =	por p1, p2  }
0x1b0: {  	p2 =	sne.s32 @!p1 s0, s7  }
0x1b1: {  	p1 =	por p1, !p2  }
0x1b2: {  	s0 =	sshll.u32 @p1 s12, $0xA  }
0x1b3: {  	s2 =	sand.u32 @!p1 $0x7FFF8, s0;
	s3 =	sand.u32 @!p1 $0x7, s0;
	s0 =	sadd.s32 @!p1 $0x80, s0  }
0x1b4: {  	s2 =	sadd.s32 @!p1 s1, s2;
	s0 =	sand.u32 @!p1 $0xFFFF8, s0  }
0x1b5: {  	[tilespmem:s10], [sflag:$0x6] =	stream.linear.gather @!p1 [hbm4b:s2+s3], $0x80, $0x38;
	[tilespmem:$0x1E678] =	vst v63  }
0x1b6: {  	s0 =	sadd.s32 @!p1 s1, s0  }
0x1b7: {  	[tilespmem:s11], [sflag:$0x6] =	stream.linear.gather @!p1 [hbm4b:s0+s3], $0x80, $0x38;
	[tilespmem:$0x1E678] =	vst v63  }
0x1b8: {  	_ =	swait.ge @!p1 [sflag:s9], $0x100  }
0x1b9: {  	[sflag:s9] =	ssyncset.done @!p1 $0x0  }
0x1ba: {  	[sflag:s9] =	ssyncadd.s32 @!p1 $0xFFFFFF00  }
0x1bb: {  	v1 =	vld @!p1 [tilespmem:$0xE308];
	_ =	sdelay $0x2  }
0x1bc: {  	s0 =	sshll.u32 @!p1 s12, $0xA  }
0x1bd: {  	s2 =	sshrl.u32 @!p1 s0, $0x2  }
0x1be: {  	[tilespmem:s2+$0xE438] =	vst.add.f32.msk @!p1 $0xffff, v1  }
0x1bf: {  	v1 =	vld @!p1 [tilespmem:$0xE318];
	_ =	sdelay $0x4  }
0x1c0: {  	[tilespmem:s2+$0xE448] =	vst.add.f32.msk @!p1 $0xffff, v1  }
0x1c1: {  	v1 =	vld @!p1 [tilespmem:$0xE328];
	_ =	sdelay $0x4  }
0x1c2: {  	[tilespmem:s2+$0xE458] =	vst.add.f32.msk @!p1 $0xffff, v1  }
0x1c3: {  	v1 =	vld @!p1 [tilespmem:$0xE338];
	_ =	sdelay $0x4  }
0x1c4: {  	[tilespmem:s2+$0xE468] =	vst.add.f32.msk @!p1 $0xffff, v1  }
0x1c5: {  	v1 =	vld @!p1 [tilespmem:$0xE348];
	_ =	sdelay $0x4  }
0x1c6: {  	[tilespmem:s2+$0xE478] =	vst.add.f32.msk @!p1 $0xffff, v1  }
0x1c7: {  	v1 =	vld @!p1 [tilespmem:$0xE358];
	_ =	sdelay $0x4  }
0x1c8: {  	[tilespmem:s2+$0xE488] =	vst.add.f32.msk @!p1 $0xffff, v1  }
0x1c9: {  	v1 =	vld @!p1 [tilespmem:$0xE368];
	_ =	sdelay $0x4  }
0x1ca: {  	[tilespmem:s2+$0xE498] =	vst.add.f32.msk @!p1 $0xffff, v1  }
0x1cb: {  	v1 =	vld @!p1 [tilespmem:$0xE378];
	_ =	sdelay $0x4  }
0x1cc: {  	[tilespmem:s2+$0xE4A8] =	vst.add.f32.msk @!p1 $0xffff, v1  }
0x1cd: {  	v1 =	vld @!p1 [tilespmem:$0xE388];
	_ =	sdelay $0x4  }
0x1ce: {  	[tilespmem:s2+$0xE4B8] =	vst.add.f32.msk @!p1 $0xffff, v1  }
0x1cf: {  	v1 =	vld @!p1 [tilespmem:$0xE398];
	_ =	sdelay $0x4  }
0x1d0: {  	[tilespmem:s2+$0xE4C8] =	vst.add.f32.msk @!p1 $0xffff, v1  }
0x1d1: {  	v1 =	vld @!p1 [tilespmem:$0xE3A8];
	_ =	sdelay $0x4  }
0x1d2: {  	[tilespmem:s2+$0xE4D8] =	vst.add.f32.msk @!p1 $0xffff, v1  }
0x1d3: {  	v1 =	vld @!p1 [tilespmem:$0xE3B8];
	_ =	sdelay $0x4  }
0x1d4: {  	[tilespmem:s2+$0xE4E8] =	vst.add.f32.msk @!p1 $0xffff, v1  }
0x1d5: {  	v1 =	vld @!p1 [tilespmem:$0xE3C8];
	_ =	sdelay $0x4  }
0x1d6: {  	[tilespmem:s2+$0xE4F8] =	vst.add.f32.msk @!p1 $0xffff, v1  }
0x1d7: {  	v1 =	vld @!p1 [tilespmem:$0xE3D8];
	_ =	sdelay $0x4  }
0x1d8: {  	[tilespmem:s2+$0xE508] =	vst.add.f32.msk @!p1 $0xffff, v1  }
0x1d9: {  	v1 =	vld @!p1 [tilespmem:$0xE3E8];
	_ =	sdelay $0x4  }
0x1da: {  	[tilespmem:s2+$0xE518] =	vst.add.f32.msk @!p1 $0xffff, v1  }
0x1db: {  	v1 =	vld @!p1 [tilespmem:$0xE3F8];
	_ =	sdelay $0x4  }
0x1dc: {  	[tilespmem:s2+$0xE528] =	vst.add.f32.msk @!p1 $0xffff, v1  }
0x1dd: {  	s0 =	sshrl.u32 s0, $0x2;
	[tilespmem:s6+$0xE418] =	vst.msk $0x1, v0  }
0x1de: {  	v0 =	vld [tilespmem:s0+$0xE438];
	_ =	sdelay $0x2  }
0x1df: {  	s31 =	sshll.u32 s6, $0xA  }
0x1e0: {  	s2 =	sshra.s32 s31, $0x2  }
0x1e1: {  	[tilespmem:s2+$0xE438] =	vst v0  }
0x1e2: {  	v0 =	vld [tilespmem:s0+$0xE448];
	_ =	sdelay $0x4  }
0x1e3: {  	[tilespmem:s2+$0xE448] =	vst v0  }
0x1e4: {  	v0 =	vld [tilespmem:s0+$0xE458];
	_ =	sdelay $0x4  }
0x1e5: {  	[tilespmem:s2+$0xE458] =	vst v0  }
0x1e6: {  	v0 =	vld [tilespmem:s0+$0xE468];
	_ =	sdelay $0x4  }
0x1e7: {  	[tilespmem:s2+$0xE468] =	vst v0  }
0x1e8: {  	v0 =	vld [tilespmem:s0+$0xE478];
	_ =	sdelay $0x4  }
0x1e9: {  	[tilespmem:s2+$0xE478] =	vst v0  }
0x1ea: {  	v0 =	vld [tilespmem:s0+$0xE488];
	_ =	sdelay $0x4  }
0x1eb: {  	[tilespmem:s2+$0xE488] =	vst v0  }
0x1ec: {  	v0 =	vld [tilespmem:s0+$0xE498];
	_ =	sdelay $0x4  }
0x1ed: {  	[tilespmem:s2+$0xE498] =	vst v0  }
0x1ee: {  	v0 =	vld [tilespmem:s0+$0xE4A8];
	_ =	sdelay $0x4  }
0x1ef: {  	[tilespmem:s2+$0xE4A8] =	vst v0  }
0x1f0: {  	v0 =	vld [tilespmem:s0+$0xE4B8];
	_ =	sdelay $0x4  }
0x1f1: {  	[tilespmem:s2+$0xE4B8] =	vst v0  }
0x1f2: {  	v0 =	vld [tilespmem:s0+$0xE4C8];
	_ =	sdelay $0x4  }
0x1f3: {  	[tilespmem:s2+$0xE4C8] =	vst v0  }
0x1f4: {  	v0 =	vld [tilespmem:s0+$0xE4D8];
	_ =	sdelay $0x4  }
0x1f5: {  	[tilespmem:s2+$0xE4D8] =	vst v0  }
0x1f6: {  	v0 =	vld [tilespmem:s0+$0xE4E8];
	_ =	sdelay $0x4  }
0x1f7: {  	[tilespmem:s2+$0xE4E8] =	vst v0  }
0x1f8: {  	v0 =	vld [tilespmem:s0+$0xE4F8];
	_ =	sdelay $0x4  }
0x1f9: {  	[tilespmem:s2+$0xE4F8] =	vst v0  }
0x1fa: {  	v0 =	vld [tilespmem:s0+$0xE508];
	_ =	sdelay $0x4  }
0x1fb: {  	[tilespmem:s2+$0xE508] =	vst v0  }
0x1fc: {  	v0 =	vld [tilespmem:s0+$0xE518];
	_ =	sdelay $0x4  }
0x1fd: {  	[tilespmem:s2+$0xE518] =	vst v0  }
0x1fe: {  	v0 =	vld [tilespmem:s0+$0xE528];
	_ =	sdelay $0x4  }
0x1ff: {  	s6 =	sadd.s32 $0x1, s6;
	[tilespmem:s2+$0xE528] =	vst v0  }
.LBB2_39:
0x200: {  	s12 =	sadd.s32 $0x1, s12  }
0x201: {  	p1 =	sne.s32 s12, $0x20  }
.Ltmp26:
0x202: {  	_ = 	snop;
	(pc) =	sbr.rel @!p1 .LBB2_40-.Ltmp26, $1  }
0x203: {  	_ =	sdelay $0x3  }
.LBB2_32:
0x204: {  	v0 =	vld.msk [tilespmem:s12+$0xE418], $0x1;
	_ =	sdelay $0x4  }
0x205: {  	(v2sf) =	vpush v0, $0x0;
	_ =	sdelay $0xe  }
0x206: {  	s0 =	spop (v2sf)  }
0x207: {  	p1 =	seq.s32 s0, $0xFFFFFFFF  }
.Ltmp27:
0x208: {  	_ = 	snop;
	(pc) =	sbr.rel @p1 .LBB2_39-.Ltmp27, $1  }
0x209: {  	_ =	sdelay $0x3  }
0x20a: {  	p1 =	slt.s32 s6, $0x1  }
.Ltmp28:
0x20b: {  	_ = 	snop;
	(pc) =	sbr.rel @p1 .LBB2_38-.Ltmp28, $1  }
0x20c: {  	_ =	sdelay $0x3  }
0x20d: {  	s4 =	simm.s32 $0xE418;
	p1 =	por $0x0, $0x0  }
0x20e: {  	v1 =	vld.msk @!p1 [tilespmem:s4+$0x0], $0x1;
	_ =	sdelay $0x4  }
0x20f: {  	(v2sf) =	vpush @!p1 v1, $0x0;
	_ =	sdelay $0xd  }
0x210: {  	p3 =	sne.s32 s6, $0x1  }
.Ltmp29:
0x211: {  	s2 =	spop @!p1 (v2sf);
	(pc) =	sbr.rel @!p3 .LBB2_36-.Ltmp29, $4  }
0x212: {  	p2 =	seq.s32 @!p1 s0, s2  }
0x213: {  	s5 =	simm.s32 $0x0;
	p2 =	por !p2, p1  }
0x214: {  	s2 =	simm.s32 $0xFFFFFFFF;
	s5 =	simm.s32 @p2 $0xFFFFFFFF  }
0x215: {  	s13 =	simm.s32 $0x1;
	s5 =	smov.u32 @p1 s2  }
.LBB2_35:
0x216: {  	s2 =	smov.u32 s5;
	p1 =	sne.s32 s5, $0xFFFFFFFF  }
0x217: {  	s4 =	sadd.s32 $0x1, s4;
	s5 =	smov.u32 s13;
	s13 =	sadd.s32 $0x1, s13  }
0x218: {  	p2 =	sne.s32 s6, s13;
	v1 =	vld.msk @!p1 [tilespmem:s4+$0x0], $0x1;
	_ =	sdelay $0x4  }
0x219: {  	(v2sf) =	vpush @!p1 v1, $0x0;
	_ =	sdelay $0xe  }
.Ltmp30:
0x21a: {  	s3 =	spop @!p1 (v2sf);
	(pc) =	sbr.rel @p2 .LBB2_35-.Ltmp30, $4  }
0x21b: {  	p3 =	seq.s32 @!p1 s0, s3  }
0x21c: {  	p3 =	por !p3, p1  }
0x21d: {  	s5 =	simm.s32 @p3 $0xFFFFFFFF  }
0x21e: {  	s5 =	smov.u32 @p1 s2  }
.LBB2_36:
0x21f: {  	p1 =	seq.s32 s5, $0xFFFFFFFF  }
.Ltmp31:
0x220: {  	_ = 	snop;
	(pc) =	sbr.rel @p1 .LBB2_38-.Ltmp31, $1  }
0x221: {  	_ =	sdelay $0x3  }
0x222: {  	s0 =	sshll.u32 s12, $0x8  }
0x223: {  	s0 =	sand.u32 $0x3FFFFF00, s0  }
0x224: {  	v0 =	vld [tilespmem:s0+$0xE438];
	_ =	sdelay $0x2  }
0x225: {  	s2 =	sshll.u32 s5, $0xA  }
0x226: {  	s2 =	sshra.s32 s2, $0x2  }
0x227: {  	[tilespmem:s2+$0xE438] =	vst.add.f32.msk $0xffff, v0  }
0x228: {  	v0 =	vld [tilespmem:s0+$0xE448];
	_ =	sdelay $0x4  }
0x229: {  	[tilespmem:s2+$0xE448] =	vst.add.f32.msk $0xffff, v0  }
0x22a: {  	v0 =	vld [tilespmem:s0+$0xE458];
	_ =	sdelay $0x4  }
0x22b: {  	[tilespmem:s2+$0xE458] =	vst.add.f32.msk $0xffff, v0  }
0x22c: {  	v0 =	vld [tilespmem:s0+$0xE468];
	_ =	sdelay $0x4  }
0x22d: {  	[tilespmem:s2+$0xE468] =	vst.add.f32.msk $0xffff, v0  }
0x22e: {  	v0 =	vld [tilespmem:s0+$0xE478];
	_ =	sdelay $0x4  }
0x22f: {  	[tilespmem:s2+$0xE478] =	vst.add.f32.msk $0xffff, v0  }
0x230: {  	v0 =	vld [tilespmem:s0+$0xE488];
	_ =	sdelay $0x4  }
0x231: {  	[tilespmem:s2+$0xE488] =	vst.add.f32.msk $0xffff, v0  }
0x232: {  	v0 =	vld [tilespmem:s0+$0xE498];
	_ =	sdelay $0x4  }
0x233: {  	[tilespmem:s2+$0xE498] =	vst.add.f32.msk $0xffff, v0  }
0x234: {  	v0 =	vld [tilespmem:s0+$0xE4A8];
	_ =	sdelay $0x4  }
0x235: {  	[tilespmem:s2+$0xE4A8] =	vst.add.f32.msk $0xffff, v0  }
0x236: {  	v0 =	vld [tilespmem:s0+$0xE4B8];
	_ =	sdelay $0x4  }
0x237: {  	[tilespmem:s2+$0xE4B8] =	vst.add.f32.msk $0xffff, v0  }
0x238: {  	v0 =	vld [tilespmem:s0+$0xE4C8];
	_ =	sdelay $0x4  }
0x239: {  	[tilespmem:s2+$0xE4C8] =	vst.add.f32.msk $0xffff, v0  }
0x23a: {  	v0 =	vld [tilespmem:s0+$0xE4D8];
	_ =	sdelay $0x4  }
0x23b: {  	[tilespmem:s2+$0xE4D8] =	vst.add.f32.msk $0xffff, v0  }
0x23c: {  	v0 =	vld [tilespmem:s0+$0xE4E8];
	_ =	sdelay $0x4  }
0x23d: {  	[tilespmem:s2+$0xE4E8] =	vst.add.f32.msk $0xffff, v0  }
0x23e: {  	v0 =	vld [tilespmem:s0+$0xE4F8];
	_ =	sdelay $0x4  }
0x23f: {  	[tilespmem:s2+$0xE4F8] =	vst.add.f32.msk $0xffff, v0  }
0x240: {  	v0 =	vld [tilespmem:s0+$0xE508];
	_ =	sdelay $0x4  }
0x241: {  	[tilespmem:s2+$0xE508] =	vst.add.f32.msk $0xffff, v0  }
0x242: {  	v0 =	vld [tilespmem:s0+$0xE518];
	_ =	sdelay $0x4  }
0x243: {  	[tilespmem:s2+$0xE518] =	vst.add.f32.msk $0xffff, v0  }
0x244: {  	v0 =	vld [tilespmem:s0+$0xE528]  }
.Ltmp32:
0x245: {  	_ = 	snop;
	(pc) =	sbr.rel .LBB2_39-.Ltmp32, $2  }
0x246: {  	_ =	sdelay $0x2  }
0x247: {  	[tilespmem:s2+$0xE528] =	vst.add.f32.msk $0xffff, v0  }
.LBB2_40:
0x248: {  	s0 =	simm.s32 $0x6;
	p1 =	seq.s32 s6, $0x0  }
0x249: {  	[sflag:s0] =	ssyncpa.u1 $0x1;
	v0 =	vimm.s32 @p1 $0xFFFFFFFF  }
0x24a: {  	s0 =	sadd.s32 $0xFFFFFFFF, s6;
	[tilespmem:$0x10438] =	vst @p1 v0  }
0x24b: {  	v0 =	vld.msk @!p1 [tilespmem:s0+$0xE418], $0x1;
	_ =	sdelay $0x1  }
0x24c: {  	v1 =	vld.msk @!p1 [tilespmem:$0xE418], $0x1;
	_ =	sdelay $0x2  }
0x24d: {  	p2 =	seq.s32 @!p1 s0, $0x0;
	v0 =	vbroadcast @!p1 v0, $0x0  }
0x24e: {  	vm0 =	vmmov @!p1 $0x1;
	p2 =	por !p2, p1  }
0x24f: {  	v1 =	vnsel @!p1 vm0, $0xFFFFFFFF, v1;
	vm0 =	vcmask @!p1 $0x308;
	v0 =	vpsel !p2, $0xFFFFFFFF, v0  }
0x250: {  	p2 =	sne.s32 @!p1 s8, s7;
	v0 =	vsel @!p1 vm0, v1, v0  }
0x251: {  	s2 =	simm.s32 @!p1 $0xE438;
	s3 =	simm.s32 @!p1 $0x0;
	p3 =	por !p2, p1;
	[tilespmem:$0x10438] =	vst @!p1 v0  }
0x252: {  	[spmem:s3] =	stream.linear.scatter @!p1 [tilespmem:s2], [sflag:$0x1], $0x100, $0x38;
	[tilespmem:$0x1E678] =	vst v63  }
0x253: {  	s2 =	sshll.u32 @!p3 s0, $0xA  }
0x254: {  	s2 =	sshra.s32 @!p3 s2, $0x2  }
0x255: {  	s3 =	simm.s32 @!p3 $0x100;
	s2 =	sadd.s32 @!p3 $0xE438, s2  }
0x256: {  	[spmem:s3] =	stream.linear.scatter @!p3 [tilespmem:s2], [sflag:$0x1], $0x100, $0x38;
	[tilespmem:$0x1E678] =	vst v63  }
0x257: {  	s2 =	simm.s32 @!p3 $0x1  }
0x258: {  	_ =	swait.ge @!p3 [sflag:s2], $0x200  }
0x259: {  	p1 =	por p2, p1;
	[sflag:s2] =	ssyncset.done @!p3 $0x0  }
0x25a: {  	[sflag:s2] =	ssyncadd.s32 @!p3 $0xFFFFFE00;
	s2 =	simm.s32 @!p1 $0x1  }
0x25b: {  	_ =	swait.ge @!p1 [sflag:s2], $0x100  }
0x25c: {  	s29 =	simm.s32 $0x10438;
	[sflag:s2] =	ssyncset.done @!p1 $0x0  }
0x25d: {  	s30 =	simm.s32 $0x2000;
	s31 =	simm.s32 $0x1;
	[sflag:s2] =	ssyncadd.s32 @!p1 $0xFFFFFF00  }
0x25e: {  	[spmem:s30] =	stream.linear.scatter [tilespmem:s29], [sflag:$0x1], $0x10, $0x38;
	[tilespmem:$0x1E678] =	vst v63  }
0x25f: {  	_ =	swait.ge [sflag:s31], $0x10  }
0x260: {  	[sflag:s31] =	ssyncset.done $0x0  }
0x261: {  	p1 =	seq.s32 s14, $0x0;
	s9 =	rddreg [dreg:$0x1];
	[sflag:s31] =	ssyncadd.s32 $0xFFFFFFF0  }
0x262: {  	s3 =	sshll.u32 @p1 s9, $0xE;
	s8 =	rddreg [dreg:$0x2]  }
0x263: {  	s2 =	sadd.s32 @p1 $0x15C3C, s3;
	s3 =	sshll.u32 @p1 s8, $0x11  }
0x264: {  	_ =	sfence.stream.spmem;
	s2 =	sor.u32 @p1 s3, s2  }
0x265: {  	[sflag:s2] =	ssyncadd.remote.s32 @p1 $0x1;
	s2 =	simm.s32 @p1 $0x4  }
0x266: {  	s4 =	simm.s32 @!p1 $0x3C;
	s3 =	sand.u32 $0xFFFFFFFE, s9;
	_ =	swait.ge @p1 [sflag:s2], $0x42  }
0x267: {  	s5 =	simm.s32 @!p1 $0x0;
	s3 =	sadd.s32 @!p1 $0x4, s3;
	[sflag:s2] =	ssyncset.done @p1 $0x0  }
0x268: {  	s7 =	simm.s32 @!p1 $0x200;
	[sflag:s2] =	ssyncadd.s32 @p1 $0xFFFFFFBE;
	s2 =	sshll.u32 @!p1 s3, $0x1A  }
0x269: {  	s3 =	sshll.u32 @!p1 s3, $0xD;
	s2 =	sor.u32 @!p1 s2, s8;
	_ =	swait.eq @!p1 [sflag:s4], $0x1  }
0x26a: {  	s3 =	sor.u32 @!p1 $0x1C04, s3;
	s4 =	simm.s32 @!p1 $0x1C03;
	s2 =	sor.u32 @!p1 $0x80004000, s2  }
0x26b: {  	[spmem:s7], [sflag:s3] =	dma.general @!p1 [spmem:s5], [sflag:s4], length:$0x40, [dreg:$0x0], stride_count:$0x0, ici_dest:s2, dma_misc:DstOpCode:WRITE  }
0x26c: {  	p2 =	slt.s32 s0, $0x2;
	s5 =	simm.s32 @!p1 $0x400;
	s7 =	simm.s32 @!p1 $0x402  }
0x26d: {  	[spmem:s7], [sflag:s3] =	dma.general @!p1 [spmem:s5], [sflag:s4], length:$0x2, [dreg:$0x0], stride_count:$0x0, ici_dest:s2, dma_misc:DstOpCode:WRITE  }
.Ltmp33:
0x26e: {  	s2 =	simm.s32 @!p1 $0x3;
	(pc) =	sbr.rel @p2 .LBB2_44-.Ltmp33, $4  }
0x26f: {  	s3 =	sshll.u32 @!p1 s9, $0xE;
	_ =	swait.ge @!p1 [sflag:s2], $0x42  }
0x270: {  	s4 =	sshll.u32 @!p1 s8, $0x11;
	s3 =	sadd.s32 @!p1 $0x11C3C, s3;
	[sflag:s2] =	ssyncset.done @!p1 $0x0  }
0x271: {  	[sflag:s2] =	ssyncadd.s32 @!p1 $0xFFFFFFBE;
	s2 =	sor.u32 @!p1 s4, s3  }
0x272: {  	s0 =	simm.s32 $0x0;
	[sflag:s2] =	ssyncadd.remote.s32 @!p1 $0xFFFFFFFF  }
0x273: {  	s0 =	simm.s32 $0xE419  }
0x274: {  	v0 =	vld.msk [tilespmem:s0+$0x0], $0x1;
	_ =	sdelay $0x4  }
0x275: {  	(v2sf) =	vpush v0, $0x0;
	_ =	sdelay $0xd  }
0x276: {  	s31 =	sadd.s32 $0xFFFFFFFE, s6  }
0x277: {  	s6 =	simm.s32 $0x0;
	s0 =	sadd.s32 $0xFFFFFFFF, s31;
	s2 =	spop (v2sf)  }
0x278: {  	s3 =	simm.s32 $0xE538;
	p1 =	sne.s32 s0, $0x0;
	p2 =	sgt.u32 s2, $0x4FF70  }
.Ltmp34:
0x279: {  	s4 =	simm.s32 $0xE638;
	s5 =	sand.u32 @!p2 $0x7FFF8, s2;
	(pc) =	sbr.rel @!p1 .LBB2_43-.Ltmp34, $4  }
0x27a: {  	s7 =	sadd.s32 @!p2 $0x80, s2;
	s2 =	sand.u32 @!p2 $0x7, s2;
	s6 =	simm.s32 @!p2 $0x400  }
0x27b: {  	s5 =	sadd.s32 @!p2 s1, s5;
	s7 =	sand.u32 @!p2 $0xFFFF8, s7;
	s6 =	sadd.s32 $0x0, s6  }
0x27c: {  	[hbm4b:s5+s2] =	stream.linear.scatter @!p2 [tilespmem:s3], [sflag:$0x5], $0x80, $0x38;
	[tilespmem:$0x1E678] =	vst v63  }
0x27d: {  	s5 =	simm.s32 $0xE41A;
	s3 =	simm.s32 @!p2 $0xE5B8;
	s7 =	sadd.s32 @!p2 s1, s7  }
.LBB2_42:
0x27e: {  	[hbm4b:s7+s2] =	stream.linear.scatter @!p2 [tilespmem:s3], [sflag:$0x5], $0x80, $0x38;
	[tilespmem:$0x1E678] =	vst v63  }
0x27f: {  	s0 =	sadd.s32 $0xFFFFFFFF, s0;
	s3 =	smov.u32 s4;
	v0 =	vld.msk [tilespmem:s5+$0x0], $0x1  }
0x280: {  	p1 =	sne.s32 s0, $0x0;
	_ =	sdelay $0x3  }
0x281: {  	(v2sf) =	vpush v0, $0x0;
	_ =	sdelay $0xe  }
0x282: {  	s4 =	sadd.s32 $0x100, s4;
	s8 =	simm.s32 $0x0;
	s2 =	spop (v2sf)  }
.Ltmp35:
0x283: {  	s5 =	sadd.s32 $0x1, s5;
	p2 =	sgt.u32 s2, $0x4FF70;
	(pc) =	sbr.rel @p1 .LBB2_42-.Ltmp35, $4  }
0x284: {  	s8 =	simm.s32 @!p2 $0x400;
	s7 =	sand.u32 @!p2 $0x7FFF8, s2;
	s9 =	sadd.s32 @!p2 $0x80, s2  }
0x285: {  	s2 =	sand.u32 @!p2 $0x7, s2;
	s7 =	sadd.s32 @!p2 s1, s7;
	s9 =	sand.u32 @!p2 $0xFFFF8, s9  }
0x286: {  	[hbm4b:s7+s2] =	stream.linear.scatter @!p2 [tilespmem:s3], [sflag:$0x5], $0x80, $0x38;
	[tilespmem:$0x1E678] =	vst v63  }
0x287: {  	s6 =	sadd.s32 s6, s8;
	s3 =	sadd.s32 @!p2 $0x80, s3;
	s7 =	sadd.s32 @!p2 s1, s9  }
.LBB2_43:
0x288: {  	[hbm4b:s7+s2] =	stream.linear.scatter @!p2 [tilespmem:s3], [sflag:$0x5], $0x80, $0x38;
	[tilespmem:$0x1E678] =	vst v63  }
0x289: {  	s0 =	sshrl.u32 s6, $0x2  }
.LBB2_44:
0x28a: {  	s2 =	simm.s32 $0x5  }
0x28b: {  	_ =	swait.ge [sflag:s2], s0  }
0x28c: {  	s31 =	ssub.s32 $0x0, s0;
	[sflag:s2] =	ssyncset.done $0x0  }
0x28d: {  	[sflag:s2] =	ssyncadd.s32 s31  }
0x28e: {  	[sflag:s2] =	ssyncpa.u1 $0x1  }
.LBB2_45:
0x28f: {  	s0 =	sor.u32 s14, s15  }
0x290: {  	p1 =	sne.s32 s0, $0x0  }
.Ltmp36:
0x291: {  	_ = 	snop;
	(pc) =	sbr.rel @p1 .LBB2_60-.Ltmp36, $3  }
0x292: {  	_ =	sdelay $0x1  }
0x293: {  	[bflag:$0x0] =	sbarrier.arrive $0xFFFF  }
0x294: {  	_ =	sfence  }
0x295: {  	s0 =	simm.s32 $0x7  }
0x296: {  	s2 =	simm.s32 $0x2000;
	s3 =	simm.s32 $0xE418;
	[sflag:s0] =	ssyncpa.u1 $0x0  }
0x297: {  	[tilespmem:s3], [sflag:$0x7] =	stream.linear.gather [spmem:s2], $0x20, $0x38;
	[tilespmem:$0x1E678] =	vst v63  }
0x298: {  	s30 =	simm.s32 $0xE438;
	s2 =	simm.s32 $0x0  }
0x299: {  	[tilespmem:s30], [sflag:$0x7] =	stream.linear.gather [spmem:s2], $0x2000, $0x38;
	[tilespmem:$0x1E678] =	vst v63  }
.Ltmp37:
0x29a: {  	_ = 	snop;
	(pc) =	sbr.rel .LBB2_47-.Ltmp37, $4  }
0x29b: {  	_ =	swait.ge [sflag:s0], $0x2020  }
0x29c: {  	[sflag:s0] =	ssyncset.done $0x0  }
0x29d: {  	s31 =	simm.s32 $0x8;
	[sflag:s0] =	ssyncadd.s32 $0xFFFFDFE0  }
0x29e: {  	s3 =	simm.s32 $0x0;
	[sflag:s31] =	ssyncpa.u1 $0x0  }
.LBB2_53:
0x29f: {  	p1 =	slt.u32 s0, $0x4FF71  }
0x2a0: {  	s4 =	sand.u32 @p1 $0x7FFF8, s0;
	s5 =	sand.u32 @p1 $0x7, s0;
	s0 =	sadd.s32 @p1 $0x80, s0  }
0x2a1: {  	s6 =	simm.s32 @p1 $0xE308;
	s4 =	sadd.s32 @p1 s1, s4;
	s0 =	sand.u32 @p1 $0xFFFF8, s0  }
0x2a2: {  	[tilespmem:s6], [sflag:$0x8] =	stream.linear.gather @p1 [hbm4b:s4+s5], $0x80, $0x38;
	[tilespmem:$0x1E678] =	vst v63  }
0x2a3: {  	s0 =	sadd.s32 @p1 s1, s0;
	s4 =	simm.s32 @p1 $0xE388  }
0x2a4: {  	[tilespmem:s4], [sflag:$0x8] =	stream.linear.gather @p1 [hbm4b:s0+s5], $0x80, $0x38;
	[tilespmem:$0x1E678] =	vst v63  }
0x2a5: {  	s0 =	simm.s32 @p1 $0x8  }
0x2a6: {  	_ =	swait.ge @p1 [sflag:s0], $0x100  }
0x2a7: {  	[sflag:s0] =	ssyncset.done @p1 $0x0  }
0x2a8: {  	[sflag:s0] =	ssyncadd.s32 @p1 $0xFFFFFF00  }
0x2a9: {  	v1 =	vld @p1 [tilespmem:$0xE308];
	_ =	sdelay $0x2  }
0x2aa: {  	s0 =	sshll.u32 @p1 s3, $0xA  }
0x2ab: {  	s4 =	sshrl.u32 @p1 s0, $0x2  }
0x2ac: {  	[tilespmem:s4+$0xE438] =	vst.add.f32.msk @p1 $0xffff, v1  }
0x2ad: {  	v1 =	vld @p1 [tilespmem:$0xE318];
	_ =	sdelay $0x4  }
0x2ae: {  	[tilespmem:s4+$0xE448] =	vst.add.f32.msk @p1 $0xffff, v1  }
0x2af: {  	v1 =	vld @p1 [tilespmem:$0xE328];
	_ =	sdelay $0x4  }
0x2b0: {  	[tilespmem:s4+$0xE458] =	vst.add.f32.msk @p1 $0xffff, v1  }
0x2b1: {  	v1 =	vld @p1 [tilespmem:$0xE338];
	_ =	sdelay $0x4  }
0x2b2: {  	[tilespmem:s4+$0xE468] =	vst.add.f32.msk @p1 $0xffff, v1  }
0x2b3: {  	v1 =	vld @p1 [tilespmem:$0xE348];
	_ =	sdelay $0x4  }
0x2b4: {  	[tilespmem:s4+$0xE478] =	vst.add.f32.msk @p1 $0xffff, v1  }
0x2b5: {  	v1 =	vld @p1 [tilespmem:$0xE358];
	_ =	sdelay $0x4  }
0x2b6: {  	[tilespmem:s4+$0xE488] =	vst.add.f32.msk @p1 $0xffff, v1  }
0x2b7: {  	v1 =	vld @p1 [tilespmem:$0xE368];
	_ =	sdelay $0x4  }
0x2b8: {  	[tilespmem:s4+$0xE498] =	vst.add.f32.msk @p1 $0xffff, v1  }
0x2b9: {  	v1 =	vld @p1 [tilespmem:$0xE378];
	_ =	sdelay $0x4  }
0x2ba: {  	[tilespmem:s4+$0xE4A8] =	vst.add.f32.msk @p1 $0xffff, v1  }
0x2bb: {  	v1 =	vld @p1 [tilespmem:$0xE388];
	_ =	sdelay $0x4  }
0x2bc: {  	[tilespmem:s4+$0xE4B8] =	vst.add.f32.msk @p1 $0xffff, v1  }
0x2bd: {  	v1 =	vld @p1 [tilespmem:$0xE398];
	_ =	sdelay $0x4  }
0x2be: {  	[tilespmem:s4+$0xE4C8] =	vst.add.f32.msk @p1 $0xffff, v1  }
0x2bf: {  	v1 =	vld @p1 [tilespmem:$0xE3A8];
	_ =	sdelay $0x4  }
0x2c0: {  	[tilespmem:s4+$0xE4D8] =	vst.add.f32.msk @p1 $0xffff, v1  }
0x2c1: {  	v1 =	vld @p1 [tilespmem:$0xE3B8];
	_ =	sdelay $0x4  }
0x2c2: {  	[tilespmem:s4+$0xE4E8] =	vst.add.f32.msk @p1 $0xffff, v1  }
0x2c3: {  	v1 =	vld @p1 [tilespmem:$0xE3C8];
	_ =	sdelay $0x4  }
0x2c4: {  	[tilespmem:s4+$0xE4F8] =	vst.add.f32.msk @p1 $0xffff, v1  }
0x2c5: {  	v1 =	vld @p1 [tilespmem:$0xE3D8];
	_ =	sdelay $0x4  }
0x2c6: {  	[tilespmem:s4+$0xE508] =	vst.add.f32.msk @p1 $0xffff, v1  }
0x2c7: {  	v1 =	vld @p1 [tilespmem:$0xE3E8];
	_ =	sdelay $0x4  }
0x2c8: {  	[tilespmem:s4+$0xE518] =	vst.add.f32.msk @p1 $0xffff, v1  }
0x2c9: {  	v1 =	vld @p1 [tilespmem:$0xE3F8];
	_ =	sdelay $0x3  }
0x2ca: {  	s5 =	sshll.u32 @!p1 s3, $0xA  }
0x2cb: {  	s5 =	smov.u32 @p1 s0;
	[tilespmem:s4+$0xE528] =	vst.add.f32.msk @p1 $0xffff, v1  }
0x2cc: {  	s0 =	sshrl.u32 s5, $0x2;
	[tilespmem:s2+$0xE418] =	vst.msk $0x1, v0  }
0x2cd: {  	v0 =	vld [tilespmem:s0+$0xE438];
	_ =	sdelay $0x2  }
0x2ce: {  	s31 =	sshll.u32 s2, $0xA  }
0x2cf: {  	s4 =	sshra.s32 s31, $0x2  }
0x2d0: {  	[tilespmem:s4+$0xE438] =	vst v0  }
0x2d1: {  	v0 =	vld [tilespmem:s0+$0xE448];
	_ =	sdelay $0x4  }
0x2d2: {  	[tilespmem:s4+$0xE448] =	vst v0  }
0x2d3: {  	v0 =	vld [tilespmem:s0+$0xE458];
	_ =	sdelay $0x4  }
0x2d4: {  	[tilespmem:s4+$0xE458] =	vst v0  }
0x2d5: {  	v0 =	vld [tilespmem:s0+$0xE468];
	_ =	sdelay $0x4  }
0x2d6: {  	[tilespmem:s4+$0xE468] =	vst v0  }
0x2d7: {  	v0 =	vld [tilespmem:s0+$0xE478];
	_ =	sdelay $0x4  }
0x2d8: {  	[tilespmem:s4+$0xE478] =	vst v0  }
0x2d9: {  	v0 =	vld [tilespmem:s0+$0xE488];
	_ =	sdelay $0x4  }
0x2da: {  	[tilespmem:s4+$0xE488] =	vst v0  }
0x2db: {  	v0 =	vld [tilespmem:s0+$0xE498];
	_ =	sdelay $0x4  }
0x2dc: {  	[tilespmem:s4+$0xE498] =	vst v0  }
0x2dd: {  	v0 =	vld [tilespmem:s0+$0xE4A8];
	_ =	sdelay $0x4  }
0x2de: {  	[tilespmem:s4+$0xE4A8] =	vst v0  }
0x2df: {  	v0 =	vld [tilespmem:s0+$0xE4B8];
	_ =	sdelay $0x4  }
0x2e0: {  	[tilespmem:s4+$0xE4B8] =	vst v0  }
0x2e1: {  	v0 =	vld [tilespmem:s0+$0xE4C8];
	_ =	sdelay $0x4  }
0x2e2: {  	[tilespmem:s4+$0xE4C8] =	vst v0  }
0x2e3: {  	v0 =	vld [tilespmem:s0+$0xE4D8];
	_ =	sdelay $0x4  }
0x2e4: {  	[tilespmem:s4+$0xE4D8] =	vst v0  }
0x2e5: {  	v0 =	vld [tilespmem:s0+$0xE4E8];
	_ =	sdelay $0x4  }
0x2e6: {  	[tilespmem:s4+$0xE4E8] =	vst v0  }
0x2e7: {  	v0 =	vld [tilespmem:s0+$0xE4F8];
	_ =	sdelay $0x4  }
0x2e8: {  	[tilespmem:s4+$0xE4F8] =	vst v0  }
0x2e9: {  	v0 =	vld [tilespmem:s0+$0xE508];
	_ =	sdelay $0x4  }
0x2ea: {  	[tilespmem:s4+$0xE508] =	vst v0  }
0x2eb: {  	v0 =	vld [tilespmem:s0+$0xE518];
	_ =	sdelay $0x4  }
0x2ec: {  	[tilespmem:s4+$0xE518] =	vst v0  }
0x2ed: {  	v0 =	vld [tilespmem:s0+$0xE528];
	_ =	sdelay $0x4  }
0x2ee: {  	s2 =	sadd.s32 $0x1, s2;
	[tilespmem:s4+$0xE528] =	vst v0  }
.LBB2_54:
0x2ef: {  	s3 =	sadd.s32 $0x1, s3  }
0x2f0: {  	p1 =	sne.s32 s3, $0x20  }
.Ltmp38:
0x2f1: {  	_ = 	snop;
	(pc) =	sbr.rel @!p1 .LBB2_55-.Ltmp38, $1  }
0x2f2: {  	_ =	sdelay $0x3  }
.LBB2_47:
0x2f3: {  	v0 =	vld.msk [tilespmem:s3+$0xE418], $0x1;
	_ =	sdelay $0x4  }
0x2f4: {  	(v2sf) =	vpush v0, $0x0;
	_ =	sdelay $0xe  }
0x2f5: {  	s0 =	spop (v2sf)  }
0x2f6: {  	p1 =	seq.s32 s0, $0xFFFFFFFF  }
.Ltmp39:
0x2f7: {  	_ = 	snop;
	(pc) =	sbr.rel @p1 .LBB2_54-.Ltmp39, $1  }
0x2f8: {  	_ =	sdelay $0x3  }
0x2f9: {  	p1 =	slt.s32 s2, $0x1  }
.Ltmp40:
0x2fa: {  	_ = 	snop;
	(pc) =	sbr.rel @p1 .LBB2_53-.Ltmp40, $1  }
0x2fb: {  	_ =	sdelay $0x3  }
0x2fc: {  	s4 =	simm.s32 $0xE418;
	p1 =	por $0x0, $0x0  }
0x2fd: {  	v1 =	vld.msk @!p1 [tilespmem:s4+$0x0], $0x1;
	_ =	sdelay $0x4  }
0x2fe: {  	(v2sf) =	vpush @!p1 v1, $0x0;
	_ =	sdelay $0xd  }
0x2ff: {  	p3 =	sne.s32 s2, $0x1  }
.Ltmp41:
0x300: {  	s5 =	spop @!p1 (v2sf);
	(pc) =	sbr.rel @!p3 .LBB2_51-.Ltmp41, $4  }
0x301: {  	p2 =	seq.s32 @!p1 s0, s5  }
0x302: {  	s5 =	simm.s32 $0x0;
	p2 =	por !p2, p1  }
0x303: {  	s7 =	simm.s32 $0xFFFFFFFF;
	s5 =	simm.s32 @p2 $0xFFFFFFFF  }
0x304: {  	s6 =	simm.s32 $0x1;
	s5 =	smov.u32 @p1 s7  }
.LBB2_50:
0x305: {  	s7 =	smov.u32 s5;
	p1 =	sne.s32 s5, $0xFFFFFFFF  }
0x306: {  	s4 =	sadd.s32 $0x1, s4;
	s5 =	smov.u32 s6;
	s6 =	sadd.s32 $0x1, s6  }
0x307: {  	p2 =	sne.s32 s2, s6;
	v1 =	vld.msk @!p1 [tilespmem:s4+$0x0], $0x1;
	_ =	sdelay $0x4  }
0x308: {  	(v2sf) =	vpush @!p1 v1, $0x0;
	_ =	sdelay $0xe  }
.Ltmp42:
0x309: {  	s8 =	spop @!p1 (v2sf);
	(pc) =	sbr.rel @p2 .LBB2_50-.Ltmp42, $4  }
0x30a: {  	p3 =	seq.s32 @!p1 s0, s8  }
0x30b: {  	p3 =	por !p3, p1  }
0x30c: {  	s5 =	simm.s32 @p3 $0xFFFFFFFF  }
0x30d: {  	s5 =	smov.u32 @p1 s7  }
.LBB2_51:
0x30e: {  	p1 =	seq.s32 s5, $0xFFFFFFFF  }
.Ltmp43:
0x30f: {  	_ = 	snop;
	(pc) =	sbr.rel @p1 .LBB2_53-.Ltmp43, $1  }
0x310: {  	_ =	sdelay $0x3  }
0x311: {  	s0 =	sshll.u32 s3, $0x8  }
0x312: {  	s0 =	sand.u32 $0x3FFFFF00, s0  }
0x313: {  	v0 =	vld [tilespmem:s0+$0xE438];
	_ =	sdelay $0x2  }
0x314: {  	s4 =	sshll.u32 s5, $0xA  }
0x315: {  	s4 =	sshra.s32 s4, $0x2  }
0x316: {  	[tilespmem:s4+$0xE438] =	vst.add.f32.msk $0xffff, v0  }
0x317: {  	v0 =	vld [tilespmem:s0+$0xE448];
	_ =	sdelay $0x4  }
0x318: {  	[tilespmem:s4+$0xE448] =	vst.add.f32.msk $0xffff, v0  }
0x319: {  	v0 =	vld [tilespmem:s0+$0xE458];
	_ =	sdelay $0x4  }
0x31a: {  	[tilespmem:s4+$0xE458] =	vst.add.f32.msk $0xffff, v0  }
0x31b: {  	v0 =	vld [tilespmem:s0+$0xE468];
	_ =	sdelay $0x4  }
0x31c: {  	[tilespmem:s4+$0xE468] =	vst.add.f32.msk $0xffff, v0  }
0x31d: {  	v0 =	vld [tilespmem:s0+$0xE478];
	_ =	sdelay $0x4  }
0x31e: {  	[tilespmem:s4+$0xE478] =	vst.add.f32.msk $0xffff, v0  }
0x31f: {  	v0 =	vld [tilespmem:s0+$0xE488];
	_ =	sdelay $0x4  }
0x320: {  	[tilespmem:s4+$0xE488] =	vst.add.f32.msk $0xffff, v0  }
0x321: {  	v0 =	vld [tilespmem:s0+$0xE498];
	_ =	sdelay $0x4  }
0x322: {  	[tilespmem:s4+$0xE498] =	vst.add.f32.msk $0xffff, v0  }
0x323: {  	v0 =	vld [tilespmem:s0+$0xE4A8];
	_ =	sdelay $0x4  }
0x324: {  	[tilespmem:s4+$0xE4A8] =	vst.add.f32.msk $0xffff, v0  }
0x325: {  	v0 =	vld [tilespmem:s0+$0xE4B8];
	_ =	sdelay $0x4  }
0x326: {  	[tilespmem:s4+$0xE4B8] =	vst.add.f32.msk $0xffff, v0  }
0x327: {  	v0 =	vld [tilespmem:s0+$0xE4C8];
	_ =	sdelay $0x4  }
0x328: {  	[tilespmem:s4+$0xE4C8] =	vst.add.f32.msk $0xffff, v0  }
0x329: {  	v0 =	vld [tilespmem:s0+$0xE4D8];
	_ =	sdelay $0x4  }
0x32a: {  	[tilespmem:s4+$0xE4D8] =	vst.add.f32.msk $0xffff, v0  }
0x32b: {  	v0 =	vld [tilespmem:s0+$0xE4E8];
	_ =	sdelay $0x4  }
0x32c: {  	[tilespmem:s4+$0xE4E8] =	vst.add.f32.msk $0xffff, v0  }
0x32d: {  	v0 =	vld [tilespmem:s0+$0xE4F8];
	_ =	sdelay $0x4  }
0x32e: {  	[tilespmem:s4+$0xE4F8] =	vst.add.f32.msk $0xffff, v0  }
0x32f: {  	v0 =	vld [tilespmem:s0+$0xE508];
	_ =	sdelay $0x4  }
0x330: {  	[tilespmem:s4+$0xE508] =	vst.add.f32.msk $0xffff, v0  }
0x331: {  	v0 =	vld [tilespmem:s0+$0xE518];
	_ =	sdelay $0x4  }
0x332: {  	[tilespmem:s4+$0xE518] =	vst.add.f32.msk $0xffff, v0  }
0x333: {  	v0 =	vld [tilespmem:s0+$0xE528]  }
.Ltmp44:
0x334: {  	_ = 	snop;
	(pc) =	sbr.rel .LBB2_54-.Ltmp44, $2  }
0x335: {  	_ =	sdelay $0x2  }
0x336: {  	[tilespmem:s4+$0xE528] =	vst.add.f32.msk $0xffff, v0  }
.LBB2_55:
0x337: {  	p1 =	slt.s32 s2, $0x1  }
.Ltmp45:
0x338: {  	_ = 	snop;
	(pc) =	sbr.rel @p1 .LBB2_59-.Ltmp45, $3  }
0x339: {  	_ =	sdelay $0x1  }
0x33a: {  	s0 =	simm.s32 $0x8  }
0x33b: {  	s4 =	simm.s32 $0x0;
	[sflag:s0] =	ssyncpa.u1 $0x1  }
0x33c: {  	s0 =	simm.s32 $0xE418  }
0x33d: {  	v0 =	vld.msk [tilespmem:s0+$0x0], $0x1;
	_ =	sdelay $0x4  }
0x33e: {  	(v2sf) =	vpush v0, $0x0;
	_ =	sdelay $0xe  }
0x33f: {  	s0 =	sadd.s32 $0xFFFFFFFF, s2;
	s3 =	spop (v2sf)  }
0x340: {  	s6 =	simm.s32 $0xE438;
	p1 =	sne.s32 s0, $0x0;
	p2 =	sgt.u32 s3, $0x4FF70  }
.Ltmp46:
0x341: {  	s2 =	simm.s32 $0xE538;
	s5 =	sand.u32 @!p2 $0x7FFF8, s3;
	(pc) =	sbr.rel @!p1 .LBB2_58-.Ltmp46, $4  }
0x342: {  	s7 =	sadd.s32 @!p2 $0x80, s3;
	s4 =	simm.s32 @!p2 $0x400;
	s8 =	sadd.s32 @!p2 s1, s5  }
0x343: {  	s5 =	sand.u32 @!p2 $0x7, s3;
	s3 =	simm.s32 $0xE419;
	s7 =	sand.u32 @!p2 $0xFFFF8, s7  }
0x344: {  	[hbm4b:s8+s5] =	stream.linear.scatter @!p2 [tilespmem:s6], [sflag:$0x7], $0x80, $0x38;
	[tilespmem:$0x1E678] =	vst v63  }
0x345: {  	s4 =	sadd.s32 $0x0, s4;
	s6 =	simm.s32 @!p2 $0xE4B8;
	s7 =	sadd.s32 @!p2 s1, s7  }
.LBB2_57:
0x346: {  	[hbm4b:s7+s5] =	stream.linear.scatter @!p2 [tilespmem:s6], [sflag:$0x7], $0x80, $0x38;
	[tilespmem:$0x1E678] =	vst v63  }
0x347: {  	s0 =	sadd.s32 $0xFFFFFFFF, s0;
	s6 =	smov.u32 s2;
	v0 =	vld.msk [tilespmem:s3+$0x0], $0x1  }
0x348: {  	p1 =	sne.s32 s0, $0x0;
	_ =	sdelay $0x3  }
0x349: {  	(v2sf) =	vpush v0, $0x0;
	_ =	sdelay $0xe  }
0x34a: {  	s2 =	sadd.s32 $0x100, s2;
	s8 =	simm.s32 $0x0;
	s5 =	spop (v2sf)  }
.Ltmp47:
0x34b: {  	s3 =	sadd.s32 $0x1, s3;
	p2 =	sgt.u32 s5, $0x4FF70;
	(pc) =	sbr.rel @p1 .LBB2_57-.Ltmp47, $4  }
0x34c: {  	s8 =	simm.s32 @!p2 $0x400;
	s7 =	sand.u32 @!p2 $0x7FFF8, s5;
	s9 =	sadd.s32 @!p2 $0x80, s5  }
0x34d: {  	s5 =	sand.u32 @!p2 $0x7, s5;
	s7 =	sadd.s32 @!p2 s1, s7;
	s9 =	sand.u32 @!p2 $0xFFFF8, s9  }
0x34e: {  	[hbm4b:s7+s5] =	stream.linear.scatter @!p2 [tilespmem:s6], [sflag:$0x7], $0x80, $0x38;
	[tilespmem:$0x1E678] =	vst v63  }
0x34f: {  	s4 =	sadd.s32 s4, s8;
	s6 =	sadd.s32 @!p2 $0x80, s6;
	s7 =	sadd.s32 @!p2 s1, s9  }
.LBB2_58:
0x350: {  	[hbm4b:s7+s5] =	stream.linear.scatter @!p2 [tilespmem:s6], [sflag:$0x7], $0x80, $0x38;
	[tilespmem:$0x1E678] =	vst v63  }
0x351: {  	s4 =	sshrl.u32 s4, $0x2  }
.LBB2_59:
0x352: {  	s0 =	simm.s32 $0x7  }
0x353: {  	_ =	swait.ge [sflag:s0], s4  }
0x354: {  	s1 =	ssub.s32 $0x0, s4;
	[sflag:s0] =	ssyncset.done $0x0  }
0x355: {  	[sflag:s0] =	ssyncadd.s32 s1  }
0x356: {  	[sflag:s0] =	ssyncpa.u1 $0x1  }
.LBB2_60:
0x357: {  	_ =	sfence;
	s0 =	simm.s32 $0x1  }
0x358: {  	[sflag:s0] =	ssyncpa.u1 $0x1  }
0x359: {  	_ =	strace $0x9000004D  }
0x35a: {  	[bflag:$0x2] =	sbarrier.arrive $0xFFFF  }
0x35b: {  	s0 =	rddreg [dreg:$0x3]  }
0x35c: {  	s0 =	sadd.s32 @!p0 $0x100000, s0  }
0x35d: {  	[sflag:s0] =	ssyncadd.tile.s32 @!p0 $0x1;
	_ =	shalt  }
.Lfunc_end2:
_tile_overlayer_lowered:
.L_overlay_start_2:
0x35e: {  	(tag) =	ssettag $0x2  }
0x35f: {  	s0 =	rddreg [dreg:$0x0];
	s2 =	stileid.u32  }
0x360: {  	s1 =	rddreg [dreg:$0x1];
	p0 =	sne.s32 s2, $0x0  }
0x361: {  	s3 =	rddreg [dreg:$0x2];
	[bflag:$0x3] =	sbarrier.arrive $0xFFFF;
	s2 =	simm.s32 @!p0 $0x1C01  }
0x362: {  	[timem:s3], [sflag:s2] =	dma.local @!p0 [hbm:s0], s1  }
0x363: {  	s0 =	simm.s32 @!p0 $0x1  }
0x364: {  	_ =	swait.ge @!p0 [sflag:s0], s1  }
0x365: {  	s1 =	ssub.s32 @!p0 $0x0, s1;
	[sflag:s0] =	ssyncset.done @!p0 $0x0  }
0x366: {  	[sflag:s0] =	ssyncadd.s32 @!p0 s1  }
0x367: {  	[bflag:$0x3] =	sbarrier.arrive $0xFFFF  }
0x368: {  	_ =	shalt  }

// kernel: scatter_offload_async_start.2
scs
__scs_entry_jumppad:
0x0: {  	(pc) =	sbr.rel $0x88, $3  }
0x1: {  	(tag) =	ssettag $0x0;
	lr =	simm.s32 $0x1  }
0x2: {  	[smem:$0x3F92] =	sst lr;
	_ =	strace $0xD0000000  }
0x3: {  	_ = 	snop  }
0x4: {  	_ = 	snop  }
0x5: {  	_ = 	snop  }
0x6: {  	_ = 	snop  }
0x7: {  	_ = 	snop  }
__scs_overlays_trampoline_lowered:
0x8: {  	[smem:$0x3FA1] =	sst s0  }
0x9: {  	[smem:$0x3FA2] =	sst s1  }
0xa: {  	[smem:$0x3FA3] =	sst s2  }
0xb: {  	[smem:$0x3FA4] =	sst s3  }
0xc: {  	[smem:$0x3FA5] =	sst s4  }
0xd: {  	[smem:$0x3FA6] =	sst s5  }
0xe: {  	[smem:$0x3FA7] =	sst s6  }
0xf: {  	[smem:$0x3FA8] =	sst s7  }
0x10: {  	[smem:$0x3FA9] =	sst s8  }
0x11: {  	[smem:$0x3FAA] =	sst s9;
	s0 =	simm.s32 @!p0 $0x0  }
0x12: {  	s1 =	sld [smem:$0x3F90];
	s0 =	simm.s32 @p0 $0x1  }
0x13: {  	[smem:$0x3FAB] =	sst s0;
	s0 =	simm.s32 @!p1 $0x0  }
0x14: {  	s2 =	sld [smem:$0x3F8F];
	s0 =	simm.s32 @p1 $0x1  }
0x15: {  	[smem:$0x3FAC] =	sst s0;
	s0 =	simm.s32 @!p2 $0x0  }
0x16: {  	s3 =	sld [smem:$0x3FDB];
	s0 =	simm.s32 @p2 $0x1  }
0x17: {  	s4 =	simm.s32 $0x1BF5;
	[smem:$0x3FAE] =	sst s0  }
0x18: {  	s0 =	sld [smem:$0x3F91];
	_ =	swait.ge [sflag:s4], $0x0  }
0x19: {  	s7 =	sld [smem:$0x3F92]  }
0x1a: {  	s8 =	sadd.s32 $0xFFFFE003, lr  }
0x1b: {  	s9 =	sadd.s32 $0xFFFFFEF7, lr;
	s5 =	simm.s32 $0xFFFFFFFF;
	p2 =	slt.u32 s8, $0xFFFFF086  }
0x1c: {  	p1 =	slt.u32 s9, $0xF7A;
	s5 =	simm.s32 @!p2 $0x0  }
0x1d: {  	s5 =	simm.s32 @p1 $0x1;
	p0 =	seq.s32 s7, s2  }
0x1e: {  	s7 =	smul.u32 @!p0 $0xF7A, s2;
	p2 =	seq.s32 @!p0 s5, $0x0  }
0x1f: {  	s9 =	smul.u32 $0xF7A, s1;
	s8 =	simm.s32 @!p0 $0x1BF5;
	p2 =	por !p2, p0  }
0x20: {  	[sflag:s8] =	ssyncset.s32 @!p0 $0xFFFFF086;
	s6 =	sadd.s32 @!p0 s3, s7;
	s7 =	simm.s32 @!p0 $0x108  }
0x21: {  	s3 =	sadd.s32 s3, s9;
	s6 =	sadd.s32 @!p0 $0x88, s6;
	s7 =	simm.s32 @p2 $0x1082  }
0x22: {  	[simem:s7], [sflag:s8] =	dma.local @!p0 [hbm:s6], $0xF7A  }
0x23: {  	s9 =	sor.u32 $0xD0000000, s2;
	s6 =	simm.s32 $0x108;
	_ =	swait.ge @!p0 [sflag:s8], $0x0  }
0x24: {  	s3 =	sadd.s32 $0x88, s3;
	s6 =	simm.s32 @!p1 $0x1082;
	[sflag:s4] =	ssyncset.s32 $0xFFFFF086  }
0x25: {  	[simem:s6], [sflag:s4] =	dma.local [hbm:s3], $0xF7A  }
0x26: {  	[smem:$0x3F92] =	sst s1;
	(tag) =	ssettag s2;
	_ =	strace s9  }
0x27: {  	s1 =	sld [smem:$0x3FA2]  }
0x28: {  	s2 =	sld [smem:$0x3FA3]  }
0x29: {  	s4 =	sld [smem:$0x3FA5]  }
0x2a: {  	p0 =	seq.s32 s5, $0x0;
	s5 =	sld [smem:$0x3FA6]  }
0x2b: {  	s6 =	sld [smem:$0x3FA7]  }
0x2c: {  	s7 =	sld [smem:$0x3FA8]  }
0x2d: {  	s3 =	simm.s32 $0x108;
	s8 =	sld [smem:$0x3FA9]  }
0x2e: {  	s3 =	simm.s32 @!p0 $0x1082;
	s9 =	sld [smem:$0x3FAA]  }
0x2f: {  	lr =	sadd.s32 s0, s3;
	s0 =	sld [smem:$0x3FA1]  }
0x30: {  	s3 =	sld [smem:$0x3FA4]  }
0x31: {  	[smem:$0x3FAD] =	sst s10  }
0x32: {  	s10 =	sld [smem:$0x3FAB];
	_ =	sdelay $0x3  }
0x33: {  	p0 =	seq.s32 s10, $0x1;
	s10 =	sld [smem:$0x3FAD];
	_ =	sdelay $0x3  }
0x34: {  	[smem:$0x3FAD] =	sst s10  }
0x35: {  	s10 =	sld [smem:$0x3FAC];
	_ =	sdelay $0x3  }
0x36: {  	p1 =	seq.s32 s10, $0x1;
	s10 =	sld [smem:$0x3FAD];
	_ =	sdelay $0x3  }
0x37: {  	[smem:$0x3FAD] =	sst s10  }
0x38: {  	s10 =	sld [smem:$0x3FAE]  }
0x39: {  	_ = 	snop;
	(pc) =	sbr.ind lr, $3  }
0x3a: {  	_ = 	snop  }
0x3b: {  	_ = 	snop  }
0x3c: {  	p2 =	seq.s32 s10, $0x1;
	s10 =	sld [smem:$0x3FAD]  }
0x3d: {  	_ =	shalt  }
0x3e: {  	_ =	shalt  }
0x3f: {  	_ =	shalt  }
0x40: {  	_ =	shalt  }
0x41: {  	_ =	shalt  }
0x42: {  	_ =	shalt  }
0x43: {  	_ =	shalt  }
0x44: {  	_ =	shalt  }
0x45: {  	_ =	shalt  }
0x46: {  	_ =	shalt  }
0x47: {  	_ =	shalt  }
0x48: {  	_ =	shalt  }
0x49: {  	_ =	shalt  }
0x4a: {  	_ =	shalt  }
0x4b: {  	_ =	shalt  }
0x4c: {  	_ =	shalt  }
0x4d: {  	_ =	shalt  }
0x4e: {  	_ =	shalt  }
0x4f: {  	_ =	shalt  }
0x50: {  	_ =	shalt  }
0x51: {  	_ =	shalt  }
0x52: {  	_ =	shalt  }
0x53: {  	_ =	shalt  }
0x54: {  	_ =	shalt  }
0x55: {  	_ =	shalt  }
0x56: {  	_ =	shalt  }
0x57: {  	_ =	shalt  }
0x58: {  	_ =	shalt  }
0x59: {  	_ =	shalt  }
0x5a: {  	_ =	shalt  }
0x5b: {  	_ =	shalt  }
0x5c: {  	_ =	shalt  }
0x5d: {  	_ =	shalt  }
0x5e: {  	_ =	shalt  }
0x5f: {  	_ =	shalt  }
0x60: {  	_ =	shalt  }
0x61: {  	_ =	shalt  }
0x62: {  	_ =	shalt  }
0x63: {  	_ =	shalt  }
0x64: {  	_ =	shalt  }
0x65: {  	_ =	shalt  }
0x66: {  	_ =	shalt  }
0x67: {  	_ =	shalt  }
0x68: {  	_ =	shalt  }
0x69: {  	_ =	shalt  }
0x6a: {  	_ =	shalt  }
0x6b: {  	_ =	shalt  }
0x6c: {  	_ =	shalt  }
0x6d: {  	_ =	shalt  }
0x6e: {  	_ =	shalt  }
0x6f: {  	_ =	shalt  }
0x70: {  	_ =	shalt  }
0x71: {  	_ =	shalt  }
0x72: {  	_ =	shalt  }
0x73: {  	_ =	shalt  }
0x74: {  	_ =	shalt  }
0x75: {  	_ =	shalt  }
0x76: {  	_ =	shalt  }
0x77: {  	_ =	shalt  }
0x78: {  	_ =	shalt  }
0x79: {  	_ =	shalt  }
0x7a: {  	_ =	shalt  }
0x7b: {  	_ =	shalt  }
0x7c: {  	_ =	shalt  }
0x7d: {  	_ =	shalt  }
0x7e: {  	_ =	shalt  }
0x7f: {  	_ =	shalt  }
0x80: {  	_ =	shalt  }
0x81: {  	_ =	shalt  }
0x82: {  	_ =	shalt  }
0x83: {  	_ =	shalt  }
0x84: {  	_ =	shalt  }
0x85: {  	_ =	shalt  }
0x86: {  	_ =	shalt  }
0x87: {  	_ =	shalt  }
.Lfunc_end0:
.L_simem_size_0:
called_computation.2_lowered:
.L_overlay_start_0:
0x88: {  	s2 =	sld [smem:$0x3FD9]  }
0x89: {  	s3 =	sld [smem:$0x3FFE];
	_ =	sdelay $0x1  }
0x8a: {  	s1 =	srdreg.scid  }
0x8b: {  	s0 =	sand.u32 $0x1, s1  }
0x8c: {  	s15 =	sshll.u32 s0, $0xA;
	s2 =	sadd.s32 s3, s2  }
0x8d: {  	s2 =	sadd.s32 s2, s15  }
0x8e: {  	[smem:$0x3FB9] =	sst s2  }
0x8f: {  	_ = 	snop  }
0x90: {  	(tm) =	ssettm $0x1  }
0x91: {  	s16 =	sld [smem:$0x3FFB];
	_ =	sdelay $0x3  }
0x92: {  	_ =	strace s16  }
0x93: {  	s2 =	sld [smem:$0x3FFC];
	_ =	sdelay $0x3  }
0x94: {  	_ =	strace s2  }
0x95: {  	s2 =	sld [smem:$0x3FFD];
	_ =	sdelay $0x3  }
0x96: {  	_ =	strace s2  }
0x97: {  	_ =	strace $0x8FFFFFFF  }
0x98: {  	s17 =	sld [smem:$0x3FDB];
	_ =	sdelay $0x1  }
0x99: {  	s18 =	simm.s32 $_scs_section_size  }
0x9a: {  	s4 =	simm.s32 $_size__tile_overlayer_lowered;
	s5 =	simm.s32 $_tile_overlayer_lowered  }
0x9b: {  	s21 =	simm.s32 $0x1BFF;
	s20 =	sshll.u32 s5, $0x1;
	s2 =	sadd.s32 s18, s17  }
0x9c: {  	s6 =	simm.s32 $0x0;
	s19 =	sshll.u32 s4, $0x1;
	s4 =	sadd.s32 s20, s2  }
0x9d: {  	[timem:s6], [sflag:s21] =	dma.local [hbm:s4], s19  }
0x9e: {  	_ =	swait.ge [sflag:s21], s19  }
0x9f: {  	s3 =	ssub.s32 $0x0, s19;
	[sflag:s21] =	ssyncset.done $0x0  }
0xa0: {  	[sflag:s21] =	ssyncadd.s32 s3;
	_ =	sdelay $0x1  }
0xa1: {  	s22 =	simm.s32 $0x1B8B  }
0xa2: {  	_ =	swait.ge [sflag:s22], $0x1  }
0xa3: {  	[sflag:s22] =	ssyncset.done $0x0  }
0xa4: {  	s23 =	sld [smem:$0x3FFE];
	[sflag:s22] =	ssyncadd.s32 $0xFFFFFFFF  }
0xa5: {  	s25 =	simm.s32 $0x1B8E;
	s24 =	sld [smem:$0x0]  }
0xa6: {  	s26 =	simm.s32 $execute0_lowered;
	[smem:$0x3FD2] =	sst s25  }
0xa7: {  	s5 =	sshll.u32 s26, $0x1;
	_ =	strace $0x80000052;
	[dreg:$0x1] =	wrdreg $0xFFFFFFFF  }
0xa8: {  	s28 =	simm.s32 $_size_execute0_lowered;
	s2 =	sadd.s32 s2, s5;
	[dreg:$0x0] =	wrdreg $0x0  }
0xa9: {  	s5 =	sshll.u32 s28, $0x1;
	[dreg:$0x2] =	wrdreg s2  }
0xaa: {  	[dreg:$0x3] =	wrdreg s5  }
0xab: {  	[dreg:$0x4] =	wrdreg $0xC0  }
0xac: {  	_ =	task [dreg:s6], $0x5FFFF  }
0xad: {  	[dreg:$0x1] =	wrdreg $0xFFFFFFFF  }
0xae: {  	[dreg:$0x0] =	wrdreg $0x60  }
0xaf: {  	[dreg:$0x2] =	wrdreg s23  }
0xb0: {  	[dreg:$0x3] =	wrdreg s1  }
0xb1: {  	[dreg:$0x4] =	wrdreg s24  }
0xb2: {  	[dreg:$0x5] =	wrdreg $0x9  }
0xb3: {  	_ =	task.clear_ibuf [dreg:s6], $0x6FFFF;
	_ =	strace $0x90000052  }
0xb4: {  	s29 =	simm.s32 $0x9;
	_ =	strace $0x80000054  }
0xb5: {  	_ =	swait.ge [sflag:s29], $0x1  }
0xb6: {  	[sflag:s29] =	ssyncadd.s32 $0xFFFFFFFF  }
0xb7: {  	_ =	strace $0x90000054  }
0xb8: {  	_ =	sfence  }
0xb9: {  	s30 =	sld [smem:$0x0];
	_ =	sdelay $0x2  }
0xba: {  	s31 =	sshll.u32 s1, $0xD;
	s1 =	sshrl.u32 s1, $0x2  }
0xbb: {  	s3 =	sand.u32 $0x4000, s31;
	s1 =	sadd.s32 s1, s30  }
0xbc: {  	s0 =	sor.u32 s3, s0;
	s1 =	sshll.u32 s1, $0x11  }
0xbd: {  	s0 =	sor.u32 s1, s0  }
0xbe: {  	s0 =	sadd.s32 $0x8F2B, s0  }
0xbf: {  	[sflag:s0] =	ssyncadd.remote.s32 $0x1  }
0xc0: {  	_ =	sfence.sel $0xFFFF  }
0xc1: {  	[dreg:$0x0] =	wrdreg $0xFFFFFFFF;
	(pc) =	sbr.abs _section_cstart, $3  }
0xc2: {  	[dreg:$0x1] =	wrdreg $0xFFFFFFFF  }
0xc3: {  	_ =	task.clear_ibuf [dreg:s6], $0x2FFFF;
	_ =	strace $0x9FFFFFFF  }
0xc4: {  	(tm) =	ssettm $0x7FFFFFFF  }
0xc5: {  	_ =	shalt  }
tec
execute0_lowered:
.L_overlay_start_1:
0x0: {  	(tag) =	ssettag $0x1  }
0x1: {  	s2 =	rddreg [dreg:$0x0]  }
0x2: {  	s3 =	rddreg [dreg:$0x1];
	_ =	strace $0x80000053;
	s0 =	simm.s32 $0x1  }
0x3: {  	s4 =	simm.s32 $0x408;
	v0 =	vimm.s32 $0x0;
	[sflag:s0] =	ssyncpa.u1 $0x0  }
0x4: {  	[tilespmem:s4+$0x70] =	vst v0  }
0x5: {  	[tilespmem:s4+$0x60] =	vst v0  }
0x6: {  	[tilespmem:s4+$0x50] =	vst v0  }
0x7: {  	[tilespmem:s4+$0x40] =	vst v0  }
0x8: {  	s1 =	sadd.s32 $0x154B600, s2;
	[tilespmem:s4+$0x30] =	vst v0  }
0x9: {  	s0 =	sadd.s32 $0x1200, s2;
	s6 =	sadd.s32 $0x14B600, s2;
	[tilespmem:s4+$0x20] =	vst v0  }
0xa: {  	s2 =	sadd.s32 $0x3D000, s2;
	s7 =	sand.u32 $0x1, s3;
	s3 =	simm.s32 $0x40;
	[tilespmem:s4+$0x10] =	vst v0  }
.LBB2_1:
0xb: {  	s3 =	sadd.s32 $0x40, s3;
	[tilespmem:s4+$0x0] =	vst v0;
	s4 =	sadd.s32 $0x80, s4  }
0xc: {  	p0 =	slt.u32 s3, $0x3100;
	[tilespmem:s4+$0x70] =	vst v0  }
0xd: {  	[tilespmem:s4+$0x60] =	vst v0  }
.Ltmp0:
0xe: {  	[tilespmem:s4+$0x50] =	vst v0;
	(pc) =	sbr.rel @p0 .LBB2_1-.Ltmp0, $4  }
0xf: {  	[tilespmem:s4+$0x40] =	vst v0  }
0x10: {  	[tilespmem:s4+$0x30] =	vst v0  }
0x11: {  	[tilespmem:s4+$0x20] =	vst v0  }
0x12: {  	[tilespmem:s4+$0x10] =	vst v0  }
0x13: {  	s10 =	stileid.u32  }
0x14: {  	s3 =	smul.u32 $0xD5, s10  }
0x15: {  	s5 =	smin.u32 s10, $0x6  }
0x16: {  	s3 =	sadd.s32 s5, s3  }
0x17: {  	p0 =	slt.u32 s10, $0x6;
	s11 =	smul.u32 $0x30, s3;
	s3 =	simm.s32 $0x2820  }
0x18: {  	s3 =	simm.s32 @!p0 $0x27F0  }
0x19: {  	s3 =	sadd.s32 s3, s11  }
0x1a: {  	s8 =	smin.u32 s3, $0x28000  }
0x1b: {  	s26 =	simm.s32 $0x2;
	s9 =	simm.s32 $0x9;
	s3 =	ssub.s32 s8, s11  }
0x1c: {  	s29 =	simm.s32 $0xA;
	s30 =	simm.s32 $0xB;
	p0 =	sgt.s32 s3, $0x0  }
0x1d: {  	[dreg:$0x4] =	wrdreg s7;
	s31 =	smul.u32 $0x5000, s7;
	s3 =	simm.s32 @!p0 $0x0  }
0x1e: {  	s12 =	simm.s32 $0x1;
	s24 =	simm.s32 $0x0;
	s25 =	smulhi.u32 $0x2AAAAAAB, s3  }
0x1f: {  	p1 =	por $0x0, $0x0;
	s18 =	simm.s32 $0x80;
	s19 =	simm.s32 $0x400  }
0x20: {  	s20 =	simm.s32 $0xC;
	s21 =	simm.s32 $0x0;
	s28 =	sshrl.u32 s25, $0x3  }
0x21: {  	[tilespmem:s4+$0x0] =	vst v0;
	v0 =	vimm.s32 $0xFFFFFFFF;
	s23 =	simm.s32 $0x0;
	[sflag:s26] =	ssyncpa.u1 $0x0;
	s5 =	smul.u32 $0x30, s28  }
0x22: {  	s16 =	sshll.u32 s10, $0xA;
	[tilespmem:$0xC808] =	vst v0;
	[sflag:s9] =	ssyncpa.u1 $0x0;
	s14 =	sadd.s32 s31, s2  }
.Ltmp1:
0x23: {  	p0 =	sne.s32 s3, s5;
	s3 =	simm.s32 $0x1;
	(pc) =	sbr.rel .LBB2_3-.Ltmp1, $4  }
0x24: {  	s15 =	sadd.s32 s31, s0;
	[dreg:$0x6] =	wrdreg s14;
	s3 =	simm.s32 @!p0 $0x0  }
0x25: {  	[sflag:s29] =	ssyncpa.u1 $0x0;
	[dreg:$0x7] =	wrdreg s15;
	s13 =	sadd.s32 s3, s28  }
0x26: {  	[sflag:s30] =	ssyncpa.u1 $0x0;
	s17 =	sadd.s32 $0x1, s13;
	[dreg:$0x5] =	wrdreg s13  }
0x27: {  	v0 =	vlaneseq.u32;
	s22 =	smov.u32 s11;
	p0 =	por $0x1, $0x1;
	[dreg:$0x8] =	wrdreg s17  }
.LBB2_30:
0x28: {  	s0 =	sshrl.u32 s0, $0x2  }
.LBB2_32:
0x29: {  	_ =	swait.ge [sflag:s20], s0  }
0x2a: {  	s30 =	ssub.s32 $0x0, s0;
	v1 =	vmov s26;
	vm0 =	veq.s32 v0, $0x0;
	[sflag:s20] =	ssyncset.done $0x0  }
0x2b: {  	vm15 =	veq.s32 v0, $0x2;
	v1 =	vsel vm0, s31, v1;
	[sflag:s20] =	ssyncadd.s32 s30  }
0x2c: {  	v1 =	vsel vm15, s24, v1;
	[sflag:s20] =	ssyncpa.u1 $0x1  }
0x2d: {  	[tilespmem:$0xC808] =	vst v1  }
.LBB2_33:
0x2e: {  	s0 =	sadd.s32 $0x30, s22  }
0x2f: {  	s2 =	smov.u32 s11;
	p2 =	slt.s32 s0, s8  }
0x30: {  	s2 =	smov.u32 @p2 s0;
	p2 =	sne.s32 s23, s17  }
.Ltmp2:
0x31: {  	_ = 	snop;
	(pc) =	sbr.rel @!p2 .LBB2_34-.Ltmp2, $4  }
0x32: {  	_ = 	snop  }
0x33: {  	s24 =	smov.u32 s21  }
0x34: {  	s31 =	sadd.s32 $0x1, s23;
	s21 =	smov.u32 s22;
	p0 =	por !p0, !p0  }
0x35: {  	p1 =	por !p1, !p1;
	s23 =	smov.u32 s31;
	s22 =	smov.u32 s2  }
.LBB2_3:
0x36: {  	p2 =	sge.u32 s23, s13  }
0x37: {  	s0 =	smulhi.u32 @!p2 $0xAAAAAAAB, s23  }
0x38: {  	s2 =	smov.u32 s22;
	p3 =	sgt.s32 @!p2 s22, $0x27FD0  }
0x39: {  	s3 =	sshra.s32 @!p2 s22, $0x1F;
	p3 =	por !p3, p2;
	s0 =	sshrl.u32 @!p2 s0, $0x1  }
0x3a: {  	s3 =	sand.u32 @!p2 s3, s22;
	s2 =	simm.s32 @p3 $0x27FD0;
	s0 =	smul.u32 @!p2 $0x3, s0  }
0x3b: {  	s2 =	ssub.s32 @!p2 s2, s3  }
0x3c: {  	s2 =	sadd.s32 @!p2 $0xFFFD8030, s2;
	s0 =	ssub.s32 @!p2 s23, s0  }
0x3d: {  	s3 =	sshll.u32 @!p2 s2, $0x2;
	p3 =	sgt.s32 @!p2 s2, $0x2F;
	s0 =	smul.u32 @!p2 $0xC0, s0  }
0x3e: {  	s4 =	sand.u32 @!p2 $0x7, s22;
	s2 =	ssub.s32 @!p2 $0xC0, s3;
	p3 =	por !p3, p2  }
0x3f: {  	s3 =	sshrl.u32 @!p2 s22, $0x3;
	s2 =	sshrl.u32 @!p2 s2, $0x2;
	s0 =	sshrl.u32 @!p2 s0, $0x2  }
0x40: {  	s3 =	sadd.s32 @!p2 s3, s14;
	s2 =	simm.s32 @!p3 $0x0;
	s0 =	sadd.s32 @!p2 $0x10848, s0  }
0x41: {  	[tilespmem:s0], [sflag:$0xA] =	stream.linear.gather @!p2 [hbm4b:s3+s4], s2, $0x38;
	[tilespmem:$0x1C938] =	vst v63  }
0x42: {  	s2 =	sadd.s32 $0xFFFFFFFF, s23  }
0x43: {  	p2 =	sge.u32 s2, s13  }
0x44: {  	p3 =	sgt.s32 @!p2 s21, $0x27FD0  }
0x45: {  	s0 =	smov.u32 s21;
	s3 =	sshra.s32 @!p2 s21, $0x1F;
	p3 =	por !p3, p2  }
0x46: {  	s3 =	sand.u32 @!p2 s3, s21;
	s0 =	simm.s32 @p3 $0x27FD0  }
0x47: {  	s0 =	ssub.s32 @!p2 s0, s3  }
0x48: {  	s0 =	sadd.s32 @!p2 $0xFFFD8030, s0  }
0x49: {  	s3 =	sshll.u32 @!p2 s0, $0x2  }
0x4a: {  	p3 =	sgt.s32 @!p2 s0, $0x2F;
	s0 =	ssub.s32 @!p2 $0xC0, s3  }
0x4b: {  	p3 =	por !p3, p2;
	s0 =	sshrl.u32 @!p2 s0, $0x2  }
0x4c: {  	s4 =	simm.s32 @!p2 $0xA;
	s3 =	sand.u32 @!p2 $0x1, s2;
	s0 =	simm.s32 @!p3 $0x0  }
0x4d: {  	s3 =	smul.u32 @!p2 $0xC0, s3;
	_ =	swait.ge @!p2 [sflag:s4], s0  }
0x4e: {  	s5 =	ssub.s32 @!p2 $0x0, s0;
	[sflag:s4] =	ssyncset.done @!p2 $0x0  }
0x4f: {  	s3 =	sshrl.u32 @!p2 s3, $0x2;
	[sflag:s4] =	ssyncadd.s32 @!p2 s5;
	s4 =	sshrl.u32 @!p2 s21, $0x3  }
0x50: {  	s3 =	sadd.s32 @!p2 $0x108D8, s3;
	s5 =	sand.u32 @!p2 $0x7, s21;
	s4 =	sadd.s32 @!p2 s4, s15  }
0x51: {  	[tilespmem:s3], [sflag:$0xB] =	stream.linear.gather @!p2 [hbm4b:s4+s5], s0, $0x38;
	[tilespmem:$0x1C938] =	vst v63  }
0x52: {  	s0 =	ssub.s32 @!p2 $0x28000, s21  }
0x53: {  	p3 =	slt.s32 @!p2 s0, $0x1  }
0x54: {  	p3 =	por p2, p3  }
.Ltmp3:
0x55: {  	_ = 	snop;
	(pc) =	sbr.rel @p3 .LBB2_9-.Ltmp3, $1  }
0x56: {  	_ =	sdelay $0x3  }
0x57: {  	s3 =	smulhi.u32 $0xAAAAAAAB, s2;
	_ =	sdelay $0x1  }
0x58: {  	s3 =	sshrl.u32 s3, $0x1  }
0x59: {  	s3 =	smul.u32 $0x3, s3;
	_ =	sdelay $0x1  }
0x5a: {  	s29 =	ssub.s32 s2, s3  }
0x5b: {  	s4 =	simm.s32 $0x1;
	s2 =	smul.u32 $0xC0, s29  }
.Ltmp4:
0x5c: {  	s4 =	simm.s32 @!p0 $0x0;
	(pc) =	sbr.rel .LBB2_6-.Ltmp4, $4  }
0x5d: {  	s30 =	smul.u32 $0x18000, s4  }
0x5e: {  	p3 =	slt.s32 @!p2 s0, $0x30;
	s2 =	sshrl.u32 s2, $0x2  }
0x5f: {  	p2 =	por !p3, p2;
	s3 =	sshrl.u32 s30, $0x2;
	s31 =	sadd.s32 $0x10848, s2  }
0x60: {  	s0 =	simm.s32 @p2 $0x30;
	s2 =	sor.u32 $0x10938, s3;
	s3 =	simm.s32 $0x0;
	v1 =	vmov s31  }
.LBB2_5:
0x61: {  	p2 =	sge.s32 s3, s0  }
.Ltmp5:
0x62: {  	_ = 	snop;
	(pc) =	sbr.rel @p2 .LBB2_9-.Ltmp5, $2  }
0x63: {  	_ =	sdelay $0x2  }
0x64: {  	s2 =	sadd.s32 $0x2000, s2  }
.LBB2_6:
0x65: {  	p2 =	sle.s32 s0, s3  }
.Ltmp6:
0x66: {  	_ = 	snop;
	(pc) =	sbr.rel @p2 .LBB2_5-.Ltmp6, $2  }
0x67: {  	_ =	sdelay $0x2  }
0x68: {  	s4 =	smov.u32 s3;
	s3 =	sadd.s32 $0x10, s3  }
0x69: {  	s5 =	ssub.s32 s0, s4  }
0x6a: {  	p2 =	slt.s32 s5, $0x10  }
0x6b: {  	s5 =	simm.s32 @!p2 $0x10  }
0x6c: {  	v2 =	vmov s5  }
0x6d: {  	vm0 =	vgt.s32 v2, v0;
	_ =	sdelay $0x5  }
0x6e: {  	v2 =	vld.idx.msk [tilespmem:v1+s4+$0x0 ss:$0x1], vm0;
	_ =	sdelay $0x2  }
0x6f: {  	p2 =	slt.s32 s3, s0;
	s5 =	smov.u32 s0  }
0x70: {  	s9 =	smov.u32 s2;
	s25 =	simm.s32 $0x0;
	s5 =	smov.u32 @p2 s3  }
.LBB2_8:
0x71: {  	(v2sf) =	vpush v2, s25;
	_ =	sdelay $0xe  }
0x72: {  	s25 =	sadd.s32 $0x1, s25;
	s10 =	spop (v2sf)  }
0x73: {  	s31 =	sadd.s32 s25, s4;
	s26 =	sshll.u32 s10, $0x9;
	s10 =	sshll.u32 s10, $0x7  }
0x74: {  	p2 =	slt.s32 s31, s5;
	s26 =	sand.u32 $0xFFFFF000, s26;
	s10 =	sand.u32 $0x380, s10  }
.Ltmp7:
0x75: {  	s10 =	sor.u32 s10, s26;
	(pc) =	sbr.rel @p2 .LBB2_8-.Ltmp7, $4  }
0x76: {  	s10 =	sshrl.u32 s10, $0x3  }
0x77: {  	s10 =	sadd.s32 s6, s10  }
0x78: {  	[tilespmem:s9], [sflag:$0x9] =	stream.strided.gather [hbm4b:s10+s18], $0x200, s19, s18, $0x38;
	[tilespmem:$0x1C938] =	vst v63  }
0x79: {  	s9 =	sadd.s32 $0x200, s9  }
.Ltmp8:
0x7a: {  	_ = 	snop;
	(pc) =	sbr.rel .LBB2_5-.Ltmp8, $1  }
0x7b: {  	_ =	sdelay $0x3  }
.LBB2_9:
0x7c: {  	p2 =	slt.u32 s23, $0x2  }
.Ltmp9:
0x7d: {  	_ = 	snop;
	(pc) =	sbr.rel @p2 .LBB2_33-.Ltmp9, $1  }
0x7e: {  	_ =	sdelay $0x3  }
0x7f: {  	p2 =	sgt.s32 s24, $0x27FD0  }
0x80: {  	s0 =	smov.u32 s24;
	s2 =	sshra.s32 s24, $0x1F;
	s3 =	ssub.s32 $0x28000, s24  }
0x81: {  	s0 =	simm.s32 @!p2 $0x27FD0;
	s2 =	sand.u32 s2, s24;
	p2 =	slt.s32 s3, $0x30  }
0x82: {  	s0 =	ssub.s32 s0, s2;
	s3 =	simm.s32 @!p2 $0x30  }
0x83: {  	s0 =	sadd.s32 $0xFFFD8030, s0;
	s25 =	sshll.u32 s3, $0x9  }
0x84: {  	s29 =	simm.s32 $0x9;
	s26 =	sshll.u32 s0, $0x2;
	s2 =	sand.u32 $0x3FFFFE00, s25  }
0x85: {  	p2 =	sgt.s32 s0, $0x2F;
	s28 =	ssub.s32 $0xC0, s26;
	_ =	swait.ge [sflag:s29], s2  }
0x86: {  	s2 =	ssub.s32 $0x0, s2;
	[sflag:s29] =	ssyncset.done $0x0;
	s0 =	sshrl.u32 s28, $0x2  }
0x87: {  	s30 =	simm.s32 $0xB;
	[sflag:s29] =	ssyncadd.s32 s2;
	s0 =	simm.s32 @p2 $0x0  }
0x88: {  	_ =	swait.ge [sflag:s30], s0  }
0x89: {  	s0 =	ssub.s32 $0x0, s0;
	[sflag:s30] =	ssyncset.done $0x0  }
0x8a: {  	[sflag:s30] =	ssyncadd.s32 s0  }
0x8b: {  	v1 =	vld [tilespmem:$0xC808];
	_ =	sdelay $0x4  }
0x8c: {  	(v2sf) =	vpush v1, $0x0  }
0x8d: {  	(v2sf) =	vpush v1, $0x1  }
0x8e: {  	(v2sf) =	vpush v1, $0x2;
	_ =	sdelay $0x3  }
0x8f: {  	s2 =	sadd.s32 $0x30, s24  }
0x90: {  	s3 =	ssub.s32 $0x50000, s24;
	p2 =	slt.s32 s8, s2  }
0x91: {  	s2 =	smov.u32 @p2 s8;
	p2 =	sgt.s32 s3, $0x0  }
0x92: {  	s25 =	ssub.s32 s2, s24;
	s3 =	simm.s32 @!p2 $0x0  }
0x93: {  	p2 =	slt.s32 s3, s25  }
0x94: {  	s25 =	smov.u32 @p2 s3  }
0x95: {  	s0 =	simm.s32 $0x1;
	p2 =	slt.s32 s25, $0x1  }
.Ltmp10:
0x96: {  	s0 =	simm.s32 @!p1 $0x0;
	(pc) =	sbr.rel @p2 .LBB2_14-.Ltmp10, $4  }
0x97: {  	s4 =	smul.u32 $0xC0, s0  }
0x98: {  	s2 =	spop (v2sf)  }
0x99: {  	s31 =	sshrl.u32 s4, $0x2;
	s5 =	spop (v2sf)  }
0x9a: {  	s4 =	sadd.s32 $0x108D8, s31;
	s24 =	spop (v2sf)  }
0x9b: {  	s3 =	smin.u32 s25, $0x10  }
0x9c: {  	v1 =	vmov s3  }
0x9d: {  	vm1 =	vgt.u32 v1, v0  }
0x9e: {  	p3 =	sgt.s32 s25, $0x10  }
.Ltmp11:
0x9f: {  	_ = 	snop;
	(pc) =	sbr.rel @!p3 .LBB2_13-.Ltmp11, $2  }
0xa0: {  	_ =	sdelay $0x2  }
0xa1: {  	s9 =	simm.s32 $0x10;
	s26 =	sadd.s32 $0xFFFFFFF0, s25;
	s3 =	smov.u32 s4;
	vm0 =	vmmov vm1;
	v1 =	vld.msk [tilespmem:s4+$0x0 ss:$0x1], vm1  }
.LBB2_12:
0xa2: {  	s10 =	smin.u32 s26, $0x10;
	s9 =	sadd.s32 $0x10, s9  }
0xa3: {  	v2 =	vmov s10;
	p3 =	slt.s32 s9, s25  }
0xa4: {  	vm1 =	vgt.u32 v2, v0;
	_ =	sdelay $0x1  }
0xa5: {  	v2 =	vshll.u32 v1, $0x6;
	v1 =	vshll.u32 v1, $0x4  }
.Ltmp12:
0xa6: {  	v2 =	vand.u32 $0xFFFFFE00, v2;
	v1 =	vand.u32 $0x70, v1;
	(pc) =	sbr.rel @p3 .LBB2_12-.Ltmp12, $4  }
0xa7: {  	v1 =	vor.u32 v1, v2  }
0xa8: {  	[tilespmem:s3+$0x0] =	vst.msk vm0, v1;
	s3 =	sadd.s32 $0x10, s3;
	vm0 =	vmmov vm1  }
0xa9: {  	v1 =	vld.msk [tilespmem:s3+$0x0 ss:$0x1], vm1  }
0xaa: {  	s26 =	sadd.s32 $0xFFFFFFF0, s26  }
.LBB2_13:
0xab: {  	_ =	sdelay $0x3  }
0xac: {  	v2 =	vshll.u32 v1, $0x6;
	v1 =	vshll.u32 v1, $0x4  }
0xad: {  	v2 =	vand.u32 $0xFFFFFE00, v2;
	v1 =	vand.u32 $0x70, v1  }
0xae: {  	v1 =	vor.u32 v1, v2  }
0xaf: {  	[tilespmem:s3+$0x0] =	vst.msk vm0, v1  }
.LBB2_14:
0xb0: {  	s3 =	sand.u32 $0x1, s23  }
0xb1: {  	s3 =	smul.u32 $0x30, s3  }
0xb2: {  	p3 =	sne.s32 s5, $0xFFFFFFFF  }
0xb3: {  	v1 =	vld.msk @!p3 [tilespmem:s3+$0x108D8], $0x1;
	_ =	sdelay $0x4  }
0xb4: {  	(v2sf) =	vpush @!p3 v1, $0x0;
	_ =	sdelay $0xc  }
.Ltmp13:
0xb5: {  	_ = 	snop;
	(pc) =	sbr.rel @p2 .LBB2_31-.Ltmp13, $4  }
0xb6: {  	_ = 	snop  }
0xb7: {  	s30 =	spop @!p3 (v2sf)  }
0xb8: {  	s24 =	simm.s32 @!p3 $0x0;
	s26 =	smov.u32 s30  }
0xb9: {  	[sflag:s20] =	ssyncpa.u1 $0x0;
	s30 =	smov.u32 @p3 s2;
	s26 =	smov.u32 @p3 s5  }
0xba: {  	v1 =	vld.msk [tilespmem:s4+$0x0], $0x1;
	_ =	sdelay $0x4  }
0xbb: {  	(v2sf) =	vpush v1, $0x0;
	_ =	sdelay $0xd  }
0xbc: {  	s0 =	smul.u32 $0x18000, s0  }
0xbd: {  	s13 =	smov.u32 s8;
	s8 =	smov.u32 s11;
	s5 =	spop (v2sf)  }
0xbe: {  	s2 =	ssub.s32 $0x0, s25;
	s0 =	sshrl.u32 s0, $0x2;
	p2 =	seq.s32 s30, s5  }
0xbf: {  	s29 =	simm.s32 $0x0;
	s28 =	sor.u32 $0x10938, s0;
	p3 =	sgt.s32 @!p2 s30, $0x0  }
0xc0: {  	s0 =	sadd.s32 $0x108D8, s3;
	s3 =	smov.u32 s30;
	p3 =	por !p3, p2  }
0xc1: {  	s4 =	sadd.s32 $0x1, s4;
	s31 =	sadd.s32 $0x1, s2;
	s3 =	simm.s32 @p3 $0x0  }
0xc2: {  	s2 =	simm.s32 @!p2 $0x1;
	s9 =	simm.s32 @!p2 $0x6608;
	s10 =	smin.u32 @!p2 s3, $0x9FE70  }
0xc3: {  	p3 =	seq.s32 s31, $0x0;
	s3 =	sand.u32 @!p2 $0xFFFF8, s10;
	s11 =	sadd.s32 @!p2 $0x80, s10  }
0xc4: {  	s14 =	sadd.s32 @!p2 $0x100, s10;
	s15 =	sadd.s32 @!p2 s1, s3;
	s3 =	sand.u32 @!p2 $0x7, s10  }
0xc5: {  	s11 =	sand.u32 @!p2 $0x1FFFF8, s11;
	s14 =	sand.u32 @!p2 $0x1FFFF8, s14;
	s10 =	sadd.s32 @!p2 $0x180, s10  }
0xc6: {  	[tilespmem:s9], [sflag:$0x2] =	stream.linear.gather @!p2 [hbm4b:s15+s3], $0x80, $0x38;
	[tilespmem:$0x1C938] =	vst v63  }
.Ltmp14:
0xc7: {  	s9 =	simm.s32 @!p2 $0x6688;
	s11 =	sadd.s32 @!p2 s1, s11;
	(pc) =	sbr.rel @p3 .LBB2_17-.Ltmp14, $4  }
0xc8: {  	[tilespmem:s9], [sflag:$0x2] =	stream.linear.gather @!p2 [hbm4b:s11+s3], $0x80, $0x38;
	[tilespmem:$0x1C938] =	vst v63  }
0xc9: {  	s10 =	sand.u32 @!p2 $0x1FFFF8, s10;
	s9 =	simm.s32 @!p2 $0x6708;
	s11 =	sadd.s32 @!p2 s1, s14  }
0xca: {  	[tilespmem:s9], [sflag:$0x2] =	stream.linear.gather @!p2 [hbm4b:s11+s3], $0x80, $0x38;
	[tilespmem:$0x1C938] =	vst v63  }
0xcb: {  	s2 =	smov.u32 @p2 s29;
	s10 =	sadd.s32 @!p2 s1, s10;
	s9 =	simm.s32 @!p2 $0x6788  }
.LBB2_16:
0xcc: {  	s11 =	smov.u32 s2  }
0xcd: {  	[tilespmem:s9], [sflag:$0x2] =	stream.linear.gather @!p2 [hbm4b:s10+s3], $0x80, $0x38;
	[tilespmem:$0x1C938] =	vst v63  }
0xce: {  	s31 =	sadd.s32 $0x1, s31;
	s3 =	smov.u32 s5  }
0xcf: {  	p3 =	seq.s32 s31, $0x0;
	v1 =	vld.msk [tilespmem:s4+$0x0], $0x1;
	_ =	sdelay $0x4  }
0xd0: {  	(v2sf) =	vpush v1, $0x0;
	_ =	sdelay $0xe  }
0xd1: {  	s5 =	spop (v2sf)  }
0xd2: {  	p2 =	seq.s32 s3, s5  }
0xd3: {  	p4 =	sgt.s32 @!p2 s3, $0x0  }
0xd4: {  	s9 =	sshll.u32 @!p2 s2, $0xB;
	s2 =	sadd.s32 @!p2 $0x1, s2;
	p4 =	por !p4, p2  }
0xd5: {  	s9 =	sshra.s32 @!p2 s9, $0x2;
	s2 =	smov.u32 @p2 s11;
	s3 =	simm.s32 @p4 $0x0  }
0xd6: {  	s10 =	sadd.s32 @!p2 $0x6608, s9;
	s11 =	sadd.s32 @!p2 $0x6688, s9;
	s14 =	smin.u32 @!p2 s3, $0x9FE70  }
0xd7: {  	s15 =	sadd.s32 @!p2 $0x6708, s9;
	s9 =	sadd.s32 @!p2 $0x6788, s9;
	s3 =	sand.u32 @!p2 $0xFFFF8, s14  }
0xd8: {  	s17 =	sadd.s32 @!p2 $0x80, s14;
	s7 =	sadd.s32 @!p2 $0x100, s14;
	s20 =	sadd.s32 @!p2 s1, s3  }
0xd9: {  	s3 =	sand.u32 @!p2 $0x7, s14;
	s17 =	sand.u32 @!p2 $0x1FFFF8, s17;
	s7 =	sand.u32 @!p2 $0x1FFFF8, s7  }
0xda: {  	[tilespmem:s10], [sflag:$0x2] =	stream.linear.gather @!p2 [hbm4b:s20+s3], $0x80, $0x38;
	[tilespmem:$0x1C938] =	vst v63  }
.Ltmp15:
0xdb: {  	s14 =	sadd.s32 @!p2 $0x180, s14;
	s10 =	sadd.s32 @!p2 s1, s17;
	(pc) =	sbr.rel @!p3 .LBB2_16-.Ltmp15, $4  }
0xdc: {  	[tilespmem:s11], [sflag:$0x2] =	stream.linear.gather @!p2 [hbm4b:s10+s3], $0x80, $0x38;
	[tilespmem:$0x1C938] =	vst v63  }
0xdd: {  	s7 =	sadd.s32 @!p2 s1, s7;
	s10 =	sand.u32 @!p2 $0x1FFFF8, s14  }
0xde: {  	[tilespmem:s15], [sflag:$0x2] =	stream.linear.gather @!p2 [hbm4b:s7+s3], $0x80, $0x38;
	[tilespmem:$0x1C938] =	vst v63  }
0xdf: {  	s4 =	sadd.s32 $0x1, s4;
	s10 =	sadd.s32 @!p2 s1, s10  }
.LBB2_17:
0xe0: {  	[tilespmem:s9], [sflag:$0x2] =	stream.linear.gather @!p2 [hbm4b:s10+s3], $0x80, $0x38;
	[tilespmem:$0x1C938] =	vst v63  }
0xe1: {  	s2 =	sshll.u32 s2, $0x9  }
0xe2: {  	s31 =	simm.s32 $0x2;
	s2 =	sand.u32 $0x3FFFFE00, s2  }
.Ltmp16:
0xe3: {  	_ =	swait.ge [sflag:s31], s2;
	(pc) =	sbr.rel .LBB2_18-.Ltmp16, $4  }
0xe4: {  	s11 =	smov.u32 s8;
	s8 =	smov.u32 s13;
	s13 =	rddreg [dreg:$0x5]  }
0xe5: {  	v1 =	vmov s0;
	s0 =	simm.s32 $0x0;
	s4 =	simm.s32 $0x0;
	s14 =	rddreg [dreg:$0x6]  }
0xe6: {  	s2 =	ssub.s32 $0x0, s2;
	[sflag:s31] =	ssyncset.done $0x0;
	s15 =	rddreg [dreg:$0x7]  }
0xe7: {  	s20 =	simm.s32 $0xC;
	s17 =	rddreg [dreg:$0x8];
	[sflag:s31] =	ssyncadd.s32 s2  }
.LBB2_28:
0xe8: {  	[tilespmem:s2+$0x0] =	vst v2;
	s29 =	sadd.s32 $0x1, s29  }
.LBB2_29:
0xe9: {  	s4 =	sadd.s32 $0x1, s4  }
0xea: {  	p2 =	sne.s32 s4, s25  }
.Ltmp17:
0xeb: {  	_ = 	snop;
	(pc) =	sbr.rel @!p2 .LBB2_30-.Ltmp17, $2  }
0xec: {  	_ =	sdelay $0x2  }
0xed: {  	s28 =	sadd.s32 $0x200, s28;
	s30 =	smov.u32 s31  }
.LBB2_18:
0xee: {  	_ =	sdelay $0x3  }
0xef: {  	v2 =	vld.idx.msk [tilespmem:v1+s4+$0x0 ss:$0x1], $0x1;
	_ =	sdelay $0x4  }
0xf0: {  	(v2sf) =	vpush v2, $0x0;
	_ =	sdelay $0xe  }
0xf1: {  	s31 =	spop (v2sf)  }
0xf2: {  	p2 =	sne.s32 s30, s31  }
.Ltmp18:
0xf3: {  	_ = 	snop;
	(pc) =	sbr.rel @p2 .LBB2_22-.Ltmp18, $3  }
0xf4: {  	_ =	sdelay $0x1  }
0xf5: {  	s2 =	sshll.u32 s24, $0xB  }
0xf6: {  	s2 =	sshra.s32 s2, $0x2  }
0xf7: {  	s2 =	sadd.s32 $0x408, s2;
	s3 =	simm.s32 $0x0;
	v2 =	vld [tilespmem:s28+$0x0];
	s5 =	smov.u32 s28  }
.LBB2_20:
0xf8: {  	s3 =	sadd.s32 $0x10, s3  }
0xf9: {  	p2 =	slt.u32 s3, $0x1F0  }
.Ltmp19:
0xfa: {  	_ = 	snop;
	(pc) =	sbr.rel @p2 .LBB2_20-.Ltmp19, $3  }
0xfb: {  	_ =	sdelay $0x1  }
0xfc: {  	s5 =	sadd.s32 $0x10, s5;
	[tilespmem:s2+$0x0] =	vst.add.f32.msk $0xffff, v2;
	s2 =	sadd.s32 $0x10, s2  }
0xfd: {  	v2 =	vld [tilespmem:s5+$0x0]  }
.Ltmp20:
0xfe: {  	_ = 	snop;
	(pc) =	sbr.rel .LBB2_29-.Ltmp20, $2  }
0xff: {  	_ =	sdelay $0x2  }
0x100: {  	[tilespmem:s2+$0x0] =	vst.add.f32.msk $0xffff, v2  }
.LBB2_22:
0x101: {  	p2 =	seq.s32 s30, s26  }
.Ltmp21:
0x102: {  	_ = 	snop;
	(pc) =	sbr.rel @!p2 .LBB2_23-.Ltmp21, $1  }
0x103: {  	_ =	sdelay $0x3  }
.Ltmp22:
0x104: {  	s2 =	sadd.s32 $0x408, s2;
	(pc) =	sbr.rel .LBB2_26-.Ltmp22, $4  }
0x105: {  	[spmem:s16] =	stream.linear.scatter [tilespmem:s2], [sflag:$0x1], $0x200, $0x38;
	[tilespmem:$0x1C938] =	vst v63  }
0x106: {  	_ =	swait.ge [sflag:s12], $0x200  }
0x107: {  	[sflag:s12] =	ssyncset.done $0x0  }
0x108: {  	[sflag:s12] =	ssyncadd.s32 $0xFFFFFE00  }
.LBB2_23:
0x109: {  	s3 =	sshll.u32 s29, $0xB  }
0x10a: {  	s3 =	sshra.s32 s3, $0x2  }
0x10b: {  	s5 =	sadd.s32 $0x6608, s3;
	s3 =	sadd.s32 $0x408, s2  }
0x10c: {  	s10 =	simm.s32 $0x0;
	v2 =	vld [tilespmem:s5+$0x0];
	s9 =	smov.u32 s3  }
.LBB2_24:
0x10d: {  	s10 =	sadd.s32 $0x10, s10  }
0x10e: {  	p2 =	slt.u32 s10, $0x1F0  }
.Ltmp23:
0x10f: {  	_ = 	snop;
	(pc) =	sbr.rel @p2 .LBB2_24-.Ltmp23, $3  }
0x110: {  	_ =	sdelay $0x1  }
0x111: {  	s5 =	sadd.s32 $0x10, s5;
	[tilespmem:s9+$0x0] =	vst.add.f32.msk $0xffff, v2;
	s9 =	sadd.s32 $0x10, s9  }
0x112: {  	v2 =	vld [tilespmem:s5+$0x0]  }
0x113: {  	_ =	sdelay $0x1  }
0x114: {  	p2 =	sgt.u32 s30, $0x9FE70  }
0x115: {  	s5 =	sand.u32 @!p2 $0xFFFF8, s30  }
0x116: {  	s7 =	sand.u32 @!p2 $0x7, s30;
	s5 =	sadd.s32 @!p2 s1, s5;
	[tilespmem:s9+$0x0] =	vst.add.f32.msk $0xffff, v2  }
0x117: {  	[hbm4b:s5+s7] =	stream.linear.scatter @!p2 [tilespmem:s3], [sflag:$0xC], $0x80, $0x38;
	[tilespmem:$0x1C938] =	vst v63  }
0x118: {  	s3 =	sadd.s32 @!p2 $0x80, s30  }
0x119: {  	s3 =	sand.u32 @!p2 $0x1FFFF8, s3  }
0x11a: {  	s5 =	sadd.s32 @!p2 $0x488, s2;
	s3 =	sadd.s32 @!p2 s1, s3  }
0x11b: {  	[hbm4b:s3+s7] =	stream.linear.scatter @!p2 [tilespmem:s5], [sflag:$0xC], $0x80, $0x38;
	[tilespmem:$0x1C938] =	vst v63  }
0x11c: {  	s3 =	sadd.s32 @!p2 $0x100, s30  }
0x11d: {  	s3 =	sand.u32 @!p2 $0x1FFFF8, s3  }
0x11e: {  	s5 =	sadd.s32 @!p2 $0x508, s2;
	s3 =	sadd.s32 @!p2 s1, s3  }
0x11f: {  	[hbm4b:s3+s7] =	stream.linear.scatter @!p2 [tilespmem:s5], [sflag:$0xC], $0x80, $0x38;
	[tilespmem:$0x1C938] =	vst v63  }
0x120: {  	s3 =	sadd.s32 @!p2 $0x180, s30;
	s5 =	simm.s32 $0x0  }
0x121: {  	s3 =	sand.u32 @!p2 $0x1FFFF8, s3;
	s5 =	simm.s32 @!p2 $0x800  }
0x122: {  	s2 =	sadd.s32 @!p2 $0x588, s2;
	s3 =	sadd.s32 @!p2 s1, s3;
	s0 =	sadd.s32 s5, s0  }
0x123: {  	[hbm4b:s3+s7] =	stream.linear.scatter @!p2 [tilespmem:s2], [sflag:$0xC], $0x80, $0x38;
	[tilespmem:$0x1C938] =	vst v63  }
.LBB2_26:
0x124: {  	s2 =	sadd.s32 $0x1, s24  }
0x125: {  	s3 =	smulhi.u32 $0xAAAAAAAB, s2;
	_ =	sdelay $0x1  }
0x126: {  	s3 =	sshrl.u32 s3, $0x5  }
0x127: {  	s3 =	smul.u32 $0x30, s3;
	_ =	sdelay $0x1  }
0x128: {  	s24 =	ssub.s32 s2, s3  }
0x129: {  	s2 =	sshll.u32 s24, $0x9  }
0x12a: {  	v2 =	vld [tilespmem:s28+$0x0];
	s5 =	smov.u32 s28;
	s3 =	simm.s32 $0x0;
	s2 =	sadd.s32 $0x408, s2  }
.LBB2_27:
0x12b: {  	s3 =	sadd.s32 $0x10, s3  }
0x12c: {  	p2 =	slt.u32 s3, $0x1F0  }
.Ltmp24:
0x12d: {  	_ = 	snop;
	(pc) =	sbr.rel @p2 .LBB2_27-.Ltmp24, $3  }
0x12e: {  	_ =	sdelay $0x1  }
0x12f: {  	[tilespmem:s2+$0x0] =	vst v2;
	s2 =	sadd.s32 $0x10, s2;
	s5 =	sadd.s32 $0x10, s5  }
0x130: {  	v2 =	vld [tilespmem:s5+$0x0]  }
.Ltmp25:
0x131: {  	_ = 	snop;
	(pc) =	sbr.rel .LBB2_28-.Ltmp25, $1  }
0x132: {  	_ =	sdelay $0x3  }
.LBB2_31:
.Ltmp26:
0x133: {  	(pc) =	sbr.rel .LBB2_32-.Ltmp26, $4  }
0x134: {  	_ = 	snop  }
0x135: {  	s0 =	simm.s32 $0x2  }
0x136: {  	_ =	swait.ge [sflag:s0], $0x0  }
0x137: {  	s31 =	smov.u32 s30;
	[sflag:s0] =	ssyncset.done $0x0;
	s0 =	simm.s32 $0x0  }
.LBB2_34:
0x138: {  	_ =	sfence.sel $0x180000  }
0x139: {  	s0 =	simm.s32 $0x9;
	[bflag:$0x0] =	sbarrier.arrive $0xFFFF  }
0x13a: {  	s24 =	simm.s32 $0xA;
	[sflag:s0] =	ssyncpa.u1 $0x1  }
0x13b: {  	s25 =	simm.s32 $0xB;
	[sflag:s24] =	ssyncpa.u1 $0x1  }
0x13c: {  	s26 =	simm.s32 $0x2;
	[sflag:s25] =	ssyncpa.u1 $0x1  }
0x13d: {  	[sflag:s26] =	ssyncpa.u1 $0x1  }
0x13e: {  	v0 =	vld [tilespmem:$0xC808];
	_ =	sdelay $0x4  }
0x13f: {  	(v2sf) =	vpush v0, $0x0  }
0x140: {  	(v2sf) =	vpush v0, $0x1;
	_ =	sdelay $0x1  }
0x141: {  	(v2sf) =	vpush v0, $0x2;
	_ =	sdelay $0xb  }
0x142: {  	s0 =	spop (v2sf)  }
0x143: {  	s2 =	spop (v2sf)  }
0x144: {  	s3 =	smov.u32 s0;
	p0 =	sne.s32 s0, s2  }
0x145: {  	s4 =	spop (v2sf);
	s3 =	simm.s32 @!p0 $0xFFFFFFFF  }
0x146: {  	v2 =	vimm.s32 $0x1;
	v3 =	vlaneseq.u32;
	p0 =	seq.s32 s4, $0xFFFFFFFF;
	v1 =	vmov s3  }
0x147: {  	s17 =	stileid.u32;
	v0 =	vperm.xlane v0, v2;
	p1 =	sne.s32 @!p0 s0, s2;
	v1 =	vperm.xlane v1, v3  }
0x148: {  	vm0 =	vcmask $0x3F04;
	s6 =	simm.s32 $0xC808;
	s0 =	simm.s32 @!p0 $0x1;
	p1 =	por !p1, p0  }
0x149: {  	s3 =	sshll.u32 s17, $0x1;
	s2 =	sshll.u32 @!p0 s4, $0xB;
	s0 =	simm.s32 @p1 $0x0;
	v0 =	vsel vm0, v1, v0  }
0x14a: {  	s5 =	sor.u32 $0x4000, s3;
	s2 =	sshra.s32 @!p0 s2, $0x2;
	s0 =	sor.u32 @!p0 s0, s3;
	[tilespmem:$0xC808] =	vst v0  }
0x14b: {  	[spmem:s5] =	stream.linear.scatter [tilespmem:s6], [sflag:$0x1], $0x2, $0x38;
	[tilespmem:$0x1C938] =	vst v63  }
0x14c: {  	s2 =	sadd.s32 @!p0 $0x408, s2;
	s0 =	sshll.u32 @!p0 s0, $0x9  }
0x14d: {  	[spmem:s0] =	stream.linear.scatter @!p0 [tilespmem:s2], [sflag:$0x1], $0x200, $0x38;
	[tilespmem:$0x1C938] =	vst v63  }
0x14e: {  	s0 =	simm.s32 @!p0 $0x202  }
0x14f: {  	s28 =	simm.s32 $0x1;
	s0 =	simm.s32 @p0 $0x2  }
0x150: {  	_ =	swait.ge [sflag:s28], s0  }
0x151: {  	s0 =	ssub.s32 $0x0, s0;
	[sflag:s28] =	ssyncset.done $0x0  }
0x152: {  	p0 =	sne.s32 s17, $0x0;
	[sflag:s28] =	ssyncadd.s32 s0  }
.Ltmp27:
0x153: {  	_ =	sfence.stream.spmem;
	(pc) =	sbr.rel @p0 .LBB2_59-.Ltmp27, $4  }
0x154: {  	s29 =	simm.s32 $0x3;
	[bflag:$0x0] =	sbarrier.arrive $0xFFFF  }
0x155: {  	s30 =	simm.s32 $0x4;
	[sflag:s29] =	ssyncpa.u1 $0x1  }
0x156: {  	s31 =	simm.s32 $0x3C;
	[sflag:s30] =	ssyncpa.u1 $0x1  }
0x157: {  	s16 =	rddreg [dreg:$0x4];
	[sflag:s31] =	ssyncpa.u1 $0x1  }
0x158: {  	_ =	sfence.stream.spmem;
	s0 =	simm.s32 $0x5  }
0x159: {  	s2 =	simm.s32 $0x4000;
	s3 =	simm.s32 $0xC818;
	[sflag:s0] =	ssyncpa.u1 $0x0  }
0x15a: {  	[tilespmem:s3], [sflag:$0x5] =	stream.linear.gather [spmem:s2], $0x20, $0x38;
	[tilespmem:$0x1C938] =	vst v63  }
0x15b: {  	s26 =	simm.s32 $0x0;
	s28 =	simm.s32 $0xC838  }
0x15c: {  	[tilespmem:s28], [sflag:$0x5] =	stream.linear.gather [spmem:s26], $0x4000, $0x38;
	[tilespmem:$0x1C938] =	vst v63  }
0x15d: {  	_ =	swait.ge [sflag:s0], $0x4020  }
0x15e: {  	[sflag:s0] =	ssyncset.done $0x0  }
0x15f: {  	s29 =	simm.s32 $0x0;
	[sflag:s0] =	ssyncadd.s32 $0xFFFFBFE0  }
0x160: {  	v0 =	vld.msk [tilespmem:s29+$0xC818], $0x1;
	_ =	sdelay $0x1  }
0x161: {  	s30 =	simm.s32 $0x1  }
0x162: {  	v1 =	vld.msk [tilespmem:s30+$0xC818], $0x1;
	_ =	sdelay $0x1  }
0x163: {  	(v2sf) =	vpush v0, $0x0;
	_ =	sdelay $0x2  }
0x164: {  	(v2sf) =	vpush v1, $0x0;
	_ =	sdelay $0x2  }
0x165: {  	s31 =	simm.s32 $0x2  }
0x166: {  	v0 =	vld.msk [tilespmem:s31+$0xC818], $0x1;
	_ =	sdelay $0x2  }
0x167: {  	s2 =	simm.s32 $0xFFFFFFFF;
	s3 =	simm.s32 $0xFFFFFFFF;
	s0 =	simm.s32 $0xC  }
.LBB2_36:
0x168: {  	s4 =	smov.u32 s3;
	s5 =	smov.u32 s2  }
0x169: {  	s2 =	sshra.s32 s0, $0x2;
	p1 =	sne.s32 s0, $0x7C;
	s0 =	sadd.s32 $0x4, s0;
	(v2sf) =	vpush v0, $0x0  }
0x16a: {  	v0 =	vld.msk [tilespmem:s2+$0xC818], $0x1  }
.Ltmp28:
0x16b: {  	(pc) =	sbr.rel @p1 .LBB2_36-.Ltmp28, $4  }
0x16c: {  	s3 =	spop (v2sf)  }
0x16d: {  	p2 =	sne.s32 s5, $0xFFFFFFFF;
	s2 =	smov.u32 s3  }
0x16e: {  	p3 =	seq.s32 s3, $0xFFFFFFFF;
	s2 =	smov.u32 @p2 s5  }
0x16f: {  	s3 =	smov.u32 @p3 s4;
	s2 =	smov.u32 @p3 s5  }
0x170: {  	(v2sf) =	vpush v0, $0x0;
	_ =	sdelay $0x8  }
0x171: {  	s0 =	spop (v2sf);
	p1 =	sne.s32 s2, $0xFFFFFFFF;
	s9 =	simm.s32 $0x6  }
0x172: {  	s6 =	simm.s32 $0x0;
	s10 =	simm.s32 $0xC838;
	s4 =	smov.u32 s0  }
0x173: {  	s11 =	simm.s32 $0xC688;
	p2 =	seq.s32 s0, $0xFFFFFFFF;
	s4 =	smov.u32 @p1 s2  }
0x174: {  	s12 =	simm.s32 $0xC708;
	s4 =	smov.u32 @p2 s2;
	s2 =	spop (v2sf)  }
0x175: {  	s0 =	smov.u32 @p2 s3;
	p1 =	sne.s32 s4, $0xFFFFFFFF;
	s5 =	smov.u32 s2  }
.Ltmp29:
0x176: {  	p2 =	seq.s32 s2, $0xFFFFFFFF;
	s5 =	smov.u32 @p1 s4;
	(pc) =	sbr.rel .LBB2_38-.Ltmp29, $4  }
0x177: {  	s13 =	simm.s32 $0xC788;
	s5 =	smov.u32 @p2 s4;
	s7 =	spop (v2sf)  }
0x178: {  	s14 =	simm.s32 $0x0;
	p1 =	sne.s32 s5, $0xFFFFFFFF;
	s8 =	smov.u32 s7  }
0x179: {  	s2 =	smov.u32 @p2 s0;
	p2 =	seq.s32 s7, $0xFFFFFFFF;
	s8 =	smov.u32 @p1 s5  }
0x17a: {  	[sflag:s9] =	ssyncpa.u1 $0x0;
	s7 =	smov.u32 @p2 s2;
	s8 =	smov.u32 @p2 s5  }
.LBB2_53:
0x17b: {  	s14 =	sadd.s32 $0x1, s14  }
0x17c: {  	p1 =	sne.s32 s14, $0x20  }
.Ltmp30:
0x17d: {  	_ = 	snop;
	(pc) =	sbr.rel @!p1 .LBB2_54-.Ltmp30, $2  }
0x17e: {  	_ =	sdelay $0x2  }
0x17f: {  	s10 =	sadd.s32 $0x200, s10  }
.LBB2_38:
0x180: {  	v0 =	vld.msk [tilespmem:s14+$0xC818], $0x1;
	_ =	sdelay $0x4  }
0x181: {  	(v2sf) =	vpush v0, $0x0;
	_ =	sdelay $0xe  }
0x182: {  	s0 =	spop (v2sf)  }
0x183: {  	p1 =	seq.s32 s0, $0xFFFFFFFF  }
.Ltmp31:
0x184: {  	_ = 	snop;
	(pc) =	sbr.rel @p1 .LBB2_53-.Ltmp31, $1  }
0x185: {  	_ =	sdelay $0x3  }
0x186: {  	p1 =	slt.s32 s6, $0x1  }
.Ltmp32:
0x187: {  	_ = 	snop;
	(pc) =	sbr.rel @p1 .LBB2_46-.Ltmp32, $1  }
0x188: {  	_ =	sdelay $0x3  }
0x189: {  	s2 =	simm.s32 $0xC818;
	p1 =	por $0x0, $0x0  }
0x18a: {  	v1 =	vld.msk @!p1 [tilespmem:s2+$0x0], $0x1;
	_ =	sdelay $0x4  }
0x18b: {  	(v2sf) =	vpush @!p1 v1, $0x0;
	_ =	sdelay $0xd  }
0x18c: {  	p3 =	sne.s32 s6, $0x1  }
.Ltmp33:
0x18d: {  	s3 =	spop @!p1 (v2sf);
	(pc) =	sbr.rel @!p3 .LBB2_42-.Ltmp33, $4  }
0x18e: {  	p2 =	seq.s32 @!p1 s0, s3  }
0x18f: {  	s4 =	simm.s32 $0x0;
	p2 =	por !p2, p1  }
0x190: {  	s3 =	simm.s32 $0xFFFFFFFF;
	s4 =	simm.s32 @p2 $0xFFFFFFFF  }
0x191: {  	s5 =	simm.s32 $0x1;
	s4 =	smov.u32 @p1 s3  }
.LBB2_41:
0x192: {  	s3 =	smov.u32 s4;
	p1 =	sne.s32 s4, $0xFFFFFFFF  }
0x193: {  	s2 =	sadd.s32 $0x1, s2;
	s4 =	smov.u32 s5;
	s5 =	sadd.s32 $0x1, s5  }
0x194: {  	p2 =	sne.s32 s6, s5;
	v1 =	vld.msk @!p1 [tilespmem:s2+$0x0], $0x1;
	_ =	sdelay $0x4  }
0x195: {  	(v2sf) =	vpush @!p1 v1, $0x0;
	_ =	sdelay $0xe  }
.Ltmp34:
0x196: {  	s15 =	spop @!p1 (v2sf);
	(pc) =	sbr.rel @p2 .LBB2_41-.Ltmp34, $4  }
0x197: {  	p3 =	seq.s32 @!p1 s0, s15  }
0x198: {  	p3 =	por !p3, p1  }
0x199: {  	s4 =	simm.s32 @p3 $0xFFFFFFFF  }
0x19a: {  	s4 =	smov.u32 @p1 s3  }
.LBB2_42:
0x19b: {  	p1 =	seq.s32 s4, $0xFFFFFFFF  }
.Ltmp35:
0x19c: {  	_ = 	snop;
	(pc) =	sbr.rel @p1 .LBB2_46-.Ltmp35, $1  }
0x19d: {  	_ =	sdelay $0x3  }
0x19e: {  	s0 =	sshll.u32 s4, $0xB  }
0x19f: {  	s0 =	sshra.s32 s0, $0x2  }
0x1a0: {  	s2 =	simm.s32 $0x0;
	v0 =	vld [tilespmem:s10+$0x0];
	s3 =	smov.u32 s10;
	s0 =	sadd.s32 $0xC838, s0  }
.LBB2_44:
0x1a1: {  	s2 =	sadd.s32 $0x10, s2  }
0x1a2: {  	p1 =	slt.u32 s2, $0x1F0  }
.Ltmp36:
0x1a3: {  	_ = 	snop;
	(pc) =	sbr.rel @p1 .LBB2_44-.Ltmp36, $3  }
0x1a4: {  	_ =	sdelay $0x1  }
0x1a5: {  	s3 =	sadd.s32 $0x10, s3;
	[tilespmem:s0+$0x0] =	vst.add.f32.msk $0xffff, v0;
	s0 =	sadd.s32 $0x10, s0  }
0x1a6: {  	v0 =	vld [tilespmem:s3+$0x0]  }
.Ltmp37:
0x1a7: {  	_ = 	snop;
	(pc) =	sbr.rel .LBB2_53-.Ltmp37, $2  }
0x1a8: {  	_ =	sdelay $0x2  }
0x1a9: {  	[tilespmem:s0+$0x0] =	vst.add.f32.msk $0xffff, v0  }
.LBB2_46:
0x1aa: {  	p1 =	sgt.u32 s0, $0x9FE70  }
0x1ab: {  	p2 =	seq.s32 @!p1 s0, s8  }
0x1ac: {  	p1 =	por p1, p2  }
0x1ad: {  	p2 =	seq.s32 @!p1 s0, s7  }
0x1ae: {  	p1 =	por p1, p2  }
.Ltmp38:
0x1af: {  	_ = 	snop;
	(pc) =	sbr.rel @p1 .LBB2_50-.Ltmp38, $1  }
0x1b0: {  	_ =	sdelay $0x3  }
0x1b1: {  	s2 =	sand.u32 $0xFFFF8, s0;
	s4 =	sand.u32 $0x7, s0  }
0x1b2: {  	s29 =	sadd.s32 $0x80, s0;
	s3 =	sadd.s32 s1, s2;
	s2 =	simm.s32 $0xC608  }
0x1b3: {  	[tilespmem:s2], [sflag:$0x6] =	stream.linear.gather [hbm4b:s3+s4], $0x80, $0x38;
	[tilespmem:$0x1C938] =	vst v63  }
0x1b4: {  	s3 =	sand.u32 $0x1FFFF8, s29  }
0x1b5: {  	s30 =	sadd.s32 $0x100, s0;
	s3 =	sadd.s32 s1, s3  }
0x1b6: {  	[tilespmem:s11], [sflag:$0x6] =	stream.linear.gather [hbm4b:s3+s4], $0x80, $0x38;
	[tilespmem:$0x1C938] =	vst v63  }
0x1b7: {  	s31 =	sadd.s32 $0x180, s0;
	s3 =	sand.u32 $0x1FFFF8, s30  }
0x1b8: {  	s0 =	sand.u32 $0x1FFFF8, s31;
	s3 =	sadd.s32 s1, s3  }
0x1b9: {  	[tilespmem:s12], [sflag:$0x6] =	stream.linear.gather [hbm4b:s3+s4], $0x80, $0x38;
	[tilespmem:$0x1C938] =	vst v63  }
0x1ba: {  	s0 =	sadd.s32 s1, s0  }
0x1bb: {  	[tilespmem:s13], [sflag:$0x6] =	stream.linear.gather [hbm4b:s0+s4], $0x80, $0x38;
	[tilespmem:$0x1C938] =	vst v63  }
0x1bc: {  	_ =	swait.ge [sflag:s9], $0x200  }
0x1bd: {  	[sflag:s9] =	ssyncset.done $0x0  }
0x1be: {  	[sflag:s9] =	ssyncadd.s32 $0xFFFFFE00  }
0x1bf: {  	s3 =	smov.u32 s10;
	s0 =	simm.s32 $0x0;
	v1 =	vld [tilespmem:s2+$0x0]  }
.LBB2_48:
0x1c0: {  	s0 =	sadd.s32 $0x10, s0  }
0x1c1: {  	p1 =	slt.u32 s0, $0x1F0  }
.Ltmp39:
0x1c2: {  	_ = 	snop;
	(pc) =	sbr.rel @p1 .LBB2_48-.Ltmp39, $3  }
0x1c3: {  	_ =	sdelay $0x1  }
0x1c4: {  	s2 =	sadd.s32 $0x10, s2;
	[tilespmem:s3+$0x0] =	vst.add.f32.msk $0xffff, v1;
	s3 =	sadd.s32 $0x10, s3  }
0x1c5: {  	v1 =	vld [tilespmem:s2+$0x0]  }
0x1c6: {  	_ =	sdelay $0x3  }
0x1c7: {  	[tilespmem:s3+$0x0] =	vst.add.f32.msk $0xffff, v1  }
.LBB2_50:
0x1c8: {  	s0 =	sshll.u32 s6, $0xB  }
0x1c9: {  	[tilespmem:s6+$0xC818] =	vst.msk $0x1, v0;
	s0 =	sshra.s32 s0, $0x2  }
0x1ca: {  	s2 =	simm.s32 $0x0;
	s3 =	smov.u32 s10;
	v0 =	vld [tilespmem:s10+$0x0];
	s0 =	sadd.s32 $0xC838, s0  }
.LBB2_51:
0x1cb: {  	s2 =	sadd.s32 $0x10, s2  }
0x1cc: {  	p1 =	slt.u32 s2, $0x1F0  }
.Ltmp40:
0x1cd: {  	_ = 	snop;
	(pc) =	sbr.rel @p1 .LBB2_51-.Ltmp40, $3  }
0x1ce: {  	_ =	sdelay $0x1  }
0x1cf: {  	s3 =	sadd.s32 $0x10, s3;
	[tilespmem:s0+$0x0] =	vst v0;
	s0 =	sadd.s32 $0x10, s0  }
0x1d0: {  	v0 =	vld [tilespmem:s3+$0x0]  }
.Ltmp41:
0x1d1: {  	_ = 	snop;
	(pc) =	sbr.rel .LBB2_53-.Ltmp41, $2  }
0x1d2: {  	_ =	sdelay $0x2  }
0x1d3: {  	s6 =	sadd.s32 $0x1, s6;
	[tilespmem:s0+$0x0] =	vst v0  }
.LBB2_54:
0x1d4: {  	s0 =	simm.s32 $0x6;
	p1 =	seq.s32 s6, $0x0  }
0x1d5: {  	[sflag:s0] =	ssyncpa.u1 $0x1;
	v0 =	vimm.s32 @p1 $0xFFFFFFFF  }
0x1d6: {  	s0 =	sadd.s32 $0xFFFFFFFF, s6;
	[tilespmem:$0x10838] =	vst @p1 v0  }
0x1d7: {  	v0 =	vld.msk @!p1 [tilespmem:s0+$0xC818], $0x1;
	_ =	sdelay $0x1  }
0x1d8: {  	v1 =	vld.msk @!p1 [tilespmem:$0xC818], $0x1;
	_ =	sdelay $0x2  }
0x1d9: {  	p2 =	seq.s32 @!p1 s0, $0x0;
	v0 =	vbroadcast @!p1 v0, $0x0  }
0x1da: {  	vm0 =	vmmov @!p1 $0x1;
	p2 =	por !p2, p1  }
0x1db: {  	v1 =	vnsel @!p1 vm0, $0xFFFFFFFF, v1;
	vm0 =	vcmask @!p1 $0x308;
	v0 =	vpsel !p2, $0xFFFFFFFF, v0  }
0x1dc: {  	p2 =	sne.s32 @!p1 s8, s7;
	v0 =	vsel @!p1 vm0, v1, v0  }
0x1dd: {  	s2 =	simm.s32 @!p1 $0xC838;
	s3 =	simm.s32 @!p1 $0x0;
	p3 =	por !p2, p1;
	[tilespmem:$0x10838] =	vst @!p1 v0  }
0x1de: {  	[spmem:s3] =	stream.linear.scatter @!p1 [tilespmem:s2], [sflag:$0x1], $0x200, $0x38;
	[tilespmem:$0x1C938] =	vst v63  }
0x1df: {  	s2 =	sshll.u32 @!p3 s0, $0xB  }
0x1e0: {  	s2 =	sshra.s32 @!p3 s2, $0x2  }
0x1e1: {  	s3 =	simm.s32 @!p3 $0x200;
	s2 =	sadd.s32 @!p3 $0xC838, s2  }
0x1e2: {  	[spmem:s3] =	stream.linear.scatter @!p3 [tilespmem:s2], [sflag:$0x1], $0x200, $0x38;
	[tilespmem:$0x1C938] =	vst v63  }
0x1e3: {  	s2 =	simm.s32 @!p3 $0x1  }
0x1e4: {  	_ =	swait.ge @!p3 [sflag:s2], $0x400  }
0x1e5: {  	p1 =	por p2, p1;
	[sflag:s2] =	ssyncset.done @!p3 $0x0  }
0x1e6: {  	[sflag:s2] =	ssyncadd.s32 @!p3 $0xFFFFFC00;
	s2 =	simm.s32 @!p1 $0x1  }
0x1e7: {  	_ =	swait.ge @!p1 [sflag:s2], $0x200  }
0x1e8: {  	s29 =	simm.s32 $0x10838;
	[sflag:s2] =	ssyncset.done @!p1 $0x0  }
0x1e9: {  	s30 =	simm.s32 $0x4000;
	s31 =	simm.s32 $0x1;
	[sflag:s2] =	ssyncadd.s32 @!p1 $0xFFFFFE00  }
0x1ea: {  	[spmem:s30] =	stream.linear.scatter [tilespmem:s29], [sflag:$0x1], $0x10, $0x38;
	[tilespmem:$0x1C938] =	vst v63  }
0x1eb: {  	_ =	swait.ge [sflag:s31], $0x10  }
0x1ec: {  	[sflag:s31] =	ssyncset.done $0x0  }
0x1ed: {  	p1 =	seq.s32 s16, $0x0;
	s9 =	rddreg [dreg:$0x1];
	[sflag:s31] =	ssyncadd.s32 $0xFFFFFFF0  }
0x1ee: {  	s3 =	sshll.u32 @p1 s9, $0xE;
	s8 =	rddreg [dreg:$0x2]  }
0x1ef: {  	s2 =	sadd.s32 @p1 $0x15C3C, s3;
	s3 =	sshll.u32 @p1 s8, $0x11  }
0x1f0: {  	_ =	sfence.stream.spmem;
	s2 =	sor.u32 @p1 s3, s2  }
0x1f1: {  	[sflag:s2] =	ssyncadd.remote.s32 @p1 $0x1;
	s2 =	simm.s32 @p1 $0x4  }
0x1f2: {  	s4 =	simm.s32 @!p1 $0x3C;
	s3 =	sand.u32 $0xFFFFFFFE, s9;
	_ =	swait.ge @p1 [sflag:s2], $0x82  }
0x1f3: {  	s5 =	simm.s32 @!p1 $0x0;
	s3 =	sadd.s32 @!p1 $0x4, s3;
	[sflag:s2] =	ssyncset.done @p1 $0x0  }
0x1f4: {  	s7 =	simm.s32 @!p1 $0x400;
	[sflag:s2] =	ssyncadd.s32 @p1 $0xFFFFFF7E;
	s2 =	sshll.u32 @!p1 s3, $0x1A  }
0x1f5: {  	s3 =	sshll.u32 @!p1 s3, $0xD;
	s2 =	sor.u32 @!p1 s2, s8;
	_ =	swait.eq @!p1 [sflag:s4], $0x1  }
0x1f6: {  	s3 =	sor.u32 @!p1 $0x1C04, s3;
	s4 =	simm.s32 @!p1 $0x1C03;
	s2 =	sor.u32 @!p1 $0x80004000, s2  }
0x1f7: {  	[spmem:s7], [sflag:s3] =	dma.general @!p1 [spmem:s5], [sflag:s4], length:$0x80, [dreg:$0x0], stride_count:$0x0, ici_dest:s2, dma_misc:DstOpCode:WRITE  }
0x1f8: {  	p2 =	slt.s32 s0, $0x2;
	s5 =	simm.s32 @!p1 $0x800;
	s7 =	simm.s32 @!p1 $0x802  }
0x1f9: {  	[spmem:s7], [sflag:s3] =	dma.general @!p1 [spmem:s5], [sflag:s4], length:$0x2, [dreg:$0x0], stride_count:$0x0, ici_dest:s2, dma_misc:DstOpCode:WRITE  }
.Ltmp42:
0x1fa: {  	s2 =	simm.s32 @!p1 $0x3;
	(pc) =	sbr.rel @p2 .LBB2_58-.Ltmp42, $4  }
0x1fb: {  	s3 =	sshll.u32 @!p1 s9, $0xE;
	_ =	swait.ge @!p1 [sflag:s2], $0x82  }
0x1fc: {  	s4 =	sshll.u32 @!p1 s8, $0x11;
	s3 =	sadd.s32 @!p1 $0x11C3C, s3;
	[sflag:s2] =	ssyncset.done @!p1 $0x0  }
0x1fd: {  	[sflag:s2] =	ssyncadd.s32 @!p1 $0xFFFFFF7E;
	s2 =	sor.u32 @!p1 s4, s3  }
0x1fe: {  	s0 =	simm.s32 $0x0;
	[sflag:s2] =	ssyncadd.remote.s32 @!p1 $0xFFFFFFFF  }
0x1ff: {  	s0 =	simm.s32 $0xC819  }
0x200: {  	v0 =	vld.msk [tilespmem:s0+$0x0], $0x1;
	_ =	sdelay $0x4  }
0x201: {  	(v2sf) =	vpush v0, $0x0;
	_ =	sdelay $0xe  }
0x202: {  	s2 =	sadd.s32 $0xFFFFFFFE, s6;
	s3 =	spop (v2sf)  }
0x203: {  	s5 =	simm.s32 $0xCA38;
	s4 =	sadd.s32 $0xFFFFFFFF, s2;
	p1 =	sgt.u32 s3, $0x9FE70  }
0x204: {  	s0 =	simm.s32 $0x0;
	p2 =	sne.s32 s4, $0x0;
	s2 =	sand.u32 @!p1 $0xFFFF8, s3  }
0x205: {  	s6 =	sadd.s32 @!p1 $0x80, s3;
	s7 =	sadd.s32 @!p1 $0x100, s3;
	s8 =	sadd.s32 @!p1 s1, s2  }
0x206: {  	s2 =	sand.u32 @!p1 $0x7, s3;
	s6 =	sand.u32 @!p1 $0x1FFFF8, s6;
	s7 =	sand.u32 @!p1 $0x1FFFF8, s7  }
0x207: {  	[hbm4b:s8+s2] =	stream.linear.scatter @!p1 [tilespmem:s5], [sflag:$0x5], $0x80, $0x38;
	[tilespmem:$0x1C938] =	vst v63  }
0x208: {  	s5 =	simm.s32 @!p1 $0xCAB8;
	s6 =	sadd.s32 @!p1 s1, s6;
	s7 =	sadd.s32 @!p1 s1, s7  }
.Ltmp43:
0x209: {  	s8 =	sadd.s32 @!p1 $0x180, s3;
	s3 =	simm.s32 $0x0;
	(pc) =	sbr.rel @!p2 .LBB2_57-.Ltmp43, $4  }
0x20a: {  	[hbm4b:s6+s2] =	stream.linear.scatter @!p1 [tilespmem:s5], [sflag:$0x5], $0x80, $0x38;
	[tilespmem:$0x1C938] =	vst v63  }
0x20b: {  	s3 =	simm.s32 @!p1 $0x800;
	s8 =	sand.u32 @!p1 $0x1FFFF8, s8;
	s6 =	simm.s32 @!p1 $0xCB38  }
0x20c: {  	[hbm4b:s7+s2] =	stream.linear.scatter @!p1 [tilespmem:s6], [sflag:$0x5], $0x80, $0x38;
	[tilespmem:$0x1C938] =	vst v63  }
0x20d: {  	s5 =	simm.s32 $0xC81A;
	s6 =	simm.s32 $0xCC38;
	s7 =	simm.s32 @!p1 $0xCBB8  }
.LBB2_56:
0x20e: {  	s4 =	sadd.s32 $0xFFFFFFFF, s4;
	s8 =	sadd.s32 @!p1 s1, s8;
	s0 =	sadd.s32 s0, s3  }
0x20f: {  	[hbm4b:s8+s2] =	stream.linear.scatter @!p1 [tilespmem:s7], [sflag:$0x5], $0x80, $0x38;
	[tilespmem:$0x1C938] =	vst v63  }
0x210: {  	p2 =	sne.s32 s4, $0x0;
	s7 =	smov.u32 s6;
	v0 =	vld.msk [tilespmem:s5+$0x0], $0x1;
	_ =	sdelay $0x4  }
0x211: {  	(v2sf) =	vpush v0, $0x0;
	_ =	sdelay $0xe  }
0x212: {  	s3 =	spop (v2sf)  }
0x213: {  	s6 =	sadd.s32 $0x200, s6;
	s5 =	sadd.s32 $0x1, s5;
	p1 =	sgt.u32 s3, $0x9FE70  }
0x214: {  	s2 =	sand.u32 @!p1 $0xFFFF8, s3;
	s8 =	sadd.s32 @!p1 $0x80, s3;
	s9 =	sadd.s32 @!p1 $0x100, s3  }
0x215: {  	s10 =	sadd.s32 @!p1 s1, s2;
	s2 =	sand.u32 @!p1 $0x7, s3;
	s8 =	sand.u32 @!p1 $0x1FFFF8, s8  }
0x216: {  	[hbm4b:s10+s2] =	stream.linear.scatter @!p1 [tilespmem:s7], [sflag:$0x5], $0x80, $0x38;
	[tilespmem:$0x1C938] =	vst v63  }
0x217: {  	s9 =	sand.u32 @!p1 $0x1FFFF8, s9;
	s10 =	sadd.s32 @!p1 $0x80, s7  }
.Ltmp44:
0x218: {  	s8 =	sadd.s32 @!p1 s1, s8;
	s9 =	sadd.s32 @!p1 s1, s9;
	(pc) =	sbr.rel @p2 .LBB2_56-.Ltmp44, $4  }
0x219: {  	[hbm4b:s8+s2] =	stream.linear.scatter @!p1 [tilespmem:s10], [sflag:$0x5], $0x80, $0x38;
	[tilespmem:$0x1C938] =	vst v63  }
0x21a: {  	s8 =	sadd.s32 @!p1 $0x100, s7;
	s10 =	sadd.s32 @!p1 $0x180, s3;
	s3 =	simm.s32 $0x0  }
0x21b: {  	[hbm4b:s9+s2] =	stream.linear.scatter @!p1 [tilespmem:s8], [sflag:$0x5], $0x80, $0x38;
	[tilespmem:$0x1C938] =	vst v63  }
0x21c: {  	s7 =	sadd.s32 @!p1 $0x180, s7;
	s3 =	simm.s32 @!p1 $0x800;
	s8 =	sand.u32 @!p1 $0x1FFFF8, s10  }
.LBB2_57:
0x21d: {  	s4 =	sadd.s32 @!p1 s1, s8;
	s0 =	sadd.s32 s0, s3  }
0x21e: {  	[hbm4b:s4+s2] =	stream.linear.scatter @!p1 [tilespmem:s7], [sflag:$0x5], $0x80, $0x38;
	[tilespmem:$0x1C938] =	vst v63  }
0x21f: {  	s0 =	sshrl.u32 s0, $0x2  }
.LBB2_58:
0x220: {  	s2 =	simm.s32 $0x5  }
0x221: {  	_ =	swait.ge [sflag:s2], s0  }
0x222: {  	s31 =	ssub.s32 $0x0, s0;
	[sflag:s2] =	ssyncset.done $0x0  }
0x223: {  	[sflag:s2] =	ssyncadd.s32 s31  }
0x224: {  	[sflag:s2] =	ssyncpa.u1 $0x1  }
.LBB2_59:
0x225: {  	s0 =	sor.u32 s16, s17  }
0x226: {  	p1 =	sne.s32 s0, $0x0  }
.Ltmp45:
0x227: {  	_ = 	snop;
	(pc) =	sbr.rel @p1 .LBB2_82-.Ltmp45, $3  }
0x228: {  	_ =	sdelay $0x1  }
0x229: {  	[bflag:$0x0] =	sbarrier.arrive $0xFFFF  }
0x22a: {  	_ =	sfence  }
0x22b: {  	s0 =	simm.s32 $0x7  }
0x22c: {  	s2 =	simm.s32 $0x4000;
	s3 =	simm.s32 $0xC818;
	[sflag:s0] =	ssyncpa.u1 $0x0  }
0x22d: {  	[tilespmem:s3], [sflag:$0x7] =	stream.linear.gather [spmem:s2], $0x20, $0x38;
	[tilespmem:$0x1C938] =	vst v63  }
0x22e: {  	s2 =	simm.s32 $0x0;
	s3 =	simm.s32 $0xC838  }
0x22f: {  	[tilespmem:s3], [sflag:$0x7] =	stream.linear.gather [spmem:s2], $0x4000, $0x38;
	[tilespmem:$0x1C938] =	vst v63  }
.Ltmp46:
0x230: {  	_ = 	snop;
	(pc) =	sbr.rel .LBB2_61-.Ltmp46, $4  }
0x231: {  	_ =	swait.ge [sflag:s0], $0x4020  }
0x232: {  	s4 =	simm.s32 $0x8;
	[sflag:s0] =	ssyncset.done $0x0  }
0x233: {  	s5 =	simm.s32 $0xC688;
	s6 =	simm.s32 $0xC708;
	[sflag:s0] =	ssyncadd.s32 $0xFFFFBFE0  }
0x234: {  	s7 =	simm.s32 $0xC788;
	s8 =	simm.s32 $0x0;
	[sflag:s4] =	ssyncpa.u1 $0x0  }
.LBB2_76:
0x235: {  	s8 =	sadd.s32 $0x1, s8  }
0x236: {  	p1 =	sne.s32 s8, $0x20  }
.Ltmp47:
0x237: {  	_ = 	snop;
	(pc) =	sbr.rel @!p1 .LBB2_77-.Ltmp47, $2  }
0x238: {  	_ =	sdelay $0x2  }
0x239: {  	s3 =	sadd.s32 $0x200, s3  }
.LBB2_61:
0x23a: {  	v0 =	vld.msk [tilespmem:s8+$0xC818], $0x1;
	_ =	sdelay $0x4  }
0x23b: {  	(v2sf) =	vpush v0, $0x0;
	_ =	sdelay $0xe  }
0x23c: {  	s0 =	spop (v2sf)  }
0x23d: {  	p1 =	seq.s32 s0, $0xFFFFFFFF  }
.Ltmp48:
0x23e: {  	_ = 	snop;
	(pc) =	sbr.rel @p1 .LBB2_76-.Ltmp48, $1  }
0x23f: {  	_ =	sdelay $0x3  }
0x240: {  	p1 =	slt.s32 s2, $0x1  }
.Ltmp49:
0x241: {  	_ = 	snop;
	(pc) =	sbr.rel @p1 .LBB2_69-.Ltmp49, $1  }
0x242: {  	_ =	sdelay $0x3  }
0x243: {  	s9 =	simm.s32 $0xC818;
	p1 =	por $0x0, $0x0  }
0x244: {  	v1 =	vld.msk @!p1 [tilespmem:s9+$0x0], $0x1;
	_ =	sdelay $0x4  }
0x245: {  	(v2sf) =	vpush @!p1 v1, $0x0;
	_ =	sdelay $0xd  }
0x246: {  	p3 =	sne.s32 s2, $0x1  }
.Ltmp50:
0x247: {  	s10 =	spop @!p1 (v2sf);
	(pc) =	sbr.rel @!p3 .LBB2_65-.Ltmp50, $4  }
0x248: {  	p2 =	seq.s32 @!p1 s0, s10  }
0x249: {  	s10 =	simm.s32 $0x0;
	p2 =	por !p2, p1  }
0x24a: {  	s12 =	simm.s32 $0xFFFFFFFF;
	s10 =	simm.s32 @p2 $0xFFFFFFFF  }
0x24b: {  	s11 =	simm.s32 $0x1;
	s10 =	smov.u32 @p1 s12  }
.LBB2_64:
0x24c: {  	s12 =	smov.u32 s10;
	p1 =	sne.s32 s10, $0xFFFFFFFF  }
0x24d: {  	s9 =	sadd.s32 $0x1, s9;
	s10 =	smov.u32 s11;
	s11 =	sadd.s32 $0x1, s11  }
0x24e: {  	p2 =	sne.s32 s2, s11;
	v1 =	vld.msk @!p1 [tilespmem:s9+$0x0], $0x1;
	_ =	sdelay $0x4  }
0x24f: {  	(v2sf) =	vpush @!p1 v1, $0x0;
	_ =	sdelay $0xe  }
.Ltmp51:
0x250: {  	s13 =	spop @!p1 (v2sf);
	(pc) =	sbr.rel @p2 .LBB2_64-.Ltmp51, $4  }
0x251: {  	p3 =	seq.s32 @!p1 s0, s13  }
0x252: {  	p3 =	por !p3, p1  }
0x253: {  	s10 =	simm.s32 @p3 $0xFFFFFFFF  }
0x254: {  	s10 =	smov.u32 @p1 s12  }
.LBB2_65:
0x255: {  	p1 =	seq.s32 s10, $0xFFFFFFFF  }
.Ltmp52:
0x256: {  	_ = 	snop;
	(pc) =	sbr.rel @p1 .LBB2_69-.Ltmp52, $1  }
0x257: {  	_ =	sdelay $0x3  }
0x258: {  	s0 =	sshll.u32 s10, $0xB  }
0x259: {  	s0 =	sshra.s32 s0, $0x2  }
0x25a: {  	s9 =	simm.s32 $0x0;
	v0 =	vld [tilespmem:s3+$0x0];
	s10 =	smov.u32 s3;
	s0 =	sadd.s32 $0xC838, s0  }
.LBB2_67:
0x25b: {  	s9 =	sadd.s32 $0x10, s9  }
0x25c: {  	p1 =	slt.u32 s9, $0x1F0  }
.Ltmp53:
0x25d: {  	_ = 	snop;
	(pc) =	sbr.rel @p1 .LBB2_67-.Ltmp53, $3  }
0x25e: {  	_ =	sdelay $0x1  }
0x25f: {  	s10 =	sadd.s32 $0x10, s10;
	[tilespmem:s0+$0x0] =	vst.add.f32.msk $0xffff, v0;
	s0 =	sadd.s32 $0x10, s0  }
0x260: {  	v0 =	vld [tilespmem:s10+$0x0]  }
.Ltmp54:
0x261: {  	_ = 	snop;
	(pc) =	sbr.rel .LBB2_76-.Ltmp54, $2  }
0x262: {  	_ =	sdelay $0x2  }
0x263: {  	[tilespmem:s0+$0x0] =	vst.add.f32.msk $0xffff, v0  }
.LBB2_69:
0x264: {  	p1 =	sgt.u32 s0, $0x9FE70  }
.Ltmp55:
0x265: {  	_ = 	snop;
	(pc) =	sbr.rel @p1 .LBB2_73-.Ltmp55, $1  }
0x266: {  	_ =	sdelay $0x3  }
0x267: {  	s9 =	sand.u32 $0xFFFF8, s0;
	s11 =	sand.u32 $0x7, s0  }
0x268: {  	s29 =	sadd.s32 $0x80, s0;
	s10 =	sadd.s32 s1, s9;
	s9 =	simm.s32 $0xC608  }
0x269: {  	[tilespmem:s9], [sflag:$0x8] =	stream.linear.gather [hbm4b:s10+s11], $0x80, $0x38;
	[tilespmem:$0x1C938] =	vst v63  }
0x26a: {  	s10 =	sand.u32 $0x1FFFF8, s29  }
0x26b: {  	s30 =	sadd.s32 $0x100, s0;
	s10 =	sadd.s32 s1, s10  }
0x26c: {  	[tilespmem:s5], [sflag:$0x8] =	stream.linear.gather [hbm4b:s10+s11], $0x80, $0x38;
	[tilespmem:$0x1C938] =	vst v63  }
0x26d: {  	s31 =	sadd.s32 $0x180, s0;
	s10 =	sand.u32 $0x1FFFF8, s30  }
0x26e: {  	s0 =	sand.u32 $0x1FFFF8, s31;
	s10 =	sadd.s32 s1, s10  }
0x26f: {  	[tilespmem:s6], [sflag:$0x8] =	stream.linear.gather [hbm4b:s10+s11], $0x80, $0x38;
	[tilespmem:$0x1C938] =	vst v63  }
0x270: {  	s0 =	sadd.s32 s1, s0  }
0x271: {  	[tilespmem:s7], [sflag:$0x8] =	stream.linear.gather [hbm4b:s0+s11], $0x80, $0x38;
	[tilespmem:$0x1C938] =	vst v63  }
0x272: {  	_ =	swait.ge [sflag:s4], $0x200  }
0x273: {  	[sflag:s4] =	ssyncset.done $0x0  }
0x274: {  	[sflag:s4] =	ssyncadd.s32 $0xFFFFFE00  }
0x275: {  	s10 =	smov.u32 s3;
	s0 =	simm.s32 $0x0;
	v1 =	vld [tilespmem:s9+$0x0]  }
.LBB2_71:
0x276: {  	s0 =	sadd.s32 $0x10, s0  }
0x277: {  	p1 =	slt.u32 s0, $0x1F0  }
.Ltmp56:
0x278: {  	_ = 	snop;
	(pc) =	sbr.rel @p1 .LBB2_71-.Ltmp56, $3  }
0x279: {  	_ =	sdelay $0x1  }
0x27a: {  	s9 =	sadd.s32 $0x10, s9;
	[tilespmem:s10+$0x0] =	vst.add.f32.msk $0xffff, v1;
	s10 =	sadd.s32 $0x10, s10  }
0x27b: {  	v1 =	vld [tilespmem:s9+$0x0]  }
0x27c: {  	_ =	sdelay $0x3  }
0x27d: {  	[tilespmem:s10+$0x0] =	vst.add.f32.msk $0xffff, v1  }
.LBB2_73:
0x27e: {  	s0 =	sshll.u32 s2, $0xB  }
0x27f: {  	[tilespmem:s2+$0xC818] =	vst.msk $0x1, v0;
	s0 =	sshra.s32 s0, $0x2  }
0x280: {  	s9 =	simm.s32 $0x0;
	s10 =	smov.u32 s3;
	v0 =	vld [tilespmem:s3+$0x0];
	s0 =	sadd.s32 $0xC838, s0  }
.LBB2_74:
0x281: {  	s9 =	sadd.s32 $0x10, s9  }
0x282: {  	p1 =	slt.u32 s9, $0x1F0  }
.Ltmp57:
0x283: {  	_ = 	snop;
	(pc) =	sbr.rel @p1 .LBB2_74-.Ltmp57, $3  }
0x284: {  	_ =	sdelay $0x1  }
0x285: {  	s10 =	sadd.s32 $0x10, s10;
	[tilespmem:s0+$0x0] =	vst v0;
	s0 =	sadd.s32 $0x10, s0  }
0x286: {  	v0 =	vld [tilespmem:s10+$0x0]  }
.Ltmp58:
0x287: {  	_ = 	snop;
	(pc) =	sbr.rel .LBB2_76-.Ltmp58, $2  }
0x288: {  	_ =	sdelay $0x2  }
0x289: {  	s2 =	sadd.s32 $0x1, s2;
	[tilespmem:s0+$0x0] =	vst v0  }
.LBB2_77:
0x28a: {  	p1 =	slt.s32 s2, $0x1  }
.Ltmp59:
0x28b: {  	_ = 	snop;
	(pc) =	sbr.rel @p1 .LBB2_81-.Ltmp59, $3  }
0x28c: {  	_ =	sdelay $0x1  }
0x28d: {  	s0 =	simm.s32 $0x8  }
0x28e: {  	[sflag:s0] =	ssyncpa.u1 $0x1;
	s0 =	simm.s32 $0x0  }
0x28f: {  	s3 =	simm.s32 $0xC818  }
0x290: {  	v0 =	vld.msk [tilespmem:s3+$0x0], $0x1;
	_ =	sdelay $0x4  }
0x291: {  	(v2sf) =	vpush v0, $0x0;
	_ =	sdelay $0xe  }
0x292: {  	s7 =	spop (v2sf)  }
0x293: {  	s2 =	sadd.s32 $0xFFFFFFFF, s2;
	p1 =	sgt.u32 s7, $0x9FE70  }
0x294: {  	s3 =	simm.s32 $0xC838;
	s4 =	sand.u32 @!p1 $0xFFFF8, s7;
	s8 =	sadd.s32 @!p1 $0x80, s7  }
0x295: {  	s5 =	sand.u32 @!p1 $0x7, s7;
	s4 =	sadd.s32 @!p1 s1, s4;
	s8 =	sand.u32 @!p1 $0x1FFFF8, s8  }
0x296: {  	[hbm4b:s4+s5] =	stream.linear.scatter @!p1 [tilespmem:s3], [sflag:$0x7], $0x80, $0x38;
	[tilespmem:$0x1C938] =	vst v63  }
0x297: {  	p2 =	sne.s32 s2, $0x0;
	s3 =	simm.s32 @!p1 $0xC8B8;
	s4 =	sadd.s32 @!p1 s1, s8  }
0x298: {  	[hbm4b:s4+s5] =	stream.linear.scatter @!p1 [tilespmem:s3], [sflag:$0x7], $0x80, $0x38;
	[tilespmem:$0x1C938] =	vst v63  }
.Ltmp60:
0x299: {  	s6 =	simm.s32 $0x0;
	s9 =	sadd.s32 @!p1 $0x100, s7;
	(pc) =	sbr.rel @!p2 .LBB2_80-.Ltmp60, $4  }
0x29a: {  	s6 =	simm.s32 @!p1 $0x800;
	s8 =	sand.u32 @!p1 $0x1FFFF8, s9;
	s3 =	simm.s32 @!p1 $0xC938  }
0x29b: {  	s4 =	sadd.s32 @!p1 s1, s8;
	s8 =	sadd.s32 @!p1 $0x180, s7;
	s7 =	simm.s32 @!p1 $0xC9B8  }
0x29c: {  	[hbm4b:s4+s5] =	stream.linear.scatter @!p1 [tilespmem:s3], [sflag:$0x7], $0x80, $0x38;
	[tilespmem:$0x1C938] =	vst v63  }
0x29d: {  	s8 =	sand.u32 @!p1 $0x1FFFF8, s8;
	s3 =	simm.s32 $0xC819;
	s4 =	simm.s32 $0xCA38  }
.LBB2_79:
0x29e: {  	s2 =	sadd.s32 $0xFFFFFFFF, s2;
	s8 =	sadd.s32 @!p1 s1, s8;
	s0 =	sadd.s32 s0, s6  }
0x29f: {  	[hbm4b:s8+s5] =	stream.linear.scatter @!p1 [tilespmem:s7], [sflag:$0x7], $0x80, $0x38;
	[tilespmem:$0x1C938] =	vst v63  }
0x2a0: {  	p2 =	sne.s32 s2, $0x0;
	s7 =	smov.u32 s4;
	v0 =	vld.msk [tilespmem:s3+$0x0], $0x1;
	_ =	sdelay $0x4  }
0x2a1: {  	(v2sf) =	vpush v0, $0x0;
	_ =	sdelay $0xe  }
0x2a2: {  	s6 =	spop (v2sf)  }
0x2a3: {  	s4 =	sadd.s32 $0x200, s4;
	s3 =	sadd.s32 $0x1, s3;
	p1 =	sgt.u32 s6, $0x9FE70  }
0x2a4: {  	s5 =	sand.u32 @!p1 $0xFFFF8, s6;
	s8 =	sadd.s32 @!p1 $0x80, s6;
	s9 =	sadd.s32 @!p1 $0x100, s6  }
0x2a5: {  	s10 =	sadd.s32 @!p1 s1, s5;
	s5 =	sand.u32 @!p1 $0x7, s6;
	s8 =	sand.u32 @!p1 $0x1FFFF8, s8  }
0x2a6: {  	[hbm4b:s10+s5] =	stream.linear.scatter @!p1 [tilespmem:s7], [sflag:$0x7], $0x80, $0x38;
	[tilespmem:$0x1C938] =	vst v63  }
0x2a7: {  	s9 =	sand.u32 @!p1 $0x1FFFF8, s9;
	s10 =	sadd.s32 @!p1 $0x80, s7  }
.Ltmp61:
0x2a8: {  	s8 =	sadd.s32 @!p1 s1, s8;
	s9 =	sadd.s32 @!p1 s1, s9;
	(pc) =	sbr.rel @p2 .LBB2_79-.Ltmp61, $4  }
0x2a9: {  	[hbm4b:s8+s5] =	stream.linear.scatter @!p1 [tilespmem:s10], [sflag:$0x7], $0x80, $0x38;
	[tilespmem:$0x1C938] =	vst v63  }
0x2aa: {  	s8 =	sadd.s32 @!p1 $0x100, s7;
	s10 =	sadd.s32 @!p1 $0x180, s6;
	s6 =	simm.s32 $0x0  }
0x2ab: {  	[hbm4b:s9+s5] =	stream.linear.scatter @!p1 [tilespmem:s8], [sflag:$0x7], $0x80, $0x38;
	[tilespmem:$0x1C938] =	vst v63  }
0x2ac: {  	s7 =	sadd.s32 @!p1 $0x180, s7;
	s6 =	simm.s32 @!p1 $0x800;
	s8 =	sand.u32 @!p1 $0x1FFFF8, s10  }
.LBB2_80:
0x2ad: {  	s1 =	sadd.s32 @!p1 s1, s8;
	s0 =	sadd.s32 s0, s6  }
0x2ae: {  	[hbm4b:s1+s5] =	stream.linear.scatter @!p1 [tilespmem:s7], [sflag:$0x7], $0x80, $0x38;
	[tilespmem:$0x1C938] =	vst v63  }
0x2af: {  	s0 =	sshrl.u32 s0, $0x2  }
.LBB2_81:
0x2b0: {  	s1 =	simm.s32 $0x7  }
0x2b1: {  	_ =	swait.ge [sflag:s1], s0  }
0x2b2: {  	s31 =	ssub.s32 $0x0, s0;
	[sflag:s1] =	ssyncset.done $0x0  }
0x2b3: {  	[sflag:s1] =	ssyncadd.s32 s31  }
0x2b4: {  	[sflag:s1] =	ssyncpa.u1 $0x1  }
.LBB2_82:
0x2b5: {  	_ =	sfence;
	s0 =	simm.s32 $0x1  }
0x2b6: {  	[sflag:s0] =	ssyncpa.u1 $0x1  }
0x2b7: {  	_ =	strace $0x90000053  }
0x2b8: {  	[bflag:$0x2] =	sbarrier.arrive $0xFFFF  }
0x2b9: {  	s0 =	rddreg [dreg:$0x3]  }
0x2ba: {  	s0 =	sadd.s32 @!p0 $0x100000, s0  }
0x2bb: {  	[sflag:s0] =	ssyncadd.tile.s32 @!p0 $0x1;
	_ =	shalt  }
.Lfunc_end2:
_tile_overlayer_lowered:
.L_overlay_start_2:
0x2bc: {  	(tag) =	ssettag $0x2  }
0x2bd: {  	s0 =	rddreg [dreg:$0x0];
	s2 =	stileid.u32  }
0x2be: {  	s1 =	rddreg [dreg:$0x1];
	p0 =	sne.s32 s2, $0x0  }
0x2bf: {  	s3 =	rddreg [dreg:$0x2];
	[bflag:$0x3] =	sbarrier.arrive $0xFFFF;
	s2 =	simm.s32 @!p0 $0x1C01  }
0x2c0: {  	[timem:s3], [sflag:s2] =	dma.local @!p0 [hbm:s0], s1  }
0x2c1: {  	s0 =	simm.s32 @!p0 $0x1  }
0x2c2: {  	_ =	swait.ge @!p0 [sflag:s0], s1  }
0x2c3: {  	s1 =	ssub.s32 @!p0 $0x0, s1;
	[sflag:s0] =	ssyncset.done @!p0 $0x0  }
0x2c4: {  	[sflag:s0] =	ssyncadd.s32 @!p0 s1  }
0x2c5: {  	[bflag:$0x3] =	sbarrier.arrive $0xFFFF  }
0x2c6: {  	_ =	shalt  }

// kernel: scatter_offload_async_start
scs
__scs_entry_jumppad:
0x0: {  	(pc) =	sbr.rel $0x88, $3  }
0x1: {  	(tag) =	ssettag $0x0;
	lr =	simm.s32 $0x1  }
0x2: {  	[smem:$0x3F92] =	sst lr;
	_ =	strace $0xD0000000  }
0x3: {  	_ = 	snop  }
0x4: {  	_ = 	snop  }
0x5: {  	_ = 	snop  }
0x6: {  	_ = 	snop  }
0x7: {  	_ = 	snop  }
__scs_overlays_trampoline_lowered:
0x8: {  	[smem:$0x3FA1] =	sst s0  }
0x9: {  	[smem:$0x3FA2] =	sst s1  }
0xa: {  	[smem:$0x3FA3] =	sst s2  }
0xb: {  	[smem:$0x3FA4] =	sst s3  }
0xc: {  	[smem:$0x3FA5] =	sst s4  }
0xd: {  	[smem:$0x3FA6] =	sst s5  }
0xe: {  	[smem:$0x3FA7] =	sst s6  }
0xf: {  	[smem:$0x3FA8] =	sst s7  }
0x10: {  	[smem:$0x3FA9] =	sst s8  }
0x11: {  	[smem:$0x3FAA] =	sst s9;
	s0 =	simm.s32 @!p0 $0x0  }
0x12: {  	s1 =	sld [smem:$0x3F90];
	s0 =	simm.s32 @p0 $0x1  }
0x13: {  	[smem:$0x3FAB] =	sst s0;
	s0 =	simm.s32 @!p1 $0x0  }
0x14: {  	s2 =	sld [smem:$0x3F8F];
	s0 =	simm.s32 @p1 $0x1  }
0x15: {  	[smem:$0x3FAC] =	sst s0;
	s0 =	simm.s32 @!p2 $0x0  }
0x16: {  	s3 =	sld [smem:$0x3FDB];
	s0 =	simm.s32 @p2 $0x1  }
0x17: {  	s4 =	simm.s32 $0x1BF5;
	[smem:$0x3FAE] =	sst s0  }
0x18: {  	s0 =	sld [smem:$0x3F91];
	_ =	swait.ge [sflag:s4], $0x0  }
0x19: {  	s7 =	sld [smem:$0x3F92]  }
0x1a: {  	s8 =	sadd.s32 $0xFFFFE003, lr  }
0x1b: {  	s9 =	sadd.s32 $0xFFFFFEF7, lr;
	s5 =	simm.s32 $0xFFFFFFFF;
	p2 =	slt.u32 s8, $0xFFFFF086  }
0x1c: {  	p1 =	slt.u32 s9, $0xF7A;
	s5 =	simm.s32 @!p2 $0x0  }
0x1d: {  	s5 =	simm.s32 @p1 $0x1;
	p0 =	seq.s32 s7, s2  }
0x1e: {  	s7 =	smul.u32 @!p0 $0xF7A, s2;
	p2 =	seq.s32 @!p0 s5, $0x0  }
0x1f: {  	s9 =	smul.u32 $0xF7A, s1;
	s8 =	simm.s32 @!p0 $0x1BF5;
	p2 =	por !p2, p0  }
0x20: {  	[sflag:s8] =	ssyncset.s32 @!p0 $0xFFFFF086;
	s6 =	sadd.s32 @!p0 s3, s7;
	s7 =	simm.s32 @!p0 $0x108  }
0x21: {  	s3 =	sadd.s32 s3, s9;
	s6 =	sadd.s32 @!p0 $0x88, s6;
	s7 =	simm.s32 @p2 $0x1082  }
0x22: {  	[simem:s7], [sflag:s8] =	dma.local @!p0 [hbm:s6], $0xF7A  }
0x23: {  	s9 =	sor.u32 $0xD0000000, s2;
	s6 =	simm.s32 $0x108;
	_ =	swait.ge @!p0 [sflag:s8], $0x0  }
0x24: {  	s3 =	sadd.s32 $0x88, s3;
	s6 =	simm.s32 @!p1 $0x1082;
	[sflag:s4] =	ssyncset.s32 $0xFFFFF086  }
0x25: {  	[simem:s6], [sflag:s4] =	dma.local [hbm:s3], $0xF7A  }
0x26: {  	[smem:$0x3F92] =	sst s1;
	(tag) =	ssettag s2;
	_ =	strace s9  }
0x27: {  	s1 =	sld [smem:$0x3FA2]  }
0x28: {  	s2 =	sld [smem:$0x3FA3]  }
0x29: {  	s4 =	sld [smem:$0x3FA5]  }
0x2a: {  	p0 =	seq.s32 s5, $0x0;
	s5 =	sld [smem:$0x3FA6]  }
0x2b: {  	s6 =	sld [smem:$0x3FA7]  }
0x2c: {  	s7 =	sld [smem:$0x3FA8]  }
0x2d: {  	s3 =	simm.s32 $0x108;
	s8 =	sld [smem:$0x3FA9]  }
0x2e: {  	s3 =	simm.s32 @!p0 $0x1082;
	s9 =	sld [smem:$0x3FAA]  }
0x2f: {  	lr =	sadd.s32 s0, s3;
	s0 =	sld [smem:$0x3FA1]  }
0x30: {  	s3 =	sld [smem:$0x3FA4]  }
0x31: {  	[smem:$0x3FAD] =	sst s10  }
0x32: {  	s10 =	sld [smem:$0x3FAB];
	_ =	sdelay $0x3  }
0x33: {  	p0 =	seq.s32 s10, $0x1;
	s10 =	sld [smem:$0x3FAD];
	_ =	sdelay $0x3  }
0x34: {  	[smem:$0x3FAD] =	sst s10  }
0x35: {  	s10 =	sld [smem:$0x3FAC];
	_ =	sdelay $0x3  }
0x36: {  	p1 =	seq.s32 s10, $0x1;
	s10 =	sld [smem:$0x3FAD];
	_ =	sdelay $0x3  }
0x37: {  	[smem:$0x3FAD] =	sst s10  }
0x38: {  	s10 =	sld [smem:$0x3FAE]  }
0x39: {  	_ = 	snop;
	(pc) =	sbr.ind lr, $3  }
0x3a: {  	_ = 	snop  }
0x3b: {  	_ = 	snop  }
0x3c: {  	p2 =	seq.s32 s10, $0x1;
	s10 =	sld [smem:$0x3FAD]  }
0x3d: {  	_ =	shalt  }
0x3e: {  	_ =	shalt  }
0x3f: {  	_ =	shalt  }
0x40: {  	_ =	shalt  }
0x41: {  	_ =	shalt  }
0x42: {  	_ =	shalt  }
0x43: {  	_ =	shalt  }
0x44: {  	_ =	shalt  }
0x45: {  	_ =	shalt  }
0x46: {  	_ =	shalt  }
0x47: {  	_ =	shalt  }
0x48: {  	_ =	shalt  }
0x49: {  	_ =	shalt  }
0x4a: {  	_ =	shalt  }
0x4b: {  	_ =	shalt  }
0x4c: {  	_ =	shalt  }
0x4d: {  	_ =	shalt  }
0x4e: {  	_ =	shalt  }
0x4f: {  	_ =	shalt  }
0x50: {  	_ =	shalt  }
0x51: {  	_ =	shalt  }
0x52: {  	_ =	shalt  }
0x53: {  	_ =	shalt  }
0x54: {  	_ =	shalt  }
0x55: {  	_ =	shalt  }
0x56: {  	_ =	shalt  }
0x57: {  	_ =	shalt  }
0x58: {  	_ =	shalt  }
0x59: {  	_ =	shalt  }
0x5a: {  	_ =	shalt  }
0x5b: {  	_ =	shalt  }
0x5c: {  	_ =	shalt  }
0x5d: {  	_ =	shalt  }
0x5e: {  	_ =	shalt  }
0x5f: {  	_ =	shalt  }
0x60: {  	_ =	shalt  }
0x61: {  	_ =	shalt  }
0x62: {  	_ =	shalt  }
0x63: {  	_ =	shalt  }
0x64: {  	_ =	shalt  }
0x65: {  	_ =	shalt  }
0x66: {  	_ =	shalt  }
0x67: {  	_ =	shalt  }
0x68: {  	_ =	shalt  }
0x69: {  	_ =	shalt  }
0x6a: {  	_ =	shalt  }
0x6b: {  	_ =	shalt  }
0x6c: {  	_ =	shalt  }
0x6d: {  	_ =	shalt  }
0x6e: {  	_ =	shalt  }
0x6f: {  	_ =	shalt  }
0x70: {  	_ =	shalt  }
0x71: {  	_ =	shalt  }
0x72: {  	_ =	shalt  }
0x73: {  	_ =	shalt  }
0x74: {  	_ =	shalt  }
0x75: {  	_ =	shalt  }
0x76: {  	_ =	shalt  }
0x77: {  	_ =	shalt  }
0x78: {  	_ =	shalt  }
0x79: {  	_ =	shalt  }
0x7a: {  	_ =	shalt  }
0x7b: {  	_ =	shalt  }
0x7c: {  	_ =	shalt  }
0x7d: {  	_ =	shalt  }
0x7e: {  	_ =	shalt  }
0x7f: {  	_ =	shalt  }
0x80: {  	_ =	shalt  }
0x81: {  	_ =	shalt  }
0x82: {  	_ =	shalt  }
0x83: {  	_ =	shalt  }
0x84: {  	_ =	shalt  }
0x85: {  	_ =	shalt  }
0x86: {  	_ =	shalt  }
0x87: {  	_ =	shalt  }
.Lfunc_end0:
.L_simem_size_0:
called_computation_lowered:
.L_overlay_start_0:
0x88: {  	s0 =	sld [smem:$0x3FD9]  }
0x89: {  	s1 =	sld [smem:$0x3FFE];
	_ =	sdelay $0x3  }
0x8a: {  	s0 =	sadd.s32 s1, s0  }
0x8b: {  	[smem:$0x3FB9] =	sst s0  }
0x8c: {  	_ = 	snop  }
0x8d: {  	(tm) =	ssettm $0x1  }
0x8e: {  	s15 =	sld [smem:$0x3FFB];
	_ =	sdelay $0x3  }
0x8f: {  	_ =	strace s15  }
0x90: {  	s0 =	sld [smem:$0x3FFC];
	_ =	sdelay $0x3  }
0x91: {  	_ =	strace s0  }
0x92: {  	s0 =	sld [smem:$0x3FFD];
	_ =	sdelay $0x3  }
0x93: {  	_ =	strace s0  }
0x94: {  	_ =	strace $0x8FFFFFFF  }
0x95: {  	s16 =	sld [smem:$0x3FDB];
	_ =	sdelay $0x1  }
0x96: {  	s17 =	simm.s32 $_scs_section_size  }
0x97: {  	s2 =	simm.s32 $_size__tile_overlayer_lowered;
	s3 =	simm.s32 $_tile_overlayer_lowered  }
0x98: {  	s20 =	simm.s32 $0x1BFF;
	s19 =	sshll.u32 s3, $0x1;
	s0 =	sadd.s32 s17, s16  }
0x99: {  	s4 =	simm.s32 $0x0;
	s18 =	sshll.u32 s2, $0x1;
	s2 =	sadd.s32 s19, s0  }
0x9a: {  	[timem:s4], [sflag:s20] =	dma.local [hbm:s2], s18  }
0x9b: {  	_ =	swait.ge [sflag:s20], s18  }
0x9c: {  	s1 =	ssub.s32 $0x0, s18;
	[sflag:s20] =	ssyncset.done $0x0  }
0x9d: {  	[sflag:s20] =	ssyncadd.s32 s1;
	_ =	sdelay $0x1  }
0x9e: {  	s21 =	simm.s32 $0x1B8B  }
0x9f: {  	_ =	swait.ge [sflag:s21], $0x1  }
0xa0: {  	[sflag:s21] =	ssyncset.done $0x0  }
0xa1: {  	s23 =	simm.s32 $0x1B8E;
	s22 =	sld [smem:$0x3FFE];
	[sflag:s21] =	ssyncadd.s32 $0xFFFFFFFF  }
0xa2: {  	s24 =	simm.s32 $execute0_lowered;
	[smem:$0x3FD2] =	sst s23  }
0xa3: {  	s2 =	sshll.u32 s24, $0x1;
	_ =	strace $0x80000046;
	[dreg:$0x1] =	wrdreg $0xFFFFFFFF  }
0xa4: {  	s25 =	simm.s32 $_size_execute0_lowered;
	s0 =	sadd.s32 s0, s2;
	[dreg:$0x0] =	wrdreg $0x0  }
0xa5: {  	s2 =	sshll.u32 s25, $0x1;
	[dreg:$0x2] =	wrdreg s0  }
0xa6: {  	[dreg:$0x3] =	wrdreg s2  }
0xa7: {  	[dreg:$0x4] =	wrdreg $0xC0  }
0xa8: {  	_ =	task [dreg:s4], $0x5FFFF  }
0xa9: {  	[dreg:$0x1] =	wrdreg $0xFFFFFFFF  }
0xaa: {  	[dreg:$0x0] =	wrdreg $0x60  }
0xab: {  	[dreg:$0x2] =	wrdreg s22  }
0xac: {  	[dreg:$0x3] =	wrdreg $0x9  }
0xad: {  	_ =	task.clear_ibuf [dreg:s4], $0x4FFFF;
	_ =	strace $0x90000046  }
0xae: {  	s26 =	simm.s32 $0x9;
	_ =	strace $0x80000048  }
0xaf: {  	_ =	swait.ge [sflag:s26], $0x1  }
0xb0: {  	[sflag:s26] =	ssyncadd.s32 $0xFFFFFFFF  }
0xb1: {  	_ =	strace $0x90000048  }
0xb2: {  	_ =	sfence  }
0xb3: {  	s28 =	sld [smem:$0x0];
	_ =	sdelay $0x1  }
0xb4: {  	s29 =	srdreg.scid  }
0xb5: {  	s30 =	sshll.u32 s29, $0xD;
	s31 =	sshrl.u32 s29, $0x2  }
0xb6: {  	s1 =	sand.u32 $0x1, s29;
	s2 =	sand.u32 $0x4000, s30;
	s0 =	sadd.s32 s31, s28  }
0xb7: {  	s1 =	sor.u32 s2, s1;
	s0 =	sshll.u32 s0, $0x11  }
0xb8: {  	s0 =	sor.u32 s0, s1  }
0xb9: {  	s0 =	sadd.s32 $0x8F2B, s0  }
0xba: {  	[sflag:s0] =	ssyncadd.remote.s32 $0x1  }
0xbb: {  	_ =	sfence.sel $0xFFFF  }
0xbc: {  	[dreg:$0x0] =	wrdreg $0xFFFFFFFF;
	(pc) =	sbr.abs _section_cstart, $3  }
0xbd: {  	[dreg:$0x1] =	wrdreg $0xFFFFFFFF  }
0xbe: {  	_ =	task.clear_ibuf [dreg:s4], $0x2FFFF;
	_ =	strace $0x9FFFFFFF  }
0xbf: {  	(tm) =	ssettm $0x7FFFFFFF  }
tec
execute0_lowered:
.L_overlay_start_1:
0x0: {  	(tag) =	ssettag $0x1  }
0x1: {  	s0 =	rddreg [dreg:$0x0];
	_ =	strace $0x80000047;
	s1 =	simm.s32 $0x1  }
0x2: {  	v1 =	vimm.s32 $0xFFFFFFFF;
	[sflag:s1] =	ssyncpa.u1 $0x0  }
0x3: {  	s10 =	stileid.u32;
	s2 =	simm.s32 $0x6000;
	[tilespmem:$0x10] =	vst v1  }
0x4: {  	v0 =	vimm.f32 $0.0e+00;
	s29 =	simm.s32 $0x2;
	s7 =	simm.s32 $0x7;
	s8 =	simm.s32 $0x8;
	[tilespmem:$0x20] =	vst v1  }
0x5: {  	s30 =	simm.s32 $0x9;
	s16 =	simm.s32 $0x0;
	s17 =	simm.s32 $0xFFFFE000;
	[tilespmem:$0x30] =	vst v0  }
0x6: {  	s18 =	simm.s32 $0xF0;
	s19 =	simm.s32 $0xFFFFFFFF;
	s20 =	simm.s32 $0xFFFFC100;
	[tilespmem:$0x40] =	vst v0  }
0x7: {  	s21 =	simm.s32 $0xFFFFFFFE;
	s28 =	smin.u32 s10, $0x8;
	s3 =	sshll.u32 s10, $0x1;
	[tilespmem:$0x50] =	vst v0  }
0x8: {  	s22 =	simm.s32 $0xF;
	p0 =	slt.u32 s10, $0x8;
	[tilespmem:$0x60] =	vst v1;
	s1 =	sadd.s32 s28, s3  }
0x9: {  	s26 =	simm.s32 $0x0;
	[tilespmem:$0x70] =	vst v1;
	s2 =	simm.s32 @!p0 $0x4000;
	s4 =	sshll.u32 s1, $0xD  }
0xa: {  	s25 =	simm.s32 $0x0;
	s6 =	sadd.s32 $0x15000, s0;
	[tilespmem:$0x80] =	vst v1;
	s2 =	sadd.s32 s2, s4  }
0xb: {  	s15 =	sshllo.u32 s10, $0x1;
	v1 =	vimm.s32 $0x0;
	[tilespmem:$0xB0] =	vst v0;
	s13 =	sor.u32 $0x80, s3;
	s5 =	smin.u32 s2, $0x50000  }
0xc: {  	s14 =	sor.u32 $0x81, s3;
	[tilespmem:$0x90] =	vst v1;
	s1 =	sadd.s32 $0x51000, s0;
	s9 =	ssub.s32 s5, s4  }
.Ltmp0:
0xd: {  	[tilespmem:$0xA0] =	vst v1;
	[sflag:s29] =	ssyncpa.u1 $0x0;
	p0 =	sgt.s32 s9, $0x0;
	(pc) =	sbr.rel .LBB2_1-.Ltmp0, $4  }
0xe: {  	s0 =	sadd.s32 $0x1F000, s0;
	[sflag:s7] =	ssyncpa.u1 $0x0;
	s9 =	simm.s32 @!p0 $0x0  }
0xf: {  	[dreg:$0x2] =	wrdreg s0;
	[sflag:s8] =	ssyncpa.u1 $0x0;
	s9 =	sshrl.u32 s9, $0xD  }
0x10: {  	vm0 =	vmmov $0xffff;
	v2 =	vlaneseq.u32;
	s24 =	smov.u32 s4;
	[sflag:s30] =	ssyncpa.u1 $0x0;
	s31 =	sadd.s32 $0x1, s9  }
0x11: {  	vm1 =	vmxor vm1, vm1;
	vm2 =	vmmov $0x1;
	vm3 =	vcmask $0x3F3C;
	p0 =	por $0x0, $0x0;
	s12 =	sadd.s32 $0x2, s9;
	[dreg:$0x3] =	wrdreg s31  }
.LBB2_9:
0x12: {  	p1 =	slt.u32 s25, $0x3  }
0x13: {  	s0 =	simm.s32 @!p1 $0x2  }
0x14: {  	_ =	swait.ge @!p1 [sflag:s0], $0x2000  }
0x15: {  	[sflag:s0] =	ssyncset.done @!p1 $0x0  }
0x16: {  	[sflag:s0] =	ssyncadd.s32 @!p1 $0xFFFFE000;
	s0 =	simm.s32 @!p1 $0x9  }
0x17: {  	_ =	swait.ge @!p1 [sflag:s0], $0x10  }
0x18: {  	s2 =	sadd.s32 $0x2000, s24;
	[sflag:s0] =	ssyncset.done @!p1 $0x0  }
0x19: {  	[sflag:s0] =	ssyncadd.s32 @!p1 $0xFFFFFFF0;
	p1 =	slt.s32 s2, s5;
	s0 =	smov.u32 s4  }
0x1a: {  	s0 =	smov.u32 @p1 s2;
	p1 =	sne.s32 s25, s12  }
.Ltmp1:
0x1b: {  	_ = 	snop;
	(pc) =	sbr.rel @!p1 .LBB2_10-.Ltmp1, $4  }
0x1c: {  	s31 =	sadd.s32 $0x1, s25  }
0x1d: {  	s17 =	sadd.s32 $0x2000, s17;
	s18 =	sadd.s32 $0x2000, s18;
	s19 =	sadd.s32 $0x1, s19  }
0x1e: {  	s26 =	smov.u32 s24;
	p0 =	por !p0, !p0;
	s20 =	sadd.s32 $0x2000, s20  }
0x1f: {  	s21 =	sadd.s32 $0x1, s21;
	s25 =	smov.u32 s31;
	s24 =	smov.u32 s0  }
.LBB2_1:
0x20: {  	p1 =	sge.u32 s25, s9  }
0x21: {  	s0 =	smulhi.u32 @!p1 $0xAAAAAAAB, s25;
	_ =	sdelay $0x1  }
0x22: {  	s0 =	sshrl.u32 @!p1 s0, $0x1  }
0x23: {  	s0 =	smul.u32 @!p1 $0x3, s0;
	_ =	sdelay $0x1  }
0x24: {  	s0 =	ssub.s32 @!p1 s25, s0  }
0x25: {  	s2 =	sshrl.u32 @!p1 s24, $0x3;
	s0 =	sshll.u32 @!p1 s0, $0xD  }
0x26: {  	s10 =	sand.u32 @!p1 $0x7, s24;
	s2 =	sadd.s32 @!p1 s6, s2;
	s0 =	sor.u32 @!p1 $0x100, s0  }
0x27: {  	[tilespmem:s0], [sflag:$0x7] =	stream.linear.gather @!p1 [hbm4b:s2+s10], $0x2000, $0x38;
	[tilespmem:$0x12120] =	vst v63  }
0x28: {  	s2 =	sadd.s32 $0xFFFFFFFF, s25  }
0x29: {  	p1 =	sge.u32 s2, s9  }
.Ltmp2:
0x2a: {  	_ = 	snop;
	(pc) =	sbr.rel @p1 .LBB2_5-.Ltmp2, $1  }
0x2b: {  	_ =	sdelay $0x3  }
0x2c: {  	s0 =	smulhi.u32 $0xAAAAAAAB, s2;
	_ =	sdelay $0x1  }
0x2d: {  	s0 =	sshrl.u32 s0, $0x1  }
0x2e: {  	s0 =	smul.u32 $0x3, s0;
	_ =	sdelay $0x1  }
0x2f: {  	s0 =	ssub.s32 s2, s0  }
0x30: {  	_ =	swait.ge [sflag:s7], $0x2000;
	s0 =	sshll.u32 s0, $0xD  }
0x31: {  	[sflag:s7] =	ssyncset.done $0x0;
	s0 =	sor.u32 $0x100, s0  }
0x32: {  	[sflag:s7] =	ssyncadd.s32 $0xFFFFE000;
	(ifvalue) =	ssetifvalue $0xFFFFFFFF;
	v3 =	vld.msk [tilespmem:s0+$0x0 ss:$0x1], $0xffff;
	_ =	sdelay $0x2  }
0x33: {  	s29 =	smulhi.u32 $0xAAAAAAAB, s19;
	p1 =	sne.s32 s25, $0x1  }
0x34: {  	v4 =	vimm.s32 @!p1 $0x0  }
0x35: {  	s0 =	sshrl.u32 s29, $0x1;
	v4 =	vperm.xlane @!p1 v3, v4  }
0x36: {  	s10 =	sshll.u32 s25, $0x4;
	s0 =	smul.u32 $0xFFFE8000, s0;
	vm4 =	vlt.u32 v3, $0x2800  }
0x37: {  	s10 =	sand.u32 $0x10, s10;
	v3 =	vnsel vm4, $0xFFFFFFFE, v3;
	vm4 =	vlt.u32 @!p1 v4, $0x2800  }
0x38: {  	s0 =	sshra.s32 s0, $0x2;
	[tilespmem:s10+$0x60] =	vst v3;
	v3 =	vnsel @!p1 vm4, $0xFFFFFFFE, v4  }
0x39: {  	s28 =	sadd.s32 s0, s18;
	[tilespmem:$0x80] =	vst @!p1 v3  }
0x3a: {  	v3 =	vld.msk [tilespmem:s28+$0x0 ss:$0x1], $0xffff;
	_ =	sdelay $0x4  }
0x3b: {  	(xrf1) =	vunique.msk.u32 $0xffff, v3;
	_ =	sdelay $0xd  }
0x3c: {  	v4 =	vimm.s32 $0xFFFFFFFF;
	v5, _, _ =	vpop (xrf1)  }
0x3d: {  	vm5 =	vne.s32 v3, v4;
	vm4 =	veq.s32 v5, v2  }
0x3e: {  	vm6 =	vlt.u32 v3, $0x2800;
	vm4 =	vmand vm5, vm4  }
0x3f: {  	vm4 =	vmand vm6, vm4  }
0x40: {  	v4 =	vnsel vm4, $0xFFFFFFFF, v3;
	_ =	sdelay $0x2  }
0x41: {  	s30 =	sand.u32 $0x2000, s17  }
0x42: {  	s31 =	sshll.u32 s2, $0xD;
	s0 =	sor.u32 $0x80F0, s30;
	(ifvalue) =	ssetifvalue $0xFFFFFFFF  }
0x43: {  	v3 =	vperm.xlane v3, v1;
	[tilespmem:s0], [sflag:$0x8] =	stream.indirect_vreg.gather [hbm4b:s1+s16], $0x1, v4, vm0, $0x4038;
	v4 =	vnsel vm6, $0xFFFFFFFE, v4;
	[tilespmem:$0x12120] =	vst v63  }
0x44: {  	s23 =	simm.s32 $0x0;
	s2 =	sand.u32 $0x2000, s31;
	s10 =	sadd.s32 $0xFFFFFFF0, s28;
	[tilespmem:s28+$0x0] =	vst v4  }
.LBB2_3:
0x45: {  	v4 =	vld.msk [tilespmem:s10+$0x0 ss:$0x1], $0xffff;
	s23 =	sadd.s32 $0x10, s23;
	v5 =	vmov v3;
	s28 =	smov.u32 s10  }
0x46: {  	p1 =	slt.u32 s23, $0x1FF0;
	_ =	sdelay $0x4  }
0x47: {  	v3 =	vperm.xlane v4, v1;
	(xrf1) =	vunique.msk.u32 $0xffff, v4;
	_ =	sdelay $0xd  }
0x48: {  	v6, _, _ =	vpop (xrf1)  }
0x49: {  	vm5 =	vne.s32 v4, v5;
	vm4 =	veq.s32 v6, v2  }
0x4a: {  	vm6 =	vlt.u32 v4, $0x2800;
	vm4 =	vmand vm5, vm4  }
0x4b: {  	vm4 =	vmand vm6, vm4  }
0x4c: {  	v4 =	vnsel vm4, $0xFFFFFFFF, v4  }
.Ltmp3:
0x4d: {  	v5 =	vnsel vm6, $0xFFFFFFFE, v4;
	(pc) =	sbr.rel @p1 .LBB2_3-.Ltmp3, $3  }
0x4e: {  	_ =	sdelay $0x1  }
0x4f: {  	s10 =	sadd.s32 $0xFFFFFFF0, s10;
	s0 =	sadd.s32 $0xFFFFFFF0, s0;
	(ifvalue) =	ssetifvalue $0xFFFFFFFF  }
0x50: {  	[tilespmem:s0], [sflag:$0x8] =	stream.indirect_vreg.gather [hbm4b:s1+s16], $0x1, v4, vm0, $0x4038;
	[tilespmem:s28+$0x0] =	vst v5  }
0x51: {  	s0 =	sshrl.u32 s26, $0x3;
	s10 =	rddreg [dreg:$0x2]  }
0x52: {  	s2 =	sadd.s32 $0xA100, s2;
	s0 =	sadd.s32 s10, s0  }
0x53: {  	[tilespmem:s2], [sflag:$0x8] =	stream.linear.gather [hbm:s0], $0x2000, $0x38;
	[tilespmem:$0x12120] =	vst v63  }
.LBB2_5:
0x54: {  	p1 =	slt.u32 s25, $0x2  }
0x55: {  	p2 =	sge.u32 @!p1 s25, s12  }
0x56: {  	p1 =	por p1, p2  }
.Ltmp4:
0x57: {  	_ = 	snop;
	(pc) =	sbr.rel @p1 .LBB2_9-.Ltmp4, $1  }
0x58: {  	_ =	sdelay $0x3  }
0x59: {  	s0 =	sadd.s32 $0xFFFFFFFE, s25  }
0x5a: {  	s2 =	smulhi.u32 $0xAAAAAAAB, s0;
	_ =	sdelay $0x1  }
0x5b: {  	s2 =	sshrl.u32 s2, $0x1  }
0x5c: {  	s2 =	smul.u32 $0x3, s2  }
0x5d: {  	_ =	swait.ge [sflag:s8], $0x4000  }
0x5e: {  	s10 =	rddreg [dreg:$0x3];
	s0 =	ssub.s32 s0, s2  }
0x5f: {  	[sflag:s8] =	ssyncset.done $0x0;
	p1 =	sne.s32 s25, s10;
	s0 =	sshll.u32 s0, $0xD  }
0x60: {  	[sflag:s8] =	ssyncadd.s32 $0xFFFFC000;
	s2 =	sadd.s32 @!p1 $0x20FF, s0  }
0x61: {  	[spmem:s14] =	stream.linear.scatter @!p1 [tilespmem:s2], [sflag:$0x1], $0x1, $0x38;
	[tilespmem:$0x12120] =	vst v63  }
0x62: {  	s2 =	simm.s32 @!p1 $0x1  }
0x63: {  	_ =	swait.ge @!p1 [sflag:s2], $0x1  }
0x64: {  	s10 =	sshll.u32 s25, $0x4;
	[sflag:s2] =	ssyncset.done @!p1 $0x0  }
0x65: {  	s26 =	sand.u32 $0x10, s10;
	[sflag:s2] =	ssyncadd.s32 @!p1 $0xFFFFFFFF  }
0x66: {  	s2 =	sxor.u32 $0x10, s26;
	v4 =	vld [tilespmem:s26+$0x10]  }
0x67: {  	v5 =	vld [tilespmem:s2+$0x60]  }
0x68: {  	v3 =	vld [tilespmem:$0x80];
	_ =	sdelay $0x2  }
0x69: {  	(v2sf) =	vpush v4, $0x0  }
0x6a: {  	(v2sf) =	vpush v5, $0x0  }
0x6b: {  	(v2sf) =	vpush v3, $0x0;
	_ =	sdelay $0xc  }
0x6c: {  	s11 =	spop (v2sf)  }
0x6d: {  	s23 =	spop (v2sf)  }
0x6e: {  	s29 =	spop (v2sf)  }
0x6f: {  	p2 =	seq.s32 s11, s23;
	p3 =	seq.s32 s29, s11  }
0x70: {  	p3 =	por p2, p3  }
0x71: {  	v4 =	vpsel p3, $0xFFFFFFFF, v4  }
0x72: {  	s23 =	sand.u32 $0x1, s25;
	[tilespmem:s26+$0x10] =	vst.msk $0x1, v4  }
0x73: {  	s30 =	sshll.u32 s23, $0xD;
	v4 =	vld [tilespmem:$0x30]  }
0x74: {  	v5 =	vld [tilespmem:s30+$0xA100]  }
0x75: {  	v6 =	vld [tilespmem:s26+$0x40];
	_ =	sdelay $0x3  }
0x76: {  	vm4 =	vmmov vm1;
	v5 =	vadd.f32 v5, v4  }
0x77: {  	vm5 =	vmmov vm2;
	vm4 =	vmmov @p2 vm2;
	s10 =	sshll.u32 s23, $0x4;
	v4 =	vadd.f32 v6, v4  }
0x78: {  	s28 =	sor.u32 $0x12100, s10;
	vm5 =	vmmov @p3 vm1;
	[tilespmem:s30+$0xA100] =	vst.msk vm4, v5  }
0x79: {  	[tilespmem:s28+$0x0] =	vst.msk vm5, v4  }
0x7a: {  	v4 =	vld [tilespmem:s30+$0x80F0];
	_ =	sdelay $0x3  }
0x7b: {  	v5 =	vimm.f32 $0.0e+00  }
0x7c: {  	v4 =	vshift.insert v4, v5, s22  }
0x7d: {  	s11 =	sor.u32 $0x40, s2  }
0x7e: {  	[tilespmem:s11+$0x0] =	vst.msk $0x1, v4  }
0x7f: {  	[tilespmem:s30+$0x80FF] =	vst.msk $0x1, v5  }
0x80: {  	v4 =	vld [tilespmem:s0+$0x20F0];
	_ =	sdelay $0x1  }
0x81: {  	s23 =	smulhi.u32 $0xAAAAAAAB, s21;
	_ =	sdelay $0x1  }
0x82: {  	s10 =	simm.s32 $0x1;
	s0 =	sshrl.u32 s23, $0x1  }
0x83: {  	s10 =	simm.s32 @!p0 $0x0;
	s0 =	smul.u32 $0xFFFE8000, s0;
	v4 =	vshift.insert v4, v1, s22  }
0x84: {  	s10 =	sshll.u32 s10, $0xD  }
0x85: {  	s31 =	sadd.s32 $0xA100, s10;
	s0 =	sshra.s32 s0, $0x2;
	[tilespmem:s2+$0x10] =	vst.msk $0x1, v4  }
0x86: {  	s11 =	sadd.s32 s0, s20;
	v6 =	vld [tilespmem:s31+$0x0]  }
0x87: {  	v7 =	vld [tilespmem:s11+$0x0];
	_ =	sdelay $0x3  }
0x88: {  	v5 =	vadd.f32 v6, v5  }
0x89: {  	vm4 =	vne.s32 v7, $0xFFFFFFFF  }
0x8a: {  	(xrf2) =	vadd.seg.scan.f32 vm4, v5;
	_ =	sdelay $0x3  }
0x8b: {  	s0 =	sadd.s32 $0x6100, s10;
	v5 =	vperm.xlane v4, v1  }
0x8c: {  	v6 =	vld [tilespmem:s0+$0x0]  }
0x8d: {  	vm5 =	veq.s32 v7, v3;
	vm6 =	veq.s32 v7, v5  }
0x8e: {  	vm7 =	vgt.u32 v7, $0xFFFFFFFD;
	vm6 =	vmor vm6, vm5  }
0x8f: {  	vm6 =	vmor vm6, vm7  }
0x90: {  	v9 =	vld [tilespmem:$0xA0];
	v7 =	vsel vm6, $0xFFFFFFFF, v7  }
0x91: {  	v10 =	vld [tilespmem:$0x90];
	v6 =	vsel vm5, $0x0, v6;
	v8, _, _ =	vpop (xrf2)  }
0x92: {  	v6 =	vadd.f32 v8, v6  }
0x93: {  	s2 =	sadd.s32 $0xE100, s10  }
0x94: {  	vm4 =	vmand vm4, vm3;
	[tilespmem:s2+$0x0] =	vst v6;
	(ifvalue) =	ssetifvalue $0xFFFFFFFF  }
0x95: {  	vm6 =	veq.s32 v9, $0x1;
	[hbm4b:s1+s16] =	stream.indirect_vreg.scatter [tilespmem:s2], [sflag:$0x2], $0x1, v7, vm0, $0x4038;
	v7 =	vsel vm4, $0x0, v8;
	[tilespmem:$0x12120] =	vst v63  }
0x96: {  	s23 =	simm.s32 $0x0;
	s10 =	sadd.s32 $0x10, s11;
	vm4 =	vmor vm6, vm5;
	v6 =	vsel vm5, v8, v10;
	v7 =	vshift.insert v7, v0, s22  }
.LBB2_7:
0x97: {  	v8 =	vld [tilespmem:s10+$0x0];
	s31 =	sadd.s32 $0x10, s31  }
0x98: {  	s0 =	sadd.s32 $0x10, s0;
	v9 =	vld [tilespmem:s31+$0x0]  }
0x99: {  	s23 =	sadd.s32 $0x10, s23;
	v10 =	vld [tilespmem:s0+$0x0]  }
0x9a: {  	p2 =	slt.u32 s23, $0x1FF0;
	_ =	sdelay $0x2  }
0x9b: {  	v7 =	vadd.f32 v9, v7  }
0x9c: {  	vm5 =	vne.s32 v8, $0xFFFFFFFF  }
0x9d: {  	vm6 =	vmand vm5, vm3;
	(xrf2) =	vadd.seg.scan.f32 vm5, v7;
	_ =	sdelay $0x5  }
0x9e: {  	vm7 =	veq.s32 v8, v5;
	vm5 =	veq.s32 v8, v3  }
0x9f: {  	vm8 =	vgt.u32 v8, $0xFFFFFFFD;
	vm4 =	vmor vm4, vm5;
	vm7 =	vmor vm7, vm5  }
0xa0: {  	vm7 =	vmor vm7, vm8  }
0xa1: {  	v8 =	vsel vm7, $0xFFFFFFFF, v8  }
.Ltmp5:
0xa2: {  	v7 =	vsel vm5, $0x0, v10;
	v9, _, _ =	vpop (xrf2);
	(pc) =	sbr.rel @p2 .LBB2_7-.Ltmp5, $4  }
0xa3: {  	v6 =	vsel vm5, v9, v6;
	v10 =	vadd.f32 v9, v7;
	v7 =	vsel vm6, $0x0, v9  }
0xa4: {  	s2 =	sadd.s32 $0x10, s2;
	v7 =	vshift.insert v7, v0, s22  }
0xa5: {  	s10 =	sadd.s32 $0x10, s10;
	[tilespmem:s2+$0x0] =	vst v10;
	(ifvalue) =	ssetifvalue $0xFFFFFFFF  }
0xa6: {  	[hbm4b:s1+s16] =	stream.indirect_vreg.scatter [tilespmem:s2], [sflag:$0x2], $0x1, v8, vm0, $0x4038;
	[tilespmem:$0x12120] =	vst v63  }
0xa7: {  	v3 =	vld [tilespmem:s30+$0x100F0];
	_ =	sdelay $0x4  }
0xa8: {  	v3 =	vshift.insert v3, v0, s22  }
0xa9: {  	s0 =	simm.s32 $0x30  }
0xaa: {  	[tilespmem:s0+$0x0] =	vst.msk $0x1, v3  }
0xab: {  	v3 =	vsel vm4, $0x1, v1;
	[tilespmem:$0x90] =	vst v6  }
0xac: {  	s0 =	sadd.s32 @!p1 $0x100FF, s30;
	[tilespmem:$0xA0] =	vst v3  }
0xad: {  	[spmem:s15] =	stream.linear.scatter @!p1 [tilespmem:s0], [sflag:$0x1], $0x1, $0x38;
	[tilespmem:$0x12120] =	vst v63  }
0xae: {  	s0 =	simm.s32 @!p1 $0x1  }
0xaf: {  	v3 =	vmctz.xlane @!p1 vm4;
	_ =	swait.ge @!p1 [sflag:s0], $0x1  }
0xb0: {  	(v2sf) =	vpush @!p1 v4, $0x0  }
0xb1: {  	(v2sf) =	vpush @!p1 v3, $0x0;
	_ =	sdelay $0xd  }
0xb2: {  	s2 =	spop @!p1 (v2sf)  }
0xb3: {  	s10 =	spop @!p1 (v2sf)  }
0xb4: {  	p2 =	sne.s32 @!p1 s29, s2;
	p3 =	slt.s32 @!p1 s10, $0xF  }
0xb5: {  	[sflag:s0] =	ssyncset.done @!p1 $0x0;
	p2 =	por p2, p1;
	p3 =	por !p3, p1  }
0xb6: {  	[sflag:s0] =	ssyncadd.s32 @!p1 $0xFFFFFFFF;
	v3 =	vimm.s32 @!p2 $0xFFFFFFFF;
	s10 =	simm.s32 @p3 $0xF  }
0xb7: {  	[tilespmem:$0x80] =	vst @!p2 v3;
	s2 =	sadd.s32 @!p1 $0x90, s10  }
0xb8: {  	[spmem:s3] =	stream.linear.scatter @!p1 [tilespmem:s2], [sflag:$0x1], $0x1, $0x38;
	[tilespmem:$0x12120] =	vst v63  }
0xb9: {  	_ =	swait.ge @!p1 [sflag:s0], $0x1  }
0xba: {  	[sflag:s0] =	ssyncset.done @!p1 $0x0  }
0xbb: {  	s2 =	simm.s32 @!p1 $0x80;
	[sflag:s0] =	ssyncadd.s32 @!p1 $0xFFFFFFFF  }
0xbc: {  	[spmem:s13] =	stream.linear.scatter @!p1 [tilespmem:s2], [sflag:$0x1], $0x1, $0x38;
	[tilespmem:$0x12120] =	vst v63  }
0xbd: {  	_ =	swait.ge @!p1 [sflag:s0], $0x1  }
0xbe: {  	[sflag:s0] =	ssyncset.done @!p1 $0x0  }
0xbf: {  	[sflag:s0] =	ssyncadd.s32 @!p1 $0xFFFFFFFF;
	(ifvalue) =	ssetifvalue $0xFFFFFFFF;
	v3 =	vld [tilespmem:s26+$0x10];
	_ =	sdelay $0x3  }
.Ltmp6:
0xc0: {  	_ = 	snop;
	(pc) =	sbr.rel .LBB2_9-.Ltmp6, $3  }
0xc1: {  	_ =	sdelay $0x1  }
0xc2: {  	(ifvalue) =	ssetifvalue $0xFFFFFFFF  }
0xc3: {  	[hbm4b:s1+s16] =	stream.indirect_vreg.scatter [tilespmem:s28], [sflag:$0x9], $0x1, v3, vm0, $0x4038;
	[tilespmem:$0x12120] =	vst v63  }
.LBB2_10:
0xc4: {  	_ =	sfence.sel $0x180000  }
0xc5: {  	s0 =	simm.s32 $0x7;
	[bflag:$0x0] =	sbarrier.arrive $0xFFFF  }
0xc6: {  	s26 =	simm.s32 $0x8;
	[sflag:s0] =	ssyncpa.u1 $0x1  }
0xc7: {  	s28 =	simm.s32 $0x9;
	[sflag:s26] =	ssyncpa.u1 $0x1  }
0xc8: {  	[sflag:s28] =	ssyncpa.u1 $0x1  }
0xc9: {  	_ =	sfence.stream.spmem  }
0xca: {  	s29 =	simm.s32 $0x3;
	[bflag:$0x0] =	sbarrier.arrive $0xFFFF  }
0xcb: {  	s30 =	simm.s32 $0x4;
	[sflag:s29] =	ssyncpa.u1 $0x1  }
0xcc: {  	s31 =	simm.s32 $0x3C;
	s2 =	stileid.u32;
	[sflag:s30] =	ssyncpa.u1 $0x1  }
0xcd: {  	p0 =	sne.s32 s2, $0x0;
	[sflag:s31] =	ssyncpa.u1 $0x1  }
0xce: {  	s0 =	simm.s32 @p0 $0x1;
	_ =	sfence @p0  }
0xcf: {  	[sflag:s0] =	ssyncpa.u1 @p0 $0x1;
	s0 =	simm.s32 @p0 $0x2  }
0xd0: {  	[sflag:s0] =	ssyncpa.u1 @p0 $0x1  }
0xd1: {  	_ =	strace @p0 $0x90000047  }
0xd2: {  	[bflag:$0x2] =	sbarrier.arrive @p0 $0xFFFF  }
0xd3: {  	_ =	shalt @p0  }
.LBB2_11:
0xd4: {  	_ =	sfence.stream.spmem;
	s0 =	simm.s32 $0x5  }
0xd5: {  	s2 =	simm.s32 $0x80;
	s3 =	simm.s32 $0xC0;
	[sflag:s0] =	ssyncpa.u1 $0x0  }
0xd6: {  	[tilespmem:s3], [sflag:$0x5] =	stream.linear.gather [spmem:s2], $0x20, $0x38;
	[tilespmem:$0x12120] =	vst v63  }
0xd7: {  	s2 =	simm.s32 $0x0;
	s3 =	simm.s32 $0xE0  }
0xd8: {  	[tilespmem:s3], [sflag:$0x5] =	stream.linear.gather [spmem:s2], $0x20, $0x38;
	[tilespmem:$0x12120] =	vst v63  }
.Ltmp7:
0xd9: {  	_ = 	snop;
	(pc) =	sbr.rel .LBB2_12-.Ltmp7, $4  }
0xda: {  	_ =	swait.ge [sflag:s0], $0x40  }
0xdb: {  	[sflag:s0] =	ssyncset.done $0x0  }
0xdc: {  	s31 =	simm.s32 $0x6;
	[sflag:s0] =	ssyncadd.s32 $0xFFFFFFC0  }
0xdd: {  	s4 =	simm.s32 $0x0;
	[sflag:s31] =	ssyncpa.u1 $0x0  }
.LBB2_17:
0xde: {  	p0 =	sgt.u32 s0, $0x27FF  }
0xdf: {  	s5 =	sshrl.u32 @!p0 s0, $0x3  }
0xe0: {  	s0 =	sand.u32 @!p0 $0x7, s0;
	s6 =	simm.s32 @!p0 $0xB0;
	s5 =	sadd.s32 @!p0 s1, s5  }
0xe1: {  	[tilespmem:s6], [sflag:$0x6] =	stream.linear.gather @!p0 [hbm4b:s5+s0], $0x1, $0x38;
	[tilespmem:$0x12120] =	vst v63  }
0xe2: {  	s0 =	simm.s32 @!p0 $0x6  }
0xe3: {  	_ =	swait.ge @!p0 [sflag:s0], $0x1  }
0xe4: {  	[sflag:s0] =	ssyncset.done @!p0 $0x0  }
0xe5: {  	[sflag:s0] =	ssyncadd.s32 @!p0 $0xFFFFFFFF  }
0xe6: {  	v2 =	vmov @!p0 s4;
	v1 =	vld.msk @!p0 [tilespmem:$0xB0], $0x1;
	_ =	sdelay $0x3  }
0xe7: {  	s0 =	simm.s32 @!p0 $0xE0  }
0xe8: {  	[tilespmem:v2+s0+$0x0], v1 =	vst.idx.ret.add.f32.msk @!p0 $0x1, v1  }
0xe9: {  	[tilespmem:s2+$0xC0] =	vst.msk $0x1, v0  }
0xea: {  	v0 =	vld.msk [tilespmem:s4+$0xE0], $0x1;
	_ =	sdelay $0x4  }
0xeb: {  	[tilespmem:s2+$0xE0] =	vst.msk $0x1, v0;
	s2 =	sadd.s32 $0x1, s2  }
.LBB2_19:
0xec: {  	s4 =	sadd.s32 $0x1, s4  }
0xed: {  	p0 =	sne.s32 s4, $0x20  }
.Ltmp8:
0xee: {  	_ = 	snop;
	(pc) =	sbr.rel @!p0 .LBB2_20-.Ltmp8, $1  }
0xef: {  	_ =	sdelay $0x3  }
.LBB2_12:
0xf0: {  	v0 =	vld.msk [tilespmem:s4+$0xC0], $0x1;
	_ =	sdelay $0x4  }
0xf1: {  	(v2sf) =	vpush v0, $0x0;
	_ =	sdelay $0xe  }
0xf2: {  	s0 =	spop (v2sf)  }
0xf3: {  	p0 =	seq.s32 s0, $0xFFFFFFFF  }
.Ltmp9:
0xf4: {  	_ = 	snop;
	(pc) =	sbr.rel @p0 .LBB2_19-.Ltmp9, $1  }
0xf5: {  	_ =	sdelay $0x3  }
0xf6: {  	p0 =	slt.s32 s2, $0x1  }
.Ltmp10:
0xf7: {  	_ = 	snop;
	(pc) =	sbr.rel @p0 .LBB2_17-.Ltmp10, $1  }
0xf8: {  	_ =	sdelay $0x3  }
0xf9: {  	s5 =	simm.s32 $0xC0;
	p0 =	por $0x0, $0x0  }
0xfa: {  	v1 =	vld.msk @!p0 [tilespmem:s5+$0x0], $0x1;
	_ =	sdelay $0x4  }
0xfb: {  	(v2sf) =	vpush @!p0 v1, $0x0;
	_ =	sdelay $0xd  }
0xfc: {  	p2 =	sne.s32 s2, $0x1  }
.Ltmp11:
0xfd: {  	s6 =	spop @!p0 (v2sf);
	(pc) =	sbr.rel @!p2 .LBB2_16-.Ltmp11, $4  }
0xfe: {  	p1 =	seq.s32 @!p0 s0, s6  }
0xff: {  	s6 =	simm.s32 $0x0;
	p1 =	por !p1, p0  }
0x100: {  	s8 =	simm.s32 $0xFFFFFFFF;
	s6 =	simm.s32 @p1 $0xFFFFFFFF  }
0x101: {  	s7 =	simm.s32 $0x1;
	s6 =	smov.u32 @p0 s8  }
.LBB2_15:
0x102: {  	s8 =	smov.u32 s6;
	p0 =	sne.s32 s6, $0xFFFFFFFF  }
0x103: {  	s5 =	sadd.s32 $0x1, s5;
	s6 =	smov.u32 s7;
	s7 =	sadd.s32 $0x1, s7  }
0x104: {  	p1 =	sne.s32 s2, s7;
	v1 =	vld.msk @!p0 [tilespmem:s5+$0x0], $0x1;
	_ =	sdelay $0x4  }
0x105: {  	(v2sf) =	vpush @!p0 v1, $0x0;
	_ =	sdelay $0xe  }
.Ltmp12:
0x106: {  	s9 =	spop @!p0 (v2sf);
	(pc) =	sbr.rel @p1 .LBB2_15-.Ltmp12, $4  }
0x107: {  	p2 =	seq.s32 @!p0 s0, s9  }
0x108: {  	p2 =	por !p2, p0  }
0x109: {  	s6 =	simm.s32 @p2 $0xFFFFFFFF  }
0x10a: {  	s6 =	smov.u32 @p0 s8  }
.LBB2_16:
0x10b: {  	p0 =	sne.s32 s6, $0xFFFFFFFF  }
.Ltmp13:
0x10c: {  	_ = 	snop;
	(pc) =	sbr.rel @!p0 .LBB2_17-.Ltmp13, $1  }
0x10d: {  	_ =	sdelay $0x3  }
0x10e: {  	v0 =	vld.msk [tilespmem:s4+$0xE0], $0x1;
	v1 =	vmov s6  }
.Ltmp14:
0x10f: {  	_ = 	snop;
	(pc) =	sbr.rel .LBB2_19-.Ltmp14, $2  }
0x110: {  	_ =	sdelay $0x2  }
0x111: {  	[tilespmem:v1+s3+$0x0], v0 =	vst.idx.ret.add.f32.msk $0x1, v0  }
.LBB2_20:
0x112: {  	p0 =	slt.s32 s2, $0x1  }
.Ltmp15:
0x113: {  	_ = 	snop;
	(pc) =	sbr.rel @p0 .LBB2_24-.Ltmp15, $3  }
0x114: {  	_ =	sdelay $0x1  }
0x115: {  	s0 =	simm.s32 $0x6  }
0x116: {  	[sflag:s0] =	ssyncpa.u1 $0x1;
	s0 =	simm.s32 $0x0  }
0x117: {  	s3 =	simm.s32 $0xC0  }
0x118: {  	v0 =	vld.msk [tilespmem:s3+$0x0], $0x1;
	_ =	sdelay $0x4  }
0x119: {  	(v2sf) =	vpush v0, $0x0;
	_ =	sdelay $0xe  }
0x11a: {  	s2 =	sadd.s32 $0xFFFFFFFF, s2;
	s4 =	spop (v2sf)  }
0x11b: {  	p1 =	sne.s32 s2, $0x0;
	p0 =	sgt.u32 s4, $0x27FF  }
.Ltmp16:
0x11c: {  	s5 =	sshrl.u32 @!p0 s4, $0x3;
	(pc) =	sbr.rel @!p1 .LBB2_23-.Ltmp16, $4  }
0x11d: {  	s3 =	simm.s32 $0xE0;
	s4 =	sand.u32 @!p0 $0x7, s4;
	s5 =	sadd.s32 @!p0 s1, s5  }
0x11e: {  	[hbm4b:s5+s4] =	stream.linear.scatter @!p0 [tilespmem:s3], [sflag:$0x5], $0x1, $0x38;
	[tilespmem:$0x12120] =	vst v63  }
0x11f: {  	s5 =	simm.s32 $0x0  }
0x120: {  	s4 =	simm.s32 $0xC1;
	s5 =	simm.s32 @!p0 $0x4  }
.LBB2_22:
0x121: {  	v0 =	vld.msk [tilespmem:s4+$0x0], $0x1;
	s2 =	sadd.s32 $0xFFFFFFFF, s2;
	s0 =	sadd.s32 s0, s5  }
0x122: {  	p0 =	sne.s32 s2, $0x0;
	_ =	sdelay $0x3  }
0x123: {  	(v2sf) =	vpush v0, $0x0;
	_ =	sdelay $0xe  }
.Ltmp17:
0x124: {  	s6 =	spop (v2sf);
	(pc) =	sbr.rel @p0 .LBB2_22-.Ltmp17, $4  }
0x125: {  	s5 =	simm.s32 $0x0;
	p1 =	sgt.u32 s6, $0x27FF  }
0x126: {  	s3 =	sadd.s32 $0x1, s3;
	s5 =	simm.s32 @!p1 $0x4;
	s7 =	sshrl.u32 @!p1 s6, $0x3  }
0x127: {  	s4 =	sadd.s32 $0x1, s4;
	s6 =	sand.u32 @!p1 $0x7, s6;
	s7 =	sadd.s32 @!p1 s1, s7  }
0x128: {  	[hbm4b:s7+s6] =	stream.linear.scatter @!p1 [tilespmem:s3], [sflag:$0x5], $0x1, $0x38;
	[tilespmem:$0x12120] =	vst v63  }
.LBB2_23:
0x129: {  	s0 =	sadd.s32 s0, s5  }
0x12a: {  	s0 =	sshrl.u32 s0, $0x2  }
.LBB2_24:
0x12b: {  	s1 =	simm.s32 $0x5  }
0x12c: {  	_ =	swait.ge [sflag:s1], s0  }
0x12d: {  	s28 =	ssub.s32 $0x0, s0;
	[sflag:s1] =	ssyncset.done $0x0  }
0x12e: {  	[sflag:s1] =	ssyncadd.s32 s28  }
0x12f: {  	[sflag:s1] =	ssyncpa.u1 $0x1  }
0x130: {  	s29 =	simm.s32 $0x1;
	_ =	sfence  }
0x131: {  	s30 =	simm.s32 $0x2;
	[sflag:s29] =	ssyncpa.u1 $0x1  }
0x132: {  	[sflag:s30] =	ssyncpa.u1 $0x1  }
0x133: {  	_ =	strace $0x90000047  }
0x134: {  	[bflag:$0x2] =	sbarrier.arrive $0xFFFF  }
0x135: {  	s31 =	rddreg [dreg:$0x1]  }
0x136: {  	s0 =	sadd.s32 $0x100000, s31  }
0x137: {  	[sflag:s0] =	ssyncadd.tile.s32 $0x1;
	_ =	shalt  }
.Lfunc_end2:
_tile_overlayer_lowered:
.L_overlay_start_2:
0x138: {  	(tag) =	ssettag $0x2  }
0x139: {  	s0 =	rddreg [dreg:$0x0];
	s2 =	stileid.u32  }
0x13a: {  	s1 =	rddreg [dreg:$0x1];
	p0 =	sne.s32 s2, $0x0  }
0x13b: {  	s3 =	rddreg [dreg:$0x2];
	[bflag:$0x3] =	sbarrier.arrive $0xFFFF;
	s2 =	simm.s32 @!p0 $0x1C01  }
0x13c: {  	[timem:s3], [sflag:s2] =	dma.local @!p0 [hbm:s0], s1  }
0x13d: {  	s0 =	simm.s32 @!p0 $0x1  }
0x13e: {  	_ =	swait.ge @!p0 [sflag:s0], s1  }
0x13f: {  	s1 =	ssub.s32 @!p0 $0x0, s1;
	[sflag:s0] =	ssyncset.done @!p0 $0x0  }
0x140: {  	[sflag:s0] =	ssyncadd.s32 @!p0 s1  }
0x141: {  	[bflag:$0x3] =	sbarrier.arrive $0xFFFF  }
0x142: {  	_ =	shalt  }

</sc_bundles>
